<compile_context>
chip_gen: v7x
topology: tpu7x:2x2x1
jax: 0.10.2.dev20260603
libtpu: 0.0.44.dev20260713+nightly
codegen_flags: <defaults>
</compile_context>

<pallas_src>
import functools

import jax
import jax.numpy as jnp
from jax import lax
from jax.experimental import pallas as pl
from jax.experimental.pallas import tpu as pltpu
from jax.experimental.pallas import tpu_sc as plsc

T = 4
N = 10000
E = 320000
D = 128
HID = 128
HEADS = 8
NCLS = 10

NC, NS, NW = 2, 16, 32
CHUNK = 64
NCHUNKS = 160
NPAD = CHUNK * NCHUNKS
CPW = NCHUNKS // NW
K = 64
EPAD = E + K

_mesh = lambda: plsc.VectorSubcoreMesh(
    core_axis_name="c", subcore_axis_name="s", num_cores=NC, num_subcores=NS)


def _make_sc_aggregate(heads, fw, table_rows):
    nj = fw // 16
    fdim = heads * fw
    tw = fw + 128

    def body(feat, adst, idx, dstg, bounds, zf, zd,
             y, den,
             acc, dacc, xrows, adch, sidx, didx, bw,
             xrows2, sidx2,
             sem1, sem2):
        cid = lax.axis_index("c")
        sid = lax.axis_index("s")
        wid = sid * NC + cid
        iota = lax.iota(jnp.int32, 16)

        def chunk_body(i, _):
            u = i // T
            t = i % T
            pltpu.sync_copy(bounds.at[pl.ds((wid * CPW + u) * 16, 16)], bw)
            bv = bw[...]
            e_start = bv[0]
            e_end = bv[1]
            base = (u * NW + wid) * CHUNK
            e_lo = (e_start // K) * K
            nb = (e_end - e_lo + (K - 1)) // K

            pltpu.sync_copy(zf, acc)
            pltpu.sync_copy(zd, dacc)
            pltpu.sync_copy(adst.at[t, pl.ds(base, CHUNK)], adch)

            def fire(b, sx, xr, sem):
                e0 = e_lo + b * K
                pltpu.sync_copy(idx.at[pl.ds(t * EPAD + e0, K)], sx)
                pltpu.async_copy(feat.at[sx], xr, sem)

            def process(b, xr, dd):
                e0 = e_lo + b * K
                pltpu.sync_copy(dstg.at[pl.ds(e0, K)], dd)

                def edge_body(j, _):
                    dl = dd[j, :] - base
                    validm = (dl >= 0) & (dl < CHUNK)
                    dlc = jnp.where(validm, dl, 0)
                    vm = jnp.where(validm, 1.0, 0.0)
                    dl0 = dlc[0]
                    arow = adch[dl0, :]
                    al = xr[j, pl.ds(fw, 16)] + arow
                    al = jnp.where(al > 0, al, 0.2 * al)
                    w = jnp.exp(al) * vm
                    plsc.addupdate(dacc.at[dl0], w)
                    wvs = [w[hd] for hd in range(heads)]

                    def mac_body(j2, _):
                        xv = xr[j, pl.ds(j2 * 16, 16)]
                        for hd in range(heads):
                            plsc.addupdate(
                                acc.at[dl0, pl.ds(hd * fw + j2 * 16, 16)],
                                wvs[hd] * xv)
                        return 0

                    lax.fori_loop(0, nj, mac_body, 0)
                    return 0

                lax.fori_loop(0, K, edge_body, 0)

            def prologue(b, _):
                fire(b, sidx, xrows, sem1)
                return 0

            lax.fori_loop(0, jnp.minimum(nb, 1), prologue, 0)
            npair = nb // 2

            def pair_body(p, _):
                b0 = 2 * p
                fire(b0 + 1, sidx2, xrows2, sem2)
                pltpu.make_async_copy(feat.at[sidx], xrows, sem1).wait()
                process(b0, xrows, didx)

                def refill(bb, _):
                    fire(bb, sidx, xrows, sem1)
                    return 0

                lax.fori_loop(b0 + 2, jnp.minimum(b0 + 3, nb), refill, 0)
                pltpu.make_async_copy(feat.at[sidx2], xrows2, sem2).wait()
                process(b0 + 1, xrows2, didx)
                return 0

            lax.fori_loop(0, npair, pair_body, 0)

            def tail_body(bb, _):
                pltpu.make_async_copy(feat.at[sidx], xrows, sem1).wait()
                process(bb, xrows, didx)
                return 0

            lax.fori_loop(2 * npair, nb, tail_body, 0)
            pltpu.sync_copy(acc, y.at[t, pl.ds(base, CHUNK)])
            pltpu.sync_copy(dacc, den.at[t, pl.ds(base, CHUNK)])
            return 0

        lax.fori_loop(0, CPW * T, chunk_body, 0)

    return pl.kernel(
        body,
        out_type=(
            jax.ShapeDtypeStruct((T, NPAD, fdim), jnp.float32),
            jax.ShapeDtypeStruct((T, NPAD, 16), jnp.float32),
        ),
        mesh=_mesh(),
        scratch_types=(
            pltpu.VMEM((CHUNK, fdim), jnp.float32),
            pltpu.VMEM((CHUNK, 16), jnp.float32),
            pltpu.VMEM((K, tw), jnp.float32),
            pltpu.VMEM((CHUNK, 16), jnp.float32),
            pltpu.VMEM((K,), jnp.int32),
            pltpu.VMEM((K, 16), jnp.int32),
            pltpu.VMEM((16,), jnp.int32),
            pltpu.VMEM((K, tw), jnp.float32),
            pltpu.VMEM((K,), jnp.int32),
            pltpu.SemaphoreType.DMA,
            pltpu.SemaphoreType.DMA,
        ),
    )



def _proj_kernel(x_ref, a1s_ref, a1d_ref, xa_ref, ad_ref):
    xb = x_ref[0]
    a_src = jnp.dot(xb, a1s_ref[...], preferred_element_type=jnp.float32)
    pad = jnp.zeros((xb.shape[0], 112), jnp.float32)
    xa_ref[0] = jnp.concatenate([xb, a_src, pad], axis=1)
    ad_ref[0] = jnp.dot(xb, a1d_ref[...], preferred_element_type=jnp.float32)


def _stage_a(x, A1s_pad, A1d_pad):
    RB = 400
    grid = (T, N // RB)
    return pl.pallas_call(
        _proj_kernel,
        grid=grid,
        in_specs=[
            pl.BlockSpec((1, RB, D), lambda t, i: (t, i, 0)),
            pl.BlockSpec((D, 16), lambda t, i: (0, 0)),
            pl.BlockSpec((D, 16), lambda t, i: (0, 0)),
        ],
        out_specs=[
            pl.BlockSpec((1, RB, D + 128), lambda t, i: (t, i, 0)),
            pl.BlockSpec((1, RB, 16), lambda t, i: (t, i, 0)),
        ],
        out_shape=[
            jax.ShapeDtypeStruct((T, N, D + 128), jnp.float32),
            jax.ShapeDtypeStruct((T, NPAD, 16), jnp.float32),
        ],
    )(x, A1s_pad, A1d_pad)


def _stage_b_kernel(y_ref, den_ref, w1_ref, b1_ref, w2_ref, a2s_ref, a2d_ref,
                    ga_ref, ad2_ref):
    yb = y_ref[0]
    denb = den_ref[0]
    g = jnp.zeros((yb.shape[0], HID), jnp.float32)
    for hd in range(HEADS):
        z = yb[:, hd * HID:(hd + 1) * HID] / (denb[:, hd:hd + 1] + 1e-16)
        h1 = jnp.maximum(
            jnp.dot(z, w1_ref[hd], preferred_element_type=jnp.float32)
            + b1_ref[0, hd * HID:(hd + 1) * HID][None, :], 0.0)
        g = g + jnp.dot(h1, w2_ref[hd], preferred_element_type=jnp.float32)
    a_src2 = jnp.dot(g, a2s_ref[...], preferred_element_type=jnp.float32)
    pad = jnp.zeros((g.shape[0], 112), jnp.float32)
    ga_ref[0] = jnp.concatenate([g, a_src2, pad], axis=1)
    ad2_ref[0] = jnp.dot(g, a2d_ref[...], preferred_element_type=jnp.float32)


def _stage_b(y, den, W1s, b1, W2s, A2s_pad, A2d_pad):
    RB = 400
    grid = (T, N // RB)
    return pl.pallas_call(
        _stage_b_kernel,
        grid=grid,
        in_specs=[
            pl.BlockSpec((1, RB, HEADS * HID), lambda t, i: (t, i, 0)),
            pl.BlockSpec((1, RB, 16), lambda t, i: (t, i, 0)),
            pl.BlockSpec((HEADS, HID, HID), lambda t, i: (0, 0, 0)),
            pl.BlockSpec((1, HEADS * HID), lambda t, i: (0, 0)),
            pl.BlockSpec((HEADS, HID, HID), lambda t, i: (0, 0, 0)),
            pl.BlockSpec((D, 16), lambda t, i: (0, 0)),
            pl.BlockSpec((D, 16), lambda t, i: (0, 0)),
        ],
        out_specs=[
            pl.BlockSpec((1, RB, HID + 128), lambda t, i: (t, i, 0)),
            pl.BlockSpec((1, RB, 16), lambda t, i: (t, i, 0)),
        ],
        out_shape=[
            jax.ShapeDtypeStruct((T, NPAD, HID + 128), jnp.float32),
            jax.ShapeDtypeStruct((T, NPAD, 16), jnp.float32),
        ],
    )(y, den, W1s, b1, W2s, A2s_pad, A2d_pad)


def _stage_c_kernel(y2_ref, den2_ref, b2_ref, emb_ref):
    t = pl.program_id(0)
    i = pl.program_id(1)
    h2 = jnp.maximum(
        y2_ref[0] / (den2_ref[0, :, 0:1] + 1e-16) + b2_ref[...], 0.0)
    part = jnp.sum(h2, axis=0, keepdims=True) * (1.0 / N)

    @pl.when((t == 0) & (i == 0))
    def _():
        emb_ref[...] = jnp.zeros_like(emb_ref)

    rows = lax.broadcasted_iota(jnp.int32, (T, HID), 0)
    emb_ref[...] += jnp.where(rows == t,
                              jnp.broadcast_to(part, (T, HID)), 0.0)


def _stage_c(y2, den2, b2):
    RB = 400
    grid = (T, N // RB)
    return pl.pallas_call(
        _stage_c_kernel,
        grid=grid,
        in_specs=[
            pl.BlockSpec((1, RB, HID), lambda t, i: (t, i, 0)),
            pl.BlockSpec((1, RB, 16), lambda t, i: (t, i, 0)),
            pl.BlockSpec((1, HID), lambda t, i: (0, 0)),
        ],
        out_specs=pl.BlockSpec((T, HID), lambda t, i: (0, 0)),
        out_shape=jax.ShapeDtypeStruct((T, HID), jnp.float32),
    )(y2, den2, b2)


def _gru_head_kernel(seq_ref, wih_ref, whh_ref, bih_ref, bhh_ref, wout_ref,
                     bout_ref, out_ref):
    h = jnp.zeros((1, HID), dtype=jnp.float32)
    wih = wih_ref[...]
    whh = whh_ref[...]
    bih = bih_ref[...]
    bhh = bhh_ref[...]
    for t in range(T):
        x_t = seq_ref[t, :][None, :]
        gi = jnp.dot(x_t, wih, preferred_element_type=jnp.float32) + bih
        gh = jnp.dot(h, whh, preferred_element_type=jnp.float32) + bhh
        r = jax.nn.sigmoid(gi[:, 0:HID] + gh[:, 0:HID])
        z = jax.nn.sigmoid(gi[:, HID:2 * HID] + gh[:, HID:2 * HID])
        n = jnp.tanh(gi[:, 2 * HID:] + r * gh[:, 2 * HID:])
        h = (1.0 - z) * n + z * h
        out_ref[t, :] = jnp.dot(h, wout_ref[...],
                                preferred_element_type=jnp.float32)[0] \
            + bout_ref[0]


def _gru_head(seq, W_ih, W_hh, b_ih, b_hh, W_out, b_out):
    wout_p = jnp.zeros((HID, 16), jnp.float32).at[:, :NCLS].set(W_out)
    bout_p = jnp.zeros((1, 16), jnp.float32).at[0, :NCLS].set(b_out)
    out = pl.pallas_call(
        _gru_head_kernel,
        out_shape=jax.ShapeDtypeStruct((T, 16), jnp.float32),
    )(seq, W_ih.T, W_hh.T, b_ih[None, :], b_hh[None, :], wout_p, bout_p)
    return out[None, :, :NCLS]


def kernel(x, edge_index, W1, att_src1, att_dst1, b1, W2, att_src2, att_dst2,
           b2, W_ih, W_hh, b_ih, b_hh, W_out, b_out):
    src = edge_index[0]
    dst = edge_index[1]

    order = jnp.argsort(dst)
    src_s = src[order]
    dst_s = dst[order]
    dstg = jnp.tile(
        jnp.concatenate([dst_s, jnp.full((K,), 1 << 30, jnp.int32)])[:, None],
        (1, 16))
    srcp = jnp.concatenate([src_s, jnp.zeros((K,), jnp.int32)])
    toff = jnp.arange(T, dtype=jnp.int32)
    idx1 = srcp[None, :] + (toff * N)[:, None]
    idx2 = srcp[None, :] + (toff * NPAD)[:, None]
    starts = jnp.searchsorted(
        dst_s,
        jnp.arange(NCHUNKS + 1, dtype=jnp.int32) * CHUNK).astype(jnp.int32)
    cidx = (jnp.arange(CPW, dtype=jnp.int32)[None, :] * NW
            + jnp.arange(NW, dtype=jnp.int32)[:, None])
    bounds = jnp.stack([starts[cidx], starts[cidx + 1]],
                       axis=-1)
    bounds = jnp.pad(bounds,
                     ((0, 0), (0, 0), (0, 14))).reshape(NW * CPW * 16)

    W1r = W1.reshape(D, HEADS, HID)
    A1s = jnp.einsum('dhc,hc->dh', W1r, att_src1)
    A1d = jnp.einsum('dhc,hc->dh', W1r, att_dst1)
    A1s_pad = jnp.zeros((D, 16), jnp.float32).at[:, :HEADS].set(A1s)
    A1d_pad = jnp.zeros((D, 16), jnp.float32).at[:, :HEADS].set(A1d)
    A2s_pad = jnp.zeros((D, 16), jnp.float32).at[:, 0].set(att_src2[0])
    A2d_pad = jnp.zeros((D, 16), jnp.float32).at[:, 0].set(att_dst2[0])
    W1s = W1r.transpose(1, 0, 2)
    W2s = W2.reshape(HEADS, HID, HID)
    zf1 = jnp.zeros((CHUNK, HEADS * HID), jnp.float32)
    zf2 = jnp.zeros((CHUNK, HID), jnp.float32)
    zd = jnp.zeros((CHUNK, 16), jnp.float32)

    xa, Ad = _stage_a(x, A1s_pad, A1d_pad)

    sc1 = _make_sc_aggregate(HEADS, D, T * N)
    y, den = sc1(xa.reshape(T * N, D + 128), Ad,
                 idx1.reshape(T * EPAD), dstg, bounds, zf1, zd)

    ga, Ad2 = _stage_b(y, den, W1s, b1[None, :], W2s, A2s_pad, A2d_pad)

    sc2 = _make_sc_aggregate(1, HID, T * NPAD)
    y2, den2 = sc2(ga.reshape(T * NPAD, HID + 128), Ad2,
                   idx2.reshape(T * EPAD), dstg, bounds, zf2, zd)

    seq = _stage_c(y2, den2, b2[None, :])

    return _gru_head(seq, W_ih, W_hh, b_ih, b_hh, W_out, b_out)

# --- scband reference (transcript-rebuilt; emitter-appended) ---
"""Pipeline reference for scband-stanmodel-62663572849068 (READ-ONLY COPY).

The authoritative reference and input builder live on the scoring server;
editing this copy changes nothing except your own understanding.
"""

import jax, jax.numpy as jnp
import numpy as np

T = 4
NUM_NODES = 10000
NUM_EDGES = 320000
D_FEAT = 128
HIDDEN = 128
HEADS = 8
NUM_CLASSES = 10


def setup_inputs(seed: int = 0) -> dict:
    key = jax.random.key(seed)
    ks = jax.random.split(key, 20)
    x = jax.random.normal(ks[0], (T, NUM_NODES, D_FEAT), dtype=jnp.float32)
    edge_index = jax.random.randint(ks[1], (2, NUM_EDGES), 0, NUM_NODES, dtype=jnp.int32)
    W1 = jax.random.normal(ks[2], (D_FEAT, HEADS * HIDDEN), dtype=jnp.float32) / np.sqrt(D_FEAT)
    att_src1 = jax.random.normal(ks[3], (HEADS, HIDDEN), dtype=jnp.float32) * 0.1
    att_dst1 = jax.random.normal(ks[4], (HEADS, HIDDEN), dtype=jnp.float32) * 0.1
    b1 = jnp.zeros((HEADS * HIDDEN,), dtype=jnp.float32)
    W2 = jax.random.normal(ks[5], (HEADS * HIDDEN, HIDDEN), dtype=jnp.float32) / np.sqrt(HEADS * HIDDEN)
    att_src2 = jax.random.normal(ks[6], (1, HIDDEN), dtype=jnp.float32) * 0.1
    att_dst2 = jax.random.normal(ks[7], (1, HIDDEN), dtype=jnp.float32) * 0.1
    b2 = jnp.zeros((HIDDEN,), dtype=jnp.float32)
    W_ih = jax.random.normal(ks[8], (3 * HIDDEN, HIDDEN), dtype=jnp.float32) / np.sqrt(HIDDEN)
    W_hh = jax.random.normal(ks[9], (3 * HIDDEN, HIDDEN), dtype=jnp.float32) / np.sqrt(HIDDEN)
    b_ih = jnp.zeros((3 * HIDDEN,), dtype=jnp.float32)
    b_hh = jnp.zeros((3 * HIDDEN,), dtype=jnp.float32)
    W_out = jax.random.normal(ks[10], (HIDDEN, NUM_CLASSES), dtype=jnp.float32) / np.sqrt(HIDDEN)
    b_out = jnp.zeros((NUM_CLASSES,), dtype=jnp.float32)
    return {"x": x, "edge_index": edge_index, "W1": W1, "att_src1": att_src1,
            "att_dst1": att_dst1, "b1": b1, "W2": W2, "att_src2": att_src2,
            "att_dst2": att_dst2, "b2": b2, "W_ih": W_ih, "W_hh": W_hh,
            "b_ih": b_ih, "b_hh": b_hh, "W_out": W_out, "b_out": b_out}


def _gat_conv(x, src, dst, W, a_src, a_dst, b, heads, out_ch, concat):
    N = x.shape[0]
    h = (x @ W).reshape(N, heads, out_ch)
    alpha_src = (h * a_src[None, :, :]).sum(-1)  # [N, heads]
    alpha_dst = (h * a_dst[None, :, :]).sum(-1)  # [N, heads]
    alpha = jax.nn.leaky_relu(alpha_src[src] + alpha_dst[dst], negative_slope=0.2)  # [E, heads]
    amax = jax.ops.segment_max(alpha, dst, num_segments=N)
    amax = jnp.where(jnp.isfinite(amax), amax, 0.0)
    e = jnp.exp(alpha - amax[dst])
    denom = jax.ops.segment_sum(e, dst, num_segments=N)
    coef = e / (denom[dst] + 1e-16)
    out = jax.ops.segment_sum(h[src] * coef[..., None], dst, num_segments=N)  # [N, heads, out_ch]
    if concat:
        out = out.reshape(N, heads * out_ch)
    else:
        out = out.mean(axis=1)
    return out + b


def _gru(xs, W_ih, W_hh, b_ih, b_hh):
    B, L, H = xs.shape
    h = jnp.zeros((B, H), dtype=xs.dtype)
    outs = []
    for t in range(L):
        x_t = xs[:, t, :]
        gi = x_t @ W_ih.T + b_ih
        gh = h @ W_hh.T + b_hh
        i_r, i_z, i_n = jnp.split(gi, 3, axis=-1)
        h_r, h_z, h_n = jnp.split(gh, 3, axis=-1)
        r = jax.nn.sigmoid(i_r + h_r)
        z = jax.nn.sigmoid(i_z + h_z)
        n = jnp.tanh(i_n + r * h_n)
        h = (1.0 - z) * n + z * h
        outs.append(h)
    return jnp.stack(outs, axis=1)


def reference(x, edge_index, W1, att_src1, att_dst1, b1, W2, att_src2, att_dst2, b2,
              W_ih, W_hh, b_ih, b_hh, W_out, b_out):
    src = edge_index[0]
    dst = edge_index[1]
    embs = []
    for t in range(x.shape[0]):
        h1 = jax.nn.relu(_gat_conv(x[t], src, dst, W1, att_src1, att_dst1, b1, HEADS, HIDDEN, True))
        h2 = jax.nn.relu(_gat_conv(h1, src, dst, W2, att_src2, att_dst2, b2, 1, HIDDEN, False))
        embs.append(h2.mean(axis=0))  # global mean pool, single graph -> [HIDDEN]
    seq = jnp.stack(embs, axis=0)[None, :, :]  # [1, T, HIDDEN]
    out_seq = _gru(seq, W_ih, W_hh, b_ih, b_hh)  # [1, T, HIDDEN]
    weekly = out_seq @ W_out + b_out  # [1, T, NUM_CLASSES]
    return weekly

if __name__ == "__main__":
    import jax
    _d = setup_inputs()
    print(jax.jit(kernel)(*tuple(_d.values())))

</pallas_src>

<mosaic_0001>
#map = affine_map<(d0, d1) -> (0, 0)>
#map1 = affine_map<(d0, d1) -> (0, 0, 0)>
#map2 = affine_map<(d0, d1) -> (0)>
module attributes {stable_mosaic.version = 14 : i64} {
  func.func @body(%arg0: i32, %arg1: i32, %arg2: memref<40960x256xf32, #tpu.memory_space<hbm>>, %arg3: memref<4x10240x16xf32, #tpu.memory_space<hbm>>, %arg4: memref<1280256xi32, #tpu.memory_space<hbm>>, %arg5: memref<320064x16xi32, #tpu.memory_space<hbm>>, %arg6: memref<2560xi32, #tpu.memory_space<hbm>>, %arg7: memref<64x128xf32, #tpu.memory_space<hbm>>, %arg8: memref<64x16xf32, #tpu.memory_space<hbm>>, %arg9: memref<4x10240x128xf32, #tpu.memory_space<hbm>>, %arg10: memref<4x10240x16xf32, #tpu.memory_space<hbm>>, %arg11: memref<64x128xf32, #tpu.memory_space<vmem>>, %arg12: memref<64x16xf32, #tpu.memory_space<vmem>>, %arg13: memref<64x256xf32, #tpu.memory_space<vmem>>, %arg14: memref<64x16xf32, #tpu.memory_space<vmem>>, %arg15: memref<64xi32, #tpu.memory_space<vmem>>, %arg16: memref<64x16xi32, #tpu.memory_space<vmem>>, %arg17: memref<16xi32, #tpu.memory_space<vmem>>, %arg18: memref<64x256xf32, #tpu.memory_space<vmem>>, %arg19: memref<64xi32, #tpu.memory_space<vmem>>, %arg20: memref<!tpu.dma_semaphore, #tpu.memory_space<semaphore_mem>>, %arg21: memref<!tpu.dma_semaphore, #tpu.memory_space<semaphore_mem>>) attributes {dimension_semantics = [#tpu.dimension_semantics<core_parallel>, #tpu.dimension_semantics<subcore_parallel>], iteration_bounds = array<i64: 2, 16>, scalar_prefetch = 0 : i64, scratch_operands = 11 : i64, tpu.core_type = #tpu.core_type<sc_vector_subcore>, window_params = [{transform_indices = #map}, {transform_indices = #map1}, {transform_indices = #map2}, {transform_indices = #map}, {transform_indices = #map2}, {transform_indices = #map}, {transform_indices = #map}, {transform_indices = #map1}, {transform_indices = #map1}]} {
    %mul3A = arith.constant 2 : i32
    %mul3A_0 = arith.muli %arg1, %mul3A : i32
    %add3A = arith.addi %mul3A_0, %arg0 : i32
    %iota3A = tpu.iota {dimensions = array<i32: 0>} : vector<16xi32>
    %scan3A = arith.constant 0 : i32
    %scan3A_1 = arith.constant 0 : i32
    %scan3A_2 = arith.constant 20 : i32
    %scan3A_3 = arith.addi %scan3A_1, %scan3A_2 : i32
    %scan3A_4 = arith.constant 1 : i32
    %scan3A_5 = scf.for %scan3A_7 = %scan3A_1 to %scan3A_3 step %scan3A_4 iter_args(%scan3A_8 = %scan3A) -> (i32)  : i32 {
      %jit3A = arith.constant 4 : i32
      %div3A = arith.divsi %scan3A_7, %jit3A : i32
      %sign3A = arith.constant 0 : i32
      %sign3A_9 = arith.cmpi sgt, %scan3A_7, %sign3A : i32
      %sign3A_10 = arith.extui %sign3A_9 : i1 to i32
      %sign3A_11 = arith.constant 0 : i32
      %sign3A_12 = arith.cmpi slt, %scan3A_7, %sign3A_11 : i32
      %sign3A_13 = arith.extui %sign3A_12 : i1 to i32
      %sign3A_14 = arith.subi %sign3A_10, %sign3A_13 : i32
      %sign3A_15 = arith.constant 0 : i32
      %sign3A_16 = arith.cmpi sgt, %jit3A, %sign3A_15 : i32
      %sign3A_17 = arith.extui %sign3A_16 : i1 to i32
      %sign3A_18 = arith.constant 0 : i32
      %sign3A_19 = arith.cmpi slt, %jit3A, %sign3A_18 : i32
      %sign3A_20 = arith.extui %sign3A_19 : i1 to i32
      %sign3A_21 = arith.subi %sign3A_17, %sign3A_20 : i32
      %ne3A = arith.cmpi ne, %sign3A_14, %sign3A_21 : i32
      %rem3A = arith.remsi %scan3A_7, %jit3A : i32
      %ne3A_22 = arith.constant 0 : i32
      %ne3A_23 = arith.cmpi ne, %rem3A, %ne3A_22 : i32
      %and3A = arith.andi %ne3A, %ne3A_23 : i1
      %sub3A = arith.constant 1 : i32
      %sub3A_24 = arith.subi %div3A, %sub3A : i32
      %select_n3A = arith.select %and3A, %sub3A_24, %div3A : i32
      %jit3A_25 = arith.constant 4 : i32
      %eq3A = arith.constant 0 : i32
      %eq3A_26 = arith.cmpi eq, %jit3A_25, %eq3A : i32
      %jit3A_27 = arith.constant 1 : i32
      %select_n3A_28 = arith.select %eq3A_26, %jit3A_27, %jit3A_25 : i32
      %rem3A_29 = arith.remsi %scan3A_7, %select_n3A_28 : i32
      %ne3A_30 = arith.constant 0 : i32
      %ne3A_31 = arith.cmpi ne, %rem3A_29, %ne3A_30 : i32
      %lt3A = arith.constant 0 : i32
      %lt3A_32 = arith.cmpi slt, %rem3A_29, %lt3A : i32
      %lt3A_33 = arith.constant 0 : i32
      %lt3A_34 = arith.cmpi slt, %select_n3A_28, %lt3A_33 : i32
      %ne3A_35 = arith.xori %lt3A_32, %lt3A_34 : i1
      %and3A_36 = arith.andi %ne3A_35, %ne3A_31 : i1
      %add3A_37 = arith.addi %rem3A_29, %select_n3A_28 : i32
      %select_n3A_38 = arith.select %and3A_36, %add3A_37, %rem3A_29 : i32
      %mul3A_39 = arith.constant 5 : i32
      %mul3A_40 = arith.muli %add3A, %mul3A_39 : i32
      %add3A_41 = arith.addi %mul3A_40, %select_n3A : i32
      %mul3A_42 = arith.constant 16 : i32
      %mul3A_43 = arith.muli %add3A_41, %mul3A_42 : i32
      "tpu.region"() ({
        %run_scoped3A = tpu.sem_alloc : memref<!tpu.dma_semaphore, #tpu.memory_space<semaphore_mem>>
        %dma_start3A = tpu.memref_slice %arg6[%mul3A_43] : memref<2560xi32, #tpu.memory_space<hbm>> -> memref<16xi32, #tpu.memory_space<hbm>>
        %dma_start3A_168 = tpu.memref_slice %arg6[%mul3A_43] : memref<2560xi32, #tpu.memory_space<hbm>> -> memref<16xi32, #tpu.memory_space<hbm>>
        tpu.enqueue_dma source(%dma_start3A_168 : memref<16xi32, #tpu.memory_space<hbm>>) target(%arg17 : memref<16xi32, #tpu.memory_space<vmem>>) target_semaphore(%run_scoped3A : memref<!tpu.dma_semaphore, #tpu.memory_space<semaphore_mem>>)
        %dma_wait3A = tpu.memref_slice %arg6[%mul3A_43] : memref<2560xi32, #tpu.memory_space<hbm>> -> memref<16xi32, #tpu.memory_space<hbm>>
        %dma_wait3A_169 = tpu.memref_slice %arg6[%mul3A_43] : memref<2560xi32, #tpu.memory_space<hbm>> -> memref<16xi32, #tpu.memory_space<hbm>>
        tpu.wait_dma2 semaphore(%run_scoped3A : memref<!tpu.dma_semaphore, #tpu.memory_space<semaphore_mem>>) src(%dma_wait3A_169 : memref<16xi32, #tpu.memory_space<hbm>>) dst(%arg17 : memref<16xi32, #tpu.memory_space<vmem>>)
        tpu.yield
      }) : () -> ()
      %get3A = arith.constant 0 : index
      %get3A_44 = tpu.vector_load %arg17[%get3A] {strides = array<i32>} : memref<16xi32, #tpu.memory_space<vmem>>, vector<16xi32>,
      %get3A_45 = vector.shape_cast %get3A_44 : vector<16xi32> to vector<16xi32>
      %slice3A = vector.extract_strided_slice %get3A_45 {offsets = [0], sizes = [1], strides = [1]} : vector<16xi32> to vector<1xi32>
      %squeeze3A = vector.extract %slice3A[0] : i32 from vector<1xi32>
      %slice3A_46 = vector.extract_strided_slice %get3A_45 {offsets = [1], sizes = [1], strides = [1]} : vector<16xi32> to vector<1xi32>
      %squeeze3A_47 = vector.extract %slice3A_46[0] : i32 from vector<1xi32>
      %mul3A_48 = arith.constant 32 : i32
      %mul3A_49 = arith.muli %select_n3A, %mul3A_48 : i32
      %add3A_50 = arith.addi %mul3A_49, %add3A : i32
      %mul3A_51 = arith.constant 64 : i32
      %mul3A_52 = arith.muli %add3A_50, %mul3A_51 : i32
      %jit3A_53 = arith.constant 64 : i32
      %div3A_54 = arith.divsi %squeeze3A, %jit3A_53 : i32
      %sign3A_55 = arith.constant 0 : i32
      %sign3A_56 = arith.cmpi sgt, %squeeze3A, %sign3A_55 : i32
      %sign3A_57 = arith.extui %sign3A_56 : i1 to i32
      %sign3A_58 = arith.constant 0 : i32
      %sign3A_59 = arith.cmpi slt, %squeeze3A, %sign3A_58 : i32
      %sign3A_60 = arith.extui %sign3A_59 : i1 to i32
      %sign3A_61 = arith.subi %sign3A_57, %sign3A_60 : i32
      %sign3A_62 = arith.constant 0 : i32
      %sign3A_63 = arith.cmpi sgt, %jit3A_53, %sign3A_62 : i32
      %sign3A_64 = arith.extui %sign3A_63 : i1 to i32
      %sign3A_65 = arith.constant 0 : i32
      %sign3A_66 = arith.cmpi slt, %jit3A_53, %sign3A_65 : i32
      %sign3A_67 = arith.extui %sign3A_66 : i1 to i32
      %sign3A_68 = arith.subi %sign3A_64, %sign3A_67 : i32
      %ne3A_69 = arith.cmpi ne, %sign3A_61, %sign3A_68 : i32
      %rem3A_70 = arith.remsi %squeeze3A, %jit3A_53 : i32
      %ne3A_71 = arith.constant 0 : i32
      %ne3A_72 = arith.cmpi ne, %rem3A_70, %ne3A_71 : i32
      %and3A_73 = arith.andi %ne3A_69, %ne3A_72 : i1
      %sub3A_74 = arith.constant 1 : i32
      %sub3A_75 = arith.subi %div3A_54, %sub3A_74 : i32
      %select_n3A_76 = arith.select %and3A_73, %sub3A_75, %div3A_54 : i32
      %mul3A_77 = arith.constant 64 : i32
      %mul3A_78 = arith.muli %select_n3A_76, %mul3A_77 : i32
      %sub3A_79 = arith.subi %squeeze3A_47, %mul3A_78 : i32
      %add3A_80 = arith.constant 63 : i32
      %add3A_81 = arith.addi %sub3A_79, %add3A_80 : i32
      %jit3A_82 = arith.constant 64 : i32
      %div3A_83 = arith.divsi %add3A_81, %jit3A_82 : i32
      %sign3A_84 = arith.constant 0 : i32
      %sign3A_85 = arith.cmpi sgt, %add3A_81, %sign3A_84 : i32
      %sign3A_86 = arith.extui %sign3A_85 : i1 to i32
      %sign3A_87 = arith.constant 0 : i32
      %sign3A_88 = arith.cmpi slt, %add3A_81, %sign3A_87 : i32
      %sign3A_89 = arith.extui %sign3A_88 : i1 to i32
      %sign3A_90 = arith.subi %sign3A_86, %sign3A_89 : i32
      %sign3A_91 = arith.constant 0 : i32
      %sign3A_92 = arith.cmpi sgt, %jit3A_82, %sign3A_91 : i32
      %sign3A_93 = arith.extui %sign3A_92 : i1 to i32
      %sign3A_94 = arith.constant 0 : i32
      %sign3A_95 = arith.cmpi slt, %jit3A_82, %sign3A_94 : i32
      %sign3A_96 = arith.extui %sign3A_95 : i1 to i32
      %sign3A_97 = arith.subi %sign3A_93, %sign3A_96 : i32
      %ne3A_98 = arith.cmpi ne, %sign3A_90, %sign3A_97 : i32
      %rem3A_99 = arith.remsi %add3A_81, %jit3A_82 : i32
      %ne3A_100 = arith.constant 0 : i32
      %ne3A_101 = arith.cmpi ne, %rem3A_99, %ne3A_100 : i32
      %and3A_102 = arith.andi %ne3A_98, %ne3A_101 : i1
      %sub3A_103 = arith.constant 1 : i32
      %sub3A_104 = arith.subi %div3A_83, %sub3A_103 : i32
      %select_n3A_105 = arith.select %and3A_102, %sub3A_104, %div3A_83 : i32
      "tpu.region"() ({
        %run_scoped3A = tpu.sem_alloc : memref<!tpu.dma_semaphore, #tpu.memory_space<semaphore_mem>>
        tpu.enqueue_dma source(%arg7 : memref<64x128xf32, #tpu.memory_space<hbm>>) target(%arg11 : memref<64x128xf32, #tpu.memory_space<vmem>>) target_semaphore(%run_scoped3A : memref<!tpu.dma_semaphore, #tpu.memory_space<semaphore_mem>>)
        tpu.wait_dma2 semaphore(%run_scoped3A : memref<!tpu.dma_semaphore, #tpu.memory_space<semaphore_mem>>) src(%arg7 : memref<64x128xf32, #tpu.memory_space<hbm>>) dst(%arg11 : memref<64x128xf32, #tpu.memory_space<vmem>>)
        tpu.yield
      }) : () -> ()
      "tpu.region"() ({
        %run_scoped3A = tpu.sem_alloc : memref<!tpu.dma_semaphore, #tpu.memory_space<semaphore_mem>>
        tpu.enqueue_dma source(%arg8 : memref<64x16xf32, #tpu.memory_space<hbm>>) target(%arg12 : memref<64x16xf32, #tpu.memory_space<vmem>>) target_semaphore(%run_scoped3A : memref<!tpu.dma_semaphore, #tpu.memory_space<semaphore_mem>>)
        tpu.wait_dma2 semaphore(%run_scoped3A : memref<!tpu.dma_semaphore, #tpu.memory_space<semaphore_mem>>) src(%arg8 : memref<64x16xf32, #tpu.memory_space<hbm>>) dst(%arg12 : memref<64x16xf32, #tpu.memory_space<vmem>>)
        tpu.yield
      }) : () -> ()
      "tpu.region"() ({
        %run_scoped3A = tpu.sem_alloc : memref<!tpu.dma_semaphore, #tpu.memory_space<semaphore_mem>>
        %dma_start3A = arith.constant 0 : i32
        %dma_start3A_168 = tpu.memref_slice %arg3[%select_n3A_38, %mul3A_52, %dma_start3A] : memref<4x10240x16xf32, #tpu.memory_space<hbm>> -> memref<1x64x16xf32, #tpu.memory_space<hbm>>
        %dma_start3A_169 = tpu.memref_squeeze %dma_start3A_168 : memref<1x64x16xf32, #tpu.memory_space<hbm>> -> memref<64x16xf32, #tpu.memory_space<hbm>>
        %dma_start3A_170 = arith.constant 0 : i32
        %dma_start3A_171 = tpu.memref_slice %arg3[%select_n3A_38, %mul3A_52, %dma_start3A_170] : memref<4x10240x16xf32, #tpu.memory_space<hbm>> -> memref<1x64x16xf32, #tpu.memory_space<hbm>>
        %dma_start3A_172 = tpu.memref_squeeze %dma_start3A_171 : memref<1x64x16xf32, #tpu.memory_space<hbm>> -> memref<64x16xf32, #tpu.memory_space<hbm>>
        tpu.enqueue_dma source(%dma_start3A_172 : memref<64x16xf32, #tpu.memory_space<hbm>>) target(%arg14 : memref<64x16xf32, #tpu.memory_space<vmem>>) target_semaphore(%run_scoped3A : memref<!tpu.dma_semaphore, #tpu.memory_space<semaphore_mem>>)
        %dma_wait3A = arith.constant 0 : i32
        %dma_wait3A_173 = tpu.memref_slice %arg3[%select_n3A_38, %mul3A_52, %dma_wait3A] : memref<4x10240x16xf32, #tpu.memory_space<hbm>> -> memref<1x64x16xf32, #tpu.memory_space<hbm>>
        %dma_wait3A_174 = tpu.memref_squeeze %dma_wait3A_173 : memref<1x64x16xf32, #tpu.memory_space<hbm>> -> memref<64x16xf32, #tpu.memory_space<hbm>>
        %dma_wait3A_175 = arith.constant 0 : i32
        %dma_wait3A_176 = tpu.memref_slice %arg3[%select_n3A_38, %mul3A_52, %dma_wait3A_175] : memref<4x10240x16xf32, #tpu.memory_space<hbm>> -> memref<1x64x16xf32, #tpu.memory_space<hbm>>
        %dma_wait3A_177 = tpu.memref_squeeze %dma_wait3A_176 : memref<1x64x16xf32, #tpu.memory_space<hbm>> -> memref<64x16xf32, #tpu.memory_space<hbm>>
        tpu.wait_dma2 semaphore(%run_scoped3A : memref<!tpu.dma_semaphore, #tpu.memory_space<semaphore_mem>>) src(%dma_wait3A_177 : memref<64x16xf32, #tpu.memory_space<hbm>>) dst(%arg14 : memref<64x16xf32, #tpu.memory_space<vmem>>)
        tpu.yield
      }) : () -> ()
      %min3A = arith.constant 1 : i32
      %min3A_106 = arith.minsi %select_n3A_105, %min3A : i32
      %while3A = arith.constant 0 : i32
      %while3A_107 = arith.constant 0 : i32
      %while3A_108 = arith.subi %min3A_106, %while3A : i32
      %while3A_109 = arith.addi %while3A, %while3A_108 : i32
      %while3A_110 = arith.constant 1 : i32
      %while3A_111 = arith.divsi %while3A_108, %while3A_110 : i32
      %while3A_112 = arith.muli %while3A_111, %while3A_110 : i32
      %while3A_113 = arith.addi %while3A, %while3A_112 : i32
      %while3A_114 = arith.constant 1 : i32
      %while3A_115 = scf.for %while3A_168 = %while3A to %while3A_113 step %while3A_114 iter_args(%while3A_169 = %while3A_107) -> (i32)  : i32 {
        %mul3A_170 = arith.constant 64 : i32
        %mul3A_171 = arith.muli %while3A_168, %mul3A_170 : i32
        %add3A_172 = arith.addi %mul3A_78, %mul3A_171 : i32
        %mul3A_173 = arith.constant 320064 : i32
        %mul3A_174 = arith.muli %select_n3A_38, %mul3A_173 : i32
        %add3A_175 = arith.addi %mul3A_174, %add3A_172 : i32
        "tpu.region"() ({
          %run_scoped3A = tpu.sem_alloc : memref<!tpu.dma_semaphore, #tpu.memory_space<semaphore_mem>>
          %dma_start3A_179 = tpu.memref_slice %arg4[%add3A_175] : memref<1280256xi32, #tpu.memory_space<hbm>> -> memref<64xi32, #tpu.memory_space<hbm>>
          %dma_start3A_180 = tpu.memref_slice %arg4[%add3A_175] : memref<1280256xi32, #tpu.memory_space<hbm>> -> memref<64xi32, #tpu.memory_space<hbm>>
          tpu.enqueue_dma source(%dma_start3A_180 : memref<64xi32, #tpu.memory_space<hbm>>) target(%arg15 : memref<64xi32, #tpu.memory_space<vmem>>) target_semaphore(%run_scoped3A : memref<!tpu.dma_semaphore, #tpu.memory_space<semaphore_mem>>)
          %dma_wait3A = tpu.memref_slice %arg4[%add3A_175] : memref<1280256xi32, #tpu.memory_space<hbm>> -> memref<64xi32, #tpu.memory_space<hbm>>
          %dma_wait3A_181 = tpu.memref_slice %arg4[%add3A_175] : memref<1280256xi32, #tpu.memory_space<hbm>> -> memref<64xi32, #tpu.memory_space<hbm>>
          tpu.wait_dma2 semaphore(%run_scoped3A : memref<!tpu.dma_semaphore, #tpu.memory_space<semaphore_mem>>) src(%dma_wait3A_181 : memref<64xi32, #tpu.memory_space<hbm>>) dst(%arg15 : memref<64xi32, #tpu.memory_space<vmem>>)
          tpu.yield
        }) : () -> ()
        %dma_start3A = arith.constant 0 : i32
        %dma_start3A_176 = arith.constant 0 : i32
        %dma_start3A_177 = tpu.memref_slice %arg2[%dma_start3A, %dma_start3A_176] : memref<40960x256xf32, #tpu.memory_space<hbm>> -> memref<40960x256xf32, #tpu.memory_space<hbm>>
        tpu.enqueue_indirect_dma source(%dma_start3A_177 : memref<40960x256xf32, #tpu.memory_space<hbm>>) target(%arg13 : memref<64x256xf32, #tpu.memory_space<vmem>>) offsets(%arg15 : memref<64xi32, #tpu.memory_space<vmem>>) semaphore(%arg20 : memref<!tpu.dma_semaphore, #tpu.memory_space<semaphore_mem>>)
        %while3A_178 = arith.constant 0 : i32
        scf.yield %while3A_178 : i32
      }
      %while3A_116 = arith.constant 1 : i32
      %while3A_117 = scf.for %while3A_168 = %while3A_113 to %while3A_109 step %while3A_116 iter_args(%while3A_169 = %while3A_115) -> (i32)  : i32 {
        %mul3A_170 = arith.constant 64 : i32
        %mul3A_171 = arith.muli %while3A_168, %mul3A_170 : i32
        %add3A_172 = arith.addi %mul3A_78, %mul3A_171 : i32
        %mul3A_173 = arith.constant 320064 : i32
        %mul3A_174 = arith.muli %select_n3A_38, %mul3A_173 : i32
        %add3A_175 = arith.addi %mul3A_174, %add3A_172 : i32
        "tpu.region"() ({
          %run_scoped3A = tpu.sem_alloc : memref<!tpu.dma_semaphore, #tpu.memory_space<semaphore_mem>>
          %dma_start3A_179 = tpu.memref_slice %arg4[%add3A_175] : memref<1280256xi32, #tpu.memory_space<hbm>> -> memref<64xi32, #tpu.memory_space<hbm>>
          %dma_start3A_180 = tpu.memref_slice %arg4[%add3A_175] : memref<1280256xi32, #tpu.memory_space<hbm>> -> memref<64xi32, #tpu.memory_space<hbm>>
          tpu.enqueue_dma source(%dma_start3A_180 : memref<64xi32, #tpu.memory_space<hbm>>) target(%arg15 : memref<64xi32, #tpu.memory_space<vmem>>) target_semaphore(%run_scoped3A : memref<!tpu.dma_semaphore, #tpu.memory_space<semaphore_mem>>)
          %dma_wait3A = tpu.memref_slice %arg4[%add3A_175] : memref<1280256xi32, #tpu.memory_space<hbm>> -> memref<64xi32, #tpu.memory_space<hbm>>
          %dma_wait3A_181 = tpu.memref_slice %arg4[%add3A_175] : memref<1280256xi32, #tpu.memory_space<hbm>> -> memref<64xi32, #tpu.memory_space<hbm>>
          tpu.wait_dma2 semaphore(%run_scoped3A : memref<!tpu.dma_semaphore, #tpu.memory_space<semaphore_mem>>) src(%dma_wait3A_181 : memref<64xi32, #tpu.memory_space<hbm>>) dst(%arg15 : memref<64xi32, #tpu.memory_space<vmem>>)
          tpu.yield
        }) : () -> ()
        %dma_start3A = arith.constant 0 : i32
        %dma_start3A_176 = arith.constant 0 : i32
        %dma_start3A_177 = tpu.memref_slice %arg2[%dma_start3A, %dma_start3A_176] : memref<40960x256xf32, #tpu.memory_space<hbm>> -> memref<40960x256xf32, #tpu.memory_space<hbm>>
        tpu.enqueue_indirect_dma source(%dma_start3A_177 : memref<40960x256xf32, #tpu.memory_space<hbm>>) target(%arg13 : memref<64x256xf32, #tpu.memory_space<vmem>>) offsets(%arg15 : memref<64xi32, #tpu.memory_space<vmem>>) semaphore(%arg20 : memref<!tpu.dma_semaphore, #tpu.memory_space<semaphore_mem>>)
        %while3A_178 = arith.constant 0 : i32
        scf.yield %while3A_178 : i32
      }
      %jit3A_118 = arith.constant 2 : i32
      %div3A_119 = arith.divsi %select_n3A_105, %jit3A_118 : i32
      %sign3A_120 = arith.constant 0 : i32
      %sign3A_121 = arith.cmpi sgt, %select_n3A_105, %sign3A_120 : i32
      %sign3A_122 = arith.extui %sign3A_121 : i1 to i32
      %sign3A_123 = arith.constant 0 : i32
      %sign3A_124 = arith.cmpi slt, %select_n3A_105, %sign3A_123 : i32
      %sign3A_125 = arith.extui %sign3A_124 : i1 to i32
      %sign3A_126 = arith.subi %sign3A_122, %sign3A_125 : i32
      %sign3A_127 = arith.constant 0 : i32
      %sign3A_128 = arith.cmpi sgt, %jit3A_118, %sign3A_127 : i32
      %sign3A_129 = arith.extui %sign3A_128 : i1 to i32
      %sign3A_130 = arith.constant 0 : i32
      %sign3A_131 = arith.cmpi slt, %jit3A_118, %sign3A_130 : i32
      %sign3A_132 = arith.extui %sign3A_131 : i1 to i32
      %sign3A_133 = arith.subi %sign3A_129, %sign3A_132 : i32
      %ne3A_134 = arith.cmpi ne, %sign3A_126, %sign3A_133 : i32
      %rem3A_135 = arith.remsi %select_n3A_105, %jit3A_118 : i32
      %ne3A_136 = arith.constant 0 : i32
      %ne3A_137 = arith.cmpi ne, %rem3A_135, %ne3A_136 : i32
      %and3A_138 = arith.andi %ne3A_134, %ne3A_137 : i1
      %sub3A_139 = arith.constant 1 : i32
      %sub3A_140 = arith.subi %div3A_119, %sub3A_139 : i32
      %select_n3A_141 = arith.select %and3A_138, %sub3A_140, %div3A_119 : i32
      %while3A_142 = arith.constant 0 : i32
      %while3A_143 = arith.constant 0 : i32
      %while3A_144 = arith.subi %select_n3A_141, %while3A_142 : i32
      %while3A_145 = arith.addi %while3A_142, %while3A_144 : i32
      %while3A_146 = arith.constant 1 : i32
      %while3A_147 = arith.divsi %while3A_144, %while3A_146 : i32
      %while3A_148 = arith.muli %while3A_147, %while3A_146 : i32
      %while3A_149 = arith.addi %while3A_142, %while3A_148 : i32
      %while3A_150 = arith.constant 1 : i32
      %while3A_151 = scf.for %while3A_168 = %while3A_142 to %while3A_149 step %while3A_150 iter_args(%while3A_169 = %while3A_143) -> (i32)  : i32 {
        %mul3A_170 = arith.constant 2 : i32
        %mul3A_171 = arith.muli %mul3A_170, %while3A_168 : i32
        %add3A_172 = arith.constant 1 : i32
        %add3A_173 = arith.addi %mul3A_171, %add3A_172 : i32
        %mul3A_174 = arith.constant 64 : i32
        %mul3A_175 = arith.muli %add3A_173, %mul3A_174 : i32
        %add3A_176 = arith.addi %mul3A_78, %mul3A_175 : i32
        %mul3A_177 = arith.constant 320064 : i32
        %mul3A_178 = arith.muli %select_n3A_38, %mul3A_177 : i32
        %add3A_179 = arith.addi %mul3A_178, %add3A_176 : i32
        "tpu.region"() ({
          %run_scoped3A = tpu.sem_alloc : memref<!tpu.dma_semaphore, #tpu.memory_space<semaphore_mem>>
          %dma_start3A_226 = tpu.memref_slice %arg4[%add3A_179] : memref<1280256xi32, #tpu.memory_space<hbm>> -> memref<64xi32, #tpu.memory_space<hbm>>
          %dma_start3A_227 = tpu.memref_slice %arg4[%add3A_179] : memref<1280256xi32, #tpu.memory_space<hbm>> -> memref<64xi32, #tpu.memory_space<hbm>>
          tpu.enqueue_dma source(%dma_start3A_227 : memref<64xi32, #tpu.memory_space<hbm>>) target(%arg19 : memref<64xi32, #tpu.memory_space<vmem>>) target_semaphore(%run_scoped3A : memref<!tpu.dma_semaphore, #tpu.memory_space<semaphore_mem>>)
          %dma_wait3A_228 = tpu.memref_slice %arg4[%add3A_179] : memref<1280256xi32, #tpu.memory_space<hbm>> -> memref<64xi32, #tpu.memory_space<hbm>>
          %dma_wait3A_229 = tpu.memref_slice %arg4[%add3A_179] : memref<1280256xi32, #tpu.memory_space<hbm>> -> memref<64xi32, #tpu.memory_space<hbm>>
          tpu.wait_dma2 semaphore(%run_scoped3A : memref<!tpu.dma_semaphore, #tpu.memory_space<semaphore_mem>>) src(%dma_wait3A_229 : memref<64xi32, #tpu.memory_space<hbm>>) dst(%arg19 : memref<64xi32, #tpu.memory_space<vmem>>)
          tpu.yield
        }) : () -> ()
        %dma_start3A = arith.constant 0 : i32
        %dma_start3A_180 = arith.constant 0 : i32
        %dma_start3A_181 = tpu.memref_slice %arg2[%dma_start3A, %dma_start3A_180] : memref<40960x256xf32, #tpu.memory_space<hbm>> -> memref<40960x256xf32, #tpu.memory_space<hbm>>
        tpu.enqueue_indirect_dma source(%dma_start3A_181 : memref<40960x256xf32, #tpu.memory_space<hbm>>) target(%arg18 : memref<64x256xf32, #tpu.memory_space<vmem>>) offsets(%arg19 : memref<64xi32, #tpu.memory_space<vmem>>) semaphore(%arg21 : memref<!tpu.dma_semaphore, #tpu.memory_space<semaphore_mem>>)
        %dma_wait3A = arith.constant 0 : i32
        %dma_wait3A_182 = arith.constant 0 : i32
        %dma_wait3A_183 = tpu.memref_slice %arg2[%dma_wait3A, %dma_wait3A_182] : memref<40960x256xf32, #tpu.memory_space<hbm>> -> memref<40960x256xf32, #tpu.memory_space<hbm>>
        tpu.wait_indirect_dma semaphore(%arg20 : memref<!tpu.dma_semaphore, #tpu.memory_space<semaphore_mem>>) src(%dma_wait3A_183 : memref<40960x256xf32, #tpu.memory_space<hbm>>) dst(%arg13 : memref<64x256xf32, #tpu.memory_space<vmem>>)
        %mul3A_184 = arith.constant 64 : i32
        %mul3A_185 = arith.muli %mul3A_171, %mul3A_184 : i32
        %add3A_186 = arith.addi %mul3A_78, %mul3A_185 : i32
        "tpu.region"() ({
          %run_scoped3A = tpu.sem_alloc : memref<!tpu.dma_semaphore, #tpu.memory_space<semaphore_mem>>
          %dma_start3A_226 = arith.constant 0 : i32
          %dma_start3A_227 = tpu.memref_slice %arg5[%add3A_186, %dma_start3A_226] : memref<320064x16xi32, #tpu.memory_space<hbm>> -> memref<64x16xi32, #tpu.memory_space<hbm>>
          %dma_start3A_228 = arith.constant 0 : i32
          %dma_start3A_229 = tpu.memref_slice %arg5[%add3A_186, %dma_start3A_228] : memref<320064x16xi32, #tpu.memory_space<hbm>> -> memref<64x16xi32, #tpu.memory_space<hbm>>
          tpu.enqueue_dma source(%dma_start3A_229 : memref<64x16xi32, #tpu.memory_space<hbm>>) target(%arg16 : memref<64x16xi32, #tpu.memory_space<vmem>>) target_semaphore(%run_scoped3A : memref<!tpu.dma_semaphore, #tpu.memory_space<semaphore_mem>>)
          %dma_wait3A_230 = arith.constant 0 : i32
          %dma_wait3A_231 = tpu.memref_slice %arg5[%add3A_186, %dma_wait3A_230] : memref<320064x16xi32, #tpu.memory_space<hbm>> -> memref<64x16xi32, #tpu.memory_space<hbm>>
          %dma_wait3A_232 = arith.constant 0 : i32
          %dma_wait3A_233 = tpu.memref_slice %arg5[%add3A_186, %dma_wait3A_232] : memref<320064x16xi32, #tpu.memory_space<hbm>> -> memref<64x16xi32, #tpu.memory_space<hbm>>
          tpu.wait_dma2 semaphore(%run_scoped3A : memref<!tpu.dma_semaphore, #tpu.memory_space<semaphore_mem>>) src(%dma_wait3A_233 : memref<64x16xi32, #tpu.memory_space<hbm>>) dst(%arg16 : memref<64x16xi32, #tpu.memory_space<vmem>>)
          tpu.yield
        }) : () -> ()
        %scan3A_187 = arith.constant 0 : i32
        %scan3A_188 = arith.constant 0 : i32
        %scan3A_189 = arith.constant 64 : i32
        %scan3A_190 = arith.addi %scan3A_188, %scan3A_189 : i32
        %scan3A_191 = arith.constant 1 : i32
        %scan3A_192 = scf.for %scan3A_226 = %scan3A_188 to %scan3A_190 step %scan3A_191 iter_args(%scan3A_227 = %scan3A_187) -> (i32)  : i32 {
          %get3A_228 = arith.index_cast %scan3A_226 : i32 to index
          %get3A_229 = arith.constant 0 : index
          %get3A_230 = tpu.vector_load %arg16[%get3A_228, %get3A_229] {strides = array<i32>} : memref<64x16xi32, #tpu.memory_space<vmem>>, vector<1x16xi32>,
          %get3A_231 = vector.shape_cast %get3A_230 : vector<1x16xi32> to vector<16xi32>
          %sub3A_232 = vector.broadcast %mul3A_52 : i32 to vector<16xi32>
          %sub3A_233 = arith.subi %get3A_231, %sub3A_232 : vector<16xi32>
          %ge3A = arith.constant 0 : i32
          %ge3A_234 = vector.broadcast %ge3A : i32 to vector<16xi32>
          %ge3A_235 = arith.cmpi sge, %sub3A_233, %ge3A_234 : vector<16xi32>
          %lt3A_236 = arith.constant 64 : i32
          %lt3A_237 = vector.broadcast %lt3A_236 : i32 to vector<16xi32>
          %lt3A_238 = arith.cmpi slt, %sub3A_233, %lt3A_237 : vector<16xi32>
          %and3A_239 = arith.andi %ge3A_235, %lt3A_238 : vector<16xi1>
          %jit3A_240 = arith.constant 0 : i32
          %broadcast_in_dim3A = vector.broadcast %jit3A_240 : i32 to vector<16xi32>
          %select_n3A_241 = arith.select %and3A_239, %sub3A_233, %broadcast_in_dim3A : vector<16xi1>, vector<16xi32>
          %jit3A_242 = arith.constant 1.000000e+00 : f32
          %jit3A_243 = arith.constant 0.000000e+00 : f32
          %broadcast_in_dim3A_244 = vector.broadcast %jit3A_242 : f32 to vector<16xf32>
          %broadcast_in_dim3A_245 = vector.broadcast %jit3A_243 : f32 to vector<16xf32>
          %select_n3A_246 = arith.select %and3A_239, %broadcast_in_dim3A_244, %broadcast_in_dim3A_245 : vector<16xi1>, vector<16xf32>
          %slice3A_247 = vector.extract_strided_slice %select_n3A_241 {offsets = [0], sizes = [1], strides = [1]} : vector<16xi32> to vector<1xi32>
          %squeeze3A_248 = vector.extract %slice3A_247[0] : i32 from vector<1xi32>
          %get3A_249 = arith.index_cast %squeeze3A_248 : i32 to index
          %get3A_250 = arith.constant 0 : index
          %get3A_251 = tpu.vector_load %arg14[%get3A_249, %get3A_250] {strides = array<i32>} : memref<64x16xf32, #tpu.memory_space<vmem>>, vector<1x16xf32>,
          %get3A_252 = vector.shape_cast %get3A_251 : vector<1x16xf32> to vector<16xf32>
          %get3A_253 = arith.index_cast %scan3A_226 : i32 to index
          %get3A_254 = arith.constant 128 : index
          %get3A_255 = tpu.vector_load %arg13[%get3A_253, %get3A_254] {strides = array<i32>} : memref<64x256xf32, #tpu.memory_space<vmem>>, vector<1x16xf32>,
          %get3A_256 = vector.shape_cast %get3A_255 : vector<1x16xf32> to vector<16xf32>
          %add3A_257 = arith.addf %get3A_256, %get3A_252 : vector<16xf32>
          %gt3A = arith.constant 0.000000e+00 : f32
          %gt3A_258 = vector.broadcast %gt3A : f32 to vector<16xf32>
          %gt3A_259 = arith.cmpf ogt, %add3A_257, %gt3A_258 : vector<16xf32>
          %mul3A_260 = arith.constant 2.000000e-01 : f32
          %mul3A_261 = vector.broadcast %mul3A_260 : f32 to vector<16xf32>
          %mul3A_262 = arith.mulf %mul3A_261, %add3A_257 : vector<16xf32>
          %select_n3A_263 = arith.select %gt3A_259, %add3A_257, %mul3A_262 : vector<16xi1>, vector<16xf32>
          %exp3A = math.exp %select_n3A_263 : vector<16xf32>
          %mul3A_264 = arith.mulf %exp3A, %select_n3A_246 : vector<16xf32>
          %swap3A = arith.index_cast %squeeze3A_248 : i32 to index
          %swap3A_265 = arith.constant 0 : index
          %swap3A_266 = tpu.vector_load %arg12[%swap3A, %swap3A_265] {strides = array<i32>} : memref<64x16xf32, #tpu.memory_space<vmem>>, vector<1x16xf32>,
          %swap3A_267 = vector.shape_cast %swap3A_266 : vector<1x16xf32> to vector<16xf32>
          %swap3A_268 = vector.shape_cast %mul3A_264 : vector<16xf32> to vector<1x16xf32>
          tpu.vector_store %arg12[%swap3A, %swap3A_265], %swap3A_268 {add = true, strides = array<i32>} : memref<64x16xf32, #tpu.memory_space<vmem>>, vector<1x16xf32>,
          %slice3A_269 = vector.extract_strided_slice %mul3A_264 {offsets = [0], sizes = [1], strides = [1]} : vector<16xf32> to vector<1xf32>
          %squeeze3A_270 = vector.extract %slice3A_269[0] : f32 from vector<1xf32>
          %scan3A_271 = arith.constant 0 : i32
          %scan3A_272 = arith.constant 0 : i32
          %scan3A_273 = arith.constant 8 : i32
          %scan3A_274 = arith.addi %scan3A_272, %scan3A_273 : i32
          %scan3A_275 = arith.constant 1 : i32
          %scan3A_276 = scf.for %scan3A_279 = %scan3A_272 to %scan3A_274 step %scan3A_275 iter_args(%scan3A_280 = %scan3A_271) -> (i32)  : i32 {
            %mul3A_281 = arith.constant 16 : i32
            %mul3A_282 = arith.muli %scan3A_279, %mul3A_281 : i32
            %get3A_283 = arith.index_cast %scan3A_226 : i32 to index
            %get3A_284 = arith.index_cast %mul3A_282 : i32 to index
            %get3A_285 = tpu.vector_load %arg13[%get3A_283, %get3A_284] {strides = array<i32>} : memref<64x256xf32, #tpu.memory_space<vmem>>, vector<1x16xf32>,
            %get3A_286 = vector.shape_cast %get3A_285 : vector<1x16xf32> to vector<16xf32>
            %mul3A_287 = arith.constant 16 : i32
            %mul3A_288 = arith.muli %scan3A_279, %mul3A_287 : i32
            %add3A_289 = arith.constant 0 : i32
            %add3A_290 = arith.addi %add3A_289, %mul3A_288 : i32
            %mul3A_291 = vector.broadcast %squeeze3A_270 : f32 to vector<16xf32>
            %mul3A_292 = arith.mulf %mul3A_291, %get3A_286 : vector<16xf32>
            %swap3A_293 = arith.index_cast %squeeze3A_248 : i32 to index
            %swap3A_294 = arith.index_cast %add3A_290 : i32 to index
            %swap3A_295 = tpu.vector_load %arg11[%swap3A_293, %swap3A_294] {strides = array<i32>} : memref<64x128xf32, #tpu.memory_space<vmem>>, vector<1x16xf32>,
            %swap3A_296 = vector.shape_cast %swap3A_295 : vector<1x16xf32> to vector<16xf32>
            %swap3A_297 = vector.shape_cast %mul3A_292 : vector<16xf32> to vector<1x16xf32>
            tpu.vector_store %arg11[%swap3A_293, %swap3A_294], %swap3A_297 {add = true, strides = array<i32>} : memref<64x128xf32, #tpu.memory_space<vmem>>, vector<1x16xf32>,
            %scan3A_298 = arith.constant 0 : i32
            scf.yield %scan3A_298 : i32
          }
          %scan3A_277 = arith.constant 8 : i32
          %scan3A_278 = arith.constant 0 : i32
          scf.yield %scan3A_278 : i32
        }
        %scan3A_193 = arith.constant 64 : i32
        %add3A_194 = arith.constant 2 : i32
        %add3A_195 = arith.addi %mul3A_171, %add3A_194 : i32
        %add3A_196 = arith.constant 3 : i32
        %add3A_197 = arith.addi %mul3A_171, %add3A_196 : i32
        %min3A_198 = arith.minsi %add3A_197, %select_n3A_105 : i32
        %while3A_199 = arith.constant 0 : i32
        %while3A_200 = arith.subi %min3A_198, %add3A_195 : i32
        %while3A_201 = arith.addi %add3A_195, %while3A_200 : i32
        %while3A_202 = arith.constant 1 : i32
        %while3A_203 = arith.divsi %while3A_200, %while3A_202 : i32
        %while3A_204 = arith.muli %while3A_203, %while3A_202 : i32
        %while3A_205 = arith.addi %add3A_195, %while3A_204 : i32
        %while3A_206 = arith.constant 1 : i32
        %while3A_207 = scf.for %while3A_226 = %add3A_195 to %while3A_205 step %while3A_206 iter_args(%while3A_227 = %while3A_199) -> (i32)  : i32 {
          %mul3A_228 = arith.constant 64 : i32
          %mul3A_229 = arith.muli %while3A_226, %mul3A_228 : i32
          %add3A_230 = arith.addi %mul3A_78, %mul3A_229 : i32
          %mul3A_231 = arith.constant 320064 : i32
          %mul3A_232 = arith.muli %select_n3A_38, %mul3A_231 : i32
          %add3A_233 = arith.addi %mul3A_232, %add3A_230 : i32
          "tpu.region"() ({
            %run_scoped3A = tpu.sem_alloc : memref<!tpu.dma_semaphore, #tpu.memory_space<semaphore_mem>>
            %dma_start3A_238 = tpu.memref_slice %arg4[%add3A_233] : memref<1280256xi32, #tpu.memory_space<hbm>> -> memref<64xi32, #tpu.memory_space<hbm>>
            %dma_start3A_239 = tpu.memref_slice %arg4[%add3A_233] : memref<1280256xi32, #tpu.memory_space<hbm>> -> memref<64xi32, #tpu.memory_space<hbm>>
            tpu.enqueue_dma source(%dma_start3A_239 : memref<64xi32, #tpu.memory_space<hbm>>) target(%arg15 : memref<64xi32, #tpu.memory_space<vmem>>) target_semaphore(%run_scoped3A : memref<!tpu.dma_semaphore, #tpu.memory_space<semaphore_mem>>)
            %dma_wait3A_240 = tpu.memref_slice %arg4[%add3A_233] : memref<1280256xi32, #tpu.memory_space<hbm>> -> memref<64xi32, #tpu.memory_space<hbm>>
            %dma_wait3A_241 = tpu.memref_slice %arg4[%add3A_233] : memref<1280256xi32, #tpu.memory_space<hbm>> -> memref<64xi32, #tpu.memory_space<hbm>>
            tpu.wait_dma2 semaphore(%run_scoped3A : memref<!tpu.dma_semaphore, #tpu.memory_space<semaphore_mem>>) src(%dma_wait3A_241 : memref<64xi32, #tpu.memory_space<hbm>>) dst(%arg15 : memref<64xi32, #tpu.memory_space<vmem>>)
            tpu.yield
          }) : () -> ()
          %dma_start3A_234 = arith.constant 0 : i32
          %dma_start3A_235 = arith.constant 0 : i32
          %dma_start3A_236 = tpu.memref_slice %arg2[%dma_start3A_234, %dma_start3A_235] : memref<40960x256xf32, #tpu.memory_space<hbm>> -> memref<40960x256xf32, #tpu.memory_space<hbm>>
          tpu.enqueue_indirect_dma source(%dma_start3A_236 : memref<40960x256xf32, #tpu.memory_space<hbm>>) target(%arg13 : memref<64x256xf32, #tpu.memory_space<vmem>>) offsets(%arg15 : memref<64xi32, #tpu.memory_space<vmem>>) semaphore(%arg20 : memref<!tpu.dma_semaphore, #tpu.memory_space<semaphore_mem>>)
          %while3A_237 = arith.constant 0 : i32
          scf.yield %while3A_237 : i32
        }
        %while3A_208 = arith.constant 1 : i32
        %while3A_209 = scf.for %while3A_226 = %while3A_205 to %while3A_201 step %while3A_208 iter_args(%while3A_227 = %while3A_207) -> (i32)  : i32 {
          %mul3A_228 = arith.constant 64 : i32
          %mul3A_229 = arith.muli %while3A_226, %mul3A_228 : i32
          %add3A_230 = arith.addi %mul3A_78, %mul3A_229 : i32
          %mul3A_231 = arith.constant 320064 : i32
          %mul3A_232 = arith.muli %select_n3A_38, %mul3A_231 : i32
          %add3A_233 = arith.addi %mul3A_232, %add3A_230 : i32
          "tpu.region"() ({
            %run_scoped3A = tpu.sem_alloc : memref<!tpu.dma_semaphore, #tpu.memory_space<semaphore_mem>>
            %dma_start3A_238 = tpu.memref_slice %arg4[%add3A_233] : memref<1280256xi32, #tpu.memory_space<hbm>> -> memref<64xi32, #tpu.memory_space<hbm>>
            %dma_start3A_239 = tpu.memref_slice %arg4[%add3A_233] : memref<1280256xi32, #tpu.memory_space<hbm>> -> memref<64xi32, #tpu.memory_space<hbm>>
            tpu.enqueue_dma source(%dma_start3A_239 : memref<64xi32, #tpu.memory_space<hbm>>) target(%arg15 : memref<64xi32, #tpu.memory_space<vmem>>) target_semaphore(%run_scoped3A : memref<!tpu.dma_semaphore, #tpu.memory_space<semaphore_mem>>)
            %dma_wait3A_240 = tpu.memref_slice %arg4[%add3A_233] : memref<1280256xi32, #tpu.memory_space<hbm>> -> memref<64xi32, #tpu.memory_space<hbm>>
            %dma_wait3A_241 = tpu.memref_slice %arg4[%add3A_233] : memref<1280256xi32, #tpu.memory_space<hbm>> -> memref<64xi32, #tpu.memory_space<hbm>>
            tpu.wait_dma2 semaphore(%run_scoped3A : memref<!tpu.dma_semaphore, #tpu.memory_space<semaphore_mem>>) src(%dma_wait3A_241 : memref<64xi32, #tpu.memory_space<hbm>>) dst(%arg15 : memref<64xi32, #tpu.memory_space<vmem>>)
            tpu.yield
          }) : () -> ()
          %dma_start3A_234 = arith.constant 0 : i32
          %dma_start3A_235 = arith.constant 0 : i32
          %dma_start3A_236 = tpu.memref_slice %arg2[%dma_start3A_234, %dma_start3A_235] : memref<40960x256xf32, #tpu.memory_space<hbm>> -> memref<40960x256xf32, #tpu.memory_space<hbm>>
          tpu.enqueue_indirect_dma source(%dma_start3A_236 : memref<40960x256xf32, #tpu.memory_space<hbm>>) target(%arg13 : memref<64x256xf32, #tpu.memory_space<vmem>>) offsets(%arg15 : memref<64xi32, #tpu.memory_space<vmem>>) semaphore(%arg20 : memref<!tpu.dma_semaphore, #tpu.memory_space<semaphore_mem>>)
          %while3A_237 = arith.constant 0 : i32
          scf.yield %while3A_237 : i32
        }
        %dma_wait3A_210 = arith.constant 0 : i32
        %dma_wait3A_211 = arith.constant 0 : i32
        %dma_wait3A_212 = tpu.memref_slice %arg2[%dma_wait3A_210, %dma_wait3A_211] : memref<40960x256xf32, #tpu.memory_space<hbm>> -> memref<40960x256xf32, #tpu.memory_space<hbm>>
        tpu.wait_indirect_dma semaphore(%arg21 : memref<!tpu.dma_semaphore, #tpu.memory_space<semaphore_mem>>) src(%dma_wait3A_212 : memref<40960x256xf32, #tpu.memory_space<hbm>>) dst(%arg18 : memref<64x256xf32, #tpu.memory_space<vmem>>)
        %add3A_213 = arith.constant 1 : i32
        %add3A_214 = arith.addi %mul3A_171, %add3A_213 : i32
        %mul3A_215 = arith.constant 64 : i32
        %mul3A_216 = arith.muli %add3A_214, %mul3A_215 : i32
        %add3A_217 = arith.addi %mul3A_78, %mul3A_216 : i32
        "tpu.region"() ({
          %run_scoped3A = tpu.sem_alloc : memref<!tpu.dma_semaphore, #tpu.memory_space<semaphore_mem>>
          %dma_start3A_226 = arith.constant 0 : i32
          %dma_start3A_227 = tpu.memref_slice %arg5[%add3A_217, %dma_start3A_226] : memref<320064x16xi32, #tpu.memory_space<hbm>> -> memref<64x16xi32, #tpu.memory_space<hbm>>
          %dma_start3A_228 = arith.constant 0 : i32
          %dma_start3A_229 = tpu.memref_slice %arg5[%add3A_217, %dma_start3A_228] : memref<320064x16xi32, #tpu.memory_space<hbm>> -> memref<64x16xi32, #tpu.memory_space<hbm>>
          tpu.enqueue_dma source(%dma_start3A_229 : memref<64x16xi32, #tpu.memory_space<hbm>>) target(%arg16 : memref<64x16xi32, #tpu.memory_space<vmem>>) target_semaphore(%run_scoped3A : memref<!tpu.dma_semaphore, #tpu.memory_space<semaphore_mem>>)
          %dma_wait3A_230 = arith.constant 0 : i32
          %dma_wait3A_231 = tpu.memref_slice %arg5[%add3A_217, %dma_wait3A_230] : memref<320064x16xi32, #tpu.memory_space<hbm>> -> memref<64x16xi32, #tpu.memory_space<hbm>>
          %dma_wait3A_232 = arith.constant 0 : i32
          %dma_wait3A_233 = tpu.memref_slice %arg5[%add3A_217, %dma_wait3A_232] : memref<320064x16xi32, #tpu.memory_space<hbm>> -> memref<64x16xi32, #tpu.memory_space<hbm>>
          tpu.wait_dma2 semaphore(%run_scoped3A : memref<!tpu.dma_semaphore, #tpu.memory_space<semaphore_mem>>) src(%dma_wait3A_233 : memref<64x16xi32, #tpu.memory_space<hbm>>) dst(%arg16 : memref<64x16xi32, #tpu.memory_space<vmem>>)
          tpu.yield
        }) : () -> ()
        %scan3A_218 = arith.constant 0 : i32
        %scan3A_219 = arith.constant 0 : i32
        %scan3A_220 = arith.constant 64 : i32
        %scan3A_221 = arith.addi %scan3A_219, %scan3A_220 : i32
        %scan3A_222 = arith.constant 1 : i32
        %scan3A_223 = scf.for %scan3A_226 = %scan3A_219 to %scan3A_221 step %scan3A_222 iter_args(%scan3A_227 = %scan3A_218) -> (i32)  : i32 {
          %get3A_228 = arith.index_cast %scan3A_226 : i32 to index
          %get3A_229 = arith.constant 0 : index
          %get3A_230 = tpu.vector_load %arg16[%get3A_228, %get3A_229] {strides = array<i32>} : memref<64x16xi32, #tpu.memory_space<vmem>>, vector<1x16xi32>,
          %get3A_231 = vector.shape_cast %get3A_230 : vector<1x16xi32> to vector<16xi32>
          %sub3A_232 = vector.broadcast %mul3A_52 : i32 to vector<16xi32>
          %sub3A_233 = arith.subi %get3A_231, %sub3A_232 : vector<16xi32>
          %ge3A = arith.constant 0 : i32
          %ge3A_234 = vector.broadcast %ge3A : i32 to vector<16xi32>
          %ge3A_235 = arith.cmpi sge, %sub3A_233, %ge3A_234 : vector<16xi32>
          %lt3A_236 = arith.constant 64 : i32
          %lt3A_237 = vector.broadcast %lt3A_236 : i32 to vector<16xi32>
          %lt3A_238 = arith.cmpi slt, %sub3A_233, %lt3A_237 : vector<16xi32>
          %and3A_239 = arith.andi %ge3A_235, %lt3A_238 : vector<16xi1>
          %jit3A_240 = arith.constant 0 : i32
          %broadcast_in_dim3A = vector.broadcast %jit3A_240 : i32 to vector<16xi32>
          %select_n3A_241 = arith.select %and3A_239, %sub3A_233, %broadcast_in_dim3A : vector<16xi1>, vector<16xi32>
          %jit3A_242 = arith.constant 1.000000e+00 : f32
          %jit3A_243 = arith.constant 0.000000e+00 : f32
          %broadcast_in_dim3A_244 = vector.broadcast %jit3A_242 : f32 to vector<16xf32>
          %broadcast_in_dim3A_245 = vector.broadcast %jit3A_243 : f32 to vector<16xf32>
          %select_n3A_246 = arith.select %and3A_239, %broadcast_in_dim3A_244, %broadcast_in_dim3A_245 : vector<16xi1>, vector<16xf32>
          %slice3A_247 = vector.extract_strided_slice %select_n3A_241 {offsets = [0], sizes = [1], strides = [1]} : vector<16xi32> to vector<1xi32>
          %squeeze3A_248 = vector.extract %slice3A_247[0] : i32 from vector<1xi32>
          %get3A_249 = arith.index_cast %squeeze3A_248 : i32 to index
          %get3A_250 = arith.constant 0 : index
          %get3A_251 = tpu.vector_load %arg14[%get3A_249, %get3A_250] {strides = array<i32>} : memref<64x16xf32, #tpu.memory_space<vmem>>, vector<1x16xf32>,
          %get3A_252 = vector.shape_cast %get3A_251 : vector<1x16xf32> to vector<16xf32>
          %get3A_253 = arith.index_cast %scan3A_226 : i32 to index
          %get3A_254 = arith.constant 128 : index
          %get3A_255 = tpu.vector_load %arg18[%get3A_253, %get3A_254] {strides = array<i32>} : memref<64x256xf32, #tpu.memory_space<vmem>>, vector<1x16xf32>,
          %get3A_256 = vector.shape_cast %get3A_255 : vector<1x16xf32> to vector<16xf32>
          %add3A_257 = arith.addf %get3A_256, %get3A_252 : vector<16xf32>
          %gt3A = arith.constant 0.000000e+00 : f32
          %gt3A_258 = vector.broadcast %gt3A : f32 to vector<16xf32>
          %gt3A_259 = arith.cmpf ogt, %add3A_257, %gt3A_258 : vector<16xf32>
          %mul3A_260 = arith.constant 2.000000e-01 : f32
          %mul3A_261 = vector.broadcast %mul3A_260 : f32 to vector<16xf32>
          %mul3A_262 = arith.mulf %mul3A_261, %add3A_257 : vector<16xf32>
          %select_n3A_263 = arith.select %gt3A_259, %add3A_257, %mul3A_262 : vector<16xi1>, vector<16xf32>
          %exp3A = math.exp %select_n3A_263 : vector<16xf32>
          %mul3A_264 = arith.mulf %exp3A, %select_n3A_246 : vector<16xf32>
          %swap3A = arith.index_cast %squeeze3A_248 : i32 to index
          %swap3A_265 = arith.constant 0 : index
          %swap3A_266 = tpu.vector_load %arg12[%swap3A, %swap3A_265] {strides = array<i32>} : memref<64x16xf32, #tpu.memory_space<vmem>>, vector<1x16xf32>,
          %swap3A_267 = vector.shape_cast %swap3A_266 : vector<1x16xf32> to vector<16xf32>
          %swap3A_268 = vector.shape_cast %mul3A_264 : vector<16xf32> to vector<1x16xf32>
          tpu.vector_store %arg12[%swap3A, %swap3A_265], %swap3A_268 {add = true, strides = array<i32>} : memref<64x16xf32, #tpu.memory_space<vmem>>, vector<1x16xf32>,
          %slice3A_269 = vector.extract_strided_slice %mul3A_264 {offsets = [0], sizes = [1], strides = [1]} : vector<16xf32> to vector<1xf32>
          %squeeze3A_270 = vector.extract %slice3A_269[0] : f32 from vector<1xf32>
          %scan3A_271 = arith.constant 0 : i32
          %scan3A_272 = arith.constant 0 : i32
          %scan3A_273 = arith.constant 8 : i32
          %scan3A_274 = arith.addi %scan3A_272, %scan3A_273 : i32
          %scan3A_275 = arith.constant 1 : i32
          %scan3A_276 = scf.for %scan3A_279 = %scan3A_272 to %scan3A_274 step %scan3A_275 iter_args(%scan3A_280 = %scan3A_271) -> (i32)  : i32 {
            %mul3A_281 = arith.constant 16 : i32
            %mul3A_282 = arith.muli %scan3A_279, %mul3A_281 : i32
            %get3A_283 = arith.index_cast %scan3A_226 : i32 to index
            %get3A_284 = arith.index_cast %mul3A_282 : i32 to index
            %get3A_285 = tpu.vector_load %arg18[%get3A_283, %get3A_284] {strides = array<i32>} : memref<64x256xf32, #tpu.memory_space<vmem>>, vector<1x16xf32>,
            %get3A_286 = vector.shape_cast %get3A_285 : vector<1x16xf32> to vector<16xf32>
            %mul3A_287 = arith.constant 16 : i32
            %mul3A_288 = arith.muli %scan3A_279, %mul3A_287 : i32
            %add3A_289 = arith.constant 0 : i32
            %add3A_290 = arith.addi %add3A_289, %mul3A_288 : i32
            %mul3A_291 = vector.broadcast %squeeze3A_270 : f32 to vector<16xf32>
            %mul3A_292 = arith.mulf %mul3A_291, %get3A_286 : vector<16xf32>
            %swap3A_293 = arith.index_cast %squeeze3A_248 : i32 to index
            %swap3A_294 = arith.index_cast %add3A_290 : i32 to index
            %swap3A_295 = tpu.vector_load %arg11[%swap3A_293, %swap3A_294] {strides = array<i32>} : memref<64x128xf32, #tpu.memory_space<vmem>>, vector<1x16xf32>,
            %swap3A_296 = vector.shape_cast %swap3A_295 : vector<1x16xf32> to vector<16xf32>
            %swap3A_297 = vector.shape_cast %mul3A_292 : vector<16xf32> to vector<1x16xf32>
            tpu.vector_store %arg11[%swap3A_293, %swap3A_294], %swap3A_297 {add = true, strides = array<i32>} : memref<64x128xf32, #tpu.memory_space<vmem>>, vector<1x16xf32>,
            %scan3A_298 = arith.constant 0 : i32
            scf.yield %scan3A_298 : i32
          }
          %scan3A_277 = arith.constant 8 : i32
          %scan3A_278 = arith.constant 0 : i32
          scf.yield %scan3A_278 : i32
        }
        %scan3A_224 = arith.constant 64 : i32
        %while3A_225 = arith.constant 0 : i32
        scf.yield %while3A_225 : i32
      }
      %while3A_152 = arith.constant 1 : i32
      %while3A_153 = scf.for %while3A_168 = %while3A_149 to %while3A_145 step %while3A_152 iter_args(%while3A_169 = %while3A_151) -> (i32)  : i32 {
        %mul3A_170 = arith.constant 2 : i32
        %mul3A_171 = arith.muli %mul3A_170, %while3A_168 : i32
        %add3A_172 = arith.constant 1 : i32
        %add3A_173 = arith.addi %mul3A_171, %add3A_172 : i32
        %mul3A_174 = arith.constant 64 : i32
        %mul3A_175 = arith.muli %add3A_173, %mul3A_174 : i32
        %add3A_176 = arith.addi %mul3A_78, %mul3A_175 : i32
        %mul3A_177 = arith.constant 320064 : i32
        %mul3A_178 = arith.muli %select_n3A_38, %mul3A_177 : i32
        %add3A_179 = arith.addi %mul3A_178, %add3A_176 : i32
        "tpu.region"() ({
          %run_scoped3A = tpu.sem_alloc : memref<!tpu.dma_semaphore, #tpu.memory_space<semaphore_mem>>
          %dma_start3A_226 = tpu.memref_slice %arg4[%add3A_179] : memref<1280256xi32, #tpu.memory_space<hbm>> -> memref<64xi32, #tpu.memory_space<hbm>>
          %dma_start3A_227 = tpu.memref_slice %arg4[%add3A_179] : memref<1280256xi32, #tpu.memory_space<hbm>> -> memref<64xi32, #tpu.memory_space<hbm>>
          tpu.enqueue_dma source(%dma_start3A_227 : memref<64xi32, #tpu.memory_space<hbm>>) target(%arg19 : memref<64xi32, #tpu.memory_space<vmem>>) target_semaphore(%run_scoped3A : memref<!tpu.dma_semaphore, #tpu.memory_space<semaphore_mem>>)
          %dma_wait3A_228 = tpu.memref_slice %arg4[%add3A_179] : memref<1280256xi32, #tpu.memory_space<hbm>> -> memref<64xi32, #tpu.memory_space<hbm>>
          %dma_wait3A_229 = tpu.memref_slice %arg4[%add3A_179] : memref<1280256xi32, #tpu.memory_space<hbm>> -> memref<64xi32, #tpu.memory_space<hbm>>
          tpu.wait_dma2 semaphore(%run_scoped3A : memref<!tpu.dma_semaphore, #tpu.memory_space<semaphore_mem>>) src(%dma_wait3A_229 : memref<64xi32, #tpu.memory_space<hbm>>) dst(%arg19 : memref<64xi32, #tpu.memory_space<vmem>>)
          tpu.yield
        }) : () -> ()
        %dma_start3A = arith.constant 0 : i32
        %dma_start3A_180 = arith.constant 0 : i32
        %dma_start3A_181 = tpu.memref_slice %arg2[%dma_start3A, %dma_start3A_180] : memref<40960x256xf32, #tpu.memory_space<hbm>> -> memref<40960x256xf32, #tpu.memory_space<hbm>>
        tpu.enqueue_indirect_dma source(%dma_start3A_181 : memref<40960x256xf32, #tpu.memory_space<hbm>>) target(%arg18 : memref<64x256xf32, #tpu.memory_space<vmem>>) offsets(%arg19 : memref<64xi32, #tpu.memory_space<vmem>>) semaphore(%arg21 : memref<!tpu.dma_semaphore, #tpu.memory_space<semaphore_mem>>)
        %dma_wait3A = arith.constant 0 : i32
        %dma_wait3A_182 = arith.constant 0 : i32
        %dma_wait3A_183 = tpu.memref_slice %arg2[%dma_wait3A, %dma_wait3A_182] : memref<40960x256xf32, #tpu.memory_space<hbm>> -> memref<40960x256xf32, #tpu.memory_space<hbm>>
        tpu.wait_indirect_dma semaphore(%arg20 : memref<!tpu.dma_semaphore, #tpu.memory_space<semaphore_mem>>) src(%dma_wait3A_183 : memref<40960x256xf32, #tpu.memory_space<hbm>>) dst(%arg13 : memref<64x256xf32, #tpu.memory_space<vmem>>)
        %mul3A_184 = arith.constant 64 : i32
        %mul3A_185 = arith.muli %mul3A_171, %mul3A_184 : i32
        %add3A_186 = arith.addi %mul3A_78, %mul3A_185 : i32
        "tpu.region"() ({
          %run_scoped3A = tpu.sem_alloc : memref<!tpu.dma_semaphore, #tpu.memory_space<semaphore_mem>>
          %dma_start3A_226 = arith.constant 0 : i32
          %dma_start3A_227 = tpu.memref_slice %arg5[%add3A_186, %dma_start3A_226] : memref<320064x16xi32, #tpu.memory_space<hbm>> -> memref<64x16xi32, #tpu.memory_space<hbm>>
          %dma_start3A_228 = arith.constant 0 : i32
          %dma_start3A_229 = tpu.memref_slice %arg5[%add3A_186, %dma_start3A_228] : memref<320064x16xi32, #tpu.memory_space<hbm>> -> memref<64x16xi32, #tpu.memory_space<hbm>>
          tpu.enqueue_dma source(%dma_start3A_229 : memref<64x16xi32, #tpu.memory_space<hbm>>) target(%arg16 : memref<64x16xi32, #tpu.memory_space<vmem>>) target_semaphore(%run_scoped3A : memref<!tpu.dma_semaphore, #tpu.memory_space<semaphore_mem>>)
          %dma_wait3A_230 = arith.constant 0 : i32
          %dma_wait3A_231 = tpu.memref_slice %arg5[%add3A_186, %dma_wait3A_230] : memref<320064x16xi32, #tpu.memory_space<hbm>> -> memref<64x16xi32, #tpu.memory_space<hbm>>
          %dma_wait3A_232 = arith.constant 0 : i32
          %dma_wait3A_233 = tpu.memref_slice %arg5[%add3A_186, %dma_wait3A_232] : memref<320064x16xi32, #tpu.memory_space<hbm>> -> memref<64x16xi32, #tpu.memory_space<hbm>>
          tpu.wait_dma2 semaphore(%run_scoped3A : memref<!tpu.dma_semaphore, #tpu.memory_space<semaphore_mem>>) src(%dma_wait3A_233 : memref<64x16xi32, #tpu.memory_space<hbm>>) dst(%arg16 : memref<64x16xi32, #tpu.memory_space<vmem>>)
          tpu.yield
        }) : () -> ()
        %scan3A_187 = arith.constant 0 : i32
        %scan3A_188 = arith.constant 0 : i32
        %scan3A_189 = arith.constant 64 : i32
        %scan3A_190 = arith.addi %scan3A_188, %scan3A_189 : i32
        %scan3A_191 = arith.constant 1 : i32
        %scan3A_192 = scf.for %scan3A_226 = %scan3A_188 to %scan3A_190 step %scan3A_191 iter_args(%scan3A_227 = %scan3A_187) -> (i32)  : i32 {
          %get3A_228 = arith.index_cast %scan3A_226 : i32 to index
          %get3A_229 = arith.constant 0 : index
          %get3A_230 = tpu.vector_load %arg16[%get3A_228, %get3A_229] {strides = array<i32>} : memref<64x16xi32, #tpu.memory_space<vmem>>, vector<1x16xi32>,
          %get3A_231 = vector.shape_cast %get3A_230 : vector<1x16xi32> to vector<16xi32>
          %sub3A_232 = vector.broadcast %mul3A_52 : i32 to vector<16xi32>
          %sub3A_233 = arith.subi %get3A_231, %sub3A_232 : vector<16xi32>
          %ge3A = arith.constant 0 : i32
          %ge3A_234 = vector.broadcast %ge3A : i32 to vector<16xi32>
          %ge3A_235 = arith.cmpi sge, %sub3A_233, %ge3A_234 : vector<16xi32>
          %lt3A_236 = arith.constant 64 : i32
          %lt3A_237 = vector.broadcast %lt3A_236 : i32 to vector<16xi32>
          %lt3A_238 = arith.cmpi slt, %sub3A_233, %lt3A_237 : vector<16xi32>
          %and3A_239 = arith.andi %ge3A_235, %lt3A_238 : vector<16xi1>
          %jit3A_240 = arith.constant 0 : i32
          %broadcast_in_dim3A = vector.broadcast %jit3A_240 : i32 to vector<16xi32>
          %select_n3A_241 = arith.select %and3A_239, %sub3A_233, %broadcast_in_dim3A : vector<16xi1>, vector<16xi32>
          %jit3A_242 = arith.constant 1.000000e+00 : f32
          %jit3A_243 = arith.constant 0.000000e+00 : f32
          %broadcast_in_dim3A_244 = vector.broadcast %jit3A_242 : f32 to vector<16xf32>
          %broadcast_in_dim3A_245 = vector.broadcast %jit3A_243 : f32 to vector<16xf32>
          %select_n3A_246 = arith.select %and3A_239, %broadcast_in_dim3A_244, %broadcast_in_dim3A_245 : vector<16xi1>, vector<16xf32>
          %slice3A_247 = vector.extract_strided_slice %select_n3A_241 {offsets = [0], sizes = [1], strides = [1]} : vector<16xi32> to vector<1xi32>
          %squeeze3A_248 = vector.extract %slice3A_247[0] : i32 from vector<1xi32>
          %get3A_249 = arith.index_cast %squeeze3A_248 : i32 to index
          %get3A_250 = arith.constant 0 : index
          %get3A_251 = tpu.vector_load %arg14[%get3A_249, %get3A_250] {strides = array<i32>} : memref<64x16xf32, #tpu.memory_space<vmem>>, vector<1x16xf32>,
          %get3A_252 = vector.shape_cast %get3A_251 : vector<1x16xf32> to vector<16xf32>
          %get3A_253 = arith.index_cast %scan3A_226 : i32 to index
          %get3A_254 = arith.constant 128 : index
          %get3A_255 = tpu.vector_load %arg13[%get3A_253, %get3A_254] {strides = array<i32>} : memref<64x256xf32, #tpu.memory_space<vmem>>, vector<1x16xf32>,
          %get3A_256 = vector.shape_cast %get3A_255 : vector<1x16xf32> to vector<16xf32>
          %add3A_257 = arith.addf %get3A_256, %get3A_252 : vector<16xf32>
          %gt3A = arith.constant 0.000000e+00 : f32
          %gt3A_258 = vector.broadcast %gt3A : f32 to vector<16xf32>
          %gt3A_259 = arith.cmpf ogt, %add3A_257, %gt3A_258 : vector<16xf32>
          %mul3A_260 = arith.constant 2.000000e-01 : f32
          %mul3A_261 = vector.broadcast %mul3A_260 : f32 to vector<16xf32>
          %mul3A_262 = arith.mulf %mul3A_261, %add3A_257 : vector<16xf32>
          %select_n3A_263 = arith.select %gt3A_259, %add3A_257, %mul3A_262 : vector<16xi1>, vector<16xf32>
          %exp3A = math.exp %select_n3A_263 : vector<16xf32>
          %mul3A_264 = arith.mulf %exp3A, %select_n3A_246 : vector<16xf32>
          %swap3A = arith.index_cast %squeeze3A_248 : i32 to index
          %swap3A_265 = arith.constant 0 : index
          %swap3A_266 = tpu.vector_load %arg12[%swap3A, %swap3A_265] {strides = array<i32>} : memref<64x16xf32, #tpu.memory_space<vmem>>, vector<1x16xf32>,
          %swap3A_267 = vector.shape_cast %swap3A_266 : vector<1x16xf32> to vector<16xf32>
          %swap3A_268 = vector.shape_cast %mul3A_264 : vector<16xf32> to vector<1x16xf32>
          tpu.vector_store %arg12[%swap3A, %swap3A_265], %swap3A_268 {add = true, strides = array<i32>} : memref<64x16xf32, #tpu.memory_space<vmem>>, vector<1x16xf32>,
          %slice3A_269 = vector.extract_strided_slice %mul3A_264 {offsets = [0], sizes = [1], strides = [1]} : vector<16xf32> to vector<1xf32>
          %squeeze3A_270 = vector.extract %slice3A_269[0] : f32 from vector<1xf32>
          %scan3A_271 = arith.constant 0 : i32
          %scan3A_272 = arith.constant 0 : i32
          %scan3A_273 = arith.constant 8 : i32
          %scan3A_274 = arith.addi %scan3A_272, %scan3A_273 : i32
          %scan3A_275 = arith.constant 1 : i32
          %scan3A_276 = scf.for %scan3A_279 = %scan3A_272 to %scan3A_274 step %scan3A_275 iter_args(%scan3A_280 = %scan3A_271) -> (i32)  : i32 {
            %mul3A_281 = arith.constant 16 : i32
            %mul3A_282 = arith.muli %scan3A_279, %mul3A_281 : i32
            %get3A_283 = arith.index_cast %scan3A_226 : i32 to index
            %get3A_284 = arith.index_cast %mul3A_282 : i32 to index
            %get3A_285 = tpu.vector_load %arg13[%get3A_283, %get3A_284] {strides = array<i32>} : memref<64x256xf32, #tpu.memory_space<vmem>>, vector<1x16xf32>,
            %get3A_286 = vector.shape_cast %get3A_285 : vector<1x16xf32> to vector<16xf32>
            %mul3A_287 = arith.constant 16 : i32
            %mul3A_288 = arith.muli %scan3A_279, %mul3A_287 : i32
            %add3A_289 = arith.constant 0 : i32
            %add3A_290 = arith.addi %add3A_289, %mul3A_288 : i32
            %mul3A_291 = vector.broadcast %squeeze3A_270 : f32 to vector<16xf32>
            %mul3A_292 = arith.mulf %mul3A_291, %get3A_286 : vector<16xf32>
            %swap3A_293 = arith.index_cast %squeeze3A_248 : i32 to index
            %swap3A_294 = arith.index_cast %add3A_290 : i32 to index
            %swap3A_295 = tpu.vector_load %arg11[%swap3A_293, %swap3A_294] {strides = array<i32>} : memref<64x128xf32, #tpu.memory_space<vmem>>, vector<1x16xf32>,
            %swap3A_296 = vector.shape_cast %swap3A_295 : vector<1x16xf32> to vector<16xf32>
            %swap3A_297 = vector.shape_cast %mul3A_292 : vector<16xf32> to vector<1x16xf32>
            tpu.vector_store %arg11[%swap3A_293, %swap3A_294], %swap3A_297 {add = true, strides = array<i32>} : memref<64x128xf32, #tpu.memory_space<vmem>>, vector<1x16xf32>,
            %scan3A_298 = arith.constant 0 : i32
            scf.yield %scan3A_298 : i32
          }
          %scan3A_277 = arith.constant 8 : i32
          %scan3A_278 = arith.constant 0 : i32
          scf.yield %scan3A_278 : i32
        }
        %scan3A_193 = arith.constant 64 : i32
        %add3A_194 = arith.constant 2 : i32
        %add3A_195 = arith.addi %mul3A_171, %add3A_194 : i32
        %add3A_196 = arith.constant 3 : i32
        %add3A_197 = arith.addi %mul3A_171, %add3A_196 : i32
        %min3A_198 = arith.minsi %add3A_197, %select_n3A_105 : i32
        %while3A_199 = arith.constant 0 : i32
        %while3A_200 = arith.subi %min3A_198, %add3A_195 : i32
        %while3A_201 = arith.addi %add3A_195, %while3A_200 : i32
        %while3A_202 = arith.constant 1 : i32
        %while3A_203 = arith.divsi %while3A_200, %while3A_202 : i32
        %while3A_204 = arith.muli %while3A_203, %while3A_202 : i32
        %while3A_205 = arith.addi %add3A_195, %while3A_204 : i32
        %while3A_206 = arith.constant 1 : i32
        %while3A_207 = scf.for %while3A_226 = %add3A_195 to %while3A_205 step %while3A_206 iter_args(%while3A_227 = %while3A_199) -> (i32)  : i32 {
          %mul3A_228 = arith.constant 64 : i32
          %mul3A_229 = arith.muli %while3A_226, %mul3A_228 : i32
          %add3A_230 = arith.addi %mul3A_78, %mul3A_229 : i32
          %mul3A_231 = arith.constant 320064 : i32
          %mul3A_232 = arith.muli %select_n3A_38, %mul3A_231 : i32
          %add3A_233 = arith.addi %mul3A_232, %add3A_230 : i32
          "tpu.region"() ({
            %run_scoped3A = tpu.sem_alloc : memref<!tpu.dma_semaphore, #tpu.memory_space<semaphore_mem>>
            %dma_start3A_238 = tpu.memref_slice %arg4[%add3A_233] : memref<1280256xi32, #tpu.memory_space<hbm>> -> memref<64xi32, #tpu.memory_space<hbm>>
            %dma_start3A_239 = tpu.memref_slice %arg4[%add3A_233] : memref<1280256xi32, #tpu.memory_space<hbm>> -> memref<64xi32, #tpu.memory_space<hbm>>
            tpu.enqueue_dma source(%dma_start3A_239 : memref<64xi32, #tpu.memory_space<hbm>>) target(%arg15 : memref<64xi32, #tpu.memory_space<vmem>>) target_semaphore(%run_scoped3A : memref<!tpu.dma_semaphore, #tpu.memory_space<semaphore_mem>>)
            %dma_wait3A_240 = tpu.memref_slice %arg4[%add3A_233] : memref<1280256xi32, #tpu.memory_space<hbm>> -> memref<64xi32, #tpu.memory_space<hbm>>
            %dma_wait3A_241 = tpu.memref_slice %arg4[%add3A_233] : memref<1280256xi32, #tpu.memory_space<hbm>> -> memref<64xi32, #tpu.memory_space<hbm>>
            tpu.wait_dma2 semaphore(%run_scoped3A : memref<!tpu.dma_semaphore, #tpu.memory_space<semaphore_mem>>) src(%dma_wait3A_241 : memref<64xi32, #tpu.memory_space<hbm>>) dst(%arg15 : memref<64xi32, #tpu.memory_space<vmem>>)
            tpu.yield
          }) : () -> ()
          %dma_start3A_234 = arith.constant 0 : i32
          %dma_start3A_235 = arith.constant 0 : i32
          %dma_start3A_236 = tpu.memref_slice %arg2[%dma_start3A_234, %dma_start3A_235] : memref<40960x256xf32, #tpu.memory_space<hbm>> -> memref<40960x256xf32, #tpu.memory_space<hbm>>
          tpu.enqueue_indirect_dma source(%dma_start3A_236 : memref<40960x256xf32, #tpu.memory_space<hbm>>) target(%arg13 : memref<64x256xf32, #tpu.memory_space<vmem>>) offsets(%arg15 : memref<64xi32, #tpu.memory_space<vmem>>) semaphore(%arg20 : memref<!tpu.dma_semaphore, #tpu.memory_space<semaphore_mem>>)
          %while3A_237 = arith.constant 0 : i32
          scf.yield %while3A_237 : i32
        }
        %while3A_208 = arith.constant 1 : i32
        %while3A_209 = scf.for %while3A_226 = %while3A_205 to %while3A_201 step %while3A_208 iter_args(%while3A_227 = %while3A_207) -> (i32)  : i32 {
          %mul3A_228 = arith.constant 64 : i32
          %mul3A_229 = arith.muli %while3A_226, %mul3A_228 : i32
          %add3A_230 = arith.addi %mul3A_78, %mul3A_229 : i32
          %mul3A_231 = arith.constant 320064 : i32
          %mul3A_232 = arith.muli %select_n3A_38, %mul3A_231 : i32
          %add3A_233 = arith.addi %mul3A_232, %add3A_230 : i32
          "tpu.region"() ({
            %run_scoped3A = tpu.sem_alloc : memref<!tpu.dma_semaphore, #tpu.memory_space<semaphore_mem>>
            %dma_start3A_238 = tpu.memref_slice %arg4[%add3A_233] : memref<1280256xi32, #tpu.memory_space<hbm>> -> memref<64xi32, #tpu.memory_space<hbm>>
            %dma_start3A_239 = tpu.memref_slice %arg4[%add3A_233] : memref<1280256xi32, #tpu.memory_space<hbm>> -> memref<64xi32, #tpu.memory_space<hbm>>
            tpu.enqueue_dma source(%dma_start3A_239 : memref<64xi32, #tpu.memory_space<hbm>>) target(%arg15 : memref<64xi32, #tpu.memory_space<vmem>>) target_semaphore(%run_scoped3A : memref<!tpu.dma_semaphore, #tpu.memory_space<semaphore_mem>>)
            %dma_wait3A_240 = tpu.memref_slice %arg4[%add3A_233] : memref<1280256xi32, #tpu.memory_space<hbm>> -> memref<64xi32, #tpu.memory_space<hbm>>
            %dma_wait3A_241 = tpu.memref_slice %arg4[%add3A_233] : memref<1280256xi32, #tpu.memory_space<hbm>> -> memref<64xi32, #tpu.memory_space<hbm>>
            tpu.wait_dma2 semaphore(%run_scoped3A : memref<!tpu.dma_semaphore, #tpu.memory_space<semaphore_mem>>) src(%dma_wait3A_241 : memref<64xi32, #tpu.memory_space<hbm>>) dst(%arg15 : memref<64xi32, #tpu.memory_space<vmem>>)
            tpu.yield
          }) : () -> ()
          %dma_start3A_234 = arith.constant 0 : i32
          %dma_start3A_235 = arith.constant 0 : i32
          %dma_start3A_236 = tpu.memref_slice %arg2[%dma_start3A_234, %dma_start3A_235] : memref<40960x256xf32, #tpu.memory_space<hbm>> -> memref<40960x256xf32, #tpu.memory_space<hbm>>
          tpu.enqueue_indirect_dma source(%dma_start3A_236 : memref<40960x256xf32, #tpu.memory_space<hbm>>) target(%arg13 : memref<64x256xf32, #tpu.memory_space<vmem>>) offsets(%arg15 : memref<64xi32, #tpu.memory_space<vmem>>) semaphore(%arg20 : memref<!tpu.dma_semaphore, #tpu.memory_space<semaphore_mem>>)
          %while3A_237 = arith.constant 0 : i32
          scf.yield %while3A_237 : i32
        }
        %dma_wait3A_210 = arith.constant 0 : i32
        %dma_wait3A_211 = arith.constant 0 : i32
        %dma_wait3A_212 = tpu.memref_slice %arg2[%dma_wait3A_210, %dma_wait3A_211] : memref<40960x256xf32, #tpu.memory_space<hbm>> -> memref<40960x256xf32, #tpu.memory_space<hbm>>
        tpu.wait_indirect_dma semaphore(%arg21 : memref<!tpu.dma_semaphore, #tpu.memory_space<semaphore_mem>>) src(%dma_wait3A_212 : memref<40960x256xf32, #tpu.memory_space<hbm>>) dst(%arg18 : memref<64x256xf32, #tpu.memory_space<vmem>>)
        %add3A_213 = arith.constant 1 : i32
        %add3A_214 = arith.addi %mul3A_171, %add3A_213 : i32
        %mul3A_215 = arith.constant 64 : i32
        %mul3A_216 = arith.muli %add3A_214, %mul3A_215 : i32
        %add3A_217 = arith.addi %mul3A_78, %mul3A_216 : i32
        "tpu.region"() ({
          %run_scoped3A = tpu.sem_alloc : memref<!tpu.dma_semaphore, #tpu.memory_space<semaphore_mem>>
          %dma_start3A_226 = arith.constant 0 : i32
          %dma_start3A_227 = tpu.memref_slice %arg5[%add3A_217, %dma_start3A_226] : memref<320064x16xi32, #tpu.memory_space<hbm>> -> memref<64x16xi32, #tpu.memory_space<hbm>>
          %dma_start3A_228 = arith.constant 0 : i32
          %dma_start3A_229 = tpu.memref_slice %arg5[%add3A_217, %dma_start3A_228] : memref<320064x16xi32, #tpu.memory_space<hbm>> -> memref<64x16xi32, #tpu.memory_space<hbm>>
          tpu.enqueue_dma source(%dma_start3A_229 : memref<64x16xi32, #tpu.memory_space<hbm>>) target(%arg16 : memref<64x16xi32, #tpu.memory_space<vmem>>) target_semaphore(%run_scoped3A : memref<!tpu.dma_semaphore, #tpu.memory_space<semaphore_mem>>)
          %dma_wait3A_230 = arith.constant 0 : i32
          %dma_wait3A_231 = tpu.memref_slice %arg5[%add3A_217, %dma_wait3A_230] : memref<320064x16xi32, #tpu.memory_space<hbm>> -> memref<64x16xi32, #tpu.memory_space<hbm>>
          %dma_wait3A_232 = arith.constant 0 : i32
          %dma_wait3A_233 = tpu.memref_slice %arg5[%add3A_217, %dma_wait3A_232] : memref<320064x16xi32, #tpu.memory_space<hbm>> -> memref<64x16xi32, #tpu.memory_space<hbm>>
          tpu.wait_dma2 semaphore(%run_scoped3A : memref<!tpu.dma_semaphore, #tpu.memory_space<semaphore_mem>>) src(%dma_wait3A_233 : memref<64x16xi32, #tpu.memory_space<hbm>>) dst(%arg16 : memref<64x16xi32, #tpu.memory_space<vmem>>)
          tpu.yield
        }) : () -> ()
        %scan3A_218 = arith.constant 0 : i32
        %scan3A_219 = arith.constant 0 : i32
        %scan3A_220 = arith.constant 64 : i32
        %scan3A_221 = arith.addi %scan3A_219, %scan3A_220 : i32
        %scan3A_222 = arith.constant 1 : i32
        %scan3A_223 = scf.for %scan3A_226 = %scan3A_219 to %scan3A_221 step %scan3A_222 iter_args(%scan3A_227 = %scan3A_218) -> (i32)  : i32 {
          %get3A_228 = arith.index_cast %scan3A_226 : i32 to index
          %get3A_229 = arith.constant 0 : index
          %get3A_230 = tpu.vector_load %arg16[%get3A_228, %get3A_229] {strides = array<i32>} : memref<64x16xi32, #tpu.memory_space<vmem>>, vector<1x16xi32>,
          %get3A_231 = vector.shape_cast %get3A_230 : vector<1x16xi32> to vector<16xi32>
          %sub3A_232 = vector.broadcast %mul3A_52 : i32 to vector<16xi32>
          %sub3A_233 = arith.subi %get3A_231, %sub3A_232 : vector<16xi32>
          %ge3A = arith.constant 0 : i32
          %ge3A_234 = vector.broadcast %ge3A : i32 to vector<16xi32>
          %ge3A_235 = arith.cmpi sge, %sub3A_233, %ge3A_234 : vector<16xi32>
          %lt3A_236 = arith.constant 64 : i32
          %lt3A_237 = vector.broadcast %lt3A_236 : i32 to vector<16xi32>
          %lt3A_238 = arith.cmpi slt, %sub3A_233, %lt3A_237 : vector<16xi32>
          %and3A_239 = arith.andi %ge3A_235, %lt3A_238 : vector<16xi1>
          %jit3A_240 = arith.constant 0 : i32
          %broadcast_in_dim3A = vector.broadcast %jit3A_240 : i32 to vector<16xi32>
          %select_n3A_241 = arith.select %and3A_239, %sub3A_233, %broadcast_in_dim3A : vector<16xi1>, vector<16xi32>
          %jit3A_242 = arith.constant 1.000000e+00 : f32
          %jit3A_243 = arith.constant 0.000000e+00 : f32
          %broadcast_in_dim3A_244 = vector.broadcast %jit3A_242 : f32 to vector<16xf32>
          %broadcast_in_dim3A_245 = vector.broadcast %jit3A_243 : f32 to vector<16xf32>
          %select_n3A_246 = arith.select %and3A_239, %broadcast_in_dim3A_244, %broadcast_in_dim3A_245 : vector<16xi1>, vector<16xf32>
          %slice3A_247 = vector.extract_strided_slice %select_n3A_241 {offsets = [0], sizes = [1], strides = [1]} : vector<16xi32> to vector<1xi32>
          %squeeze3A_248 = vector.extract %slice3A_247[0] : i32 from vector<1xi32>
          %get3A_249 = arith.index_cast %squeeze3A_248 : i32 to index
          %get3A_250 = arith.constant 0 : index
          %get3A_251 = tpu.vector_load %arg14[%get3A_249, %get3A_250] {strides = array<i32>} : memref<64x16xf32, #tpu.memory_space<vmem>>, vector<1x16xf32>,
          %get3A_252 = vector.shape_cast %get3A_251 : vector<1x16xf32> to vector<16xf32>
          %get3A_253 = arith.index_cast %scan3A_226 : i32 to index
          %get3A_254 = arith.constant 128 : index
          %get3A_255 = tpu.vector_load %arg18[%get3A_253, %get3A_254] {strides = array<i32>} : memref<64x256xf32, #tpu.memory_space<vmem>>, vector<1x16xf32>,
          %get3A_256 = vector.shape_cast %get3A_255 : vector<1x16xf32> to vector<16xf32>
          %add3A_257 = arith.addf %get3A_256, %get3A_252 : vector<16xf32>
          %gt3A = arith.constant 0.000000e+00 : f32
          %gt3A_258 = vector.broadcast %gt3A : f32 to vector<16xf32>
          %gt3A_259 = arith.cmpf ogt, %add3A_257, %gt3A_258 : vector<16xf32>
          %mul3A_260 = arith.constant 2.000000e-01 : f32
          %mul3A_261 = vector.broadcast %mul3A_260 : f32 to vector<16xf32>
          %mul3A_262 = arith.mulf %mul3A_261, %add3A_257 : vector<16xf32>
          %select_n3A_263 = arith.select %gt3A_259, %add3A_257, %mul3A_262 : vector<16xi1>, vector<16xf32>
          %exp3A = math.exp %select_n3A_263 : vector<16xf32>
          %mul3A_264 = arith.mulf %exp3A, %select_n3A_246 : vector<16xf32>
          %swap3A = arith.index_cast %squeeze3A_248 : i32 to index
          %swap3A_265 = arith.constant 0 : index
          %swap3A_266 = tpu.vector_load %arg12[%swap3A, %swap3A_265] {strides = array<i32>} : memref<64x16xf32, #tpu.memory_space<vmem>>, vector<1x16xf32>,
          %swap3A_267 = vector.shape_cast %swap3A_266 : vector<1x16xf32> to vector<16xf32>
          %swap3A_268 = vector.shape_cast %mul3A_264 : vector<16xf32> to vector<1x16xf32>
          tpu.vector_store %arg12[%swap3A, %swap3A_265], %swap3A_268 {add = true, strides = array<i32>} : memref<64x16xf32, #tpu.memory_space<vmem>>, vector<1x16xf32>,
          %slice3A_269 = vector.extract_strided_slice %mul3A_264 {offsets = [0], sizes = [1], strides = [1]} : vector<16xf32> to vector<1xf32>
          %squeeze3A_270 = vector.extract %slice3A_269[0] : f32 from vector<1xf32>
          %scan3A_271 = arith.constant 0 : i32
          %scan3A_272 = arith.constant 0 : i32
          %scan3A_273 = arith.constant 8 : i32
          %scan3A_274 = arith.addi %scan3A_272, %scan3A_273 : i32
          %scan3A_275 = arith.constant 1 : i32
          %scan3A_276 = scf.for %scan3A_279 = %scan3A_272 to %scan3A_274 step %scan3A_275 iter_args(%scan3A_280 = %scan3A_271) -> (i32)  : i32 {
            %mul3A_281 = arith.constant 16 : i32
            %mul3A_282 = arith.muli %scan3A_279, %mul3A_281 : i32
            %get3A_283 = arith.index_cast %scan3A_226 : i32 to index
            %get3A_284 = arith.index_cast %mul3A_282 : i32 to index
            %get3A_285 = tpu.vector_load %arg18[%get3A_283, %get3A_284] {strides = array<i32>} : memref<64x256xf32, #tpu.memory_space<vmem>>, vector<1x16xf32>,
            %get3A_286 = vector.shape_cast %get3A_285 : vector<1x16xf32> to vector<16xf32>
            %mul3A_287 = arith.constant 16 : i32
            %mul3A_288 = arith.muli %scan3A_279, %mul3A_287 : i32
            %add3A_289 = arith.constant 0 : i32
            %add3A_290 = arith.addi %add3A_289, %mul3A_288 : i32
            %mul3A_291 = vector.broadcast %squeeze3A_270 : f32 to vector<16xf32>
            %mul3A_292 = arith.mulf %mul3A_291, %get3A_286 : vector<16xf32>
            %swap3A_293 = arith.index_cast %squeeze3A_248 : i32 to index
            %swap3A_294 = arith.index_cast %add3A_290 : i32 to index
            %swap3A_295 = tpu.vector_load %arg11[%swap3A_293, %swap3A_294] {strides = array<i32>} : memref<64x128xf32, #tpu.memory_space<vmem>>, vector<1x16xf32>,
            %swap3A_296 = vector.shape_cast %swap3A_295 : vector<1x16xf32> to vector<16xf32>
            %swap3A_297 = vector.shape_cast %mul3A_292 : vector<16xf32> to vector<1x16xf32>
            tpu.vector_store %arg11[%swap3A_293, %swap3A_294], %swap3A_297 {add = true, strides = array<i32>} : memref<64x128xf32, #tpu.memory_space<vmem>>, vector<1x16xf32>,
            %scan3A_298 = arith.constant 0 : i32
            scf.yield %scan3A_298 : i32
          }
          %scan3A_277 = arith.constant 8 : i32
          %scan3A_278 = arith.constant 0 : i32
          scf.yield %scan3A_278 : i32
        }
        %scan3A_224 = arith.constant 64 : i32
        %while3A_225 = arith.constant 0 : i32
        scf.yield %while3A_225 : i32
      }
      %mul3A_154 = arith.constant 2 : i32
      %mul3A_155 = arith.muli %mul3A_154, %select_n3A_141 : i32
      %while3A_156 = arith.constant 0 : i32
      %while3A_157 = arith.subi %select_n3A_105, %mul3A_155 : i32
      %while3A_158 = arith.addi %mul3A_155, %while3A_157 : i32
      %while3A_159 = arith.constant 1 : i32
      %while3A_160 = arith.divsi %while3A_157, %while3A_159 : i32
      %while3A_161 = arith.muli %while3A_160, %while3A_159 : i32
      %while3A_162 = arith.addi %mul3A_155, %while3A_161 : i32
      %while3A_163 = arith.constant 1 : i32
      %while3A_164 = scf.for %while3A_168 = %mul3A_155 to %while3A_162 step %while3A_163 iter_args(%while3A_169 = %while3A_156) -> (i32)  : i32 {
        %dma_wait3A = arith.constant 0 : i32
        %dma_wait3A_170 = arith.constant 0 : i32
        %dma_wait3A_171 = tpu.memref_slice %arg2[%dma_wait3A, %dma_wait3A_170] : memref<40960x256xf32, #tpu.memory_space<hbm>> -> memref<40960x256xf32, #tpu.memory_space<hbm>>
        tpu.wait_indirect_dma semaphore(%arg20 : memref<!tpu.dma_semaphore, #tpu.memory_space<semaphore_mem>>) src(%dma_wait3A_171 : memref<40960x256xf32, #tpu.memory_space<hbm>>) dst(%arg13 : memref<64x256xf32, #tpu.memory_space<vmem>>)
        %mul3A_172 = arith.constant 64 : i32
        %mul3A_173 = arith.muli %while3A_168, %mul3A_172 : i32
        %add3A_174 = arith.addi %mul3A_78, %mul3A_173 : i32
        "tpu.region"() ({
          %run_scoped3A = tpu.sem_alloc : memref<!tpu.dma_semaphore, #tpu.memory_space<semaphore_mem>>
          %dma_start3A = arith.constant 0 : i32
          %dma_start3A_183 = tpu.memref_slice %arg5[%add3A_174, %dma_start3A] : memref<320064x16xi32, #tpu.memory_space<hbm>> -> memref<64x16xi32, #tpu.memory_space<hbm>>
          %dma_start3A_184 = arith.constant 0 : i32
          %dma_start3A_185 = tpu.memref_slice %arg5[%add3A_174, %dma_start3A_184] : memref<320064x16xi32, #tpu.memory_space<hbm>> -> memref<64x16xi32, #tpu.memory_space<hbm>>
          tpu.enqueue_dma source(%dma_start3A_185 : memref<64x16xi32, #tpu.memory_space<hbm>>) target(%arg16 : memref<64x16xi32, #tpu.memory_space<vmem>>) target_semaphore(%run_scoped3A : memref<!tpu.dma_semaphore, #tpu.memory_space<semaphore_mem>>)
          %dma_wait3A_186 = arith.constant 0 : i32
          %dma_wait3A_187 = tpu.memref_slice %arg5[%add3A_174, %dma_wait3A_186] : memref<320064x16xi32, #tpu.memory_space<hbm>> -> memref<64x16xi32, #tpu.memory_space<hbm>>
          %dma_wait3A_188 = arith.constant 0 : i32
          %dma_wait3A_189 = tpu.memref_slice %arg5[%add3A_174, %dma_wait3A_188] : memref<320064x16xi32, #tpu.memory_space<hbm>> -> memref<64x16xi32, #tpu.memory_space<hbm>>
          tpu.wait_dma2 semaphore(%run_scoped3A : memref<!tpu.dma_semaphore, #tpu.memory_space<semaphore_mem>>) src(%dma_wait3A_189 : memref<64x16xi32, #tpu.memory_space<hbm>>) dst(%arg16 : memref<64x16xi32, #tpu.memory_space<vmem>>)
          tpu.yield
        }) : () -> ()
        %scan3A_175 = arith.constant 0 : i32
        %scan3A_176 = arith.constant 0 : i32
        %scan3A_177 = arith.constant 64 : i32
        %scan3A_178 = arith.addi %scan3A_176, %scan3A_177 : i32
        %scan3A_179 = arith.constant 1 : i32
        %scan3A_180 = scf.for %scan3A_183 = %scan3A_176 to %scan3A_178 step %scan3A_179 iter_args(%scan3A_184 = %scan3A_175) -> (i32)  : i32 {
          %get3A_185 = arith.index_cast %scan3A_183 : i32 to index
          %get3A_186 = arith.constant 0 : index
          %get3A_187 = tpu.vector_load %arg16[%get3A_185, %get3A_186] {strides = array<i32>} : memref<64x16xi32, #tpu.memory_space<vmem>>, vector<1x16xi32>,
          %get3A_188 = vector.shape_cast %get3A_187 : vector<1x16xi32> to vector<16xi32>
          %sub3A_189 = vector.broadcast %mul3A_52 : i32 to vector<16xi32>
          %sub3A_190 = arith.subi %get3A_188, %sub3A_189 : vector<16xi32>
          %ge3A = arith.constant 0 : i32
          %ge3A_191 = vector.broadcast %ge3A : i32 to vector<16xi32>
          %ge3A_192 = arith.cmpi sge, %sub3A_190, %ge3A_191 : vector<16xi32>
          %lt3A_193 = arith.constant 64 : i32
          %lt3A_194 = vector.broadcast %lt3A_193 : i32 to vector<16xi32>
          %lt3A_195 = arith.cmpi slt, %sub3A_190, %lt3A_194 : vector<16xi32>
          %and3A_196 = arith.andi %ge3A_192, %lt3A_195 : vector<16xi1>
          %jit3A_197 = arith.constant 0 : i32
          %broadcast_in_dim3A = vector.broadcast %jit3A_197 : i32 to vector<16xi32>
          %select_n3A_198 = arith.select %and3A_196, %sub3A_190, %broadcast_in_dim3A : vector<16xi1>, vector<16xi32>
          %jit3A_199 = arith.constant 1.000000e+00 : f32
          %jit3A_200 = arith.constant 0.000000e+00 : f32
          %broadcast_in_dim3A_201 = vector.broadcast %jit3A_199 : f32 to vector<16xf32>
          %broadcast_in_dim3A_202 = vector.broadcast %jit3A_200 : f32 to vector<16xf32>
          %select_n3A_203 = arith.select %and3A_196, %broadcast_in_dim3A_201, %broadcast_in_dim3A_202 : vector<16xi1>, vector<16xf32>
          %slice3A_204 = vector.extract_strided_slice %select_n3A_198 {offsets = [0], sizes = [1], strides = [1]} : vector<16xi32> to vector<1xi32>
          %squeeze3A_205 = vector.extract %slice3A_204[0] : i32 from vector<1xi32>
          %get3A_206 = arith.index_cast %squeeze3A_205 : i32 to index
          %get3A_207 = arith.constant 0 : index
          %get3A_208 = tpu.vector_load %arg14[%get3A_206, %get3A_207] {strides = array<i32>} : memref<64x16xf32, #tpu.memory_space<vmem>>, vector<1x16xf32>,
          %get3A_209 = vector.shape_cast %get3A_208 : vector<1x16xf32> to vector<16xf32>
          %get3A_210 = arith.index_cast %scan3A_183 : i32 to index
          %get3A_211 = arith.constant 128 : index
          %get3A_212 = tpu.vector_load %arg13[%get3A_210, %get3A_211] {strides = array<i32>} : memref<64x256xf32, #tpu.memory_space<vmem>>, vector<1x16xf32>,
          %get3A_213 = vector.shape_cast %get3A_212 : vector<1x16xf32> to vector<16xf32>
          %add3A_214 = arith.addf %get3A_213, %get3A_209 : vector<16xf32>
          %gt3A = arith.constant 0.000000e+00 : f32
          %gt3A_215 = vector.broadcast %gt3A : f32 to vector<16xf32>
          %gt3A_216 = arith.cmpf ogt, %add3A_214, %gt3A_215 : vector<16xf32>
          %mul3A_217 = arith.constant 2.000000e-01 : f32
          %mul3A_218 = vector.broadcast %mul3A_217 : f32 to vector<16xf32>
          %mul3A_219 = arith.mulf %mul3A_218, %add3A_214 : vector<16xf32>
          %select_n3A_220 = arith.select %gt3A_216, %add3A_214, %mul3A_219 : vector<16xi1>, vector<16xf32>
          %exp3A = math.exp %select_n3A_220 : vector<16xf32>
          %mul3A_221 = arith.mulf %exp3A, %select_n3A_203 : vector<16xf32>
          %swap3A = arith.index_cast %squeeze3A_205 : i32 to index
          %swap3A_222 = arith.constant 0 : index
          %swap3A_223 = tpu.vector_load %arg12[%swap3A, %swap3A_222] {strides = array<i32>} : memref<64x16xf32, #tpu.memory_space<vmem>>, vector<1x16xf32>,
          %swap3A_224 = vector.shape_cast %swap3A_223 : vector<1x16xf32> to vector<16xf32>
          %swap3A_225 = vector.shape_cast %mul3A_221 : vector<16xf32> to vector<1x16xf32>
          tpu.vector_store %arg12[%swap3A, %swap3A_222], %swap3A_225 {add = true, strides = array<i32>} : memref<64x16xf32, #tpu.memory_space<vmem>>, vector<1x16xf32>,
          %slice3A_226 = vector.extract_strided_slice %mul3A_221 {offsets = [0], sizes = [1], strides = [1]} : vector<16xf32> to vector<1xf32>
          %squeeze3A_227 = vector.extract %slice3A_226[0] : f32 from vector<1xf32>
          %scan3A_228 = arith.constant 0 : i32
          %scan3A_229 = arith.constant 0 : i32
          %scan3A_230 = arith.constant 8 : i32
          %scan3A_231 = arith.addi %scan3A_229, %scan3A_230 : i32
          %scan3A_232 = arith.constant 1 : i32
          %scan3A_233 = scf.for %scan3A_236 = %scan3A_229 to %scan3A_231 step %scan3A_232 iter_args(%scan3A_237 = %scan3A_228) -> (i32)  : i32 {
            %mul3A_238 = arith.constant 16 : i32
            %mul3A_239 = arith.muli %scan3A_236, %mul3A_238 : i32
            %get3A_240 = arith.index_cast %scan3A_183 : i32 to index
            %get3A_241 = arith.index_cast %mul3A_239 : i32 to index
            %get3A_242 = tpu.vector_load %arg13[%get3A_240, %get3A_241] {strides = array<i32>} : memref<64x256xf32, #tpu.memory_space<vmem>>, vector<1x16xf32>,
            %get3A_243 = vector.shape_cast %get3A_242 : vector<1x16xf32> to vector<16xf32>
            %mul3A_244 = arith.constant 16 : i32
            %mul3A_245 = arith.muli %scan3A_236, %mul3A_244 : i32
            %add3A_246 = arith.constant 0 : i32
            %add3A_247 = arith.addi %add3A_246, %mul3A_245 : i32
            %mul3A_248 = vector.broadcast %squeeze3A_227 : f32 to vector<16xf32>
            %mul3A_249 = arith.mulf %mul3A_248, %get3A_243 : vector<16xf32>
            %swap3A_250 = arith.index_cast %squeeze3A_205 : i32 to index
            %swap3A_251 = arith.index_cast %add3A_247 : i32 to index
            %swap3A_252 = tpu.vector_load %arg11[%swap3A_250, %swap3A_251] {strides = array<i32>} : memref<64x128xf32, #tpu.memory_space<vmem>>, vector<1x16xf32>,
            %swap3A_253 = vector.shape_cast %swap3A_252 : vector<1x16xf32> to vector<16xf32>
            %swap3A_254 = vector.shape_cast %mul3A_249 : vector<16xf32> to vector<1x16xf32>
            tpu.vector_store %arg11[%swap3A_250, %swap3A_251], %swap3A_254 {add = true, strides = array<i32>} : memref<64x128xf32, #tpu.memory_space<vmem>>, vector<1x16xf32>,
            %scan3A_255 = arith.constant 0 : i32
            scf.yield %scan3A_255 : i32
          }
          %scan3A_234 = arith.constant 8 : i32
          %scan3A_235 = arith.constant 0 : i32
          scf.yield %scan3A_235 : i32
        }
        %scan3A_181 = arith.constant 64 : i32
        %while3A_182 = arith.constant 0 : i32
        scf.yield %while3A_182 : i32
      }
      %while3A_165 = arith.constant 1 : i32
      %while3A_166 = scf.for %while3A_168 = %while3A_162 to %while3A_158 step %while3A_165 iter_args(%while3A_169 = %while3A_164) -> (i32)  : i32 {
        %dma_wait3A = arith.constant 0 : i32
        %dma_wait3A_170 = arith.constant 0 : i32
        %dma_wait3A_171 = tpu.memref_slice %arg2[%dma_wait3A, %dma_wait3A_170] : memref<40960x256xf32, #tpu.memory_space<hbm>> -> memref<40960x256xf32, #tpu.memory_space<hbm>>
        tpu.wait_indirect_dma semaphore(%arg20 : memref<!tpu.dma_semaphore, #tpu.memory_space<semaphore_mem>>) src(%dma_wait3A_171 : memref<40960x256xf32, #tpu.memory_space<hbm>>) dst(%arg13 : memref<64x256xf32, #tpu.memory_space<vmem>>)
        %mul3A_172 = arith.constant 64 : i32
        %mul3A_173 = arith.muli %while3A_168, %mul3A_172 : i32
        %add3A_174 = arith.addi %mul3A_78, %mul3A_173 : i32
        "tpu.region"() ({
          %run_scoped3A = tpu.sem_alloc : memref<!tpu.dma_semaphore, #tpu.memory_space<semaphore_mem>>
          %dma_start3A = arith.constant 0 : i32
          %dma_start3A_183 = tpu.memref_slice %arg5[%add3A_174, %dma_start3A] : memref<320064x16xi32, #tpu.memory_space<hbm>> -> memref<64x16xi32, #tpu.memory_space<hbm>>
          %dma_start3A_184 = arith.constant 0 : i32
          %dma_start3A_185 = tpu.memref_slice %arg5[%add3A_174, %dma_start3A_184] : memref<320064x16xi32, #tpu.memory_space<hbm>> -> memref<64x16xi32, #tpu.memory_space<hbm>>
          tpu.enqueue_dma source(%dma_start3A_185 : memref<64x16xi32, #tpu.memory_space<hbm>>) target(%arg16 : memref<64x16xi32, #tpu.memory_space<vmem>>) target_semaphore(%run_scoped3A : memref<!tpu.dma_semaphore, #tpu.memory_space<semaphore_mem>>)
          %dma_wait3A_186 = arith.constant 0 : i32
          %dma_wait3A_187 = tpu.memref_slice %arg5[%add3A_174, %dma_wait3A_186] : memref<320064x16xi32, #tpu.memory_space<hbm>> -> memref<64x16xi32, #tpu.memory_space<hbm>>
          %dma_wait3A_188 = arith.constant 0 : i32
          %dma_wait3A_189 = tpu.memref_slice %arg5[%add3A_174, %dma_wait3A_188] : memref<320064x16xi32, #tpu.memory_space<hbm>> -> memref<64x16xi32, #tpu.memory_space<hbm>>
          tpu.wait_dma2 semaphore(%run_scoped3A : memref<!tpu.dma_semaphore, #tpu.memory_space<semaphore_mem>>) src(%dma_wait3A_189 : memref<64x16xi32, #tpu.memory_space<hbm>>) dst(%arg16 : memref<64x16xi32, #tpu.memory_space<vmem>>)
          tpu.yield
        }) : () -> ()
        %scan3A_175 = arith.constant 0 : i32
        %scan3A_176 = arith.constant 0 : i32
        %scan3A_177 = arith.constant 64 : i32
        %scan3A_178 = arith.addi %scan3A_176, %scan3A_177 : i32
        %scan3A_179 = arith.constant 1 : i32
        %scan3A_180 = scf.for %scan3A_183 = %scan3A_176 to %scan3A_178 step %scan3A_179 iter_args(%scan3A_184 = %scan3A_175) -> (i32)  : i32 {
          %get3A_185 = arith.index_cast %scan3A_183 : i32 to index
          %get3A_186 = arith.constant 0 : index
          %get3A_187 = tpu.vector_load %arg16[%get3A_185, %get3A_186] {strides = array<i32>} : memref<64x16xi32, #tpu.memory_space<vmem>>, vector<1x16xi32>,
          %get3A_188 = vector.shape_cast %get3A_187 : vector<1x16xi32> to vector<16xi32>
          %sub3A_189 = vector.broadcast %mul3A_52 : i32 to vector<16xi32>
          %sub3A_190 = arith.subi %get3A_188, %sub3A_189 : vector<16xi32>
          %ge3A = arith.constant 0 : i32
          %ge3A_191 = vector.broadcast %ge3A : i32 to vector<16xi32>
          %ge3A_192 = arith.cmpi sge, %sub3A_190, %ge3A_191 : vector<16xi32>
          %lt3A_193 = arith.constant 64 : i32
          %lt3A_194 = vector.broadcast %lt3A_193 : i32 to vector<16xi32>
          %lt3A_195 = arith.cmpi slt, %sub3A_190, %lt3A_194 : vector<16xi32>
          %and3A_196 = arith.andi %ge3A_192, %lt3A_195 : vector<16xi1>
          %jit3A_197 = arith.constant 0 : i32
          %broadcast_in_dim3A = vector.broadcast %jit3A_197 : i32 to vector<16xi32>
          %select_n3A_198 = arith.select %and3A_196, %sub3A_190, %broadcast_in_dim3A : vector<16xi1>, vector<16xi32>
          %jit3A_199 = arith.constant 1.000000e+00 : f32
          %jit3A_200 = arith.constant 0.000000e+00 : f32
          %broadcast_in_dim3A_201 = vector.broadcast %jit3A_199 : f32 to vector<16xf32>
          %broadcast_in_dim3A_202 = vector.broadcast %jit3A_200 : f32 to vector<16xf32>
          %select_n3A_203 = arith.select %and3A_196, %broadcast_in_dim3A_201, %broadcast_in_dim3A_202 : vector<16xi1>, vector<16xf32>
          %slice3A_204 = vector.extract_strided_slice %select_n3A_198 {offsets = [0], sizes = [1], strides = [1]} : vector<16xi32> to vector<1xi32>
          %squeeze3A_205 = vector.extract %slice3A_204[0] : i32 from vector<1xi32>
          %get3A_206 = arith.index_cast %squeeze3A_205 : i32 to index
          %get3A_207 = arith.constant 0 : index
          %get3A_208 = tpu.vector_load %arg14[%get3A_206, %get3A_207] {strides = array<i32>} : memref<64x16xf32, #tpu.memory_space<vmem>>, vector<1x16xf32>,
          %get3A_209 = vector.shape_cast %get3A_208 : vector<1x16xf32> to vector<16xf32>
          %get3A_210 = arith.index_cast %scan3A_183 : i32 to index
          %get3A_211 = arith.constant 128 : index
          %get3A_212 = tpu.vector_load %arg13[%get3A_210, %get3A_211] {strides = array<i32>} : memref<64x256xf32, #tpu.memory_space<vmem>>, vector<1x16xf32>,
          %get3A_213 = vector.shape_cast %get3A_212 : vector<1x16xf32> to vector<16xf32>
          %add3A_214 = arith.addf %get3A_213, %get3A_209 : vector<16xf32>
          %gt3A = arith.constant 0.000000e+00 : f32
          %gt3A_215 = vector.broadcast %gt3A : f32 to vector<16xf32>
          %gt3A_216 = arith.cmpf ogt, %add3A_214, %gt3A_215 : vector<16xf32>
          %mul3A_217 = arith.constant 2.000000e-01 : f32
          %mul3A_218 = vector.broadcast %mul3A_217 : f32 to vector<16xf32>
          %mul3A_219 = arith.mulf %mul3A_218, %add3A_214 : vector<16xf32>
          %select_n3A_220 = arith.select %gt3A_216, %add3A_214, %mul3A_219 : vector<16xi1>, vector<16xf32>
          %exp3A = math.exp %select_n3A_220 : vector<16xf32>
          %mul3A_221 = arith.mulf %exp3A, %select_n3A_203 : vector<16xf32>
          %swap3A = arith.index_cast %squeeze3A_205 : i32 to index
          %swap3A_222 = arith.constant 0 : index
          %swap3A_223 = tpu.vector_load %arg12[%swap3A, %swap3A_222] {strides = array<i32>} : memref<64x16xf32, #tpu.memory_space<vmem>>, vector<1x16xf32>,
          %swap3A_224 = vector.shape_cast %swap3A_223 : vector<1x16xf32> to vector<16xf32>
          %swap3A_225 = vector.shape_cast %mul3A_221 : vector<16xf32> to vector<1x16xf32>
          tpu.vector_store %arg12[%swap3A, %swap3A_222], %swap3A_225 {add = true, strides = array<i32>} : memref<64x16xf32, #tpu.memory_space<vmem>>, vector<1x16xf32>,
          %slice3A_226 = vector.extract_strided_slice %mul3A_221 {offsets = [0], sizes = [1], strides = [1]} : vector<16xf32> to vector<1xf32>
          %squeeze3A_227 = vector.extract %slice3A_226[0] : f32 from vector<1xf32>
          %scan3A_228 = arith.constant 0 : i32
          %scan3A_229 = arith.constant 0 : i32
          %scan3A_230 = arith.constant 8 : i32
          %scan3A_231 = arith.addi %scan3A_229, %scan3A_230 : i32
          %scan3A_232 = arith.constant 1 : i32
          %scan3A_233 = scf.for %scan3A_236 = %scan3A_229 to %scan3A_231 step %scan3A_232 iter_args(%scan3A_237 = %scan3A_228) -> (i32)  : i32 {
            %mul3A_238 = arith.constant 16 : i32
            %mul3A_239 = arith.muli %scan3A_236, %mul3A_238 : i32
            %get3A_240 = arith.index_cast %scan3A_183 : i32 to index
            %get3A_241 = arith.index_cast %mul3A_239 : i32 to index
            %get3A_242 = tpu.vector_load %arg13[%get3A_240, %get3A_241] {strides = array<i32>} : memref<64x256xf32, #tpu.memory_space<vmem>>, vector<1x16xf32>,
            %get3A_243 = vector.shape_cast %get3A_242 : vector<1x16xf32> to vector<16xf32>
            %mul3A_244 = arith.constant 16 : i32
            %mul3A_245 = arith.muli %scan3A_236, %mul3A_244 : i32
            %add3A_246 = arith.constant 0 : i32
            %add3A_247 = arith.addi %add3A_246, %mul3A_245 : i32
            %mul3A_248 = vector.broadcast %squeeze3A_227 : f32 to vector<16xf32>
            %mul3A_249 = arith.mulf %mul3A_248, %get3A_243 : vector<16xf32>
            %swap3A_250 = arith.index_cast %squeeze3A_205 : i32 to index
            %swap3A_251 = arith.index_cast %add3A_247 : i32 to index
            %swap3A_252 = tpu.vector_load %arg11[%swap3A_250, %swap3A_251] {strides = array<i32>} : memref<64x128xf32, #tpu.memory_space<vmem>>, vector<1x16xf32>,
            %swap3A_253 = vector.shape_cast %swap3A_252 : vector<1x16xf32> to vector<16xf32>
            %swap3A_254 = vector.shape_cast %mul3A_249 : vector<16xf32> to vector<1x16xf32>
            tpu.vector_store %arg11[%swap3A_250, %swap3A_251], %swap3A_254 {add = true, strides = array<i32>} : memref<64x128xf32, #tpu.memory_space<vmem>>, vector<1x16xf32>,
            %scan3A_255 = arith.constant 0 : i32
            scf.yield %scan3A_255 : i32
          }
          %scan3A_234 = arith.constant 8 : i32
          %scan3A_235 = arith.constant 0 : i32
          scf.yield %scan3A_235 : i32
        }
        %scan3A_181 = arith.constant 64 : i32
        %while3A_182 = arith.constant 0 : i32
        scf.yield %while3A_182 : i32
      }
      "tpu.region"() ({
        %run_scoped3A = tpu.sem_alloc : memref<!tpu.dma_semaphore, #tpu.memory_space<semaphore_mem>>
        %dma_start3A = arith.constant 0 : i32
        %dma_start3A_168 = tpu.memref_slice %arg9[%select_n3A_38, %mul3A_52, %dma_start3A] : memref<4x10240x128xf32, #tpu.memory_space<hbm>> -> memref<1x64x128xf32, #tpu.memory_space<hbm>>
        %dma_start3A_169 = tpu.memref_squeeze %dma_start3A_168 : memref<1x64x128xf32, #tpu.memory_space<hbm>> -> memref<64x128xf32, #tpu.memory_space<hbm>>
        %dma_start3A_170 = arith.constant 0 : i32
        %dma_start3A_171 = tpu.memref_slice %arg9[%select_n3A_38, %mul3A_52, %dma_start3A_170] : memref<4x10240x128xf32, #tpu.memory_space<hbm>> -> memref<1x64x128xf32, #tpu.memory_space<hbm>>
        %dma_start3A_172 = tpu.memref_squeeze %dma_start3A_171 : memref<1x64x128xf32, #tpu.memory_space<hbm>> -> memref<64x128xf32, #tpu.memory_space<hbm>>
        tpu.enqueue_dma source(%arg11 : memref<64x128xf32, #tpu.memory_space<vmem>>) target(%dma_start3A_172 : memref<64x128xf32, #tpu.memory_space<hbm>>) target_semaphore(%run_scoped3A : memref<!tpu.dma_semaphore, #tpu.memory_space<semaphore_mem>>)
        %dma_wait3A = arith.constant 0 : i32
        %dma_wait3A_173 = tpu.memref_slice %arg9[%select_n3A_38, %mul3A_52, %dma_wait3A] : memref<4x10240x128xf32, #tpu.memory_space<hbm>> -> memref<1x64x128xf32, #tpu.memory_space<hbm>>
        %dma_wait3A_174 = tpu.memref_squeeze %dma_wait3A_173 : memref<1x64x128xf32, #tpu.memory_space<hbm>> -> memref<64x128xf32, #tpu.memory_space<hbm>>
        %dma_wait3A_175 = arith.constant 0 : i32
        %dma_wait3A_176 = tpu.memref_slice %arg9[%select_n3A_38, %mul3A_52, %dma_wait3A_175] : memref<4x10240x128xf32, #tpu.memory_space<hbm>> -> memref<1x64x128xf32, #tpu.memory_space<hbm>>
        %dma_wait3A_177 = tpu.memref_squeeze %dma_wait3A_176 : memref<1x64x128xf32, #tpu.memory_space<hbm>> -> memref<64x128xf32, #tpu.memory_space<hbm>>
        tpu.wait_dma2 semaphore(%run_scoped3A : memref<!tpu.dma_semaphore, #tpu.memory_space<semaphore_mem>>) src(%arg11 : memref<64x128xf32, #tpu.memory_space<vmem>>) dst(%dma_wait3A_177 : memref<64x128xf32, #tpu.memory_space<hbm>>)
        tpu.yield
      }) : () -> ()
      "tpu.region"() ({
        %run_scoped3A = tpu.sem_alloc : memref<!tpu.dma_semaphore, #tpu.memory_space<semaphore_mem>>
        %dma_start3A = arith.constant 0 : i32
        %dma_start3A_168 = tpu.memref_slice %arg10[%select_n3A_38, %mul3A_52, %dma_start3A] : memref<4x10240x16xf32, #tpu.memory_space<hbm>> -> memref<1x64x16xf32, #tpu.memory_space<hbm>>
        %dma_start3A_169 = tpu.memref_squeeze %dma_start3A_168 : memref<1x64x16xf32, #tpu.memory_space<hbm>> -> memref<64x16xf32, #tpu.memory_space<hbm>>
        %dma_start3A_170 = arith.constant 0 : i32
        %dma_start3A_171 = tpu.memref_slice %arg10[%select_n3A_38, %mul3A_52, %dma_start3A_170] : memref<4x10240x16xf32, #tpu.memory_space<hbm>> -> memref<1x64x16xf32, #tpu.memory_space<hbm>>
        %dma_start3A_172 = tpu.memref_squeeze %dma_start3A_171 : memref<1x64x16xf32, #tpu.memory_space<hbm>> -> memref<64x16xf32, #tpu.memory_space<hbm>>
        tpu.enqueue_dma source(%arg12 : memref<64x16xf32, #tpu.memory_space<vmem>>) target(%dma_start3A_172 : memref<64x16xf32, #tpu.memory_space<hbm>>) target_semaphore(%run_scoped3A : memref<!tpu.dma_semaphore, #tpu.memory_space<semaphore_mem>>)
        %dma_wait3A = arith.constant 0 : i32
        %dma_wait3A_173 = tpu.memref_slice %arg10[%select_n3A_38, %mul3A_52, %dma_wait3A] : memref<4x10240x16xf32, #tpu.memory_space<hbm>> -> memref<1x64x16xf32, #tpu.memory_space<hbm>>
        %dma_wait3A_174 = tpu.memref_squeeze %dma_wait3A_173 : memref<1x64x16xf32, #tpu.memory_space<hbm>> -> memref<64x16xf32, #tpu.memory_space<hbm>>
        %dma_wait3A_175 = arith.constant 0 : i32
        %dma_wait3A_176 = tpu.memref_slice %arg10[%select_n3A_38, %mul3A_52, %dma_wait3A_175] : memref<4x10240x16xf32, #tpu.memory_space<hbm>> -> memref<1x64x16xf32, #tpu.memory_space<hbm>>
        %dma_wait3A_177 = tpu.memref_squeeze %dma_wait3A_176 : memref<1x64x16xf32, #tpu.memory_space<hbm>> -> memref<64x16xf32, #tpu.memory_space<hbm>>
        tpu.wait_dma2 semaphore(%run_scoped3A : memref<!tpu.dma_semaphore, #tpu.memory_space<semaphore_mem>>) src(%arg12 : memref<64x16xf32, #tpu.memory_space<vmem>>) dst(%dma_wait3A_177 : memref<64x16xf32, #tpu.memory_space<hbm>>)
        tpu.yield
      }) : () -> ()
      %scan3A_167 = arith.constant 0 : i32
      scf.yield %scan3A_167 : i32
    }
    %scan3A_6 = arith.constant 20 : i32
    return
  }
}

#map = affine_map<(d0, d1) -> (0, 0)>
#map1 = affine_map<(d0, d1) -> (0, 0, 0)>
#map2 = affine_map<(d0, d1) -> (0)>
module attributes {stable_mosaic.version = 14 : i64} {
  func.func @body(%arg0: i32, %arg1: i32, %arg2: memref<40000x256xf32, #tpu.memory_space<hbm>>, %arg3: memref<4x10240x16xf32, #tpu.memory_space<hbm>>, %arg4: memref<1280256xi32, #tpu.memory_space<hbm>>, %arg5: memref<320064x16xi32, #tpu.memory_space<hbm>>, %arg6: memref<2560xi32, #tpu.memory_space<hbm>>, %arg7: memref<64x1024xf32, #tpu.memory_space<hbm>>, %arg8: memref<64x16xf32, #tpu.memory_space<hbm>>, %arg9: memref<4x10240x1024xf32, #tpu.memory_space<hbm>>, %arg10: memref<4x10240x16xf32, #tpu.memory_space<hbm>>, %arg11: memref<64x1024xf32, #tpu.memory_space<vmem>>, %arg12: memref<64x16xf32, #tpu.memory_space<vmem>>, %arg13: memref<64x256xf32, #tpu.memory_space<vmem>>, %arg14: memref<64x16xf32, #tpu.memory_space<vmem>>, %arg15: memref<64xi32, #tpu.memory_space<vmem>>, %arg16: memref<64x16xi32, #tpu.memory_space<vmem>>, %arg17: memref<16xi32, #tpu.memory_space<vmem>>, %arg18: memref<64x256xf32, #tpu.memory_space<vmem>>, %arg19: memref<64xi32, #tpu.memory_space<vmem>>, %arg20: memref<!tpu.dma_semaphore, #tpu.memory_space<semaphore_mem>>, %arg21: memref<!tpu.dma_semaphore, #tpu.memory_space<semaphore_mem>>) attributes {dimension_semantics = [#tpu.dimension_semantics<core_parallel>, #tpu.dimension_semantics<subcore_parallel>], iteration_bounds = array<i64: 2, 16>, scalar_prefetch = 0 : i64, scratch_operands = 11 : i64, tpu.core_type = #tpu.core_type<sc_vector_subcore>, window_params = [{transform_indices = #map}, {transform_indices = #map1}, {transform_indices = #map2}, {transform_indices = #map}, {transform_indices = #map2}, {transform_indices = #map}, {transform_indices = #map}, {transform_indices = #map1}, {transform_indices = #map1}]} {
    %mul3A = arith.constant 2 : i32
    %mul3A_0 = arith.muli %arg1, %mul3A : i32
    %add3A = arith.addi %mul3A_0, %arg0 : i32
    %iota3A = tpu.iota {dimensions = array<i32: 0>} : vector<16xi32>
    %scan3A = arith.constant 0 : i32
    %scan3A_1 = arith.constant 0 : i32
    %scan3A_2 = arith.constant 20 : i32
    %scan3A_3 = arith.addi %scan3A_1, %scan3A_2 : i32
    %scan3A_4 = arith.constant 1 : i32
    %scan3A_5 = scf.for %scan3A_7 = %scan3A_1 to %scan3A_3 step %scan3A_4 iter_args(%scan3A_8 = %scan3A) -> (i32)  : i32 {
      %jit3A = arith.constant 4 : i32
      %div3A = arith.divsi %scan3A_7, %jit3A : i32
      %sign3A = arith.constant 0 : i32
      %sign3A_9 = arith.cmpi sgt, %scan3A_7, %sign3A : i32
      %sign3A_10 = arith.extui %sign3A_9 : i1 to i32
      %sign3A_11 = arith.constant 0 : i32
      %sign3A_12 = arith.cmpi slt, %scan3A_7, %sign3A_11 : i32
      %sign3A_13 = arith.extui %sign3A_12 : i1 to i32
      %sign3A_14 = arith.subi %sign3A_10, %sign3A_13 : i32
      %sign3A_15 = arith.constant 0 : i32
      %sign3A_16 = arith.cmpi sgt, %jit3A, %sign3A_15 : i32
      %sign3A_17 = arith.extui %sign3A_16 : i1 to i32
      %sign3A_18 = arith.constant 0 : i32
      %sign3A_19 = arith.cmpi slt, %jit3A, %sign3A_18 : i32
      %sign3A_20 = arith.extui %sign3A_19 : i1 to i32
      %sign3A_21 = arith.subi %sign3A_17, %sign3A_20 : i32
      %ne3A = arith.cmpi ne, %sign3A_14, %sign3A_21 : i32
      %rem3A = arith.remsi %scan3A_7, %jit3A : i32
      %ne3A_22 = arith.constant 0 : i32
      %ne3A_23 = arith.cmpi ne, %rem3A, %ne3A_22 : i32
      %and3A = arith.andi %ne3A, %ne3A_23 : i1
      %sub3A = arith.constant 1 : i32
      %sub3A_24 = arith.subi %div3A, %sub3A : i32
      %select_n3A = arith.select %and3A, %sub3A_24, %div3A : i32
      %jit3A_25 = arith.constant 4 : i32
      %eq3A = arith.constant 0 : i32
      %eq3A_26 = arith.cmpi eq, %jit3A_25, %eq3A : i32
      %jit3A_27 = arith.constant 1 : i32
      %select_n3A_28 = arith.select %eq3A_26, %jit3A_27, %jit3A_25 : i32
      %rem3A_29 = arith.remsi %scan3A_7, %select_n3A_28 : i32
      %ne3A_30 = arith.constant 0 : i32
      %ne3A_31 = arith.cmpi ne, %rem3A_29, %ne3A_30 : i32
      %lt3A = arith.constant 0 : i32
      %lt3A_32 = arith.cmpi slt, %rem3A_29, %lt3A : i32
      %lt3A_33 = arith.constant 0 : i32
      %lt3A_34 = arith.cmpi slt, %select_n3A_28, %lt3A_33 : i32
      %ne3A_35 = arith.xori %lt3A_32, %lt3A_34 : i1
      %and3A_36 = arith.andi %ne3A_35, %ne3A_31 : i1
      %add3A_37 = arith.addi %rem3A_29, %select_n3A_28 : i32
      %select_n3A_38 = arith.select %and3A_36, %add3A_37, %rem3A_29 : i32
      %mul3A_39 = arith.constant 5 : i32
      %mul3A_40 = arith.muli %add3A, %mul3A_39 : i32
      %add3A_41 = arith.addi %mul3A_40, %select_n3A : i32
      %mul3A_42 = arith.constant 16 : i32
      %mul3A_43 = arith.muli %add3A_41, %mul3A_42 : i32
      "tpu.region"() ({
        %run_scoped3A = tpu.sem_alloc : memref<!tpu.dma_semaphore, #tpu.memory_space<semaphore_mem>>
        %dma_start3A = tpu.memref_slice %arg6[%mul3A_43] : memref<2560xi32, #tpu.memory_space<hbm>> -> memref<16xi32, #tpu.memory_space<hbm>>
        %dma_start3A_168 = tpu.memref_slice %arg6[%mul3A_43] : memref<2560xi32, #tpu.memory_space<hbm>> -> memref<16xi32, #tpu.memory_space<hbm>>
        tpu.enqueue_dma source(%dma_start3A_168 : memref<16xi32, #tpu.memory_space<hbm>>) target(%arg17 : memref<16xi32, #tpu.memory_space<vmem>>) target_semaphore(%run_scoped3A : memref<!tpu.dma_semaphore, #tpu.memory_space<semaphore_mem>>)
        %dma_wait3A = tpu.memref_slice %arg6[%mul3A_43] : memref<2560xi32, #tpu.memory_space<hbm>> -> memref<16xi32, #tpu.memory_space<hbm>>
        %dma_wait3A_169 = tpu.memref_slice %arg6[%mul3A_43] : memref<2560xi32, #tpu.memory_space<hbm>> -> memref<16xi32, #tpu.memory_space<hbm>>
        tpu.wait_dma2 semaphore(%run_scoped3A : memref<!tpu.dma_semaphore, #tpu.memory_space<semaphore_mem>>) src(%dma_wait3A_169 : memref<16xi32, #tpu.memory_space<hbm>>) dst(%arg17 : memref<16xi32, #tpu.memory_space<vmem>>)
        tpu.yield
      }) : () -> ()
      %get3A = arith.constant 0 : index
      %get3A_44 = tpu.vector_load %arg17[%get3A] {strides = array<i32>} : memref<16xi32, #tpu.memory_space<vmem>>, vector<16xi32>,
      %get3A_45 = vector.shape_cast %get3A_44 : vector<16xi32> to vector<16xi32>
      %slice3A = vector.extract_strided_slice %get3A_45 {offsets = [0], sizes = [1], strides = [1]} : vector<16xi32> to vector<1xi32>
      %squeeze3A = vector.extract %slice3A[0] : i32 from vector<1xi32>
      %slice3A_46 = vector.extract_strided_slice %get3A_45 {offsets = [1], sizes = [1], strides = [1]} : vector<16xi32> to vector<1xi32>
      %squeeze3A_47 = vector.extract %slice3A_46[0] : i32 from vector<1xi32>
      %mul3A_48 = arith.constant 32 : i32
      %mul3A_49 = arith.muli %select_n3A, %mul3A_48 : i32
      %add3A_50 = arith.addi %mul3A_49, %add3A : i32
      %mul3A_51 = arith.constant 64 : i32
      %mul3A_52 = arith.muli %add3A_50, %mul3A_51 : i32
      %jit3A_53 = arith.constant 64 : i32
      %div3A_54 = arith.divsi %squeeze3A, %jit3A_53 : i32
      %sign3A_55 = arith.constant 0 : i32
      %sign3A_56 = arith.cmpi sgt, %squeeze3A, %sign3A_55 : i32
      %sign3A_57 = arith.extui %sign3A_56 : i1 to i32
      %sign3A_58 = arith.constant 0 : i32
      %sign3A_59 = arith.cmpi slt, %squeeze3A, %sign3A_58 : i32
      %sign3A_60 = arith.extui %sign3A_59 : i1 to i32
      %sign3A_61 = arith.subi %sign3A_57, %sign3A_60 : i32
      %sign3A_62 = arith.constant 0 : i32
      %sign3A_63 = arith.cmpi sgt, %jit3A_53, %sign3A_62 : i32
      %sign3A_64 = arith.extui %sign3A_63 : i1 to i32
      %sign3A_65 = arith.constant 0 : i32
      %sign3A_66 = arith.cmpi slt, %jit3A_53, %sign3A_65 : i32
      %sign3A_67 = arith.extui %sign3A_66 : i1 to i32
      %sign3A_68 = arith.subi %sign3A_64, %sign3A_67 : i32
      %ne3A_69 = arith.cmpi ne, %sign3A_61, %sign3A_68 : i32
      %rem3A_70 = arith.remsi %squeeze3A, %jit3A_53 : i32
      %ne3A_71 = arith.constant 0 : i32
      %ne3A_72 = arith.cmpi ne, %rem3A_70, %ne3A_71 : i32
      %and3A_73 = arith.andi %ne3A_69, %ne3A_72 : i1
      %sub3A_74 = arith.constant 1 : i32
      %sub3A_75 = arith.subi %div3A_54, %sub3A_74 : i32
      %select_n3A_76 = arith.select %and3A_73, %sub3A_75, %div3A_54 : i32
      %mul3A_77 = arith.constant 64 : i32
      %mul3A_78 = arith.muli %select_n3A_76, %mul3A_77 : i32
      %sub3A_79 = arith.subi %squeeze3A_47, %mul3A_78 : i32
      %add3A_80 = arith.constant 63 : i32
      %add3A_81 = arith.addi %sub3A_79, %add3A_80 : i32
      %jit3A_82 = arith.constant 64 : i32
      %div3A_83 = arith.divsi %add3A_81, %jit3A_82 : i32
      %sign3A_84 = arith.constant 0 : i32
      %sign3A_85 = arith.cmpi sgt, %add3A_81, %sign3A_84 : i32
      %sign3A_86 = arith.extui %sign3A_85 : i1 to i32
      %sign3A_87 = arith.constant 0 : i32
      %sign3A_88 = arith.cmpi slt, %add3A_81, %sign3A_87 : i32
      %sign3A_89 = arith.extui %sign3A_88 : i1 to i32
      %sign3A_90 = arith.subi %sign3A_86, %sign3A_89 : i32
      %sign3A_91 = arith.constant 0 : i32
      %sign3A_92 = arith.cmpi sgt, %jit3A_82, %sign3A_91 : i32
      %sign3A_93 = arith.extui %sign3A_92 : i1 to i32
      %sign3A_94 = arith.constant 0 : i32
      %sign3A_95 = arith.cmpi slt, %jit3A_82, %sign3A_94 : i32
      %sign3A_96 = arith.extui %sign3A_95 : i1 to i32
      %sign3A_97 = arith.subi %sign3A_93, %sign3A_96 : i32
      %ne3A_98 = arith.cmpi ne, %sign3A_90, %sign3A_97 : i32
      %rem3A_99 = arith.remsi %add3A_81, %jit3A_82 : i32
      %ne3A_100 = arith.constant 0 : i32
      %ne3A_101 = arith.cmpi ne, %rem3A_99, %ne3A_100 : i32
      %and3A_102 = arith.andi %ne3A_98, %ne3A_101 : i1
      %sub3A_103 = arith.constant 1 : i32
      %sub3A_104 = arith.subi %div3A_83, %sub3A_103 : i32
      %select_n3A_105 = arith.select %and3A_102, %sub3A_104, %div3A_83 : i32
      "tpu.region"() ({
        %run_scoped3A = tpu.sem_alloc : memref<!tpu.dma_semaphore, #tpu.memory_space<semaphore_mem>>
        tpu.enqueue_dma source(%arg7 : memref<64x1024xf32, #tpu.memory_space<hbm>>) target(%arg11 : memref<64x1024xf32, #tpu.memory_space<vmem>>) target_semaphore(%run_scoped3A : memref<!tpu.dma_semaphore, #tpu.memory_space<semaphore_mem>>)
        tpu.wait_dma2 semaphore(%run_scoped3A : memref<!tpu.dma_semaphore, #tpu.memory_space<semaphore_mem>>) src(%arg7 : memref<64x1024xf32, #tpu.memory_space<hbm>>) dst(%arg11 : memref<64x1024xf32, #tpu.memory_space<vmem>>)
        tpu.yield
      }) : () -> ()
      "tpu.region"() ({
        %run_scoped3A = tpu.sem_alloc : memref<!tpu.dma_semaphore, #tpu.memory_space<semaphore_mem>>
        tpu.enqueue_dma source(%arg8 : memref<64x16xf32, #tpu.memory_space<hbm>>) target(%arg12 : memref<64x16xf32, #tpu.memory_space<vmem>>) target_semaphore(%run_scoped3A : memref<!tpu.dma_semaphore, #tpu.memory_space<semaphore_mem>>)
        tpu.wait_dma2 semaphore(%run_scoped3A : memref<!tpu.dma_semaphore, #tpu.memory_space<semaphore_mem>>) src(%arg8 : memref<64x16xf32, #tpu.memory_space<hbm>>) dst(%arg12 : memref<64x16xf32, #tpu.memory_space<vmem>>)
        tpu.yield
      }) : () -> ()
      "tpu.region"() ({
        %run_scoped3A = tpu.sem_alloc : memref<!tpu.dma_semaphore, #tpu.memory_space<semaphore_mem>>
        %dma_start3A = arith.constant 0 : i32
        %dma_start3A_168 = tpu.memref_slice %arg3[%select_n3A_38, %mul3A_52, %dma_start3A] : memref<4x10240x16xf32, #tpu.memory_space<hbm>> -> memref<1x64x16xf32, #tpu.memory_space<hbm>>
        %dma_start3A_169 = tpu.memref_squeeze %dma_start3A_168 : memref<1x64x16xf32, #tpu.memory_space<hbm>> -> memref<64x16xf32, #tpu.memory_space<hbm>>
        %dma_start3A_170 = arith.constant 0 : i32
        %dma_start3A_171 = tpu.memref_slice %arg3[%select_n3A_38, %mul3A_52, %dma_start3A_170] : memref<4x10240x16xf32, #tpu.memory_space<hbm>> -> memref<1x64x16xf32, #tpu.memory_space<hbm>>
        %dma_start3A_172 = tpu.memref_squeeze %dma_start3A_171 : memref<1x64x16xf32, #tpu.memory_space<hbm>> -> memref<64x16xf32, #tpu.memory_space<hbm>>
        tpu.enqueue_dma source(%dma_start3A_172 : memref<64x16xf32, #tpu.memory_space<hbm>>) target(%arg14 : memref<64x16xf32, #tpu.memory_space<vmem>>) target_semaphore(%run_scoped3A : memref<!tpu.dma_semaphore, #tpu.memory_space<semaphore_mem>>)
        %dma_wait3A = arith.constant 0 : i32
        %dma_wait3A_173 = tpu.memref_slice %arg3[%select_n3A_38, %mul3A_52, %dma_wait3A] : memref<4x10240x16xf32, #tpu.memory_space<hbm>> -> memref<1x64x16xf32, #tpu.memory_space<hbm>>
        %dma_wait3A_174 = tpu.memref_squeeze %dma_wait3A_173 : memref<1x64x16xf32, #tpu.memory_space<hbm>> -> memref<64x16xf32, #tpu.memory_space<hbm>>
        %dma_wait3A_175 = arith.constant 0 : i32
        %dma_wait3A_176 = tpu.memref_slice %arg3[%select_n3A_38, %mul3A_52, %dma_wait3A_175] : memref<4x10240x16xf32, #tpu.memory_space<hbm>> -> memref<1x64x16xf32, #tpu.memory_space<hbm>>
        %dma_wait3A_177 = tpu.memref_squeeze %dma_wait3A_176 : memref<1x64x16xf32, #tpu.memory_space<hbm>> -> memref<64x16xf32, #tpu.memory_space<hbm>>
        tpu.wait_dma2 semaphore(%run_scoped3A : memref<!tpu.dma_semaphore, #tpu.memory_space<semaphore_mem>>) src(%dma_wait3A_177 : memref<64x16xf32, #tpu.memory_space<hbm>>) dst(%arg14 : memref<64x16xf32, #tpu.memory_space<vmem>>)
        tpu.yield
      }) : () -> ()
      %min3A = arith.constant 1 : i32
      %min3A_106 = arith.minsi %select_n3A_105, %min3A : i32
      %while3A = arith.constant 0 : i32
      %while3A_107 = arith.constant 0 : i32
      %while3A_108 = arith.subi %min3A_106, %while3A : i32
      %while3A_109 = arith.addi %while3A, %while3A_108 : i32
      %while3A_110 = arith.constant 1 : i32
      %while3A_111 = arith.divsi %while3A_108, %while3A_110 : i32
      %while3A_112 = arith.muli %while3A_111, %while3A_110 : i32
      %while3A_113 = arith.addi %while3A, %while3A_112 : i32
      %while3A_114 = arith.constant 1 : i32
      %while3A_115 = scf.for %while3A_168 = %while3A to %while3A_113 step %while3A_114 iter_args(%while3A_169 = %while3A_107) -> (i32)  : i32 {
        %mul3A_170 = arith.constant 64 : i32
        %mul3A_171 = arith.muli %while3A_168, %mul3A_170 : i32
        %add3A_172 = arith.addi %mul3A_78, %mul3A_171 : i32
        %mul3A_173 = arith.constant 320064 : i32
        %mul3A_174 = arith.muli %select_n3A_38, %mul3A_173 : i32
        %add3A_175 = arith.addi %mul3A_174, %add3A_172 : i32
        "tpu.region"() ({
          %run_scoped3A = tpu.sem_alloc : memref<!tpu.dma_semaphore, #tpu.memory_space<semaphore_mem>>
          %dma_start3A_179 = tpu.memref_slice %arg4[%add3A_175] : memref<1280256xi32, #tpu.memory_space<hbm>> -> memref<64xi32, #tpu.memory_space<hbm>>
          %dma_start3A_180 = tpu.memref_slice %arg4[%add3A_175] : memref<1280256xi32, #tpu.memory_space<hbm>> -> memref<64xi32, #tpu.memory_space<hbm>>
          tpu.enqueue_dma source(%dma_start3A_180 : memref<64xi32, #tpu.memory_space<hbm>>) target(%arg15 : memref<64xi32, #tpu.memory_space<vmem>>) target_semaphore(%run_scoped3A : memref<!tpu.dma_semaphore, #tpu.memory_space<semaphore_mem>>)
          %dma_wait3A = tpu.memref_slice %arg4[%add3A_175] : memref<1280256xi32, #tpu.memory_space<hbm>> -> memref<64xi32, #tpu.memory_space<hbm>>
          %dma_wait3A_181 = tpu.memref_slice %arg4[%add3A_175] : memref<1280256xi32, #tpu.memory_space<hbm>> -> memref<64xi32, #tpu.memory_space<hbm>>
          tpu.wait_dma2 semaphore(%run_scoped3A : memref<!tpu.dma_semaphore, #tpu.memory_space<semaphore_mem>>) src(%dma_wait3A_181 : memref<64xi32, #tpu.memory_space<hbm>>) dst(%arg15 : memref<64xi32, #tpu.memory_space<vmem>>)
          tpu.yield
        }) : () -> ()
        %dma_start3A = arith.constant 0 : i32
        %dma_start3A_176 = arith.constant 0 : i32
        %dma_start3A_177 = tpu.memref_slice %arg2[%dma_start3A, %dma_start3A_176] : memref<40000x256xf32, #tpu.memory_space<hbm>> -> memref<40000x256xf32, #tpu.memory_space<hbm>>
        tpu.enqueue_indirect_dma source(%dma_start3A_177 : memref<40000x256xf32, #tpu.memory_space<hbm>>) target(%arg13 : memref<64x256xf32, #tpu.memory_space<vmem>>) offsets(%arg15 : memref<64xi32, #tpu.memory_space<vmem>>) semaphore(%arg20 : memref<!tpu.dma_semaphore, #tpu.memory_space<semaphore_mem>>)
        %while3A_178 = arith.constant 0 : i32
        scf.yield %while3A_178 : i32
      }
      %while3A_116 = arith.constant 1 : i32
      %while3A_117 = scf.for %while3A_168 = %while3A_113 to %while3A_109 step %while3A_116 iter_args(%while3A_169 = %while3A_115) -> (i32)  : i32 {
        %mul3A_170 = arith.constant 64 : i32
        %mul3A_171 = arith.muli %while3A_168, %mul3A_170 : i32
        %add3A_172 = arith.addi %mul3A_78, %mul3A_171 : i32
        %mul3A_173 = arith.constant 320064 : i32
        %mul3A_174 = arith.muli %select_n3A_38, %mul3A_173 : i32
        %add3A_175 = arith.addi %mul3A_174, %add3A_172 : i32
        "tpu.region"() ({
          %run_scoped3A = tpu.sem_alloc : memref<!tpu.dma_semaphore, #tpu.memory_space<semaphore_mem>>
          %dma_start3A_179 = tpu.memref_slice %arg4[%add3A_175] : memref<1280256xi32, #tpu.memory_space<hbm>> -> memref<64xi32, #tpu.memory_space<hbm>>
          %dma_start3A_180 = tpu.memref_slice %arg4[%add3A_175] : memref<1280256xi32, #tpu.memory_space<hbm>> -> memref<64xi32, #tpu.memory_space<hbm>>
          tpu.enqueue_dma source(%dma_start3A_180 : memref<64xi32, #tpu.memory_space<hbm>>) target(%arg15 : memref<64xi32, #tpu.memory_space<vmem>>) target_semaphore(%run_scoped3A : memref<!tpu.dma_semaphore, #tpu.memory_space<semaphore_mem>>)
          %dma_wait3A = tpu.memref_slice %arg4[%add3A_175] : memref<1280256xi32, #tpu.memory_space<hbm>> -> memref<64xi32, #tpu.memory_space<hbm>>
          %dma_wait3A_181 = tpu.memref_slice %arg4[%add3A_175] : memref<1280256xi32, #tpu.memory_space<hbm>> -> memref<64xi32, #tpu.memory_space<hbm>>
          tpu.wait_dma2 semaphore(%run_scoped3A : memref<!tpu.dma_semaphore, #tpu.memory_space<semaphore_mem>>) src(%dma_wait3A_181 : memref<64xi32, #tpu.memory_space<hbm>>) dst(%arg15 : memref<64xi32, #tpu.memory_space<vmem>>)
          tpu.yield
        }) : () -> ()
        %dma_start3A = arith.constant 0 : i32
        %dma_start3A_176 = arith.constant 0 : i32
        %dma_start3A_177 = tpu.memref_slice %arg2[%dma_start3A, %dma_start3A_176] : memref<40000x256xf32, #tpu.memory_space<hbm>> -> memref<40000x256xf32, #tpu.memory_space<hbm>>
        tpu.enqueue_indirect_dma source(%dma_start3A_177 : memref<40000x256xf32, #tpu.memory_space<hbm>>) target(%arg13 : memref<64x256xf32, #tpu.memory_space<vmem>>) offsets(%arg15 : memref<64xi32, #tpu.memory_space<vmem>>) semaphore(%arg20 : memref<!tpu.dma_semaphore, #tpu.memory_space<semaphore_mem>>)
        %while3A_178 = arith.constant 0 : i32
        scf.yield %while3A_178 : i32
      }
      %jit3A_118 = arith.constant 2 : i32
      %div3A_119 = arith.divsi %select_n3A_105, %jit3A_118 : i32
      %sign3A_120 = arith.constant 0 : i32
      %sign3A_121 = arith.cmpi sgt, %select_n3A_105, %sign3A_120 : i32
      %sign3A_122 = arith.extui %sign3A_121 : i1 to i32
      %sign3A_123 = arith.constant 0 : i32
      %sign3A_124 = arith.cmpi slt, %select_n3A_105, %sign3A_123 : i32
      %sign3A_125 = arith.extui %sign3A_124 : i1 to i32
      %sign3A_126 = arith.subi %sign3A_122, %sign3A_125 : i32
      %sign3A_127 = arith.constant 0 : i32
      %sign3A_128 = arith.cmpi sgt, %jit3A_118, %sign3A_127 : i32
      %sign3A_129 = arith.extui %sign3A_128 : i1 to i32
      %sign3A_130 = arith.constant 0 : i32
      %sign3A_131 = arith.cmpi slt, %jit3A_118, %sign3A_130 : i32
      %sign3A_132 = arith.extui %sign3A_131 : i1 to i32
      %sign3A_133 = arith.subi %sign3A_129, %sign3A_132 : i32
      %ne3A_134 = arith.cmpi ne, %sign3A_126, %sign3A_133 : i32
      %rem3A_135 = arith.remsi %select_n3A_105, %jit3A_118 : i32
      %ne3A_136 = arith.constant 0 : i32
      %ne3A_137 = arith.cmpi ne, %rem3A_135, %ne3A_136 : i32
      %and3A_138 = arith.andi %ne3A_134, %ne3A_137 : i1
      %sub3A_139 = arith.constant 1 : i32
      %sub3A_140 = arith.subi %div3A_119, %sub3A_139 : i32
      %select_n3A_141 = arith.select %and3A_138, %sub3A_140, %div3A_119 : i32
      %while3A_142 = arith.constant 0 : i32
      %while3A_143 = arith.constant 0 : i32
      %while3A_144 = arith.subi %select_n3A_141, %while3A_142 : i32
      %while3A_145 = arith.addi %while3A_142, %while3A_144 : i32
      %while3A_146 = arith.constant 1 : i32
      %while3A_147 = arith.divsi %while3A_144, %while3A_146 : i32
      %while3A_148 = arith.muli %while3A_147, %while3A_146 : i32
      %while3A_149 = arith.addi %while3A_142, %while3A_148 : i32
      %while3A_150 = arith.constant 1 : i32
      %while3A_151 = scf.for %while3A_168 = %while3A_142 to %while3A_149 step %while3A_150 iter_args(%while3A_169 = %while3A_143) -> (i32)  : i32 {
        %mul3A_170 = arith.constant 2 : i32
        %mul3A_171 = arith.muli %mul3A_170, %while3A_168 : i32
        %add3A_172 = arith.constant 1 : i32
        %add3A_173 = arith.addi %mul3A_171, %add3A_172 : i32
        %mul3A_174 = arith.constant 64 : i32
        %mul3A_175 = arith.muli %add3A_173, %mul3A_174 : i32
        %add3A_176 = arith.addi %mul3A_78, %mul3A_175 : i32
        %mul3A_177 = arith.constant 320064 : i32
        %mul3A_178 = arith.muli %select_n3A_38, %mul3A_177 : i32
        %add3A_179 = arith.addi %mul3A_178, %add3A_176 : i32
        "tpu.region"() ({
          %run_scoped3A = tpu.sem_alloc : memref<!tpu.dma_semaphore, #tpu.memory_space<semaphore_mem>>
          %dma_start3A_226 = tpu.memref_slice %arg4[%add3A_179] : memref<1280256xi32, #tpu.memory_space<hbm>> -> memref<64xi32, #tpu.memory_space<hbm>>
          %dma_start3A_227 = tpu.memref_slice %arg4[%add3A_179] : memref<1280256xi32, #tpu.memory_space<hbm>> -> memref<64xi32, #tpu.memory_space<hbm>>
          tpu.enqueue_dma source(%dma_start3A_227 : memref<64xi32, #tpu.memory_space<hbm>>) target(%arg19 : memref<64xi32, #tpu.memory_space<vmem>>) target_semaphore(%run_scoped3A : memref<!tpu.dma_semaphore, #tpu.memory_space<semaphore_mem>>)
          %dma_wait3A_228 = tpu.memref_slice %arg4[%add3A_179] : memref<1280256xi32, #tpu.memory_space<hbm>> -> memref<64xi32, #tpu.memory_space<hbm>>
          %dma_wait3A_229 = tpu.memref_slice %arg4[%add3A_179] : memref<1280256xi32, #tpu.memory_space<hbm>> -> memref<64xi32, #tpu.memory_space<hbm>>
          tpu.wait_dma2 semaphore(%run_scoped3A : memref<!tpu.dma_semaphore, #tpu.memory_space<semaphore_mem>>) src(%dma_wait3A_229 : memref<64xi32, #tpu.memory_space<hbm>>) dst(%arg19 : memref<64xi32, #tpu.memory_space<vmem>>)
          tpu.yield
        }) : () -> ()
        %dma_start3A = arith.constant 0 : i32
        %dma_start3A_180 = arith.constant 0 : i32
        %dma_start3A_181 = tpu.memref_slice %arg2[%dma_start3A, %dma_start3A_180] : memref<40000x256xf32, #tpu.memory_space<hbm>> -> memref<40000x256xf32, #tpu.memory_space<hbm>>
        tpu.enqueue_indirect_dma source(%dma_start3A_181 : memref<40000x256xf32, #tpu.memory_space<hbm>>) target(%arg18 : memref<64x256xf32, #tpu.memory_space<vmem>>) offsets(%arg19 : memref<64xi32, #tpu.memory_space<vmem>>) semaphore(%arg21 : memref<!tpu.dma_semaphore, #tpu.memory_space<semaphore_mem>>)
        %dma_wait3A = arith.constant 0 : i32
        %dma_wait3A_182 = arith.constant 0 : i32
        %dma_wait3A_183 = tpu.memref_slice %arg2[%dma_wait3A, %dma_wait3A_182] : memref<40000x256xf32, #tpu.memory_space<hbm>> -> memref<40000x256xf32, #tpu.memory_space<hbm>>
        tpu.wait_indirect_dma semaphore(%arg20 : memref<!tpu.dma_semaphore, #tpu.memory_space<semaphore_mem>>) src(%dma_wait3A_183 : memref<40000x256xf32, #tpu.memory_space<hbm>>) dst(%arg13 : memref<64x256xf32, #tpu.memory_space<vmem>>)
        %mul3A_184 = arith.constant 64 : i32
        %mul3A_185 = arith.muli %mul3A_171, %mul3A_184 : i32
        %add3A_186 = arith.addi %mul3A_78, %mul3A_185 : i32
        "tpu.region"() ({
          %run_scoped3A = tpu.sem_alloc : memref<!tpu.dma_semaphore, #tpu.memory_space<semaphore_mem>>
          %dma_start3A_226 = arith.constant 0 : i32
          %dma_start3A_227 = tpu.memref_slice %arg5[%add3A_186, %dma_start3A_226] : memref<320064x16xi32, #tpu.memory_space<hbm>> -> memref<64x16xi32, #tpu.memory_space<hbm>>
          %dma_start3A_228 = arith.constant 0 : i32
          %dma_start3A_229 = tpu.memref_slice %arg5[%add3A_186, %dma_start3A_228] : memref<320064x16xi32, #tpu.memory_space<hbm>> -> memref<64x16xi32, #tpu.memory_space<hbm>>
          tpu.enqueue_dma source(%dma_start3A_229 : memref<64x16xi32, #tpu.memory_space<hbm>>) target(%arg16 : memref<64x16xi32, #tpu.memory_space<vmem>>) target_semaphore(%run_scoped3A : memref<!tpu.dma_semaphore, #tpu.memory_space<semaphore_mem>>)
          %dma_wait3A_230 = arith.constant 0 : i32
          %dma_wait3A_231 = tpu.memref_slice %arg5[%add3A_186, %dma_wait3A_230] : memref<320064x16xi32, #tpu.memory_space<hbm>> -> memref<64x16xi32, #tpu.memory_space<hbm>>
          %dma_wait3A_232 = arith.constant 0 : i32
          %dma_wait3A_233 = tpu.memref_slice %arg5[%add3A_186, %dma_wait3A_232] : memref<320064x16xi32, #tpu.memory_space<hbm>> -> memref<64x16xi32, #tpu.memory_space<hbm>>
          tpu.wait_dma2 semaphore(%run_scoped3A : memref<!tpu.dma_semaphore, #tpu.memory_space<semaphore_mem>>) src(%dma_wait3A_233 : memref<64x16xi32, #tpu.memory_space<hbm>>) dst(%arg16 : memref<64x16xi32, #tpu.memory_space<vmem>>)
          tpu.yield
        }) : () -> ()
        %scan3A_187 = arith.constant 0 : i32
        %scan3A_188 = arith.constant 0 : i32
        %scan3A_189 = arith.constant 64 : i32
        %scan3A_190 = arith.addi %scan3A_188, %scan3A_189 : i32
        %scan3A_191 = arith.constant 1 : i32
        %scan3A_192 = scf.for %scan3A_226 = %scan3A_188 to %scan3A_190 step %scan3A_191 iter_args(%scan3A_227 = %scan3A_187) -> (i32)  : i32 {
          %get3A_228 = arith.index_cast %scan3A_226 : i32 to index
          %get3A_229 = arith.constant 0 : index
          %get3A_230 = tpu.vector_load %arg16[%get3A_228, %get3A_229] {strides = array<i32>} : memref<64x16xi32, #tpu.memory_space<vmem>>, vector<1x16xi32>,
          %get3A_231 = vector.shape_cast %get3A_230 : vector<1x16xi32> to vector<16xi32>
          %sub3A_232 = vector.broadcast %mul3A_52 : i32 to vector<16xi32>
          %sub3A_233 = arith.subi %get3A_231, %sub3A_232 : vector<16xi32>
          %ge3A = arith.constant 0 : i32
          %ge3A_234 = vector.broadcast %ge3A : i32 to vector<16xi32>
          %ge3A_235 = arith.cmpi sge, %sub3A_233, %ge3A_234 : vector<16xi32>
          %lt3A_236 = arith.constant 64 : i32
          %lt3A_237 = vector.broadcast %lt3A_236 : i32 to vector<16xi32>
          %lt3A_238 = arith.cmpi slt, %sub3A_233, %lt3A_237 : vector<16xi32>
          %and3A_239 = arith.andi %ge3A_235, %lt3A_238 : vector<16xi1>
          %jit3A_240 = arith.constant 0 : i32
          %broadcast_in_dim3A = vector.broadcast %jit3A_240 : i32 to vector<16xi32>
          %select_n3A_241 = arith.select %and3A_239, %sub3A_233, %broadcast_in_dim3A : vector<16xi1>, vector<16xi32>
          %jit3A_242 = arith.constant 1.000000e+00 : f32
          %jit3A_243 = arith.constant 0.000000e+00 : f32
          %broadcast_in_dim3A_244 = vector.broadcast %jit3A_242 : f32 to vector<16xf32>
          %broadcast_in_dim3A_245 = vector.broadcast %jit3A_243 : f32 to vector<16xf32>
          %select_n3A_246 = arith.select %and3A_239, %broadcast_in_dim3A_244, %broadcast_in_dim3A_245 : vector<16xi1>, vector<16xf32>
          %slice3A_247 = vector.extract_strided_slice %select_n3A_241 {offsets = [0], sizes = [1], strides = [1]} : vector<16xi32> to vector<1xi32>
          %squeeze3A_248 = vector.extract %slice3A_247[0] : i32 from vector<1xi32>
          %get3A_249 = arith.index_cast %squeeze3A_248 : i32 to index
          %get3A_250 = arith.constant 0 : index
          %get3A_251 = tpu.vector_load %arg14[%get3A_249, %get3A_250] {strides = array<i32>} : memref<64x16xf32, #tpu.memory_space<vmem>>, vector<1x16xf32>,
          %get3A_252 = vector.shape_cast %get3A_251 : vector<1x16xf32> to vector<16xf32>
          %get3A_253 = arith.index_cast %scan3A_226 : i32 to index
          %get3A_254 = arith.constant 128 : index
          %get3A_255 = tpu.vector_load %arg13[%get3A_253, %get3A_254] {strides = array<i32>} : memref<64x256xf32, #tpu.memory_space<vmem>>, vector<1x16xf32>,
          %get3A_256 = vector.shape_cast %get3A_255 : vector<1x16xf32> to vector<16xf32>
          %add3A_257 = arith.addf %get3A_256, %get3A_252 : vector<16xf32>
          %gt3A = arith.constant 0.000000e+00 : f32
          %gt3A_258 = vector.broadcast %gt3A : f32 to vector<16xf32>
          %gt3A_259 = arith.cmpf ogt, %add3A_257, %gt3A_258 : vector<16xf32>
          %mul3A_260 = arith.constant 2.000000e-01 : f32
          %mul3A_261 = vector.broadcast %mul3A_260 : f32 to vector<16xf32>
          %mul3A_262 = arith.mulf %mul3A_261, %add3A_257 : vector<16xf32>
          %select_n3A_263 = arith.select %gt3A_259, %add3A_257, %mul3A_262 : vector<16xi1>, vector<16xf32>
          %exp3A = math.exp %select_n3A_263 : vector<16xf32>
          %mul3A_264 = arith.mulf %exp3A, %select_n3A_246 : vector<16xf32>
          %swap3A = arith.index_cast %squeeze3A_248 : i32 to index
          %swap3A_265 = arith.constant 0 : index
          %swap3A_266 = tpu.vector_load %arg12[%swap3A, %swap3A_265] {strides = array<i32>} : memref<64x16xf32, #tpu.memory_space<vmem>>, vector<1x16xf32>,
          %swap3A_267 = vector.shape_cast %swap3A_266 : vector<1x16xf32> to vector<16xf32>
          %swap3A_268 = vector.shape_cast %mul3A_264 : vector<16xf32> to vector<1x16xf32>
          tpu.vector_store %arg12[%swap3A, %swap3A_265], %swap3A_268 {add = true, strides = array<i32>} : memref<64x16xf32, #tpu.memory_space<vmem>>, vector<1x16xf32>,
          %slice3A_269 = vector.extract_strided_slice %mul3A_264 {offsets = [0], sizes = [1], strides = [1]} : vector<16xf32> to vector<1xf32>
          %squeeze3A_270 = vector.extract %slice3A_269[0] : f32 from vector<1xf32>
          %slice3A_271 = vector.extract_strided_slice %mul3A_264 {offsets = [1], sizes = [1], strides = [1]} : vector<16xf32> to vector<1xf32>
          %squeeze3A_272 = vector.extract %slice3A_271[0] : f32 from vector<1xf32>
          %slice3A_273 = vector.extract_strided_slice %mul3A_264 {offsets = [2], sizes = [1], strides = [1]} : vector<16xf32> to vector<1xf32>
          %squeeze3A_274 = vector.extract %slice3A_273[0] : f32 from vector<1xf32>
          %slice3A_275 = vector.extract_strided_slice %mul3A_264 {offsets = [3], sizes = [1], strides = [1]} : vector<16xf32> to vector<1xf32>
          %squeeze3A_276 = vector.extract %slice3A_275[0] : f32 from vector<1xf32>
          %slice3A_277 = vector.extract_strided_slice %mul3A_264 {offsets = [4], sizes = [1], strides = [1]} : vector<16xf32> to vector<1xf32>
          %squeeze3A_278 = vector.extract %slice3A_277[0] : f32 from vector<1xf32>
          %slice3A_279 = vector.extract_strided_slice %mul3A_264 {offsets = [5], sizes = [1], strides = [1]} : vector<16xf32> to vector<1xf32>
          %squeeze3A_280 = vector.extract %slice3A_279[0] : f32 from vector<1xf32>
          %slice3A_281 = vector.extract_strided_slice %mul3A_264 {offsets = [6], sizes = [1], strides = [1]} : vector<16xf32> to vector<1xf32>
          %squeeze3A_282 = vector.extract %slice3A_281[0] : f32 from vector<1xf32>
          %slice3A_283 = vector.extract_strided_slice %mul3A_264 {offsets = [7], sizes = [1], strides = [1]} : vector<16xf32> to vector<1xf32>
          %squeeze3A_284 = vector.extract %slice3A_283[0] : f32 from vector<1xf32>
          %scan3A_285 = arith.constant 0 : i32
          %scan3A_286 = arith.constant 0 : i32
          %scan3A_287 = arith.constant 8 : i32
          %scan3A_288 = arith.addi %scan3A_286, %scan3A_287 : i32
          %scan3A_289 = arith.constant 1 : i32
          %scan3A_290 = scf.for %scan3A_293 = %scan3A_286 to %scan3A_288 step %scan3A_289 iter_args(%scan3A_294 = %scan3A_285) -> (i32)  : i32 {
            %mul3A_295 = arith.constant 16 : i32
            %mul3A_296 = arith.muli %scan3A_293, %mul3A_295 : i32
            %get3A_297 = arith.index_cast %scan3A_226 : i32 to index
            %get3A_298 = arith.index_cast %mul3A_296 : i32 to index
            %get3A_299 = tpu.vector_load %arg13[%get3A_297, %get3A_298] {strides = array<i32>} : memref<64x256xf32, #tpu.memory_space<vmem>>, vector<1x16xf32>,
            %get3A_300 = vector.shape_cast %get3A_299 : vector<1x16xf32> to vector<16xf32>
            %mul3A_301 = arith.constant 16 : i32
            %mul3A_302 = arith.muli %scan3A_293, %mul3A_301 : i32
            %add3A_303 = arith.constant 0 : i32
            %add3A_304 = arith.addi %add3A_303, %mul3A_302 : i32
            %mul3A_305 = vector.broadcast %squeeze3A_270 : f32 to vector<16xf32>
            %mul3A_306 = arith.mulf %mul3A_305, %get3A_300 : vector<16xf32>
            %swap3A_307 = arith.index_cast %squeeze3A_248 : i32 to index
            %swap3A_308 = arith.index_cast %add3A_304 : i32 to index
            %swap3A_309 = tpu.vector_load %arg11[%swap3A_307, %swap3A_308] {strides = array<i32>} : memref<64x1024xf32, #tpu.memory_space<vmem>>, vector<1x16xf32>,
            %swap3A_310 = vector.shape_cast %swap3A_309 : vector<1x16xf32> to vector<16xf32>
            %swap3A_311 = vector.shape_cast %mul3A_306 : vector<16xf32> to vector<1x16xf32>
            tpu.vector_store %arg11[%swap3A_307, %swap3A_308], %swap3A_311 {add = true, strides = array<i32>} : memref<64x1024xf32, #tpu.memory_space<vmem>>, vector<1x16xf32>,
            %mul3A_312 = arith.constant 16 : i32
            %mul3A_313 = arith.muli %scan3A_293, %mul3A_312 : i32
            %add3A_314 = arith.constant 128 : i32
            %add3A_315 = arith.addi %add3A_314, %mul3A_313 : i32
            %mul3A_316 = vector.broadcast %squeeze3A_272 : f32 to vector<16xf32>
            %mul3A_317 = arith.mulf %mul3A_316, %get3A_300 : vector<16xf32>
            %swap3A_318 = arith.index_cast %squeeze3A_248 : i32 to index
            %swap3A_319 = arith.index_cast %add3A_315 : i32 to index
            %swap3A_320 = tpu.vector_load %arg11[%swap3A_318, %swap3A_319] {strides = array<i32>} : memref<64x1024xf32, #tpu.memory_space<vmem>>, vector<1x16xf32>,
            %swap3A_321 = vector.shape_cast %swap3A_320 : vector<1x16xf32> to vector<16xf32>
            %swap3A_322 = vector.shape_cast %mul3A_317 : vector<16xf32> to vector<1x16xf32>
            tpu.vector_store %arg11[%swap3A_318, %swap3A_319], %swap3A_322 {add = true, strides = array<i32>} : memref<64x1024xf32, #tpu.memory_space<vmem>>, vector<1x16xf32>,
            %mul3A_323 = arith.constant 16 : i32
            %mul3A_324 = arith.muli %scan3A_293, %mul3A_323 : i32
            %add3A_325 = arith.constant 256 : i32
            %add3A_326 = arith.addi %add3A_325, %mul3A_324 : i32
            %mul3A_327 = vector.broadcast %squeeze3A_274 : f32 to vector<16xf32>
            %mul3A_328 = arith.mulf %mul3A_327, %get3A_300 : vector<16xf32>
            %swap3A_329 = arith.index_cast %squeeze3A_248 : i32 to index
            %swap3A_330 = arith.index_cast %add3A_326 : i32 to index
            %swap3A_331 = tpu.vector_load %arg11[%swap3A_329, %swap3A_330] {strides = array<i32>} : memref<64x1024xf32, #tpu.memory_space<vmem>>, vector<1x16xf32>,
            %swap3A_332 = vector.shape_cast %swap3A_331 : vector<1x16xf32> to vector<16xf32>
            %swap3A_333 = vector.shape_cast %mul3A_328 : vector<16xf32> to vector<1x16xf32>
            tpu.vector_store %arg11[%swap3A_329, %swap3A_330], %swap3A_333 {add = true, strides = array<i32>} : memref<64x1024xf32, #tpu.memory_space<vmem>>, vector<1x16xf32>,
            %mul3A_334 = arith.constant 16 : i32
            %mul3A_335 = arith.muli %scan3A_293, %mul3A_334 : i32
            %add3A_336 = arith.constant 384 : i32
            %add3A_337 = arith.addi %add3A_336, %mul3A_335 : i32
            %mul3A_338 = vector.broadcast %squeeze3A_276 : f32 to vector<16xf32>
            %mul3A_339 = arith.mulf %mul3A_338, %get3A_300 : vector<16xf32>
            %swap3A_340 = arith.index_cast %squeeze3A_248 : i32 to index
            %swap3A_341 = arith.index_cast %add3A_337 : i32 to index
            %swap3A_342 = tpu.vector_load %arg11[%swap3A_340, %swap3A_341] {strides = array<i32>} : memref<64x1024xf32, #tpu.memory_space<vmem>>, vector<1x16xf32>,
            %swap3A_343 = vector.shape_cast %swap3A_342 : vector<1x16xf32> to vector<16xf32>
            %swap3A_344 = vector.shape_cast %mul3A_339 : vector<16xf32> to vector<1x16xf32>
            tpu.vector_store %arg11[%swap3A_340, %swap3A_341], %swap3A_344 {add = true, strides = array<i32>} : memref<64x1024xf32, #tpu.memory_space<vmem>>, vector<1x16xf32>,
            %mul3A_345 = arith.constant 16 : i32
            %mul3A_346 = arith.muli %scan3A_293, %mul3A_345 : i32
            %add3A_347 = arith.constant 512 : i32
            %add3A_348 = arith.addi %add3A_347, %mul3A_346 : i32
            %mul3A_349 = vector.broadcast %squeeze3A_278 : f32 to vector<16xf32>
            %mul3A_350 = arith.mulf %mul3A_349, %get3A_300 : vector<16xf32>
            %swap3A_351 = arith.index_cast %squeeze3A_248 : i32 to index
            %swap3A_352 = arith.index_cast %add3A_348 : i32 to index
            %swap3A_353 = tpu.vector_load %arg11[%swap3A_351, %swap3A_352] {strides = array<i32>} : memref<64x1024xf32, #tpu.memory_space<vmem>>, vector<1x16xf32>,
            %swap3A_354 = vector.shape_cast %swap3A_353 : vector<1x16xf32> to vector<16xf32>
            %swap3A_355 = vector.shape_cast %mul3A_350 : vector<16xf32> to vector<1x16xf32>
            tpu.vector_store %arg11[%swap3A_351, %swap3A_352], %swap3A_355 {add = true, strides = array<i32>} : memref<64x1024xf32, #tpu.memory_space<vmem>>, vector<1x16xf32>,
            %mul3A_356 = arith.constant 16 : i32
            %mul3A_357 = arith.muli %scan3A_293, %mul3A_356 : i32
            %add3A_358 = arith.constant 640 : i32
            %add3A_359 = arith.addi %add3A_358, %mul3A_357 : i32
            %mul3A_360 = vector.broadcast %squeeze3A_280 : f32 to vector<16xf32>
            %mul3A_361 = arith.mulf %mul3A_360, %get3A_300 : vector<16xf32>
            %swap3A_362 = arith.index_cast %squeeze3A_248 : i32 to index
            %swap3A_363 = arith.index_cast %add3A_359 : i32 to index
            %swap3A_364 = tpu.vector_load %arg11[%swap3A_362, %swap3A_363] {strides = array<i32>} : memref<64x1024xf32, #tpu.memory_space<vmem>>, vector<1x16xf32>,
            %swap3A_365 = vector.shape_cast %swap3A_364 : vector<1x16xf32> to vector<16xf32>
            %swap3A_366 = vector.shape_cast %mul3A_361 : vector<16xf32> to vector<1x16xf32>
            tpu.vector_store %arg11[%swap3A_362, %swap3A_363], %swap3A_366 {add = true, strides = array<i32>} : memref<64x1024xf32, #tpu.memory_space<vmem>>, vector<1x16xf32>,
            %mul3A_367 = arith.constant 16 : i32
            %mul3A_368 = arith.muli %scan3A_293, %mul3A_367 : i32
            %add3A_369 = arith.constant 768 : i32
            %add3A_370 = arith.addi %add3A_369, %mul3A_368 : i32
            %mul3A_371 = vector.broadcast %squeeze3A_282 : f32 to vector<16xf32>
            %mul3A_372 = arith.mulf %mul3A_371, %get3A_300 : vector<16xf32>
            %swap3A_373 = arith.index_cast %squeeze3A_248 : i32 to index
            %swap3A_374 = arith.index_cast %add3A_370 : i32 to index
            %swap3A_375 = tpu.vector_load %arg11[%swap3A_373, %swap3A_374] {strides = array<i32>} : memref<64x1024xf32, #tpu.memory_space<vmem>>, vector<1x16xf32>,
            %swap3A_376 = vector.shape_cast %swap3A_375 : vector<1x16xf32> to vector<16xf32>
            %swap3A_377 = vector.shape_cast %mul3A_372 : vector<16xf32> to vector<1x16xf32>
            tpu.vector_store %arg11[%swap3A_373, %swap3A_374], %swap3A_377 {add = true, strides = array<i32>} : memref<64x1024xf32, #tpu.memory_space<vmem>>, vector<1x16xf32>,
            %mul3A_378 = arith.constant 16 : i32
            %mul3A_379 = arith.muli %scan3A_293, %mul3A_378 : i32
            %add3A_380 = arith.constant 896 : i32
            %add3A_381 = arith.addi %add3A_380, %mul3A_379 : i32
            %mul3A_382 = vector.broadcast %squeeze3A_284 : f32 to vector<16xf32>
            %mul3A_383 = arith.mulf %mul3A_382, %get3A_300 : vector<16xf32>
            %swap3A_384 = arith.index_cast %squeeze3A_248 : i32 to index
            %swap3A_385 = arith.index_cast %add3A_381 : i32 to index
            %swap3A_386 = tpu.vector_load %arg11[%swap3A_384, %swap3A_385] {strides = array<i32>} : memref<64x1024xf32, #tpu.memory_space<vmem>>, vector<1x16xf32>,
            %swap3A_387 = vector.shape_cast %swap3A_386 : vector<1x16xf32> to vector<16xf32>
            %swap3A_388 = vector.shape_cast %mul3A_383 : vector<16xf32> to vector<1x16xf32>
            tpu.vector_store %arg11[%swap3A_384, %swap3A_385], %swap3A_388 {add = true, strides = array<i32>} : memref<64x1024xf32, #tpu.memory_space<vmem>>, vector<1x16xf32>,
            %scan3A_389 = arith.constant 0 : i32
            scf.yield %scan3A_389 : i32
          }
          %scan3A_291 = arith.constant 8 : i32
          %scan3A_292 = arith.constant 0 : i32
          scf.yield %scan3A_292 : i32
        }
        %scan3A_193 = arith.constant 64 : i32
        %add3A_194 = arith.constant 2 : i32
        %add3A_195 = arith.addi %mul3A_171, %add3A_194 : i32
        %add3A_196 = arith.constant 3 : i32
        %add3A_197 = arith.addi %mul3A_171, %add3A_196 : i32
        %min3A_198 = arith.minsi %add3A_197, %select_n3A_105 : i32
        %while3A_199 = arith.constant 0 : i32
        %while3A_200 = arith.subi %min3A_198, %add3A_195 : i32
        %while3A_201 = arith.addi %add3A_195, %while3A_200 : i32
        %while3A_202 = arith.constant 1 : i32
        %while3A_203 = arith.divsi %while3A_200, %while3A_202 : i32
        %while3A_204 = arith.muli %while3A_203, %while3A_202 : i32
        %while3A_205 = arith.addi %add3A_195, %while3A_204 : i32
        %while3A_206 = arith.constant 1 : i32
        %while3A_207 = scf.for %while3A_226 = %add3A_195 to %while3A_205 step %while3A_206 iter_args(%while3A_227 = %while3A_199) -> (i32)  : i32 {
          %mul3A_228 = arith.constant 64 : i32
          %mul3A_229 = arith.muli %while3A_226, %mul3A_228 : i32
          %add3A_230 = arith.addi %mul3A_78, %mul3A_229 : i32
          %mul3A_231 = arith.constant 320064 : i32
          %mul3A_232 = arith.muli %select_n3A_38, %mul3A_231 : i32
          %add3A_233 = arith.addi %mul3A_232, %add3A_230 : i32
          "tpu.region"() ({
            %run_scoped3A = tpu.sem_alloc : memref<!tpu.dma_semaphore, #tpu.memory_space<semaphore_mem>>
            %dma_start3A_238 = tpu.memref_slice %arg4[%add3A_233] : memref<1280256xi32, #tpu.memory_space<hbm>> -> memref<64xi32, #tpu.memory_space<hbm>>
            %dma_start3A_239 = tpu.memref_slice %arg4[%add3A_233] : memref<1280256xi32, #tpu.memory_space<hbm>> -> memref<64xi32, #tpu.memory_space<hbm>>
            tpu.enqueue_dma source(%dma_start3A_239 : memref<64xi32, #tpu.memory_space<hbm>>) target(%arg15 : memref<64xi32, #tpu.memory_space<vmem>>) target_semaphore(%run_scoped3A : memref<!tpu.dma_semaphore, #tpu.memory_space<semaphore_mem>>)
            %dma_wait3A_240 = tpu.memref_slice %arg4[%add3A_233] : memref<1280256xi32, #tpu.memory_space<hbm>> -> memref<64xi32, #tpu.memory_space<hbm>>
            %dma_wait3A_241 = tpu.memref_slice %arg4[%add3A_233] : memref<1280256xi32, #tpu.memory_space<hbm>> -> memref<64xi32, #tpu.memory_space<hbm>>
            tpu.wait_dma2 semaphore(%run_scoped3A : memref<!tpu.dma_semaphore, #tpu.memory_space<semaphore_mem>>) src(%dma_wait3A_241 : memref<64xi32, #tpu.memory_space<hbm>>) dst(%arg15 : memref<64xi32, #tpu.memory_space<vmem>>)
            tpu.yield
          }) : () -> ()
          %dma_start3A_234 = arith.constant 0 : i32
          %dma_start3A_235 = arith.constant 0 : i32
          %dma_start3A_236 = tpu.memref_slice %arg2[%dma_start3A_234, %dma_start3A_235] : memref<40000x256xf32, #tpu.memory_space<hbm>> -> memref<40000x256xf32, #tpu.memory_space<hbm>>
          tpu.enqueue_indirect_dma source(%dma_start3A_236 : memref<40000x256xf32, #tpu.memory_space<hbm>>) target(%arg13 : memref<64x256xf32, #tpu.memory_space<vmem>>) offsets(%arg15 : memref<64xi32, #tpu.memory_space<vmem>>) semaphore(%arg20 : memref<!tpu.dma_semaphore, #tpu.memory_space<semaphore_mem>>)
          %while3A_237 = arith.constant 0 : i32
          scf.yield %while3A_237 : i32
        }
        %while3A_208 = arith.constant 1 : i32
        %while3A_209 = scf.for %while3A_226 = %while3A_205 to %while3A_201 step %while3A_208 iter_args(%while3A_227 = %while3A_207) -> (i32)  : i32 {
          %mul3A_228 = arith.constant 64 : i32
          %mul3A_229 = arith.muli %while3A_226, %mul3A_228 : i32
          %add3A_230 = arith.addi %mul3A_78, %mul3A_229 : i32
          %mul3A_231 = arith.constant 320064 : i32
          %mul3A_232 = arith.muli %select_n3A_38, %mul3A_231 : i32
          %add3A_233 = arith.addi %mul3A_232, %add3A_230 : i32
          "tpu.region"() ({
            %run_scoped3A = tpu.sem_alloc : memref<!tpu.dma_semaphore, #tpu.memory_space<semaphore_mem>>
            %dma_start3A_238 = tpu.memref_slice %arg4[%add3A_233] : memref<1280256xi32, #tpu.memory_space<hbm>> -> memref<64xi32, #tpu.memory_space<hbm>>
            %dma_start3A_239 = tpu.memref_slice %arg4[%add3A_233] : memref<1280256xi32, #tpu.memory_space<hbm>> -> memref<64xi32, #tpu.memory_space<hbm>>
            tpu.enqueue_dma source(%dma_start3A_239 : memref<64xi32, #tpu.memory_space<hbm>>) target(%arg15 : memref<64xi32, #tpu.memory_space<vmem>>) target_semaphore(%run_scoped3A : memref<!tpu.dma_semaphore, #tpu.memory_space<semaphore_mem>>)
            %dma_wait3A_240 = tpu.memref_slice %arg4[%add3A_233] : memref<1280256xi32, #tpu.memory_space<hbm>> -> memref<64xi32, #tpu.memory_space<hbm>>
            %dma_wait3A_241 = tpu.memref_slice %arg4[%add3A_233] : memref<1280256xi32, #tpu.memory_space<hbm>> -> memref<64xi32, #tpu.memory_space<hbm>>
            tpu.wait_dma2 semaphore(%run_scoped3A : memref<!tpu.dma_semaphore, #tpu.memory_space<semaphore_mem>>) src(%dma_wait3A_241 : memref<64xi32, #tpu.memory_space<hbm>>) dst(%arg15 : memref<64xi32, #tpu.memory_space<vmem>>)
            tpu.yield
          }) : () -> ()
          %dma_start3A_234 = arith.constant 0 : i32
          %dma_start3A_235 = arith.constant 0 : i32
          %dma_start3A_236 = tpu.memref_slice %arg2[%dma_start3A_234, %dma_start3A_235] : memref<40000x256xf32, #tpu.memory_space<hbm>> -> memref<40000x256xf32, #tpu.memory_space<hbm>>
          tpu.enqueue_indirect_dma source(%dma_start3A_236 : memref<40000x256xf32, #tpu.memory_space<hbm>>) target(%arg13 : memref<64x256xf32, #tpu.memory_space<vmem>>) offsets(%arg15 : memref<64xi32, #tpu.memory_space<vmem>>) semaphore(%arg20 : memref<!tpu.dma_semaphore, #tpu.memory_space<semaphore_mem>>)
          %while3A_237 = arith.constant 0 : i32
          scf.yield %while3A_237 : i32
        }
        %dma_wait3A_210 = arith.constant 0 : i32
        %dma_wait3A_211 = arith.constant 0 : i32
        %dma_wait3A_212 = tpu.memref_slice %arg2[%dma_wait3A_210, %dma_wait3A_211] : memref<40000x256xf32, #tpu.memory_space<hbm>> -> memref<40000x256xf32, #tpu.memory_space<hbm>>
        tpu.wait_indirect_dma semaphore(%arg21 : memref<!tpu.dma_semaphore, #tpu.memory_space<semaphore_mem>>) src(%dma_wait3A_212 : memref<40000x256xf32, #tpu.memory_space<hbm>>) dst(%arg18 : memref<64x256xf32, #tpu.memory_space<vmem>>)
        %add3A_213 = arith.constant 1 : i32
        %add3A_214 = arith.addi %mul3A_171, %add3A_213 : i32
        %mul3A_215 = arith.constant 64 : i32
        %mul3A_216 = arith.muli %add3A_214, %mul3A_215 : i32
        %add3A_217 = arith.addi %mul3A_78, %mul3A_216 : i32
        "tpu.region"() ({
          %run_scoped3A = tpu.sem_alloc : memref<!tpu.dma_semaphore, #tpu.memory_space<semaphore_mem>>
          %dma_start3A_226 = arith.constant 0 : i32
          %dma_start3A_227 = tpu.memref_slice %arg5[%add3A_217, %dma_start3A_226] : memref<320064x16xi32, #tpu.memory_space<hbm>> -> memref<64x16xi32, #tpu.memory_space<hbm>>
          %dma_start3A_228 = arith.constant 0 : i32
          %dma_start3A_229 = tpu.memref_slice %arg5[%add3A_217, %dma_start3A_228] : memref<320064x16xi32, #tpu.memory_space<hbm>> -> memref<64x16xi32, #tpu.memory_space<hbm>>
          tpu.enqueue_dma source(%dma_start3A_229 : memref<64x16xi32, #tpu.memory_space<hbm>>) target(%arg16 : memref<64x16xi32, #tpu.memory_space<vmem>>) target_semaphore(%run_scoped3A : memref<!tpu.dma_semaphore, #tpu.memory_space<semaphore_mem>>)
          %dma_wait3A_230 = arith.constant 0 : i32
          %dma_wait3A_231 = tpu.memref_slice %arg5[%add3A_217, %dma_wait3A_230] : memref<320064x16xi32, #tpu.memory_space<hbm>> -> memref<64x16xi32, #tpu.memory_space<hbm>>
          %dma_wait3A_232 = arith.constant 0 : i32
          %dma_wait3A_233 = tpu.memref_slice %arg5[%add3A_217, %dma_wait3A_232] : memref<320064x16xi32, #tpu.memory_space<hbm>> -> memref<64x16xi32, #tpu.memory_space<hbm>>
          tpu.wait_dma2 semaphore(%run_scoped3A : memref<!tpu.dma_semaphore, #tpu.memory_space<semaphore_mem>>) src(%dma_wait3A_233 : memref<64x16xi32, #tpu.memory_space<hbm>>) dst(%arg16 : memref<64x16xi32, #tpu.memory_space<vmem>>)
          tpu.yield
        }) : () -> ()
        %scan3A_218 = arith.constant 0 : i32
        %scan3A_219 = arith.constant 0 : i32
        %scan3A_220 = arith.constant 64 : i32
        %scan3A_221 = arith.addi %scan3A_219, %scan3A_220 : i32
        %scan3A_222 = arith.constant 1 : i32
        %scan3A_223 = scf.for %scan3A_226 = %scan3A_219 to %scan3A_221 step %scan3A_222 iter_args(%scan3A_227 = %scan3A_218) -> (i32)  : i32 {
          %get3A_228 = arith.index_cast %scan3A_226 : i32 to index
          %get3A_229 = arith.constant 0 : index
          %get3A_230 = tpu.vector_load %arg16[%get3A_228, %get3A_229] {strides = array<i32>} : memref<64x16xi32, #tpu.memory_space<vmem>>, vector<1x16xi32>,
          %get3A_231 = vector.shape_cast %get3A_230 : vector<1x16xi32> to vector<16xi32>
          %sub3A_232 = vector.broadcast %mul3A_52 : i32 to vector<16xi32>
          %sub3A_233 = arith.subi %get3A_231, %sub3A_232 : vector<16xi32>
          %ge3A = arith.constant 0 : i32
          %ge3A_234 = vector.broadcast %ge3A : i32 to vector<16xi32>
          %ge3A_235 = arith.cmpi sge, %sub3A_233, %ge3A_234 : vector<16xi32>
          %lt3A_236 = arith.constant 64 : i32
          %lt3A_237 = vector.broadcast %lt3A_236 : i32 to vector<16xi32>
          %lt3A_238 = arith.cmpi slt, %sub3A_233, %lt3A_237 : vector<16xi32>
          %and3A_239 = arith.andi %ge3A_235, %lt3A_238 : vector<16xi1>
          %jit3A_240 = arith.constant 0 : i32
          %broadcast_in_dim3A = vector.broadcast %jit3A_240 : i32 to vector<16xi32>
          %select_n3A_241 = arith.select %and3A_239, %sub3A_233, %broadcast_in_dim3A : vector<16xi1>, vector<16xi32>
          %jit3A_242 = arith.constant 1.000000e+00 : f32
          %jit3A_243 = arith.constant 0.000000e+00 : f32
          %broadcast_in_dim3A_244 = vector.broadcast %jit3A_242 : f32 to vector<16xf32>
          %broadcast_in_dim3A_245 = vector.broadcast %jit3A_243 : f32 to vector<16xf32>
          %select_n3A_246 = arith.select %and3A_239, %broadcast_in_dim3A_244, %broadcast_in_dim3A_245 : vector<16xi1>, vector<16xf32>
          %slice3A_247 = vector.extract_strided_slice %select_n3A_241 {offsets = [0], sizes = [1], strides = [1]} : vector<16xi32> to vector<1xi32>
          %squeeze3A_248 = vector.extract %slice3A_247[0] : i32 from vector<1xi32>
          %get3A_249 = arith.index_cast %squeeze3A_248 : i32 to index
          %get3A_250 = arith.constant 0 : index
          %get3A_251 = tpu.vector_load %arg14[%get3A_249, %get3A_250] {strides = array<i32>} : memref<64x16xf32, #tpu.memory_space<vmem>>, vector<1x16xf32>,
          %get3A_252 = vector.shape_cast %get3A_251 : vector<1x16xf32> to vector<16xf32>
          %get3A_253 = arith.index_cast %scan3A_226 : i32 to index
          %get3A_254 = arith.constant 128 : index
          %get3A_255 = tpu.vector_load %arg18[%get3A_253, %get3A_254] {strides = array<i32>} : memref<64x256xf32, #tpu.memory_space<vmem>>, vector<1x16xf32>,
          %get3A_256 = vector.shape_cast %get3A_255 : vector<1x16xf32> to vector<16xf32>
          %add3A_257 = arith.addf %get3A_256, %get3A_252 : vector<16xf32>
          %gt3A = arith.constant 0.000000e+00 : f32
          %gt3A_258 = vector.broadcast %gt3A : f32 to vector<16xf32>
          %gt3A_259 = arith.cmpf ogt, %add3A_257, %gt3A_258 : vector<16xf32>
          %mul3A_260 = arith.constant 2.000000e-01 : f32
          %mul3A_261 = vector.broadcast %mul3A_260 : f32 to vector<16xf32>
          %mul3A_262 = arith.mulf %mul3A_261, %add3A_257 : vector<16xf32>
          %select_n3A_263 = arith.select %gt3A_259, %add3A_257, %mul3A_262 : vector<16xi1>, vector<16xf32>
          %exp3A = math.exp %select_n3A_263 : vector<16xf32>
          %mul3A_264 = arith.mulf %exp3A, %select_n3A_246 : vector<16xf32>
          %swap3A = arith.index_cast %squeeze3A_248 : i32 to index
          %swap3A_265 = arith.constant 0 : index
          %swap3A_266 = tpu.vector_load %arg12[%swap3A, %swap3A_265] {strides = array<i32>} : memref<64x16xf32, #tpu.memory_space<vmem>>, vector<1x16xf32>,
          %swap3A_267 = vector.shape_cast %swap3A_266 : vector<1x16xf32> to vector<16xf32>
          %swap3A_268 = vector.shape_cast %mul3A_264 : vector<16xf32> to vector<1x16xf32>
          tpu.vector_store %arg12[%swap3A, %swap3A_265], %swap3A_268 {add = true, strides = array<i32>} : memref<64x16xf32, #tpu.memory_space<vmem>>, vector<1x16xf32>,
          %slice3A_269 = vector.extract_strided_slice %mul3A_264 {offsets = [0], sizes = [1], strides = [1]} : vector<16xf32> to vector<1xf32>
          %squeeze3A_270 = vector.extract %slice3A_269[0] : f32 from vector<1xf32>
          %slice3A_271 = vector.extract_strided_slice %mul3A_264 {offsets = [1], sizes = [1], strides = [1]} : vector<16xf32> to vector<1xf32>
          %squeeze3A_272 = vector.extract %slice3A_271[0] : f32 from vector<1xf32>
          %slice3A_273 = vector.extract_strided_slice %mul3A_264 {offsets = [2], sizes = [1], strides = [1]} : vector<16xf32> to vector<1xf32>
          %squeeze3A_274 = vector.extract %slice3A_273[0] : f32 from vector<1xf32>
          %slice3A_275 = vector.extract_strided_slice %mul3A_264 {offsets = [3], sizes = [1], strides = [1]} : vector<16xf32> to vector<1xf32>
          %squeeze3A_276 = vector.extract %slice3A_275[0] : f32 from vector<1xf32>
          %slice3A_277 = vector.extract_strided_slice %mul3A_264 {offsets = [4], sizes = [1], strides = [1]} : vector<16xf32> to vector<1xf32>
          %squeeze3A_278 = vector.extract %slice3A_277[0] : f32 from vector<1xf32>
          %slice3A_279 = vector.extract_strided_slice %mul3A_264 {offsets = [5], sizes = [1], strides = [1]} : vector<16xf32> to vector<1xf32>
          %squeeze3A_280 = vector.extract %slice3A_279[0] : f32 from vector<1xf32>
          %slice3A_281 = vector.extract_strided_slice %mul3A_264 {offsets = [6], sizes = [1], strides = [1]} : vector<16xf32> to vector<1xf32>
          %squeeze3A_282 = vector.extract %slice3A_281[0] : f32 from vector<1xf32>
          %slice3A_283 = vector.extract_strided_slice %mul3A_264 {offsets = [7], sizes = [1], strides = [1]} : vector<16xf32> to vector<1xf32>
          %squeeze3A_284 = vector.extract %slice3A_283[0] : f32 from vector<1xf32>
          %scan3A_285 = arith.constant 0 : i32
          %scan3A_286 = arith.constant 0 : i32
          %scan3A_287 = arith.constant 8 : i32
          %scan3A_288 = arith.addi %scan3A_286, %scan3A_287 : i32
          %scan3A_289 = arith.constant 1 : i32
          %scan3A_290 = scf.for %scan3A_293 = %scan3A_286 to %scan3A_288 step %scan3A_289 iter_args(%scan3A_294 = %scan3A_285) -> (i32)  : i32 {
            %mul3A_295 = arith.constant 16 : i32
            %mul3A_296 = arith.muli %scan3A_293, %mul3A_295 : i32
            %get3A_297 = arith.index_cast %scan3A_226 : i32 to index
            %get3A_298 = arith.index_cast %mul3A_296 : i32 to index
            %get3A_299 = tpu.vector_load %arg18[%get3A_297, %get3A_298] {strides = array<i32>} : memref<64x256xf32, #tpu.memory_space<vmem>>, vector<1x16xf32>,
            %get3A_300 = vector.shape_cast %get3A_299 : vector<1x16xf32> to vector<16xf32>
            %mul3A_301 = arith.constant 16 : i32
            %mul3A_302 = arith.muli %scan3A_293, %mul3A_301 : i32
            %add3A_303 = arith.constant 0 : i32
            %add3A_304 = arith.addi %add3A_303, %mul3A_302 : i32
            %mul3A_305 = vector.broadcast %squeeze3A_270 : f32 to vector<16xf32>
            %mul3A_306 = arith.mulf %mul3A_305, %get3A_300 : vector<16xf32>
            %swap3A_307 = arith.index_cast %squeeze3A_248 : i32 to index
            %swap3A_308 = arith.index_cast %add3A_304 : i32 to index
            %swap3A_309 = tpu.vector_load %arg11[%swap3A_307, %swap3A_308] {strides = array<i32>} : memref<64x1024xf32, #tpu.memory_space<vmem>>, vector<1x16xf32>,
            %swap3A_310 = vector.shape_cast %swap3A_309 : vector<1x16xf32> to vector<16xf32>
            %swap3A_311 = vector.shape_cast %mul3A_306 : vector<16xf32> to vector<1x16xf32>
            tpu.vector_store %arg11[%swap3A_307, %swap3A_308], %swap3A_311 {add = true, strides = array<i32>} : memref<64x1024xf32, #tpu.memory_space<vmem>>, vector<1x16xf32>,
            %mul3A_312 = arith.constant 16 : i32
            %mul3A_313 = arith.muli %scan3A_293, %mul3A_312 : i32
            %add3A_314 = arith.constant 128 : i32
            %add3A_315 = arith.addi %add3A_314, %mul3A_313 : i32
            %mul3A_316 = vector.broadcast %squeeze3A_272 : f32 to vector<16xf32>
            %mul3A_317 = arith.mulf %mul3A_316, %get3A_300 : vector<16xf32>
            %swap3A_318 = arith.index_cast %squeeze3A_248 : i32 to index
            %swap3A_319 = arith.index_cast %add3A_315 : i32 to index
            %swap3A_320 = tpu.vector_load %arg11[%swap3A_318, %swap3A_319] {strides = array<i32>} : memref<64x1024xf32, #tpu.memory_space<vmem>>, vector<1x16xf32>,
            %swap3A_321 = vector.shape_cast %swap3A_320 : vector<1x16xf32> to vector<16xf32>
            %swap3A_322 = vector.shape_cast %mul3A_317 : vector<16xf32> to vector<1x16xf32>
            tpu.vector_store %arg11[%swap3A_318, %swap3A_319], %swap3A_322 {add = true, strides = array<i32>} : memref<64x1024xf32, #tpu.memory_space<vmem>>, vector<1x16xf32>,
            %mul3A_323 = arith.constant 16 : i32
            %mul3A_324 = arith.muli %scan3A_293, %mul3A_323 : i32
            %add3A_325 = arith.constant 256 : i32
            %add3A_326 = arith.addi %add3A_325, %mul3A_324 : i32
            %mul3A_327 = vector.broadcast %squeeze3A_274 : f32 to vector<16xf32>
            %mul3A_328 = arith.mulf %mul3A_327, %get3A_300 : vector<16xf32>
            %swap3A_329 = arith.index_cast %squeeze3A_248 : i32 to index
            %swap3A_330 = arith.index_cast %add3A_326 : i32 to index
            %swap3A_331 = tpu.vector_load %arg11[%swap3A_329, %swap3A_330] {strides = array<i32>} : memref<64x1024xf32, #tpu.memory_space<vmem>>, vector<1x16xf32>,
            %swap3A_332 = vector.shape_cast %swap3A_331 : vector<1x16xf32> to vector<16xf32>
            %swap3A_333 = vector.shape_cast %mul3A_328 : vector<16xf32> to vector<1x16xf32>
            tpu.vector_store %arg11[%swap3A_329, %swap3A_330], %swap3A_333 {add = true, strides = array<i32>} : memref<64x1024xf32, #tpu.memory_space<vmem>>, vector<1x16xf32>,
            %mul3A_334 = arith.constant 16 : i32
            %mul3A_335 = arith.muli %scan3A_293, %mul3A_334 : i32
            %add3A_336 = arith.constant 384 : i32
            %add3A_337 = arith.addi %add3A_336, %mul3A_335 : i32
            %mul3A_338 = vector.broadcast %squeeze3A_276 : f32 to vector<16xf32>
            %mul3A_339 = arith.mulf %mul3A_338, %get3A_300 : vector<16xf32>
            %swap3A_340 = arith.index_cast %squeeze3A_248 : i32 to index
            %swap3A_341 = arith.index_cast %add3A_337 : i32 to index
            %swap3A_342 = tpu.vector_load %arg11[%swap3A_340, %swap3A_341] {strides = array<i32>} : memref<64x1024xf32, #tpu.memory_space<vmem>>, vector<1x16xf32>,
            %swap3A_343 = vector.shape_cast %swap3A_342 : vector<1x16xf32> to vector<16xf32>
            %swap3A_344 = vector.shape_cast %mul3A_339 : vector<16xf32> to vector<1x16xf32>
            tpu.vector_store %arg11[%swap3A_340, %swap3A_341], %swap3A_344 {add = true, strides = array<i32>} : memref<64x1024xf32, #tpu.memory_space<vmem>>, vector<1x16xf32>,
            %mul3A_345 = arith.constant 16 : i32
            %mul3A_346 = arith.muli %scan3A_293, %mul3A_345 : i32
            %add3A_347 = arith.constant 512 : i32
            %add3A_348 = arith.addi %add3A_347, %mul3A_346 : i32
            %mul3A_349 = vector.broadcast %squeeze3A_278 : f32 to vector<16xf32>
            %mul3A_350 = arith.mulf %mul3A_349, %get3A_300 : vector<16xf32>
            %swap3A_351 = arith.index_cast %squeeze3A_248 : i32 to index
            %swap3A_352 = arith.index_cast %add3A_348 : i32 to index
            %swap3A_353 = tpu.vector_load %arg11[%swap3A_351, %swap3A_352] {strides = array<i32>} : memref<64x1024xf32, #tpu.memory_space<vmem>>, vector<1x16xf32>,
            %swap3A_354 = vector.shape_cast %swap3A_353 : vector<1x16xf32> to vector<16xf32>
            %swap3A_355 = vector.shape_cast %mul3A_350 : vector<16xf32> to vector<1x16xf32>
            tpu.vector_store %arg11[%swap3A_351, %swap3A_352], %swap3A_355 {add = true, strides = array<i32>} : memref<64x1024xf32, #tpu.memory_space<vmem>>, vector<1x16xf32>,
            %mul3A_356 = arith.constant 16 : i32
            %mul3A_357 = arith.muli %scan3A_293, %mul3A_356 : i32
            %add3A_358 = arith.constant 640 : i32
            %add3A_359 = arith.addi %add3A_358, %mul3A_357 : i32
            %mul3A_360 = vector.broadcast %squeeze3A_280 : f32 to vector<16xf32>
            %mul3A_361 = arith.mulf %mul3A_360, %get3A_300 : vector<16xf32>
            %swap3A_362 = arith.index_cast %squeeze3A_248 : i32 to index
            %swap3A_363 = arith.index_cast %add3A_359 : i32 to index
            %swap3A_364 = tpu.vector_load %arg11[%swap3A_362, %swap3A_363] {strides = array<i32>} : memref<64x1024xf32, #tpu.memory_space<vmem>>, vector<1x16xf32>,
            %swap3A_365 = vector.shape_cast %swap3A_364 : vector<1x16xf32> to vector<16xf32>
            %swap3A_366 = vector.shape_cast %mul3A_361 : vector<16xf32> to vector<1x16xf32>
            tpu.vector_store %arg11[%swap3A_362, %swap3A_363], %swap3A_366 {add = true, strides = array<i32>} : memref<64x1024xf32, #tpu.memory_space<vmem>>, vector<1x16xf32>,
            %mul3A_367 = arith.constant 16 : i32
            %mul3A_368 = arith.muli %scan3A_293, %mul3A_367 : i32
            %add3A_369 = arith.constant 768 : i32
            %add3A_370 = arith.addi %add3A_369, %mul3A_368 : i32
            %mul3A_371 = vector.broadcast %squeeze3A_282 : f32 to vector<16xf32>
            %mul3A_372 = arith.mulf %mul3A_371, %get3A_300 : vector<16xf32>
            %swap3A_373 = arith.index_cast %squeeze3A_248 : i32 to index
            %swap3A_374 = arith.index_cast %add3A_370 : i32 to index
            %swap3A_375 = tpu.vector_load %arg11[%swap3A_373, %swap3A_374] {strides = array<i32>} : memref<64x1024xf32, #tpu.memory_space<vmem>>, vector<1x16xf32>,
            %swap3A_376 = vector.shape_cast %swap3A_375 : vector<1x16xf32> to vector<16xf32>
            %swap3A_377 = vector.shape_cast %mul3A_372 : vector<16xf32> to vector<1x16xf32>
            tpu.vector_store %arg11[%swap3A_373, %swap3A_374], %swap3A_377 {add = true, strides = array<i32>} : memref<64x1024xf32, #tpu.memory_space<vmem>>, vector<1x16xf32>,
            %mul3A_378 = arith.constant 16 : i32
            %mul3A_379 = arith.muli %scan3A_293, %mul3A_378 : i32
            %add3A_380 = arith.constant 896 : i32
            %add3A_381 = arith.addi %add3A_380, %mul3A_379 : i32
            %mul3A_382 = vector.broadcast %squeeze3A_284 : f32 to vector<16xf32>
            %mul3A_383 = arith.mulf %mul3A_382, %get3A_300 : vector<16xf32>
            %swap3A_384 = arith.index_cast %squeeze3A_248 : i32 to index
            %swap3A_385 = arith.index_cast %add3A_381 : i32 to index
            %swap3A_386 = tpu.vector_load %arg11[%swap3A_384, %swap3A_385] {strides = array<i32>} : memref<64x1024xf32, #tpu.memory_space<vmem>>, vector<1x16xf32>,
            %swap3A_387 = vector.shape_cast %swap3A_386 : vector<1x16xf32> to vector<16xf32>
            %swap3A_388 = vector.shape_cast %mul3A_383 : vector<16xf32> to vector<1x16xf32>
            tpu.vector_store %arg11[%swap3A_384, %swap3A_385], %swap3A_388 {add = true, strides = array<i32>} : memref<64x1024xf32, #tpu.memory_space<vmem>>, vector<1x16xf32>,
            %scan3A_389 = arith.constant 0 : i32
            scf.yield %scan3A_389 : i32
          }
          %scan3A_291 = arith.constant 8 : i32
          %scan3A_292 = arith.constant 0 : i32
          scf.yield %scan3A_292 : i32
        }
        %scan3A_224 = arith.constant 64 : i32
        %while3A_225 = arith.constant 0 : i32
        scf.yield %while3A_225 : i32
      }
      %while3A_152 = arith.constant 1 : i32
      %while3A_153 = scf.for %while3A_168 = %while3A_149 to %while3A_145 step %while3A_152 iter_args(%while3A_169 = %while3A_151) -> (i32)  : i32 {
        %mul3A_170 = arith.constant 2 : i32
        %mul3A_171 = arith.muli %mul3A_170, %while3A_168 : i32
        %add3A_172 = arith.constant 1 : i32
        %add3A_173 = arith.addi %mul3A_171, %add3A_172 : i32
        %mul3A_174 = arith.constant 64 : i32
        %mul3A_175 = arith.muli %add3A_173, %mul3A_174 : i32
        %add3A_176 = arith.addi %mul3A_78, %mul3A_175 : i32
        %mul3A_177 = arith.constant 320064 : i32
        %mul3A_178 = arith.muli %select_n3A_38, %mul3A_177 : i32
        %add3A_179 = arith.addi %mul3A_178, %add3A_176 : i32
        "tpu.region"() ({
          %run_scoped3A = tpu.sem_alloc : memref<!tpu.dma_semaphore, #tpu.memory_space<semaphore_mem>>
          %dma_start3A_226 = tpu.memref_slice %arg4[%add3A_179] : memref<1280256xi32, #tpu.memory_space<hbm>> -> memref<64xi32, #tpu.memory_space<hbm>>
          %dma_start3A_227 = tpu.memref_slice %arg4[%add3A_179] : memref<1280256xi32, #tpu.memory_space<hbm>> -> memref<64xi32, #tpu.memory_space<hbm>>
          tpu.enqueue_dma source(%dma_start3A_227 : memref<64xi32, #tpu.memory_space<hbm>>) target(%arg19 : memref<64xi32, #tpu.memory_space<vmem>>) target_semaphore(%run_scoped3A : memref<!tpu.dma_semaphore, #tpu.memory_space<semaphore_mem>>)
          %dma_wait3A_228 = tpu.memref_slice %arg4[%add3A_179] : memref<1280256xi32, #tpu.memory_space<hbm>> -> memref<64xi32, #tpu.memory_space<hbm>>
          %dma_wait3A_229 = tpu.memref_slice %arg4[%add3A_179] : memref<1280256xi32, #tpu.memory_space<hbm>> -> memref<64xi32, #tpu.memory_space<hbm>>
          tpu.wait_dma2 semaphore(%run_scoped3A : memref<!tpu.dma_semaphore, #tpu.memory_space<semaphore_mem>>) src(%dma_wait3A_229 : memref<64xi32, #tpu.memory_space<hbm>>) dst(%arg19 : memref<64xi32, #tpu.memory_space<vmem>>)
          tpu.yield
        }) : () -> ()
        %dma_start3A = arith.constant 0 : i32
        %dma_start3A_180 = arith.constant 0 : i32
        %dma_start3A_181 = tpu.memref_slice %arg2[%dma_start3A, %dma_start3A_180] : memref<40000x256xf32, #tpu.memory_space<hbm>> -> memref<40000x256xf32, #tpu.memory_space<hbm>>
        tpu.enqueue_indirect_dma source(%dma_start3A_181 : memref<40000x256xf32, #tpu.memory_space<hbm>>) target(%arg18 : memref<64x256xf32, #tpu.memory_space<vmem>>) offsets(%arg19 : memref<64xi32, #tpu.memory_space<vmem>>) semaphore(%arg21 : memref<!tpu.dma_semaphore, #tpu.memory_space<semaphore_mem>>)
        %dma_wait3A = arith.constant 0 : i32
        %dma_wait3A_182 = arith.constant 0 : i32
        %dma_wait3A_183 = tpu.memref_slice %arg2[%dma_wait3A, %dma_wait3A_182] : memref<40000x256xf32, #tpu.memory_space<hbm>> -> memref<40000x256xf32, #tpu.memory_space<hbm>>
        tpu.wait_indirect_dma semaphore(%arg20 : memref<!tpu.dma_semaphore, #tpu.memory_space<semaphore_mem>>) src(%dma_wait3A_183 : memref<40000x256xf32, #tpu.memory_space<hbm>>) dst(%arg13 : memref<64x256xf32, #tpu.memory_space<vmem>>)
        %mul3A_184 = arith.constant 64 : i32
        %mul3A_185 = arith.muli %mul3A_171, %mul3A_184 : i32
        %add3A_186 = arith.addi %mul3A_78, %mul3A_185 : i32
        "tpu.region"() ({
          %run_scoped3A = tpu.sem_alloc : memref<!tpu.dma_semaphore, #tpu.memory_space<semaphore_mem>>
          %dma_start3A_226 = arith.constant 0 : i32
          %dma_start3A_227 = tpu.memref_slice %arg5[%add3A_186, %dma_start3A_226] : memref<320064x16xi32, #tpu.memory_space<hbm>> -> memref<64x16xi32, #tpu.memory_space<hbm>>
          %dma_start3A_228 = arith.constant 0 : i32
          %dma_start3A_229 = tpu.memref_slice %arg5[%add3A_186, %dma_start3A_228] : memref<320064x16xi32, #tpu.memory_space<hbm>> -> memref<64x16xi32, #tpu.memory_space<hbm>>
          tpu.enqueue_dma source(%dma_start3A_229 : memref<64x16xi32, #tpu.memory_space<hbm>>) target(%arg16 : memref<64x16xi32, #tpu.memory_space<vmem>>) target_semaphore(%run_scoped3A : memref<!tpu.dma_semaphore, #tpu.memory_space<semaphore_mem>>)
          %dma_wait3A_230 = arith.constant 0 : i32
          %dma_wait3A_231 = tpu.memref_slice %arg5[%add3A_186, %dma_wait3A_230] : memref<320064x16xi32, #tpu.memory_space<hbm>> -> memref<64x16xi32, #tpu.memory_space<hbm>>
          %dma_wait3A_232 = arith.constant 0 : i32
          %dma_wait3A_233 = tpu.memref_slice %arg5[%add3A_186, %dma_wait3A_232] : memref<320064x16xi32, #tpu.memory_space<hbm>> -> memref<64x16xi32, #tpu.memory_space<hbm>>
          tpu.wait_dma2 semaphore(%run_scoped3A : memref<!tpu.dma_semaphore, #tpu.memory_space<semaphore_mem>>) src(%dma_wait3A_233 : memref<64x16xi32, #tpu.memory_space<hbm>>) dst(%arg16 : memref<64x16xi32, #tpu.memory_space<vmem>>)
          tpu.yield
        }) : () -> ()
        %scan3A_187 = arith.constant 0 : i32
        %scan3A_188 = arith.constant 0 : i32
        %scan3A_189 = arith.constant 64 : i32
        %scan3A_190 = arith.addi %scan3A_188, %scan3A_189 : i32
        %scan3A_191 = arith.constant 1 : i32
        %scan3A_192 = scf.for %scan3A_226 = %scan3A_188 to %scan3A_190 step %scan3A_191 iter_args(%scan3A_227 = %scan3A_187) -> (i32)  : i32 {
          %get3A_228 = arith.index_cast %scan3A_226 : i32 to index
          %get3A_229 = arith.constant 0 : index
          %get3A_230 = tpu.vector_load %arg16[%get3A_228, %get3A_229] {strides = array<i32>} : memref<64x16xi32, #tpu.memory_space<vmem>>, vector<1x16xi32>,
          %get3A_231 = vector.shape_cast %get3A_230 : vector<1x16xi32> to vector<16xi32>
          %sub3A_232 = vector.broadcast %mul3A_52 : i32 to vector<16xi32>
          %sub3A_233 = arith.subi %get3A_231, %sub3A_232 : vector<16xi32>
          %ge3A = arith.constant 0 : i32
          %ge3A_234 = vector.broadcast %ge3A : i32 to vector<16xi32>
          %ge3A_235 = arith.cmpi sge, %sub3A_233, %ge3A_234 : vector<16xi32>
          %lt3A_236 = arith.constant 64 : i32
          %lt3A_237 = vector.broadcast %lt3A_236 : i32 to vector<16xi32>
          %lt3A_238 = arith.cmpi slt, %sub3A_233, %lt3A_237 : vector<16xi32>
          %and3A_239 = arith.andi %ge3A_235, %lt3A_238 : vector<16xi1>
          %jit3A_240 = arith.constant 0 : i32
          %broadcast_in_dim3A = vector.broadcast %jit3A_240 : i32 to vector<16xi32>
          %select_n3A_241 = arith.select %and3A_239, %sub3A_233, %broadcast_in_dim3A : vector<16xi1>, vector<16xi32>
          %jit3A_242 = arith.constant 1.000000e+00 : f32
          %jit3A_243 = arith.constant 0.000000e+00 : f32
          %broadcast_in_dim3A_244 = vector.broadcast %jit3A_242 : f32 to vector<16xf32>
          %broadcast_in_dim3A_245 = vector.broadcast %jit3A_243 : f32 to vector<16xf32>
          %select_n3A_246 = arith.select %and3A_239, %broadcast_in_dim3A_244, %broadcast_in_dim3A_245 : vector<16xi1>, vector<16xf32>
          %slice3A_247 = vector.extract_strided_slice %select_n3A_241 {offsets = [0], sizes = [1], strides = [1]} : vector<16xi32> to vector<1xi32>
          %squeeze3A_248 = vector.extract %slice3A_247[0] : i32 from vector<1xi32>
          %get3A_249 = arith.index_cast %squeeze3A_248 : i32 to index
          %get3A_250 = arith.constant 0 : index
          %get3A_251 = tpu.vector_load %arg14[%get3A_249, %get3A_250] {strides = array<i32>} : memref<64x16xf32, #tpu.memory_space<vmem>>, vector<1x16xf32>,
          %get3A_252 = vector.shape_cast %get3A_251 : vector<1x16xf32> to vector<16xf32>
          %get3A_253 = arith.index_cast %scan3A_226 : i32 to index
          %get3A_254 = arith.constant 128 : index
          %get3A_255 = tpu.vector_load %arg13[%get3A_253, %get3A_254] {strides = array<i32>} : memref<64x256xf32, #tpu.memory_space<vmem>>, vector<1x16xf32>,
          %get3A_256 = vector.shape_cast %get3A_255 : vector<1x16xf32> to vector<16xf32>
          %add3A_257 = arith.addf %get3A_256, %get3A_252 : vector<16xf32>
          %gt3A = arith.constant 0.000000e+00 : f32
          %gt3A_258 = vector.broadcast %gt3A : f32 to vector<16xf32>
          %gt3A_259 = arith.cmpf ogt, %add3A_257, %gt3A_258 : vector<16xf32>
          %mul3A_260 = arith.constant 2.000000e-01 : f32
          %mul3A_261 = vector.broadcast %mul3A_260 : f32 to vector<16xf32>
          %mul3A_262 = arith.mulf %mul3A_261, %add3A_257 : vector<16xf32>
          %select_n3A_263 = arith.select %gt3A_259, %add3A_257, %mul3A_262 : vector<16xi1>, vector<16xf32>
          %exp3A = math.exp %select_n3A_263 : vector<16xf32>
          %mul3A_264 = arith.mulf %exp3A, %select_n3A_246 : vector<16xf32>
          %swap3A = arith.index_cast %squeeze3A_248 : i32 to index
          %swap3A_265 = arith.constant 0 : index
          %swap3A_266 = tpu.vector_load %arg12[%swap3A, %swap3A_265] {strides = array<i32>} : memref<64x16xf32, #tpu.memory_space<vmem>>, vector<1x16xf32>,
          %swap3A_267 = vector.shape_cast %swap3A_266 : vector<1x16xf32> to vector<16xf32>
          %swap3A_268 = vector.shape_cast %mul3A_264 : vector<16xf32> to vector<1x16xf32>
          tpu.vector_store %arg12[%swap3A, %swap3A_265], %swap3A_268 {add = true, strides = array<i32>} : memref<64x16xf32, #tpu.memory_space<vmem>>, vector<1x16xf32>,
          %slice3A_269 = vector.extract_strided_slice %mul3A_264 {offsets = [0], sizes = [1], strides = [1]} : vector<16xf32> to vector<1xf32>
          %squeeze3A_270 = vector.extract %slice3A_269[0] : f32 from vector<1xf32>
          %slice3A_271 = vector.extract_strided_slice %mul3A_264 {offsets = [1], sizes = [1], strides = [1]} : vector<16xf32> to vector<1xf32>
          %squeeze3A_272 = vector.extract %slice3A_271[0] : f32 from vector<1xf32>
          %slice3A_273 = vector.extract_strided_slice %mul3A_264 {offsets = [2], sizes = [1], strides = [1]} : vector<16xf32> to vector<1xf32>
          %squeeze3A_274 = vector.extract %slice3A_273[0] : f32 from vector<1xf32>
          %slice3A_275 = vector.extract_strided_slice %mul3A_264 {offsets = [3], sizes = [1], strides = [1]} : vector<16xf32> to vector<1xf32>
          %squeeze3A_276 = vector.extract %slice3A_275[0] : f32 from vector<1xf32>
          %slice3A_277 = vector.extract_strided_slice %mul3A_264 {offsets = [4], sizes = [1], strides = [1]} : vector<16xf32> to vector<1xf32>
          %squeeze3A_278 = vector.extract %slice3A_277[0] : f32 from vector<1xf32>
          %slice3A_279 = vector.extract_strided_slice %mul3A_264 {offsets = [5], sizes = [1], strides = [1]} : vector<16xf32> to vector<1xf32>
          %squeeze3A_280 = vector.extract %slice3A_279[0] : f32 from vector<1xf32>
          %slice3A_281 = vector.extract_strided_slice %mul3A_264 {offsets = [6], sizes = [1], strides = [1]} : vector<16xf32> to vector<1xf32>
          %squeeze3A_282 = vector.extract %slice3A_281[0] : f32 from vector<1xf32>
          %slice3A_283 = vector.extract_strided_slice %mul3A_264 {offsets = [7], sizes = [1], strides = [1]} : vector<16xf32> to vector<1xf32>
          %squeeze3A_284 = vector.extract %slice3A_283[0] : f32 from vector<1xf32>
          %scan3A_285 = arith.constant 0 : i32
          %scan3A_286 = arith.constant 0 : i32
          %scan3A_287 = arith.constant 8 : i32
          %scan3A_288 = arith.addi %scan3A_286, %scan3A_287 : i32
          %scan3A_289 = arith.constant 1 : i32
          %scan3A_290 = scf.for %scan3A_293 = %scan3A_286 to %scan3A_288 step %scan3A_289 iter_args(%scan3A_294 = %scan3A_285) -> (i32)  : i32 {
            %mul3A_295 = arith.constant 16 : i32
            %mul3A_296 = arith.muli %scan3A_293, %mul3A_295 : i32
            %get3A_297 = arith.index_cast %scan3A_226 : i32 to index
            %get3A_298 = arith.index_cast %mul3A_296 : i32 to index
            %get3A_299 = tpu.vector_load %arg13[%get3A_297, %get3A_298] {strides = array<i32>} : memref<64x256xf32, #tpu.memory_space<vmem>>, vector<1x16xf32>,
            %get3A_300 = vector.shape_cast %get3A_299 : vector<1x16xf32> to vector<16xf32>
            %mul3A_301 = arith.constant 16 : i32
            %mul3A_302 = arith.muli %scan3A_293, %mul3A_301 : i32
            %add3A_303 = arith.constant 0 : i32
            %add3A_304 = arith.addi %add3A_303, %mul3A_302 : i32
            %mul3A_305 = vector.broadcast %squeeze3A_270 : f32 to vector<16xf32>
            %mul3A_306 = arith.mulf %mul3A_305, %get3A_300 : vector<16xf32>
            %swap3A_307 = arith.index_cast %squeeze3A_248 : i32 to index
            %swap3A_308 = arith.index_cast %add3A_304 : i32 to index
            %swap3A_309 = tpu.vector_load %arg11[%swap3A_307, %swap3A_308] {strides = array<i32>} : memref<64x1024xf32, #tpu.memory_space<vmem>>, vector<1x16xf32>,
            %swap3A_310 = vector.shape_cast %swap3A_309 : vector<1x16xf32> to vector<16xf32>
            %swap3A_311 = vector.shape_cast %mul3A_306 : vector<16xf32> to vector<1x16xf32>
            tpu.vector_store %arg11[%swap3A_307, %swap3A_308], %swap3A_311 {add = true, strides = array<i32>} : memref<64x1024xf32, #tpu.memory_space<vmem>>, vector<1x16xf32>,
            %mul3A_312 = arith.constant 16 : i32
            %mul3A_313 = arith.muli %scan3A_293, %mul3A_312 : i32
            %add3A_314 = arith.constant 128 : i32
            %add3A_315 = arith.addi %add3A_314, %mul3A_313 : i32
            %mul3A_316 = vector.broadcast %squeeze3A_272 : f32 to vector<16xf32>
            %mul3A_317 = arith.mulf %mul3A_316, %get3A_300 : vector<16xf32>
            %swap3A_318 = arith.index_cast %squeeze3A_248 : i32 to index
            %swap3A_319 = arith.index_cast %add3A_315 : i32 to index
            %swap3A_320 = tpu.vector_load %arg11[%swap3A_318, %swap3A_319] {strides = array<i32>} : memref<64x1024xf32, #tpu.memory_space<vmem>>, vector<1x16xf32>,
            %swap3A_321 = vector.shape_cast %swap3A_320 : vector<1x16xf32> to vector<16xf32>
            %swap3A_322 = vector.shape_cast %mul3A_317 : vector<16xf32> to vector<1x16xf32>
            tpu.vector_store %arg11[%swap3A_318, %swap3A_319], %swap3A_322 {add = true, strides = array<i32>} : memref<64x1024xf32, #tpu.memory_space<vmem>>, vector<1x16xf32>,
            %mul3A_323 = arith.constant 16 : i32
            %mul3A_324 = arith.muli %scan3A_293, %mul3A_323 : i32
            %add3A_325 = arith.constant 256 : i32
            %add3A_326 = arith.addi %add3A_325, %mul3A_324 : i32
            %mul3A_327 = vector.broadcast %squeeze3A_274 : f32 to vector<16xf32>
            %mul3A_328 = arith.mulf %mul3A_327, %get3A_300 : vector<16xf32>
            %swap3A_329 = arith.index_cast %squeeze3A_248 : i32 to index
            %swap3A_330 = arith.index_cast %add3A_326 : i32 to index
            %swap3A_331 = tpu.vector_load %arg11[%swap3A_329, %swap3A_330] {strides = array<i32>} : memref<64x1024xf32, #tpu.memory_space<vmem>>, vector<1x16xf32>,
            %swap3A_332 = vector.shape_cast %swap3A_331 : vector<1x16xf32> to vector<16xf32>
            %swap3A_333 = vector.shape_cast %mul3A_328 : vector<16xf32> to vector<1x16xf32>
            tpu.vector_store %arg11[%swap3A_329, %swap3A_330], %swap3A_333 {add = true, strides = array<i32>} : memref<64x1024xf32, #tpu.memory_space<vmem>>, vector<1x16xf32>,
            %mul3A_334 = arith.constant 16 : i32
            %mul3A_335 = arith.muli %scan3A_293, %mul3A_334 : i32
            %add3A_336 = arith.constant 384 : i32
            %add3A_337 = arith.addi %add3A_336, %mul3A_335 : i32
            %mul3A_338 = vector.broadcast %squeeze3A_276 : f32 to vector<16xf32>
            %mul3A_339 = arith.mulf %mul3A_338, %get3A_300 : vector<16xf32>
            %swap3A_340 = arith.index_cast %squeeze3A_248 : i32 to index
            %swap3A_341 = arith.index_cast %add3A_337 : i32 to index
            %swap3A_342 = tpu.vector_load %arg11[%swap3A_340, %swap3A_341] {strides = array<i32>} : memref<64x1024xf32, #tpu.memory_space<vmem>>, vector<1x16xf32>,
            %swap3A_343 = vector.shape_cast %swap3A_342 : vector<1x16xf32> to vector<16xf32>
            %swap3A_344 = vector.shape_cast %mul3A_339 : vector<16xf32> to vector<1x16xf32>
            tpu.vector_store %arg11[%swap3A_340, %swap3A_341], %swap3A_344 {add = true, strides = array<i32>} : memref<64x1024xf32, #tpu.memory_space<vmem>>, vector<1x16xf32>,
            %mul3A_345 = arith.constant 16 : i32
            %mul3A_346 = arith.muli %scan3A_293, %mul3A_345 : i32
            %add3A_347 = arith.constant 512 : i32
            %add3A_348 = arith.addi %add3A_347, %mul3A_346 : i32
            %mul3A_349 = vector.broadcast %squeeze3A_278 : f32 to vector<16xf32>
            %mul3A_350 = arith.mulf %mul3A_349, %get3A_300 : vector<16xf32>
            %swap3A_351 = arith.index_cast %squeeze3A_248 : i32 to index
            %swap3A_352 = arith.index_cast %add3A_348 : i32 to index
            %swap3A_353 = tpu.vector_load %arg11[%swap3A_351, %swap3A_352] {strides = array<i32>} : memref<64x1024xf32, #tpu.memory_space<vmem>>, vector<1x16xf32>,
            %swap3A_354 = vector.shape_cast %swap3A_353 : vector<1x16xf32> to vector<16xf32>
            %swap3A_355 = vector.shape_cast %mul3A_350 : vector<16xf32> to vector<1x16xf32>
            tpu.vector_store %arg11[%swap3A_351, %swap3A_352], %swap3A_355 {add = true, strides = array<i32>} : memref<64x1024xf32, #tpu.memory_space<vmem>>, vector<1x16xf32>,
            %mul3A_356 = arith.constant 16 : i32
            %mul3A_357 = arith.muli %scan3A_293, %mul3A_356 : i32
            %add3A_358 = arith.constant 640 : i32
            %add3A_359 = arith.addi %add3A_358, %mul3A_357 : i32
            %mul3A_360 = vector.broadcast %squeeze3A_280 : f32 to vector<16xf32>
            %mul3A_361 = arith.mulf %mul3A_360, %get3A_300 : vector<16xf32>
            %swap3A_362 = arith.index_cast %squeeze3A_248 : i32 to index
            %swap3A_363 = arith.index_cast %add3A_359 : i32 to index
            %swap3A_364 = tpu.vector_load %arg11[%swap3A_362, %swap3A_363] {strides = array<i32>} : memref<64x1024xf32, #tpu.memory_space<vmem>>, vector<1x16xf32>,
            %swap3A_365 = vector.shape_cast %swap3A_364 : vector<1x16xf32> to vector<16xf32>
            %swap3A_366 = vector.shape_cast %mul3A_361 : vector<16xf32> to vector<1x16xf32>
            tpu.vector_store %arg11[%swap3A_362, %swap3A_363], %swap3A_366 {add = true, strides = array<i32>} : memref<64x1024xf32, #tpu.memory_space<vmem>>, vector<1x16xf32>,
            %mul3A_367 = arith.constant 16 : i32
            %mul3A_368 = arith.muli %scan3A_293, %mul3A_367 : i32
            %add3A_369 = arith.constant 768 : i32
            %add3A_370 = arith.addi %add3A_369, %mul3A_368 : i32
            %mul3A_371 = vector.broadcast %squeeze3A_282 : f32 to vector<16xf32>
            %mul3A_372 = arith.mulf %mul3A_371, %get3A_300 : vector<16xf32>
            %swap3A_373 = arith.index_cast %squeeze3A_248 : i32 to index
            %swap3A_374 = arith.index_cast %add3A_370 : i32 to index
            %swap3A_375 = tpu.vector_load %arg11[%swap3A_373, %swap3A_374] {strides = array<i32>} : memref<64x1024xf32, #tpu.memory_space<vmem>>, vector<1x16xf32>,
            %swap3A_376 = vector.shape_cast %swap3A_375 : vector<1x16xf32> to vector<16xf32>
            %swap3A_377 = vector.shape_cast %mul3A_372 : vector<16xf32> to vector<1x16xf32>
            tpu.vector_store %arg11[%swap3A_373, %swap3A_374], %swap3A_377 {add = true, strides = array<i32>} : memref<64x1024xf32, #tpu.memory_space<vmem>>, vector<1x16xf32>,
            %mul3A_378 = arith.constant 16 : i32
            %mul3A_379 = arith.muli %scan3A_293, %mul3A_378 : i32
            %add3A_380 = arith.constant 896 : i32
            %add3A_381 = arith.addi %add3A_380, %mul3A_379 : i32
            %mul3A_382 = vector.broadcast %squeeze3A_284 : f32 to vector<16xf32>
            %mul3A_383 = arith.mulf %mul3A_382, %get3A_300 : vector<16xf32>
            %swap3A_384 = arith.index_cast %squeeze3A_248 : i32 to index
            %swap3A_385 = arith.index_cast %add3A_381 : i32 to index
            %swap3A_386 = tpu.vector_load %arg11[%swap3A_384, %swap3A_385] {strides = array<i32>} : memref<64x1024xf32, #tpu.memory_space<vmem>>, vector<1x16xf32>,
            %swap3A_387 = vector.shape_cast %swap3A_386 : vector<1x16xf32> to vector<16xf32>
            %swap3A_388 = vector.shape_cast %mul3A_383 : vector<16xf32> to vector<1x16xf32>
            tpu.vector_store %arg11[%swap3A_384, %swap3A_385], %swap3A_388 {add = true, strides = array<i32>} : memref<64x1024xf32, #tpu.memory_space<vmem>>, vector<1x16xf32>,
            %scan3A_389 = arith.constant 0 : i32
            scf.yield %scan3A_389 : i32
          }
          %scan3A_291 = arith.constant 8 : i32
          %scan3A_292 = arith.constant 0 : i32
          scf.yield %scan3A_292 : i32
        }
        %scan3A_193 = arith.constant 64 : i32
        %add3A_194 = arith.constant 2 : i32
        %add3A_195 = arith.addi %mul3A_171, %add3A_194 : i32
        %add3A_196 = arith.constant 3 : i32
        %add3A_197 = arith.addi %mul3A_171, %add3A_196 : i32
        %min3A_198 = arith.minsi %add3A_197, %select_n3A_105 : i32
        %while3A_199 = arith.constant 0 : i32
        %while3A_200 = arith.subi %min3A_198, %add3A_195 : i32
        %while3A_201 = arith.addi %add3A_195, %while3A_200 : i32
        %while3A_202 = arith.constant 1 : i32
        %while3A_203 = arith.divsi %while3A_200, %while3A_202 : i32
        %while3A_204 = arith.muli %while3A_203, %while3A_202 : i32
        %while3A_205 = arith.addi %add3A_195, %while3A_204 : i32
        %while3A_206 = arith.constant 1 : i32
        %while3A_207 = scf.for %while3A_226 = %add3A_195 to %while3A_205 step %while3A_206 iter_args(%while3A_227 = %while3A_199) -> (i32)  : i32 {
          %mul3A_228 = arith.constant 64 : i32
          %mul3A_229 = arith.muli %while3A_226, %mul3A_228 : i32
          %add3A_230 = arith.addi %mul3A_78, %mul3A_229 : i32
          %mul3A_231 = arith.constant 320064 : i32
          %mul3A_232 = arith.muli %select_n3A_38, %mul3A_231 : i32
          %add3A_233 = arith.addi %mul3A_232, %add3A_230 : i32
          "tpu.region"() ({
            %run_scoped3A = tpu.sem_alloc : memref<!tpu.dma_semaphore, #tpu.memory_space<semaphore_mem>>
            %dma_start3A_238 = tpu.memref_slice %arg4[%add3A_233] : memref<1280256xi32, #tpu.memory_space<hbm>> -> memref<64xi32, #tpu.memory_space<hbm>>
            %dma_start3A_239 = tpu.memref_slice %arg4[%add3A_233] : memref<1280256xi32, #tpu.memory_space<hbm>> -> memref<64xi32, #tpu.memory_space<hbm>>
            tpu.enqueue_dma source(%dma_start3A_239 : memref<64xi32, #tpu.memory_space<hbm>>) target(%arg15 : memref<64xi32, #tpu.memory_space<vmem>>) target_semaphore(%run_scoped3A : memref<!tpu.dma_semaphore, #tpu.memory_space<semaphore_mem>>)
            %dma_wait3A_240 = tpu.memref_slice %arg4[%add3A_233] : memref<1280256xi32, #tpu.memory_space<hbm>> -> memref<64xi32, #tpu.memory_space<hbm>>
            %dma_wait3A_241 = tpu.memref_slice %arg4[%add3A_233] : memref<1280256xi32, #tpu.memory_space<hbm>> -> memref<64xi32, #tpu.memory_space<hbm>>
            tpu.wait_dma2 semaphore(%run_scoped3A : memref<!tpu.dma_semaphore, #tpu.memory_space<semaphore_mem>>) src(%dma_wait3A_241 : memref<64xi32, #tpu.memory_space<hbm>>) dst(%arg15 : memref<64xi32, #tpu.memory_space<vmem>>)
            tpu.yield
          }) : () -> ()
          %dma_start3A_234 = arith.constant 0 : i32
          %dma_start3A_235 = arith.constant 0 : i32
          %dma_start3A_236 = tpu.memref_slice %arg2[%dma_start3A_234, %dma_start3A_235] : memref<40000x256xf32, #tpu.memory_space<hbm>> -> memref<40000x256xf32, #tpu.memory_space<hbm>>
          tpu.enqueue_indirect_dma source(%dma_start3A_236 : memref<40000x256xf32, #tpu.memory_space<hbm>>) target(%arg13 : memref<64x256xf32, #tpu.memory_space<vmem>>) offsets(%arg15 : memref<64xi32, #tpu.memory_space<vmem>>) semaphore(%arg20 : memref<!tpu.dma_semaphore, #tpu.memory_space<semaphore_mem>>)
          %while3A_237 = arith.constant 0 : i32
          scf.yield %while3A_237 : i32
        }
        %while3A_208 = arith.constant 1 : i32
        %while3A_209 = scf.for %while3A_226 = %while3A_205 to %while3A_201 step %while3A_208 iter_args(%while3A_227 = %while3A_207) -> (i32)  : i32 {
          %mul3A_228 = arith.constant 64 : i32
          %mul3A_229 = arith.muli %while3A_226, %mul3A_228 : i32
          %add3A_230 = arith.addi %mul3A_78, %mul3A_229 : i32
          %mul3A_231 = arith.constant 320064 : i32
          %mul3A_232 = arith.muli %select_n3A_38, %mul3A_231 : i32
          %add3A_233 = arith.addi %mul3A_232, %add3A_230 : i32
          "tpu.region"() ({
            %run_scoped3A = tpu.sem_alloc : memref<!tpu.dma_semaphore, #tpu.memory_space<semaphore_mem>>
            %dma_start3A_238 = tpu.memref_slice %arg4[%add3A_233] : memref<1280256xi32, #tpu.memory_space<hbm>> -> memref<64xi32, #tpu.memory_space<hbm>>
            %dma_start3A_239 = tpu.memref_slice %arg4[%add3A_233] : memref<1280256xi32, #tpu.memory_space<hbm>> -> memref<64xi32, #tpu.memory_space<hbm>>
            tpu.enqueue_dma source(%dma_start3A_239 : memref<64xi32, #tpu.memory_space<hbm>>) target(%arg15 : memref<64xi32, #tpu.memory_space<vmem>>) target_semaphore(%run_scoped3A : memref<!tpu.dma_semaphore, #tpu.memory_space<semaphore_mem>>)
            %dma_wait3A_240 = tpu.memref_slice %arg4[%add3A_233] : memref<1280256xi32, #tpu.memory_space<hbm>> -> memref<64xi32, #tpu.memory_space<hbm>>
            %dma_wait3A_241 = tpu.memref_slice %arg4[%add3A_233] : memref<1280256xi32, #tpu.memory_space<hbm>> -> memref<64xi32, #tpu.memory_space<hbm>>
            tpu.wait_dma2 semaphore(%run_scoped3A : memref<!tpu.dma_semaphore, #tpu.memory_space<semaphore_mem>>) src(%dma_wait3A_241 : memref<64xi32, #tpu.memory_space<hbm>>) dst(%arg15 : memref<64xi32, #tpu.memory_space<vmem>>)
            tpu.yield
          }) : () -> ()
          %dma_start3A_234 = arith.constant 0 : i32
          %dma_start3A_235 = arith.constant 0 : i32
          %dma_start3A_236 = tpu.memref_slice %arg2[%dma_start3A_234, %dma_start3A_235] : memref<40000x256xf32, #tpu.memory_space<hbm>> -> memref<40000x256xf32, #tpu.memory_space<hbm>>
          tpu.enqueue_indirect_dma source(%dma_start3A_236 : memref<40000x256xf32, #tpu.memory_space<hbm>>) target(%arg13 : memref<64x256xf32, #tpu.memory_space<vmem>>) offsets(%arg15 : memref<64xi32, #tpu.memory_space<vmem>>) semaphore(%arg20 : memref<!tpu.dma_semaphore, #tpu.memory_space<semaphore_mem>>)
          %while3A_237 = arith.constant 0 : i32
          scf.yield %while3A_237 : i32
        }
        %dma_wait3A_210 = arith.constant 0 : i32
        %dma_wait3A_211 = arith.constant 0 : i32
        %dma_wait3A_212 = tpu.memref_slice %arg2[%dma_wait3A_210, %dma_wait3A_211] : memref<40000x256xf32, #tpu.memory_space<hbm>> -> memref<40000x256xf32, #tpu.memory_space<hbm>>
        tpu.wait_indirect_dma semaphore(%arg21 : memref<!tpu.dma_semaphore, #tpu.memory_space<semaphore_mem>>) src(%dma_wait3A_212 : memref<40000x256xf32, #tpu.memory_space<hbm>>) dst(%arg18 : memref<64x256xf32, #tpu.memory_space<vmem>>)
        %add3A_213 = arith.constant 1 : i32
        %add3A_214 = arith.addi %mul3A_171, %add3A_213 : i32
        %mul3A_215 = arith.constant 64 : i32
        %mul3A_216 = arith.muli %add3A_214, %mul3A_215 : i32
        %add3A_217 = arith.addi %mul3A_78, %mul3A_216 : i32
        "tpu.region"() ({
          %run_scoped3A = tpu.sem_alloc : memref<!tpu.dma_semaphore, #tpu.memory_space<semaphore_mem>>
          %dma_start3A_226 = arith.constant 0 : i32
          %dma_start3A_227 = tpu.memref_slice %arg5[%add3A_217, %dma_start3A_226] : memref<320064x16xi32, #tpu.memory_space<hbm>> -> memref<64x16xi32, #tpu.memory_space<hbm>>
          %dma_start3A_228 = arith.constant 0 : i32
          %dma_start3A_229 = tpu.memref_slice %arg5[%add3A_217, %dma_start3A_228] : memref<320064x16xi32, #tpu.memory_space<hbm>> -> memref<64x16xi32, #tpu.memory_space<hbm>>
          tpu.enqueue_dma source(%dma_start3A_229 : memref<64x16xi32, #tpu.memory_space<hbm>>) target(%arg16 : memref<64x16xi32, #tpu.memory_space<vmem>>) target_semaphore(%run_scoped3A : memref<!tpu.dma_semaphore, #tpu.memory_space<semaphore_mem>>)
          %dma_wait3A_230 = arith.constant 0 : i32
          %dma_wait3A_231 = tpu.memref_slice %arg5[%add3A_217, %dma_wait3A_230] : memref<320064x16xi32, #tpu.memory_space<hbm>> -> memref<64x16xi32, #tpu.memory_space<hbm>>
          %dma_wait3A_232 = arith.constant 0 : i32
          %dma_wait3A_233 = tpu.memref_slice %arg5[%add3A_217, %dma_wait3A_232] : memref<320064x16xi32, #tpu.memory_space<hbm>> -> memref<64x16xi32, #tpu.memory_space<hbm>>
          tpu.wait_dma2 semaphore(%run_scoped3A : memref<!tpu.dma_semaphore, #tpu.memory_space<semaphore_mem>>) src(%dma_wait3A_233 : memref<64x16xi32, #tpu.memory_space<hbm>>) dst(%arg16 : memref<64x16xi32, #tpu.memory_space<vmem>>)
          tpu.yield
        }) : () -> ()
        %scan3A_218 = arith.constant 0 : i32
        %scan3A_219 = arith.constant 0 : i32
        %scan3A_220 = arith.constant 64 : i32
        %scan3A_221 = arith.addi %scan3A_219, %scan3A_220 : i32
        %scan3A_222 = arith.constant 1 : i32
        %scan3A_223 = scf.for %scan3A_226 = %scan3A_219 to %scan3A_221 step %scan3A_222 iter_args(%scan3A_227 = %scan3A_218) -> (i32)  : i32 {
          %get3A_228 = arith.index_cast %scan3A_226 : i32 to index
          %get3A_229 = arith.constant 0 : index
          %get3A_230 = tpu.vector_load %arg16[%get3A_228, %get3A_229] {strides = array<i32>} : memref<64x16xi32, #tpu.memory_space<vmem>>, vector<1x16xi32>,
          %get3A_231 = vector.shape_cast %get3A_230 : vector<1x16xi32> to vector<16xi32>
          %sub3A_232 = vector.broadcast %mul3A_52 : i32 to vector<16xi32>
          %sub3A_233 = arith.subi %get3A_231, %sub3A_232 : vector<16xi32>
          %ge3A = arith.constant 0 : i32
          %ge3A_234 = vector.broadcast %ge3A : i32 to vector<16xi32>
          %ge3A_235 = arith.cmpi sge, %sub3A_233, %ge3A_234 : vector<16xi32>
          %lt3A_236 = arith.constant 64 : i32
          %lt3A_237 = vector.broadcast %lt3A_236 : i32 to vector<16xi32>
          %lt3A_238 = arith.cmpi slt, %sub3A_233, %lt3A_237 : vector<16xi32>
          %and3A_239 = arith.andi %ge3A_235, %lt3A_238 : vector<16xi1>
          %jit3A_240 = arith.constant 0 : i32
          %broadcast_in_dim3A = vector.broadcast %jit3A_240 : i32 to vector<16xi32>
          %select_n3A_241 = arith.select %and3A_239, %sub3A_233, %broadcast_in_dim3A : vector<16xi1>, vector<16xi32>
          %jit3A_242 = arith.constant 1.000000e+00 : f32
          %jit3A_243 = arith.constant 0.000000e+00 : f32
          %broadcast_in_dim3A_244 = vector.broadcast %jit3A_242 : f32 to vector<16xf32>
          %broadcast_in_dim3A_245 = vector.broadcast %jit3A_243 : f32 to vector<16xf32>
          %select_n3A_246 = arith.select %and3A_239, %broadcast_in_dim3A_244, %broadcast_in_dim3A_245 : vector<16xi1>, vector<16xf32>
          %slice3A_247 = vector.extract_strided_slice %select_n3A_241 {offsets = [0], sizes = [1], strides = [1]} : vector<16xi32> to vector<1xi32>
          %squeeze3A_248 = vector.extract %slice3A_247[0] : i32 from vector<1xi32>
          %get3A_249 = arith.index_cast %squeeze3A_248 : i32 to index
          %get3A_250 = arith.constant 0 : index
          %get3A_251 = tpu.vector_load %arg14[%get3A_249, %get3A_250] {strides = array<i32>} : memref<64x16xf32, #tpu.memory_space<vmem>>, vector<1x16xf32>,
          %get3A_252 = vector.shape_cast %get3A_251 : vector<1x16xf32> to vector<16xf32>
          %get3A_253 = arith.index_cast %scan3A_226 : i32 to index
          %get3A_254 = arith.constant 128 : index
          %get3A_255 = tpu.vector_load %arg18[%get3A_253, %get3A_254] {strides = array<i32>} : memref<64x256xf32, #tpu.memory_space<vmem>>, vector<1x16xf32>,
          %get3A_256 = vector.shape_cast %get3A_255 : vector<1x16xf32> to vector<16xf32>
          %add3A_257 = arith.addf %get3A_256, %get3A_252 : vector<16xf32>
          %gt3A = arith.constant 0.000000e+00 : f32
          %gt3A_258 = vector.broadcast %gt3A : f32 to vector<16xf32>
          %gt3A_259 = arith.cmpf ogt, %add3A_257, %gt3A_258 : vector<16xf32>
          %mul3A_260 = arith.constant 2.000000e-01 : f32
          %mul3A_261 = vector.broadcast %mul3A_260 : f32 to vector<16xf32>
          %mul3A_262 = arith.mulf %mul3A_261, %add3A_257 : vector<16xf32>
          %select_n3A_263 = arith.select %gt3A_259, %add3A_257, %mul3A_262 : vector<16xi1>, vector<16xf32>
          %exp3A = math.exp %select_n3A_263 : vector<16xf32>
          %mul3A_264 = arith.mulf %exp3A, %select_n3A_246 : vector<16xf32>
          %swap3A = arith.index_cast %squeeze3A_248 : i32 to index
          %swap3A_265 = arith.constant 0 : index
          %swap3A_266 = tpu.vector_load %arg12[%swap3A, %swap3A_265] {strides = array<i32>} : memref<64x16xf32, #tpu.memory_space<vmem>>, vector<1x16xf32>,
          %swap3A_267 = vector.shape_cast %swap3A_266 : vector<1x16xf32> to vector<16xf32>
          %swap3A_268 = vector.shape_cast %mul3A_264 : vector<16xf32> to vector<1x16xf32>
          tpu.vector_store %arg12[%swap3A, %swap3A_265], %swap3A_268 {add = true, strides = array<i32>} : memref<64x16xf32, #tpu.memory_space<vmem>>, vector<1x16xf32>,
          %slice3A_269 = vector.extract_strided_slice %mul3A_264 {offsets = [0], sizes = [1], strides = [1]} : vector<16xf32> to vector<1xf32>
          %squeeze3A_270 = vector.extract %slice3A_269[0] : f32 from vector<1xf32>
          %slice3A_271 = vector.extract_strided_slice %mul3A_264 {offsets = [1], sizes = [1], strides = [1]} : vector<16xf32> to vector<1xf32>
          %squeeze3A_272 = vector.extract %slice3A_271[0] : f32 from vector<1xf32>
          %slice3A_273 = vector.extract_strided_slice %mul3A_264 {offsets = [2], sizes = [1], strides = [1]} : vector<16xf32> to vector<1xf32>
          %squeeze3A_274 = vector.extract %slice3A_273[0] : f32 from vector<1xf32>
          %slice3A_275 = vector.extract_strided_slice %mul3A_264 {offsets = [3], sizes = [1], strides = [1]} : vector<16xf32> to vector<1xf32>
          %squeeze3A_276 = vector.extract %slice3A_275[0] : f32 from vector<1xf32>
          %slice3A_277 = vector.extract_strided_slice %mul3A_264 {offsets = [4], sizes = [1], strides = [1]} : vector<16xf32> to vector<1xf32>
          %squeeze3A_278 = vector.extract %slice3A_277[0] : f32 from vector<1xf32>
          %slice3A_279 = vector.extract_strided_slice %mul3A_264 {offsets = [5], sizes = [1], strides = [1]} : vector<16xf32> to vector<1xf32>
          %squeeze3A_280 = vector.extract %slice3A_279[0] : f32 from vector<1xf32>
          %slice3A_281 = vector.extract_strided_slice %mul3A_264 {offsets = [6], sizes = [1], strides = [1]} : vector<16xf32> to vector<1xf32>
          %squeeze3A_282 = vector.extract %slice3A_281[0] : f32 from vector<1xf32>
          %slice3A_283 = vector.extract_strided_slice %mul3A_264 {offsets = [7], sizes = [1], strides = [1]} : vector<16xf32> to vector<1xf32>
          %squeeze3A_284 = vector.extract %slice3A_283[0] : f32 from vector<1xf32>
          %scan3A_285 = arith.constant 0 : i32
          %scan3A_286 = arith.constant 0 : i32
          %scan3A_287 = arith.constant 8 : i32
          %scan3A_288 = arith.addi %scan3A_286, %scan3A_287 : i32
          %scan3A_289 = arith.constant 1 : i32
          %scan3A_290 = scf.for %scan3A_293 = %scan3A_286 to %scan3A_288 step %scan3A_289 iter_args(%scan3A_294 = %scan3A_285) -> (i32)  : i32 {
            %mul3A_295 = arith.constant 16 : i32
            %mul3A_296 = arith.muli %scan3A_293, %mul3A_295 : i32
            %get3A_297 = arith.index_cast %scan3A_226 : i32 to index
            %get3A_298 = arith.index_cast %mul3A_296 : i32 to index
            %get3A_299 = tpu.vector_load %arg18[%get3A_297, %get3A_298] {strides = array<i32>} : memref<64x256xf32, #tpu.memory_space<vmem>>, vector<1x16xf32>,
            %get3A_300 = vector.shape_cast %get3A_299 : vector<1x16xf32> to vector<16xf32>
            %mul3A_301 = arith.constant 16 : i32
            %mul3A_302 = arith.muli %scan3A_293, %mul3A_301 : i32
            %add3A_303 = arith.constant 0 : i32
            %add3A_304 = arith.addi %add3A_303, %mul3A_302 : i32
            %mul3A_305 = vector.broadcast %squeeze3A_270 : f32 to vector<16xf32>
            %mul3A_306 = arith.mulf %mul3A_305, %get3A_300 : vector<16xf32>
            %swap3A_307 = arith.index_cast %squeeze3A_248 : i32 to index
            %swap3A_308 = arith.index_cast %add3A_304 : i32 to index
            %swap3A_309 = tpu.vector_load %arg11[%swap3A_307, %swap3A_308] {strides = array<i32>} : memref<64x1024xf32, #tpu.memory_space<vmem>>, vector<1x16xf32>,
            %swap3A_310 = vector.shape_cast %swap3A_309 : vector<1x16xf32> to vector<16xf32>
            %swap3A_311 = vector.shape_cast %mul3A_306 : vector<16xf32> to vector<1x16xf32>
            tpu.vector_store %arg11[%swap3A_307, %swap3A_308], %swap3A_311 {add = true, strides = array<i32>} : memref<64x1024xf32, #tpu.memory_space<vmem>>, vector<1x16xf32>,
            %mul3A_312 = arith.constant 16 : i32
            %mul3A_313 = arith.muli %scan3A_293, %mul3A_312 : i32
            %add3A_314 = arith.constant 128 : i32
            %add3A_315 = arith.addi %add3A_314, %mul3A_313 : i32
            %mul3A_316 = vector.broadcast %squeeze3A_272 : f32 to vector<16xf32>
            %mul3A_317 = arith.mulf %mul3A_316, %get3A_300 : vector<16xf32>
            %swap3A_318 = arith.index_cast %squeeze3A_248 : i32 to index
            %swap3A_319 = arith.index_cast %add3A_315 : i32 to index
            %swap3A_320 = tpu.vector_load %arg11[%swap3A_318, %swap3A_319] {strides = array<i32>} : memref<64x1024xf32, #tpu.memory_space<vmem>>, vector<1x16xf32>,
            %swap3A_321 = vector.shape_cast %swap3A_320 : vector<1x16xf32> to vector<16xf32>
            %swap3A_322 = vector.shape_cast %mul3A_317 : vector<16xf32> to vector<1x16xf32>
            tpu.vector_store %arg11[%swap3A_318, %swap3A_319], %swap3A_322 {add = true, strides = array<i32>} : memref<64x1024xf32, #tpu.memory_space<vmem>>, vector<1x16xf32>,
            %mul3A_323 = arith.constant 16 : i32
            %mul3A_324 = arith.muli %scan3A_293, %mul3A_323 : i32
            %add3A_325 = arith.constant 256 : i32
            %add3A_326 = arith.addi %add3A_325, %mul3A_324 : i32
            %mul3A_327 = vector.broadcast %squeeze3A_274 : f32 to vector<16xf32>
            %mul3A_328 = arith.mulf %mul3A_327, %get3A_300 : vector<16xf32>
            %swap3A_329 = arith.index_cast %squeeze3A_248 : i32 to index
            %swap3A_330 = arith.index_cast %add3A_326 : i32 to index
            %swap3A_331 = tpu.vector_load %arg11[%swap3A_329, %swap3A_330] {strides = array<i32>} : memref<64x1024xf32, #tpu.memory_space<vmem>>, vector<1x16xf32>,
            %swap3A_332 = vector.shape_cast %swap3A_331 : vector<1x16xf32> to vector<16xf32>
            %swap3A_333 = vector.shape_cast %mul3A_328 : vector<16xf32> to vector<1x16xf32>
            tpu.vector_store %arg11[%swap3A_329, %swap3A_330], %swap3A_333 {add = true, strides = array<i32>} : memref<64x1024xf32, #tpu.memory_space<vmem>>, vector<1x16xf32>,
            %mul3A_334 = arith.constant 16 : i32
            %mul3A_335 = arith.muli %scan3A_293, %mul3A_334 : i32
            %add3A_336 = arith.constant 384 : i32
            %add3A_337 = arith.addi %add3A_336, %mul3A_335 : i32
            %mul3A_338 = vector.broadcast %squeeze3A_276 : f32 to vector<16xf32>
            %mul3A_339 = arith.mulf %mul3A_338, %get3A_300 : vector<16xf32>
            %swap3A_340 = arith.index_cast %squeeze3A_248 : i32 to index
            %swap3A_341 = arith.index_cast %add3A_337 : i32 to index
            %swap3A_342 = tpu.vector_load %arg11[%swap3A_340, %swap3A_341] {strides = array<i32>} : memref<64x1024xf32, #tpu.memory_space<vmem>>, vector<1x16xf32>,
            %swap3A_343 = vector.shape_cast %swap3A_342 : vector<1x16xf32> to vector<16xf32>
            %swap3A_344 = vector.shape_cast %mul3A_339 : vector<16xf32> to vector<1x16xf32>
            tpu.vector_store %arg11[%swap3A_340, %swap3A_341], %swap3A_344 {add = true, strides = array<i32>} : memref<64x1024xf32, #tpu.memory_space<vmem>>, vector<1x16xf32>,
            %mul3A_345 = arith.constant 16 : i32
            %mul3A_346 = arith.muli %scan3A_293, %mul3A_345 : i32
            %add3A_347 = arith.constant 512 : i32
            %add3A_348 = arith.addi %add3A_347, %mul3A_346 : i32
            %mul3A_349 = vector.broadcast %squeeze3A_278 : f32 to vector<16xf32>
            %mul3A_350 = arith.mulf %mul3A_349, %get3A_300 : vector<16xf32>
            %swap3A_351 = arith.index_cast %squeeze3A_248 : i32 to index
            %swap3A_352 = arith.index_cast %add3A_348 : i32 to index
            %swap3A_353 = tpu.vector_load %arg11[%swap3A_351, %swap3A_352] {strides = array<i32>} : memref<64x1024xf32, #tpu.memory_space<vmem>>, vector<1x16xf32>,
            %swap3A_354 = vector.shape_cast %swap3A_353 : vector<1x16xf32> to vector<16xf32>
            %swap3A_355 = vector.shape_cast %mul3A_350 : vector<16xf32> to vector<1x16xf32>
            tpu.vector_store %arg11[%swap3A_351, %swap3A_352], %swap3A_355 {add = true, strides = array<i32>} : memref<64x1024xf32, #tpu.memory_space<vmem>>, vector<1x16xf32>,
            %mul3A_356 = arith.constant 16 : i32
            %mul3A_357 = arith.muli %scan3A_293, %mul3A_356 : i32
            %add3A_358 = arith.constant 640 : i32
            %add3A_359 = arith.addi %add3A_358, %mul3A_357 : i32
            %mul3A_360 = vector.broadcast %squeeze3A_280 : f32 to vector<16xf32>
            %mul3A_361 = arith.mulf %mul3A_360, %get3A_300 : vector<16xf32>
            %swap3A_362 = arith.index_cast %squeeze3A_248 : i32 to index
            %swap3A_363 = arith.index_cast %add3A_359 : i32 to index
            %swap3A_364 = tpu.vector_load %arg11[%swap3A_362, %swap3A_363] {strides = array<i32>} : memref<64x1024xf32, #tpu.memory_space<vmem>>, vector<1x16xf32>,
            %swap3A_365 = vector.shape_cast %swap3A_364 : vector<1x16xf32> to vector<16xf32>
            %swap3A_366 = vector.shape_cast %mul3A_361 : vector<16xf32> to vector<1x16xf32>
            tpu.vector_store %arg11[%swap3A_362, %swap3A_363], %swap3A_366 {add = true, strides = array<i32>} : memref<64x1024xf32, #tpu.memory_space<vmem>>, vector<1x16xf32>,
            %mul3A_367 = arith.constant 16 : i32
            %mul3A_368 = arith.muli %scan3A_293, %mul3A_367 : i32
            %add3A_369 = arith.constant 768 : i32
            %add3A_370 = arith.addi %add3A_369, %mul3A_368 : i32
            %mul3A_371 = vector.broadcast %squeeze3A_282 : f32 to vector<16xf32>
            %mul3A_372 = arith.mulf %mul3A_371, %get3A_300 : vector<16xf32>
            %swap3A_373 = arith.index_cast %squeeze3A_248 : i32 to index
            %swap3A_374 = arith.index_cast %add3A_370 : i32 to index
            %swap3A_375 = tpu.vector_load %arg11[%swap3A_373, %swap3A_374] {strides = array<i32>} : memref<64x1024xf32, #tpu.memory_space<vmem>>, vector<1x16xf32>,
            %swap3A_376 = vector.shape_cast %swap3A_375 : vector<1x16xf32> to vector<16xf32>
            %swap3A_377 = vector.shape_cast %mul3A_372 : vector<16xf32> to vector<1x16xf32>
            tpu.vector_store %arg11[%swap3A_373, %swap3A_374], %swap3A_377 {add = true, strides = array<i32>} : memref<64x1024xf32, #tpu.memory_space<vmem>>, vector<1x16xf32>,
            %mul3A_378 = arith.constant 16 : i32
            %mul3A_379 = arith.muli %scan3A_293, %mul3A_378 : i32
            %add3A_380 = arith.constant 896 : i32
            %add3A_381 = arith.addi %add3A_380, %mul3A_379 : i32
            %mul3A_382 = vector.broadcast %squeeze3A_284 : f32 to vector<16xf32>
            %mul3A_383 = arith.mulf %mul3A_382, %get3A_300 : vector<16xf32>
            %swap3A_384 = arith.index_cast %squeeze3A_248 : i32 to index
            %swap3A_385 = arith.index_cast %add3A_381 : i32 to index
            %swap3A_386 = tpu.vector_load %arg11[%swap3A_384, %swap3A_385] {strides = array<i32>} : memref<64x1024xf32, #tpu.memory_space<vmem>>, vector<1x16xf32>,
            %swap3A_387 = vector.shape_cast %swap3A_386 : vector<1x16xf32> to vector<16xf32>
            %swap3A_388 = vector.shape_cast %mul3A_383 : vector<16xf32> to vector<1x16xf32>
            tpu.vector_store %arg11[%swap3A_384, %swap3A_385], %swap3A_388 {add = true, strides = array<i32>} : memref<64x1024xf32, #tpu.memory_space<vmem>>, vector<1x16xf32>,
            %scan3A_389 = arith.constant 0 : i32
            scf.yield %scan3A_389 : i32
          }
          %scan3A_291 = arith.constant 8 : i32
          %scan3A_292 = arith.constant 0 : i32
          scf.yield %scan3A_292 : i32
        }
        %scan3A_224 = arith.constant 64 : i32
        %while3A_225 = arith.constant 0 : i32
        scf.yield %while3A_225 : i32
      }
      %mul3A_154 = arith.constant 2 : i32
      %mul3A_155 = arith.muli %mul3A_154, %select_n3A_141 : i32
      %while3A_156 = arith.constant 0 : i32
      %while3A_157 = arith.subi %select_n3A_105, %mul3A_155 : i32
      %while3A_158 = arith.addi %mul3A_155, %while3A_157 : i32
      %while3A_159 = arith.constant 1 : i32
      %while3A_160 = arith.divsi %while3A_157, %while3A_159 : i32
      %while3A_161 = arith.muli %while3A_160, %while3A_159 : i32
      %while3A_162 = arith.addi %mul3A_155, %while3A_161 : i32
      %while3A_163 = arith.constant 1 : i32
      %while3A_164 = scf.for %while3A_168 = %mul3A_155 to %while3A_162 step %while3A_163 iter_args(%while3A_169 = %while3A_156) -> (i32)  : i32 {
        %dma_wait3A = arith.constant 0 : i32
        %dma_wait3A_170 = arith.constant 0 : i32
        %dma_wait3A_171 = tpu.memref_slice %arg2[%dma_wait3A, %dma_wait3A_170] : memref<40000x256xf32, #tpu.memory_space<hbm>> -> memref<40000x256xf32, #tpu.memory_space<hbm>>
        tpu.wait_indirect_dma semaphore(%arg20 : memref<!tpu.dma_semaphore, #tpu.memory_space<semaphore_mem>>) src(%dma_wait3A_171 : memref<40000x256xf32, #tpu.memory_space<hbm>>) dst(%arg13 : memref<64x256xf32, #tpu.memory_space<vmem>>)
        %mul3A_172 = arith.constant 64 : i32
        %mul3A_173 = arith.muli %while3A_168, %mul3A_172 : i32
        %add3A_174 = arith.addi %mul3A_78, %mul3A_173 : i32
        "tpu.region"() ({
          %run_scoped3A = tpu.sem_alloc : memref<!tpu.dma_semaphore, #tpu.memory_space<semaphore_mem>>
          %dma_start3A = arith.constant 0 : i32
          %dma_start3A_183 = tpu.memref_slice %arg5[%add3A_174, %dma_start3A] : memref<320064x16xi32, #tpu.memory_space<hbm>> -> memref<64x16xi32, #tpu.memory_space<hbm>>
          %dma_start3A_184 = arith.constant 0 : i32
          %dma_start3A_185 = tpu.memref_slice %arg5[%add3A_174, %dma_start3A_184] : memref<320064x16xi32, #tpu.memory_space<hbm>> -> memref<64x16xi32, #tpu.memory_space<hbm>>
          tpu.enqueue_dma source(%dma_start3A_185 : memref<64x16xi32, #tpu.memory_space<hbm>>) target(%arg16 : memref<64x16xi32, #tpu.memory_space<vmem>>) target_semaphore(%run_scoped3A : memref<!tpu.dma_semaphore, #tpu.memory_space<semaphore_mem>>)
          %dma_wait3A_186 = arith.constant 0 : i32
          %dma_wait3A_187 = tpu.memref_slice %arg5[%add3A_174, %dma_wait3A_186] : memref<320064x16xi32, #tpu.memory_space<hbm>> -> memref<64x16xi32, #tpu.memory_space<hbm>>
          %dma_wait3A_188 = arith.constant 0 : i32
          %dma_wait3A_189 = tpu.memref_slice %arg5[%add3A_174, %dma_wait3A_188] : memref<320064x16xi32, #tpu.memory_space<hbm>> -> memref<64x16xi32, #tpu.memory_space<hbm>>
          tpu.wait_dma2 semaphore(%run_scoped3A : memref<!tpu.dma_semaphore, #tpu.memory_space<semaphore_mem>>) src(%dma_wait3A_189 : memref<64x16xi32, #tpu.memory_space<hbm>>) dst(%arg16 : memref<64x16xi32, #tpu.memory_space<vmem>>)
          tpu.yield
        }) : () -> ()
        %scan3A_175 = arith.constant 0 : i32
        %scan3A_176 = arith.constant 0 : i32
        %scan3A_177 = arith.constant 64 : i32
        %scan3A_178 = arith.addi %scan3A_176, %scan3A_177 : i32
        %scan3A_179 = arith.constant 1 : i32
        %scan3A_180 = scf.for %scan3A_183 = %scan3A_176 to %scan3A_178 step %scan3A_179 iter_args(%scan3A_184 = %scan3A_175) -> (i32)  : i32 {
          %get3A_185 = arith.index_cast %scan3A_183 : i32 to index
          %get3A_186 = arith.constant 0 : index
          %get3A_187 = tpu.vector_load %arg16[%get3A_185, %get3A_186] {strides = array<i32>} : memref<64x16xi32, #tpu.memory_space<vmem>>, vector<1x16xi32>,
          %get3A_188 = vector.shape_cast %get3A_187 : vector<1x16xi32> to vector<16xi32>
          %sub3A_189 = vector.broadcast %mul3A_52 : i32 to vector<16xi32>
          %sub3A_190 = arith.subi %get3A_188, %sub3A_189 : vector<16xi32>
          %ge3A = arith.constant 0 : i32
          %ge3A_191 = vector.broadcast %ge3A : i32 to vector<16xi32>
          %ge3A_192 = arith.cmpi sge, %sub3A_190, %ge3A_191 : vector<16xi32>
          %lt3A_193 = arith.constant 64 : i32
          %lt3A_194 = vector.broadcast %lt3A_193 : i32 to vector<16xi32>
          %lt3A_195 = arith.cmpi slt, %sub3A_190, %lt3A_194 : vector<16xi32>
          %and3A_196 = arith.andi %ge3A_192, %lt3A_195 : vector<16xi1>
          %jit3A_197 = arith.constant 0 : i32
          %broadcast_in_dim3A = vector.broadcast %jit3A_197 : i32 to vector<16xi32>
          %select_n3A_198 = arith.select %and3A_196, %sub3A_190, %broadcast_in_dim3A : vector<16xi1>, vector<16xi32>
          %jit3A_199 = arith.constant 1.000000e+00 : f32
          %jit3A_200 = arith.constant 0.000000e+00 : f32
          %broadcast_in_dim3A_201 = vector.broadcast %jit3A_199 : f32 to vector<16xf32>
          %broadcast_in_dim3A_202 = vector.broadcast %jit3A_200 : f32 to vector<16xf32>
          %select_n3A_203 = arith.select %and3A_196, %broadcast_in_dim3A_201, %broadcast_in_dim3A_202 : vector<16xi1>, vector<16xf32>
          %slice3A_204 = vector.extract_strided_slice %select_n3A_198 {offsets = [0], sizes = [1], strides = [1]} : vector<16xi32> to vector<1xi32>
          %squeeze3A_205 = vector.extract %slice3A_204[0] : i32 from vector<1xi32>
          %get3A_206 = arith.index_cast %squeeze3A_205 : i32 to index
          %get3A_207 = arith.constant 0 : index
          %get3A_208 = tpu.vector_load %arg14[%get3A_206, %get3A_207] {strides = array<i32>} : memref<64x16xf32, #tpu.memory_space<vmem>>, vector<1x16xf32>,
          %get3A_209 = vector.shape_cast %get3A_208 : vector<1x16xf32> to vector<16xf32>
          %get3A_210 = arith.index_cast %scan3A_183 : i32 to index
          %get3A_211 = arith.constant 128 : index
          %get3A_212 = tpu.vector_load %arg13[%get3A_210, %get3A_211] {strides = array<i32>} : memref<64x256xf32, #tpu.memory_space<vmem>>, vector<1x16xf32>,
          %get3A_213 = vector.shape_cast %get3A_212 : vector<1x16xf32> to vector<16xf32>
          %add3A_214 = arith.addf %get3A_213, %get3A_209 : vector<16xf32>
          %gt3A = arith.constant 0.000000e+00 : f32
          %gt3A_215 = vector.broadcast %gt3A : f32 to vector<16xf32>
          %gt3A_216 = arith.cmpf ogt, %add3A_214, %gt3A_215 : vector<16xf32>
          %mul3A_217 = arith.constant 2.000000e-01 : f32
          %mul3A_218 = vector.broadcast %mul3A_217 : f32 to vector<16xf32>
          %mul3A_219 = arith.mulf %mul3A_218, %add3A_214 : vector<16xf32>
          %select_n3A_220 = arith.select %gt3A_216, %add3A_214, %mul3A_219 : vector<16xi1>, vector<16xf32>
          %exp3A = math.exp %select_n3A_220 : vector<16xf32>
          %mul3A_221 = arith.mulf %exp3A, %select_n3A_203 : vector<16xf32>
          %swap3A = arith.index_cast %squeeze3A_205 : i32 to index
          %swap3A_222 = arith.constant 0 : index
          %swap3A_223 = tpu.vector_load %arg12[%swap3A, %swap3A_222] {strides = array<i32>} : memref<64x16xf32, #tpu.memory_space<vmem>>, vector<1x16xf32>,
          %swap3A_224 = vector.shape_cast %swap3A_223 : vector<1x16xf32> to vector<16xf32>
          %swap3A_225 = vector.shape_cast %mul3A_221 : vector<16xf32> to vector<1x16xf32>
          tpu.vector_store %arg12[%swap3A, %swap3A_222], %swap3A_225 {add = true, strides = array<i32>} : memref<64x16xf32, #tpu.memory_space<vmem>>, vector<1x16xf32>,
          %slice3A_226 = vector.extract_strided_slice %mul3A_221 {offsets = [0], sizes = [1], strides = [1]} : vector<16xf32> to vector<1xf32>
          %squeeze3A_227 = vector.extract %slice3A_226[0] : f32 from vector<1xf32>
          %slice3A_228 = vector.extract_strided_slice %mul3A_221 {offsets = [1], sizes = [1], strides = [1]} : vector<16xf32> to vector<1xf32>
          %squeeze3A_229 = vector.extract %slice3A_228[0] : f32 from vector<1xf32>
          %slice3A_230 = vector.extract_strided_slice %mul3A_221 {offsets = [2], sizes = [1], strides = [1]} : vector<16xf32> to vector<1xf32>
          %squeeze3A_231 = vector.extract %slice3A_230[0] : f32 from vector<1xf32>
          %slice3A_232 = vector.extract_strided_slice %mul3A_221 {offsets = [3], sizes = [1], strides = [1]} : vector<16xf32> to vector<1xf32>
          %squeeze3A_233 = vector.extract %slice3A_232[0] : f32 from vector<1xf32>
          %slice3A_234 = vector.extract_strided_slice %mul3A_221 {offsets = [4], sizes = [1], strides = [1]} : vector<16xf32> to vector<1xf32>
          %squeeze3A_235 = vector.extract %slice3A_234[0] : f32 from vector<1xf32>
          %slice3A_236 = vector.extract_strided_slice %mul3A_221 {offsets = [5], sizes = [1], strides = [1]} : vector<16xf32> to vector<1xf32>
          %squeeze3A_237 = vector.extract %slice3A_236[0] : f32 from vector<1xf32>
          %slice3A_238 = vector.extract_strided_slice %mul3A_221 {offsets = [6], sizes = [1], strides = [1]} : vector<16xf32> to vector<1xf32>
          %squeeze3A_239 = vector.extract %slice3A_238[0] : f32 from vector<1xf32>
          %slice3A_240 = vector.extract_strided_slice %mul3A_221 {offsets = [7], sizes = [1], strides = [1]} : vector<16xf32> to vector<1xf32>
          %squeeze3A_241 = vector.extract %slice3A_240[0] : f32 from vector<1xf32>
          %scan3A_242 = arith.constant 0 : i32
          %scan3A_243 = arith.constant 0 : i32
          %scan3A_244 = arith.constant 8 : i32
          %scan3A_245 = arith.addi %scan3A_243, %scan3A_244 : i32
          %scan3A_246 = arith.constant 1 : i32
          %scan3A_247 = scf.for %scan3A_250 = %scan3A_243 to %scan3A_245 step %scan3A_246 iter_args(%scan3A_251 = %scan3A_242) -> (i32)  : i32 {
            %mul3A_252 = arith.constant 16 : i32
            %mul3A_253 = arith.muli %scan3A_250, %mul3A_252 : i32
            %get3A_254 = arith.index_cast %scan3A_183 : i32 to index
            %get3A_255 = arith.index_cast %mul3A_253 : i32 to index
            %get3A_256 = tpu.vector_load %arg13[%get3A_254, %get3A_255] {strides = array<i32>} : memref<64x256xf32, #tpu.memory_space<vmem>>, vector<1x16xf32>,
            %get3A_257 = vector.shape_cast %get3A_256 : vector<1x16xf32> to vector<16xf32>
            %mul3A_258 = arith.constant 16 : i32
            %mul3A_259 = arith.muli %scan3A_250, %mul3A_258 : i32
            %add3A_260 = arith.constant 0 : i32
            %add3A_261 = arith.addi %add3A_260, %mul3A_259 : i32
            %mul3A_262 = vector.broadcast %squeeze3A_227 : f32 to vector<16xf32>
            %mul3A_263 = arith.mulf %mul3A_262, %get3A_257 : vector<16xf32>
            %swap3A_264 = arith.index_cast %squeeze3A_205 : i32 to index
            %swap3A_265 = arith.index_cast %add3A_261 : i32 to index
            %swap3A_266 = tpu.vector_load %arg11[%swap3A_264, %swap3A_265] {strides = array<i32>} : memref<64x1024xf32, #tpu.memory_space<vmem>>, vector<1x16xf32>,
            %swap3A_267 = vector.shape_cast %swap3A_266 : vector<1x16xf32> to vector<16xf32>
            %swap3A_268 = vector.shape_cast %mul3A_263 : vector<16xf32> to vector<1x16xf32>
            tpu.vector_store %arg11[%swap3A_264, %swap3A_265], %swap3A_268 {add = true, strides = array<i32>} : memref<64x1024xf32, #tpu.memory_space<vmem>>, vector<1x16xf32>,
            %mul3A_269 = arith.constant 16 : i32
            %mul3A_270 = arith.muli %scan3A_250, %mul3A_269 : i32
            %add3A_271 = arith.constant 128 : i32
            %add3A_272 = arith.addi %add3A_271, %mul3A_270 : i32
            %mul3A_273 = vector.broadcast %squeeze3A_229 : f32 to vector<16xf32>
            %mul3A_274 = arith.mulf %mul3A_273, %get3A_257 : vector<16xf32>
            %swap3A_275 = arith.index_cast %squeeze3A_205 : i32 to index
            %swap3A_276 = arith.index_cast %add3A_272 : i32 to index
            %swap3A_277 = tpu.vector_load %arg11[%swap3A_275, %swap3A_276] {strides = array<i32>} : memref<64x1024xf32, #tpu.memory_space<vmem>>, vector<1x16xf32>,
            %swap3A_278 = vector.shape_cast %swap3A_277 : vector<1x16xf32> to vector<16xf32>
            %swap3A_279 = vector.shape_cast %mul3A_274 : vector<16xf32> to vector<1x16xf32>
            tpu.vector_store %arg11[%swap3A_275, %swap3A_276], %swap3A_279 {add = true, strides = array<i32>} : memref<64x1024xf32, #tpu.memory_space<vmem>>, vector<1x16xf32>,
            %mul3A_280 = arith.constant 16 : i32
            %mul3A_281 = arith.muli %scan3A_250, %mul3A_280 : i32
            %add3A_282 = arith.constant 256 : i32
            %add3A_283 = arith.addi %add3A_282, %mul3A_281 : i32
            %mul3A_284 = vector.broadcast %squeeze3A_231 : f32 to vector<16xf32>
            %mul3A_285 = arith.mulf %mul3A_284, %get3A_257 : vector<16xf32>
            %swap3A_286 = arith.index_cast %squeeze3A_205 : i32 to index
            %swap3A_287 = arith.index_cast %add3A_283 : i32 to index
            %swap3A_288 = tpu.vector_load %arg11[%swap3A_286, %swap3A_287] {strides = array<i32>} : memref<64x1024xf32, #tpu.memory_space<vmem>>, vector<1x16xf32>,
            %swap3A_289 = vector.shape_cast %swap3A_288 : vector<1x16xf32> to vector<16xf32>
            %swap3A_290 = vector.shape_cast %mul3A_285 : vector<16xf32> to vector<1x16xf32>
            tpu.vector_store %arg11[%swap3A_286, %swap3A_287], %swap3A_290 {add = true, strides = array<i32>} : memref<64x1024xf32, #tpu.memory_space<vmem>>, vector<1x16xf32>,
            %mul3A_291 = arith.constant 16 : i32
            %mul3A_292 = arith.muli %scan3A_250, %mul3A_291 : i32
            %add3A_293 = arith.constant 384 : i32
            %add3A_294 = arith.addi %add3A_293, %mul3A_292 : i32
            %mul3A_295 = vector.broadcast %squeeze3A_233 : f32 to vector<16xf32>
            %mul3A_296 = arith.mulf %mul3A_295, %get3A_257 : vector<16xf32>
            %swap3A_297 = arith.index_cast %squeeze3A_205 : i32 to index
            %swap3A_298 = arith.index_cast %add3A_294 : i32 to index
            %swap3A_299 = tpu.vector_load %arg11[%swap3A_297, %swap3A_298] {strides = array<i32>} : memref<64x1024xf32, #tpu.memory_space<vmem>>, vector<1x16xf32>,
            %swap3A_300 = vector.shape_cast %swap3A_299 : vector<1x16xf32> to vector<16xf32>
            %swap3A_301 = vector.shape_cast %mul3A_296 : vector<16xf32> to vector<1x16xf32>
            tpu.vector_store %arg11[%swap3A_297, %swap3A_298], %swap3A_301 {add = true, strides = array<i32>} : memref<64x1024xf32, #tpu.memory_space<vmem>>, vector<1x16xf32>,
            %mul3A_302 = arith.constant 16 : i32
            %mul3A_303 = arith.muli %scan3A_250, %mul3A_302 : i32
            %add3A_304 = arith.constant 512 : i32
            %add3A_305 = arith.addi %add3A_304, %mul3A_303 : i32
            %mul3A_306 = vector.broadcast %squeeze3A_235 : f32 to vector<16xf32>
            %mul3A_307 = arith.mulf %mul3A_306, %get3A_257 : vector<16xf32>
            %swap3A_308 = arith.index_cast %squeeze3A_205 : i32 to index
            %swap3A_309 = arith.index_cast %add3A_305 : i32 to index
            %swap3A_310 = tpu.vector_load %arg11[%swap3A_308, %swap3A_309] {strides = array<i32>} : memref<64x1024xf32, #tpu.memory_space<vmem>>, vector<1x16xf32>,
            %swap3A_311 = vector.shape_cast %swap3A_310 : vector<1x16xf32> to vector<16xf32>
            %swap3A_312 = vector.shape_cast %mul3A_307 : vector<16xf32> to vector<1x16xf32>
            tpu.vector_store %arg11[%swap3A_308, %swap3A_309], %swap3A_312 {add = true, strides = array<i32>} : memref<64x1024xf32, #tpu.memory_space<vmem>>, vector<1x16xf32>,
            %mul3A_313 = arith.constant 16 : i32
            %mul3A_314 = arith.muli %scan3A_250, %mul3A_313 : i32
            %add3A_315 = arith.constant 640 : i32
            %add3A_316 = arith.addi %add3A_315, %mul3A_314 : i32
            %mul3A_317 = vector.broadcast %squeeze3A_237 : f32 to vector<16xf32>
            %mul3A_318 = arith.mulf %mul3A_317, %get3A_257 : vector<16xf32>
            %swap3A_319 = arith.index_cast %squeeze3A_205 : i32 to index
            %swap3A_320 = arith.index_cast %add3A_316 : i32 to index
            %swap3A_321 = tpu.vector_load %arg11[%swap3A_319, %swap3A_320] {strides = array<i32>} : memref<64x1024xf32, #tpu.memory_space<vmem>>, vector<1x16xf32>,
            %swap3A_322 = vector.shape_cast %swap3A_321 : vector<1x16xf32> to vector<16xf32>
            %swap3A_323 = vector.shape_cast %mul3A_318 : vector<16xf32> to vector<1x16xf32>
            tpu.vector_store %arg11[%swap3A_319, %swap3A_320], %swap3A_323 {add = true, strides = array<i32>} : memref<64x1024xf32, #tpu.memory_space<vmem>>, vector<1x16xf32>,
            %mul3A_324 = arith.constant 16 : i32
            %mul3A_325 = arith.muli %scan3A_250, %mul3A_324 : i32
            %add3A_326 = arith.constant 768 : i32
            %add3A_327 = arith.addi %add3A_326, %mul3A_325 : i32
            %mul3A_328 = vector.broadcast %squeeze3A_239 : f32 to vector<16xf32>
            %mul3A_329 = arith.mulf %mul3A_328, %get3A_257 : vector<16xf32>
            %swap3A_330 = arith.index_cast %squeeze3A_205 : i32 to index
            %swap3A_331 = arith.index_cast %add3A_327 : i32 to index
            %swap3A_332 = tpu.vector_load %arg11[%swap3A_330, %swap3A_331] {strides = array<i32>} : memref<64x1024xf32, #tpu.memory_space<vmem>>, vector<1x16xf32>,
            %swap3A_333 = vector.shape_cast %swap3A_332 : vector<1x16xf32> to vector<16xf32>
            %swap3A_334 = vector.shape_cast %mul3A_329 : vector<16xf32> to vector<1x16xf32>
            tpu.vector_store %arg11[%swap3A_330, %swap3A_331], %swap3A_334 {add = true, strides = array<i32>} : memref<64x1024xf32, #tpu.memory_space<vmem>>, vector<1x16xf32>,
            %mul3A_335 = arith.constant 16 : i32
            %mul3A_336 = arith.muli %scan3A_250, %mul3A_335 : i32
            %add3A_337 = arith.constant 896 : i32
            %add3A_338 = arith.addi %add3A_337, %mul3A_336 : i32
            %mul3A_339 = vector.broadcast %squeeze3A_241 : f32 to vector<16xf32>
            %mul3A_340 = arith.mulf %mul3A_339, %get3A_257 : vector<16xf32>
            %swap3A_341 = arith.index_cast %squeeze3A_205 : i32 to index
            %swap3A_342 = arith.index_cast %add3A_338 : i32 to index
            %swap3A_343 = tpu.vector_load %arg11[%swap3A_341, %swap3A_342] {strides = array<i32>} : memref<64x1024xf32, #tpu.memory_space<vmem>>, vector<1x16xf32>,
            %swap3A_344 = vector.shape_cast %swap3A_343 : vector<1x16xf32> to vector<16xf32>
            %swap3A_345 = vector.shape_cast %mul3A_340 : vector<16xf32> to vector<1x16xf32>
            tpu.vector_store %arg11[%swap3A_341, %swap3A_342], %swap3A_345 {add = true, strides = array<i32>} : memref<64x1024xf32, #tpu.memory_space<vmem>>, vector<1x16xf32>,
            %scan3A_346 = arith.constant 0 : i32
            scf.yield %scan3A_346 : i32
          }
          %scan3A_248 = arith.constant 8 : i32
          %scan3A_249 = arith.constant 0 : i32
          scf.yield %scan3A_249 : i32
        }
        %scan3A_181 = arith.constant 64 : i32
        %while3A_182 = arith.constant 0 : i32
        scf.yield %while3A_182 : i32
      }
      %while3A_165 = arith.constant 1 : i32
      %while3A_166 = scf.for %while3A_168 = %while3A_162 to %while3A_158 step %while3A_165 iter_args(%while3A_169 = %while3A_164) -> (i32)  : i32 {
        %dma_wait3A = arith.constant 0 : i32
        %dma_wait3A_170 = arith.constant 0 : i32
        %dma_wait3A_171 = tpu.memref_slice %arg2[%dma_wait3A, %dma_wait3A_170] : memref<40000x256xf32, #tpu.memory_space<hbm>> -> memref<40000x256xf32, #tpu.memory_space<hbm>>
        tpu.wait_indirect_dma semaphore(%arg20 : memref<!tpu.dma_semaphore, #tpu.memory_space<semaphore_mem>>) src(%dma_wait3A_171 : memref<40000x256xf32, #tpu.memory_space<hbm>>) dst(%arg13 : memref<64x256xf32, #tpu.memory_space<vmem>>)
        %mul3A_172 = arith.constant 64 : i32
        %mul3A_173 = arith.muli %while3A_168, %mul3A_172 : i32
        %add3A_174 = arith.addi %mul3A_78, %mul3A_173 : i32
        "tpu.region"() ({
          %run_scoped3A = tpu.sem_alloc : memref<!tpu.dma_semaphore, #tpu.memory_space<semaphore_mem>>
          %dma_start3A = arith.constant 0 : i32
          %dma_start3A_183 = tpu.memref_slice %arg5[%add3A_174, %dma_start3A] : memref<320064x16xi32, #tpu.memory_space<hbm>> -> memref<64x16xi32, #tpu.memory_space<hbm>>
          %dma_start3A_184 = arith.constant 0 : i32
          %dma_start3A_185 = tpu.memref_slice %arg5[%add3A_174, %dma_start3A_184] : memref<320064x16xi32, #tpu.memory_space<hbm>> -> memref<64x16xi32, #tpu.memory_space<hbm>>
          tpu.enqueue_dma source(%dma_start3A_185 : memref<64x16xi32, #tpu.memory_space<hbm>>) target(%arg16 : memref<64x16xi32, #tpu.memory_space<vmem>>) target_semaphore(%run_scoped3A : memref<!tpu.dma_semaphore, #tpu.memory_space<semaphore_mem>>)
          %dma_wait3A_186 = arith.constant 0 : i32
          %dma_wait3A_187 = tpu.memref_slice %arg5[%add3A_174, %dma_wait3A_186] : memref<320064x16xi32, #tpu.memory_space<hbm>> -> memref<64x16xi32, #tpu.memory_space<hbm>>
          %dma_wait3A_188 = arith.constant 0 : i32
          %dma_wait3A_189 = tpu.memref_slice %arg5[%add3A_174, %dma_wait3A_188] : memref<320064x16xi32, #tpu.memory_space<hbm>> -> memref<64x16xi32, #tpu.memory_space<hbm>>
          tpu.wait_dma2 semaphore(%run_scoped3A : memref<!tpu.dma_semaphore, #tpu.memory_space<semaphore_mem>>) src(%dma_wait3A_189 : memref<64x16xi32, #tpu.memory_space<hbm>>) dst(%arg16 : memref<64x16xi32, #tpu.memory_space<vmem>>)
          tpu.yield
        }) : () -> ()
        %scan3A_175 = arith.constant 0 : i32
        %scan3A_176 = arith.constant 0 : i32
        %scan3A_177 = arith.constant 64 : i32
        %scan3A_178 = arith.addi %scan3A_176, %scan3A_177 : i32
        %scan3A_179 = arith.constant 1 : i32
        %scan3A_180 = scf.for %scan3A_183 = %scan3A_176 to %scan3A_178 step %scan3A_179 iter_args(%scan3A_184 = %scan3A_175) -> (i32)  : i32 {
          %get3A_185 = arith.index_cast %scan3A_183 : i32 to index
          %get3A_186 = arith.constant 0 : index
          %get3A_187 = tpu.vector_load %arg16[%get3A_185, %get3A_186] {strides = array<i32>} : memref<64x16xi32, #tpu.memory_space<vmem>>, vector<1x16xi32>,
          %get3A_188 = vector.shape_cast %get3A_187 : vector<1x16xi32> to vector<16xi32>
          %sub3A_189 = vector.broadcast %mul3A_52 : i32 to vector<16xi32>
          %sub3A_190 = arith.subi %get3A_188, %sub3A_189 : vector<16xi32>
          %ge3A = arith.constant 0 : i32
          %ge3A_191 = vector.broadcast %ge3A : i32 to vector<16xi32>
          %ge3A_192 = arith.cmpi sge, %sub3A_190, %ge3A_191 : vector<16xi32>
          %lt3A_193 = arith.constant 64 : i32
          %lt3A_194 = vector.broadcast %lt3A_193 : i32 to vector<16xi32>
          %lt3A_195 = arith.cmpi slt, %sub3A_190, %lt3A_194 : vector<16xi32>
          %and3A_196 = arith.andi %ge3A_192, %lt3A_195 : vector<16xi1>
          %jit3A_197 = arith.constant 0 : i32
          %broadcast_in_dim3A = vector.broadcast %jit3A_197 : i32 to vector<16xi32>
          %select_n3A_198 = arith.select %and3A_196, %sub3A_190, %broadcast_in_dim3A : vector<16xi1>, vector<16xi32>
          %jit3A_199 = arith.constant 1.000000e+00 : f32
          %jit3A_200 = arith.constant 0.000000e+00 : f32
          %broadcast_in_dim3A_201 = vector.broadcast %jit3A_199 : f32 to vector<16xf32>
          %broadcast_in_dim3A_202 = vector.broadcast %jit3A_200 : f32 to vector<16xf32>
          %select_n3A_203 = arith.select %and3A_196, %broadcast_in_dim3A_201, %broadcast_in_dim3A_202 : vector<16xi1>, vector<16xf32>
          %slice3A_204 = vector.extract_strided_slice %select_n3A_198 {offsets = [0], sizes = [1], strides = [1]} : vector<16xi32> to vector<1xi32>
          %squeeze3A_205 = vector.extract %slice3A_204[0] : i32 from vector<1xi32>
          %get3A_206 = arith.index_cast %squeeze3A_205 : i32 to index
          %get3A_207 = arith.constant 0 : index
          %get3A_208 = tpu.vector_load %arg14[%get3A_206, %get3A_207] {strides = array<i32>} : memref<64x16xf32, #tpu.memory_space<vmem>>, vector<1x16xf32>,
          %get3A_209 = vector.shape_cast %get3A_208 : vector<1x16xf32> to vector<16xf32>
          %get3A_210 = arith.index_cast %scan3A_183 : i32 to index
          %get3A_211 = arith.constant 128 : index
          %get3A_212 = tpu.vector_load %arg13[%get3A_210, %get3A_211] {strides = array<i32>} : memref<64x256xf32, #tpu.memory_space<vmem>>, vector<1x16xf32>,
          %get3A_213 = vector.shape_cast %get3A_212 : vector<1x16xf32> to vector<16xf32>
          %add3A_214 = arith.addf %get3A_213, %get3A_209 : vector<16xf32>
          %gt3A = arith.constant 0.000000e+00 : f32
          %gt3A_215 = vector.broadcast %gt3A : f32 to vector<16xf32>
          %gt3A_216 = arith.cmpf ogt, %add3A_214, %gt3A_215 : vector<16xf32>
          %mul3A_217 = arith.constant 2.000000e-01 : f32
          %mul3A_218 = vector.broadcast %mul3A_217 : f32 to vector<16xf32>
          %mul3A_219 = arith.mulf %mul3A_218, %add3A_214 : vector<16xf32>
          %select_n3A_220 = arith.select %gt3A_216, %add3A_214, %mul3A_219 : vector<16xi1>, vector<16xf32>
          %exp3A = math.exp %select_n3A_220 : vector<16xf32>
          %mul3A_221 = arith.mulf %exp3A, %select_n3A_203 : vector<16xf32>
          %swap3A = arith.index_cast %squeeze3A_205 : i32 to index
          %swap3A_222 = arith.constant 0 : index
          %swap3A_223 = tpu.vector_load %arg12[%swap3A, %swap3A_222] {strides = array<i32>} : memref<64x16xf32, #tpu.memory_space<vmem>>, vector<1x16xf32>,
          %swap3A_224 = vector.shape_cast %swap3A_223 : vector<1x16xf32> to vector<16xf32>
          %swap3A_225 = vector.shape_cast %mul3A_221 : vector<16xf32> to vector<1x16xf32>
          tpu.vector_store %arg12[%swap3A, %swap3A_222], %swap3A_225 {add = true, strides = array<i32>} : memref<64x16xf32, #tpu.memory_space<vmem>>, vector<1x16xf32>,
          %slice3A_226 = vector.extract_strided_slice %mul3A_221 {offsets = [0], sizes = [1], strides = [1]} : vector<16xf32> to vector<1xf32>
          %squeeze3A_227 = vector.extract %slice3A_226[0] : f32 from vector<1xf32>
          %slice3A_228 = vector.extract_strided_slice %mul3A_221 {offsets = [1], sizes = [1], strides = [1]} : vector<16xf32> to vector<1xf32>
          %squeeze3A_229 = vector.extract %slice3A_228[0] : f32 from vector<1xf32>
          %slice3A_230 = vector.extract_strided_slice %mul3A_221 {offsets = [2], sizes = [1], strides = [1]} : vector<16xf32> to vector<1xf32>
          %squeeze3A_231 = vector.extract %slice3A_230[0] : f32 from vector<1xf32>
          %slice3A_232 = vector.extract_strided_slice %mul3A_221 {offsets = [3], sizes = [1], strides = [1]} : vector<16xf32> to vector<1xf32>
          %squeeze3A_233 = vector.extract %slice3A_232[0] : f32 from vector<1xf32>
          %slice3A_234 = vector.extract_strided_slice %mul3A_221 {offsets = [4], sizes = [1], strides = [1]} : vector<16xf32> to vector<1xf32>
          %squeeze3A_235 = vector.extract %slice3A_234[0] : f32 from vector<1xf32>
          %slice3A_236 = vector.extract_strided_slice %mul3A_221 {offsets = [5], sizes = [1], strides = [1]} : vector<16xf32> to vector<1xf32>
          %squeeze3A_237 = vector.extract %slice3A_236[0] : f32 from vector<1xf32>
          %slice3A_238 = vector.extract_strided_slice %mul3A_221 {offsets = [6], sizes = [1], strides = [1]} : vector<16xf32> to vector<1xf32>
          %squeeze3A_239 = vector.extract %slice3A_238[0] : f32 from vector<1xf32>
          %slice3A_240 = vector.extract_strided_slice %mul3A_221 {offsets = [7], sizes = [1], strides = [1]} : vector<16xf32> to vector<1xf32>
          %squeeze3A_241 = vector.extract %slice3A_240[0] : f32 from vector<1xf32>
          %scan3A_242 = arith.constant 0 : i32
          %scan3A_243 = arith.constant 0 : i32
          %scan3A_244 = arith.constant 8 : i32
          %scan3A_245 = arith.addi %scan3A_243, %scan3A_244 : i32
          %scan3A_246 = arith.constant 1 : i32
          %scan3A_247 = scf.for %scan3A_250 = %scan3A_243 to %scan3A_245 step %scan3A_246 iter_args(%scan3A_251 = %scan3A_242) -> (i32)  : i32 {
            %mul3A_252 = arith.constant 16 : i32
            %mul3A_253 = arith.muli %scan3A_250, %mul3A_252 : i32
            %get3A_254 = arith.index_cast %scan3A_183 : i32 to index
            %get3A_255 = arith.index_cast %mul3A_253 : i32 to index
            %get3A_256 = tpu.vector_load %arg13[%get3A_254, %get3A_255] {strides = array<i32>} : memref<64x256xf32, #tpu.memory_space<vmem>>, vector<1x16xf32>,
            %get3A_257 = vector.shape_cast %get3A_256 : vector<1x16xf32> to vector<16xf32>
            %mul3A_258 = arith.constant 16 : i32
            %mul3A_259 = arith.muli %scan3A_250, %mul3A_258 : i32
            %add3A_260 = arith.constant 0 : i32
            %add3A_261 = arith.addi %add3A_260, %mul3A_259 : i32
            %mul3A_262 = vector.broadcast %squeeze3A_227 : f32 to vector<16xf32>
            %mul3A_263 = arith.mulf %mul3A_262, %get3A_257 : vector<16xf32>
            %swap3A_264 = arith.index_cast %squeeze3A_205 : i32 to index
            %swap3A_265 = arith.index_cast %add3A_261 : i32 to index
            %swap3A_266 = tpu.vector_load %arg11[%swap3A_264, %swap3A_265] {strides = array<i32>} : memref<64x1024xf32, #tpu.memory_space<vmem>>, vector<1x16xf32>,
            %swap3A_267 = vector.shape_cast %swap3A_266 : vector<1x16xf32> to vector<16xf32>
            %swap3A_268 = vector.shape_cast %mul3A_263 : vector<16xf32> to vector<1x16xf32>
            tpu.vector_store %arg11[%swap3A_264, %swap3A_265], %swap3A_268 {add = true, strides = array<i32>} : memref<64x1024xf32, #tpu.memory_space<vmem>>, vector<1x16xf32>,
            %mul3A_269 = arith.constant 16 : i32
            %mul3A_270 = arith.muli %scan3A_250, %mul3A_269 : i32
            %add3A_271 = arith.constant 128 : i32
            %add3A_272 = arith.addi %add3A_271, %mul3A_270 : i32
            %mul3A_273 = vector.broadcast %squeeze3A_229 : f32 to vector<16xf32>
            %mul3A_274 = arith.mulf %mul3A_273, %get3A_257 : vector<16xf32>
            %swap3A_275 = arith.index_cast %squeeze3A_205 : i32 to index
            %swap3A_276 = arith.index_cast %add3A_272 : i32 to index
            %swap3A_277 = tpu.vector_load %arg11[%swap3A_275, %swap3A_276] {strides = array<i32>} : memref<64x1024xf32, #tpu.memory_space<vmem>>, vector<1x16xf32>,
            %swap3A_278 = vector.shape_cast %swap3A_277 : vector<1x16xf32> to vector<16xf32>
            %swap3A_279 = vector.shape_cast %mul3A_274 : vector<16xf32> to vector<1x16xf32>
            tpu.vector_store %arg11[%swap3A_275, %swap3A_276], %swap3A_279 {add = true, strides = array<i32>} : memref<64x1024xf32, #tpu.memory_space<vmem>>, vector<1x16xf32>,
            %mul3A_280 = arith.constant 16 : i32
            %mul3A_281 = arith.muli %scan3A_250, %mul3A_280 : i32
            %add3A_282 = arith.constant 256 : i32
            %add3A_283 = arith.addi %add3A_282, %mul3A_281 : i32
            %mul3A_284 = vector.broadcast %squeeze3A_231 : f32 to vector<16xf32>
            %mul3A_285 = arith.mulf %mul3A_284, %get3A_257 : vector<16xf32>
            %swap3A_286 = arith.index_cast %squeeze3A_205 : i32 to index
            %swap3A_287 = arith.index_cast %add3A_283 : i32 to index
            %swap3A_288 = tpu.vector_load %arg11[%swap3A_286, %swap3A_287] {strides = array<i32>} : memref<64x1024xf32, #tpu.memory_space<vmem>>, vector<1x16xf32>,
            %swap3A_289 = vector.shape_cast %swap3A_288 : vector<1x16xf32> to vector<16xf32>
            %swap3A_290 = vector.shape_cast %mul3A_285 : vector<16xf32> to vector<1x16xf32>
            tpu.vector_store %arg11[%swap3A_286, %swap3A_287], %swap3A_290 {add = true, strides = array<i32>} : memref<64x1024xf32, #tpu.memory_space<vmem>>, vector<1x16xf32>,
            %mul3A_291 = arith.constant 16 : i32
            %mul3A_292 = arith.muli %scan3A_250, %mul3A_291 : i32
            %add3A_293 = arith.constant 384 : i32
            %add3A_294 = arith.addi %add3A_293, %mul3A_292 : i32
            %mul3A_295 = vector.broadcast %squeeze3A_233 : f32 to vector<16xf32>
            %mul3A_296 = arith.mulf %mul3A_295, %get3A_257 : vector<16xf32>
            %swap3A_297 = arith.index_cast %squeeze3A_205 : i32 to index
            %swap3A_298 = arith.index_cast %add3A_294 : i32 to index
            %swap3A_299 = tpu.vector_load %arg11[%swap3A_297, %swap3A_298] {strides = array<i32>} : memref<64x1024xf32, #tpu.memory_space<vmem>>, vector<1x16xf32>,
            %swap3A_300 = vector.shape_cast %swap3A_299 : vector<1x16xf32> to vector<16xf32>
            %swap3A_301 = vector.shape_cast %mul3A_296 : vector<16xf32> to vector<1x16xf32>
            tpu.vector_store %arg11[%swap3A_297, %swap3A_298], %swap3A_301 {add = true, strides = array<i32>} : memref<64x1024xf32, #tpu.memory_space<vmem>>, vector<1x16xf32>,
            %mul3A_302 = arith.constant 16 : i32
            %mul3A_303 = arith.muli %scan3A_250, %mul3A_302 : i32
            %add3A_304 = arith.constant 512 : i32
            %add3A_305 = arith.addi %add3A_304, %mul3A_303 : i32
            %mul3A_306 = vector.broadcast %squeeze3A_235 : f32 to vector<16xf32>
            %mul3A_307 = arith.mulf %mul3A_306, %get3A_257 : vector<16xf32>
            %swap3A_308 = arith.index_cast %squeeze3A_205 : i32 to index
            %swap3A_309 = arith.index_cast %add3A_305 : i32 to index
            %swap3A_310 = tpu.vector_load %arg11[%swap3A_308, %swap3A_309] {strides = array<i32>} : memref<64x1024xf32, #tpu.memory_space<vmem>>, vector<1x16xf32>,
            %swap3A_311 = vector.shape_cast %swap3A_310 : vector<1x16xf32> to vector<16xf32>
            %swap3A_312 = vector.shape_cast %mul3A_307 : vector<16xf32> to vector<1x16xf32>
            tpu.vector_store %arg11[%swap3A_308, %swap3A_309], %swap3A_312 {add = true, strides = array<i32>} : memref<64x1024xf32, #tpu.memory_space<vmem>>, vector<1x16xf32>,
            %mul3A_313 = arith.constant 16 : i32
            %mul3A_314 = arith.muli %scan3A_250, %mul3A_313 : i32
            %add3A_315 = arith.constant 640 : i32
            %add3A_316 = arith.addi %add3A_315, %mul3A_314 : i32
            %mul3A_317 = vector.broadcast %squeeze3A_237 : f32 to vector<16xf32>
            %mul3A_318 = arith.mulf %mul3A_317, %get3A_257 : vector<16xf32>
            %swap3A_319 = arith.index_cast %squeeze3A_205 : i32 to index
            %swap3A_320 = arith.index_cast %add3A_316 : i32 to index
            %swap3A_321 = tpu.vector_load %arg11[%swap3A_319, %swap3A_320] {strides = array<i32>} : memref<64x1024xf32, #tpu.memory_space<vmem>>, vector<1x16xf32>,
            %swap3A_322 = vector.shape_cast %swap3A_321 : vector<1x16xf32> to vector<16xf32>
            %swap3A_323 = vector.shape_cast %mul3A_318 : vector<16xf32> to vector<1x16xf32>
            tpu.vector_store %arg11[%swap3A_319, %swap3A_320], %swap3A_323 {add = true, strides = array<i32>} : memref<64x1024xf32, #tpu.memory_space<vmem>>, vector<1x16xf32>,
            %mul3A_324 = arith.constant 16 : i32
            %mul3A_325 = arith.muli %scan3A_250, %mul3A_324 : i32
            %add3A_326 = arith.constant 768 : i32
            %add3A_327 = arith.addi %add3A_326, %mul3A_325 : i32
            %mul3A_328 = vector.broadcast %squeeze3A_239 : f32 to vector<16xf32>
            %mul3A_329 = arith.mulf %mul3A_328, %get3A_257 : vector<16xf32>
            %swap3A_330 = arith.index_cast %squeeze3A_205 : i32 to index
            %swap3A_331 = arith.index_cast %add3A_327 : i32 to index
            %swap3A_332 = tpu.vector_load %arg11[%swap3A_330, %swap3A_331] {strides = array<i32>} : memref<64x1024xf32, #tpu.memory_space<vmem>>, vector<1x16xf32>,
            %swap3A_333 = vector.shape_cast %swap3A_332 : vector<1x16xf32> to vector<16xf32>
            %swap3A_334 = vector.shape_cast %mul3A_329 : vector<16xf32> to vector<1x16xf32>
            tpu.vector_store %arg11[%swap3A_330, %swap3A_331], %swap3A_334 {add = true, strides = array<i32>} : memref<64x1024xf32, #tpu.memory_space<vmem>>, vector<1x16xf32>,
            %mul3A_335 = arith.constant 16 : i32
            %mul3A_336 = arith.muli %scan3A_250, %mul3A_335 : i32
            %add3A_337 = arith.constant 896 : i32
            %add3A_338 = arith.addi %add3A_337, %mul3A_336 : i32
            %mul3A_339 = vector.broadcast %squeeze3A_241 : f32 to vector<16xf32>
            %mul3A_340 = arith.mulf %mul3A_339, %get3A_257 : vector<16xf32>
            %swap3A_341 = arith.index_cast %squeeze3A_205 : i32 to index
            %swap3A_342 = arith.index_cast %add3A_338 : i32 to index
            %swap3A_343 = tpu.vector_load %arg11[%swap3A_341, %swap3A_342] {strides = array<i32>} : memref<64x1024xf32, #tpu.memory_space<vmem>>, vector<1x16xf32>,
            %swap3A_344 = vector.shape_cast %swap3A_343 : vector<1x16xf32> to vector<16xf32>
            %swap3A_345 = vector.shape_cast %mul3A_340 : vector<16xf32> to vector<1x16xf32>
            tpu.vector_store %arg11[%swap3A_341, %swap3A_342], %swap3A_345 {add = true, strides = array<i32>} : memref<64x1024xf32, #tpu.memory_space<vmem>>, vector<1x16xf32>,
            %scan3A_346 = arith.constant 0 : i32
            scf.yield %scan3A_346 : i32
          }
          %scan3A_248 = arith.constant 8 : i32
          %scan3A_249 = arith.constant 0 : i32
          scf.yield %scan3A_249 : i32
        }
        %scan3A_181 = arith.constant 64 : i32
        %while3A_182 = arith.constant 0 : i32
        scf.yield %while3A_182 : i32
      }
      "tpu.region"() ({
        %run_scoped3A = tpu.sem_alloc : memref<!tpu.dma_semaphore, #tpu.memory_space<semaphore_mem>>
        %dma_start3A = arith.constant 0 : i32
        %dma_start3A_168 = tpu.memref_slice %arg9[%select_n3A_38, %mul3A_52, %dma_start3A] : memref<4x10240x1024xf32, #tpu.memory_space<hbm>> -> memref<1x64x1024xf32, #tpu.memory_space<hbm>>
        %dma_start3A_169 = tpu.memref_squeeze %dma_start3A_168 : memref<1x64x1024xf32, #tpu.memory_space<hbm>> -> memref<64x1024xf32, #tpu.memory_space<hbm>>
        %dma_start3A_170 = arith.constant 0 : i32
        %dma_start3A_171 = tpu.memref_slice %arg9[%select_n3A_38, %mul3A_52, %dma_start3A_170] : memref<4x10240x1024xf32, #tpu.memory_space<hbm>> -> memref<1x64x1024xf32, #tpu.memory_space<hbm>>
        %dma_start3A_172 = tpu.memref_squeeze %dma_start3A_171 : memref<1x64x1024xf32, #tpu.memory_space<hbm>> -> memref<64x1024xf32, #tpu.memory_space<hbm>>
        tpu.enqueue_dma source(%arg11 : memref<64x1024xf32, #tpu.memory_space<vmem>>) target(%dma_start3A_172 : memref<64x1024xf32, #tpu.memory_space<hbm>>) target_semaphore(%run_scoped3A : memref<!tpu.dma_semaphore, #tpu.memory_space<semaphore_mem>>)
        %dma_wait3A = arith.constant 0 : i32
        %dma_wait3A_173 = tpu.memref_slice %arg9[%select_n3A_38, %mul3A_52, %dma_wait3A] : memref<4x10240x1024xf32, #tpu.memory_space<hbm>> -> memref<1x64x1024xf32, #tpu.memory_space<hbm>>
        %dma_wait3A_174 = tpu.memref_squeeze %dma_wait3A_173 : memref<1x64x1024xf32, #tpu.memory_space<hbm>> -> memref<64x1024xf32, #tpu.memory_space<hbm>>
        %dma_wait3A_175 = arith.constant 0 : i32
        %dma_wait3A_176 = tpu.memref_slice %arg9[%select_n3A_38, %mul3A_52, %dma_wait3A_175] : memref<4x10240x1024xf32, #tpu.memory_space<hbm>> -> memref<1x64x1024xf32, #tpu.memory_space<hbm>>
        %dma_wait3A_177 = tpu.memref_squeeze %dma_wait3A_176 : memref<1x64x1024xf32, #tpu.memory_space<hbm>> -> memref<64x1024xf32, #tpu.memory_space<hbm>>
        tpu.wait_dma2 semaphore(%run_scoped3A : memref<!tpu.dma_semaphore, #tpu.memory_space<semaphore_mem>>) src(%arg11 : memref<64x1024xf32, #tpu.memory_space<vmem>>) dst(%dma_wait3A_177 : memref<64x1024xf32, #tpu.memory_space<hbm>>)
        tpu.yield
      }) : () -> ()
      "tpu.region"() ({
        %run_scoped3A = tpu.sem_alloc : memref<!tpu.dma_semaphore, #tpu.memory_space<semaphore_mem>>
        %dma_start3A = arith.constant 0 : i32
        %dma_start3A_168 = tpu.memref_slice %arg10[%select_n3A_38, %mul3A_52, %dma_start3A] : memref<4x10240x16xf32, #tpu.memory_space<hbm>> -> memref<1x64x16xf32, #tpu.memory_space<hbm>>
        %dma_start3A_169 = tpu.memref_squeeze %dma_start3A_168 : memref<1x64x16xf32, #tpu.memory_space<hbm>> -> memref<64x16xf32, #tpu.memory_space<hbm>>
        %dma_start3A_170 = arith.constant 0 : i32
        %dma_start3A_171 = tpu.memref_slice %arg10[%select_n3A_38, %mul3A_52, %dma_start3A_170] : memref<4x10240x16xf32, #tpu.memory_space<hbm>> -> memref<1x64x16xf32, #tpu.memory_space<hbm>>
        %dma_start3A_172 = tpu.memref_squeeze %dma_start3A_171 : memref<1x64x16xf32, #tpu.memory_space<hbm>> -> memref<64x16xf32, #tpu.memory_space<hbm>>
        tpu.enqueue_dma source(%arg12 : memref<64x16xf32, #tpu.memory_space<vmem>>) target(%dma_start3A_172 : memref<64x16xf32, #tpu.memory_space<hbm>>) target_semaphore(%run_scoped3A : memref<!tpu.dma_semaphore, #tpu.memory_space<semaphore_mem>>)
        %dma_wait3A = arith.constant 0 : i32
        %dma_wait3A_173 = tpu.memref_slice %arg10[%select_n3A_38, %mul3A_52, %dma_wait3A] : memref<4x10240x16xf32, #tpu.memory_space<hbm>> -> memref<1x64x16xf32, #tpu.memory_space<hbm>>
        %dma_wait3A_174 = tpu.memref_squeeze %dma_wait3A_173 : memref<1x64x16xf32, #tpu.memory_space<hbm>> -> memref<64x16xf32, #tpu.memory_space<hbm>>
        %dma_wait3A_175 = arith.constant 0 : i32
        %dma_wait3A_176 = tpu.memref_slice %arg10[%select_n3A_38, %mul3A_52, %dma_wait3A_175] : memref<4x10240x16xf32, #tpu.memory_space<hbm>> -> memref<1x64x16xf32, #tpu.memory_space<hbm>>
        %dma_wait3A_177 = tpu.memref_squeeze %dma_wait3A_176 : memref<1x64x16xf32, #tpu.memory_space<hbm>> -> memref<64x16xf32, #tpu.memory_space<hbm>>
        tpu.wait_dma2 semaphore(%run_scoped3A : memref<!tpu.dma_semaphore, #tpu.memory_space<semaphore_mem>>) src(%arg12 : memref<64x16xf32, #tpu.memory_space<vmem>>) dst(%dma_wait3A_177 : memref<64x16xf32, #tpu.memory_space<hbm>>)
        tpu.yield
      }) : () -> ()
      %scan3A_167 = arith.constant 0 : i32
      scf.yield %scan3A_167 : i32
    }
    %scan3A_6 = arith.constant 20 : i32
    return
  }
}

module attributes {stable_mosaic.version = 14 : i64} {
  func.func @_proj_kernel(%arg0: i32, %arg1: i32, %arg2: memref<1x400x128xf32, #tpu.memory_space<vmem>>, %arg3: memref<128x16xf32, #tpu.memory_space<vmem>>, %arg4: memref<128x16xf32, #tpu.memory_space<vmem>>, %arg5: memref<1x400x256xf32, #tpu.memory_space<vmem>>, %arg6: memref<1x400x16xf32, #tpu.memory_space<vmem>>) attributes {dimension_semantics = [#tpu.dimension_semantics<arbitrary>, #tpu.dimension_semantics<arbitrary>], iteration_bounds = array<i64: 4, 25>, scalar_prefetch = 0 : i64, scratch_operands = 0 : i64, tpu.core_type = #tpu.core_type<tc>, window_params = [{transform_indices = @transform_0, window_bounds = array<i64: 1, 400, 128>}, {pipeline_mode = #tpu.pipeline_mode<synchronous>, transform_indices = @transform_1, window_bounds = array<i64: 128, 16>}, {pipeline_mode = #tpu.pipeline_mode<synchronous>, transform_indices = @transform_2, window_bounds = array<i64: 128, 16>}, {transform_indices = @transform_3, window_bounds = array<i64: 1, 400, 256>}, {transform_indices = @transform_4, window_bounds = array<i64: 1, 400, 16>}]} {
    %get3A = arith.constant 0 : index
    %get3A_0 = arith.constant 0 : index
    %get3A_1 = arith.constant 0 : index
    %get3A_2 = vector.load %arg2[%get3A, %get3A_0, %get3A_1] : memref<1x400x128xf32, #tpu.memory_space<vmem>>, vector<1x400x128xf32>
    %get3A_3 = vector.shape_cast %get3A_2 : vector<1x400x128xf32> to vector<400x128xf32>
    %get3A_4 = arith.constant 0 : index
    %get3A_5 = arith.constant 0 : index
    %get3A_6 = vector.load %arg3[%get3A_4, %get3A_5] : memref<128x16xf32, #tpu.memory_space<vmem>>, vector<128x16xf32>
    %dot_general3A = arith.constant dense<0.000000e+00> : vector<400x16xf32>
    %dot_general3A_7 = tpu.matmul %get3A_3, %get3A_6, %dot_general3A {dimension_numbers = #tpu.dot_dimension_numbers<[1], [0], [0], [1], [0, 0, 1, 1], [], []>, transpose_lhs_hint = false} : vector<400x128xf32>, vector<128x16xf32>, vector<400x16xf32> -> vector<400x16xf32>
    %broadcast_in_dim3A = arith.constant 0.000000e+00 : f32
    %broadcast_in_dim3A_8 = vector.broadcast %broadcast_in_dim3A : f32 to vector<400x112xf32>
    %concatenate3A = tpu.concatenate %get3A_3, %dot_general3A_7, %broadcast_in_dim3A_8 in 1 : vector<400x128xf32>, vector<400x16xf32>, vector<400x112xf32> -> vector<400x256xf32>
    %swap3A = arith.constant 0 : index
    %swap3A_9 = arith.constant 0 : index
    %swap3A_10 = arith.constant 0 : index
    %swap3A_11 = vector.load %arg5[%swap3A, %swap3A_9, %swap3A_10] : memref<1x400x256xf32, #tpu.memory_space<vmem>>, vector<1x400x256xf32>
    %swap3A_12 = vector.shape_cast %swap3A_11 : vector<1x400x256xf32> to vector<400x256xf32>
    %swap3A_13 = vector.shape_cast %concatenate3A : vector<400x256xf32> to vector<1x400x256xf32>
    tpu.vector_store %arg5[%swap3A, %swap3A_9, %swap3A_10], %swap3A_13 {strides = array<i32>} : memref<1x400x256xf32, #tpu.memory_space<vmem>>, vector<1x400x256xf32>,
    %get3A_14 = arith.constant 0 : index
    %get3A_15 = arith.constant 0 : index
    %get3A_16 = vector.load %arg4[%get3A_14, %get3A_15] : memref<128x16xf32, #tpu.memory_space<vmem>>, vector<128x16xf32>
    %dot_general3A_17 = arith.constant dense<0.000000e+00> : vector<400x16xf32>
    %dot_general3A_18 = tpu.matmul %get3A_3, %get3A_16, %dot_general3A_17 {dimension_numbers = #tpu.dot_dimension_numbers<[1], [0], [0], [1], [0, 0, 1, 1], [], []>, transpose_lhs_hint = false} : vector<400x128xf32>, vector<128x16xf32>, vector<400x16xf32> -> vector<400x16xf32>
    %swap3A_19 = arith.constant 0 : index
    %swap3A_20 = arith.constant 0 : index
    %swap3A_21 = arith.constant 0 : index
    %swap3A_22 = vector.load %arg6[%swap3A_19, %swap3A_20, %swap3A_21] : memref<1x400x16xf32, #tpu.memory_space<vmem>>, vector<1x400x16xf32>
    %swap3A_23 = vector.shape_cast %swap3A_22 : vector<1x400x16xf32> to vector<400x16xf32>
    %swap3A_24 = vector.shape_cast %dot_general3A_18 : vector<400x16xf32> to vector<1x400x16xf32>
    tpu.vector_store %arg6[%swap3A_19, %swap3A_20, %swap3A_21], %swap3A_24 {strides = array<i32>} : memref<1x400x16xf32, #tpu.memory_space<vmem>>, vector<1x400x16xf32>,
    return
  }
  func.func @transform_0(%arg0: i32, %arg1: i32) -> (i32, i32, i32) {
    %c0_i32 = arith.constant 0 : i32
    %c0_i32_0 = arith.constant 0 : i32
    return %arg0, %arg1, %c0_i32 : i32, i32, i32
  }
  func.func @transform_1(%arg0: i32, %arg1: i32) -> (i32, i32) {
    %c0_i32 = arith.constant 0 : i32
    %c0_i32_0 = arith.constant 0 : i32
    %c0_i32_1 = arith.constant 0 : i32
    return %c0_i32, %c0_i32_0 : i32, i32
  }
  func.func @transform_2(%arg0: i32, %arg1: i32) -> (i32, i32) {
    %c0_i32 = arith.constant 0 : i32
    %c0_i32_0 = arith.constant 0 : i32
    %c0_i32_1 = arith.constant 0 : i32
    return %c0_i32, %c0_i32_0 : i32, i32
  }
  func.func @transform_3(%arg0: i32, %arg1: i32) -> (i32, i32, i32) {
    %c0_i32 = arith.constant 0 : i32
    %c0_i32_0 = arith.constant 0 : i32
    return %arg0, %arg1, %c0_i32 : i32, i32, i32
  }
  func.func @transform_4(%arg0: i32, %arg1: i32) -> (i32, i32, i32) {
    %c0_i32 = arith.constant 0 : i32
    %c0_i32_0 = arith.constant 0 : i32
    return %arg0, %arg1, %c0_i32 : i32, i32, i32
  }
}

module attributes {stable_mosaic.version = 14 : i64} {
  func.func @_stage_b_kernel(%arg0: i32, %arg1: i32, %arg2: memref<1x400x1024xf32, #tpu.memory_space<vmem>>, %arg3: memref<1x400x16xf32, #tpu.memory_space<vmem>>, %arg4: memref<8x128x128xf32, #tpu.memory_space<vmem>>, %arg5: memref<1x1024xf32, #tpu.memory_space<vmem>>, %arg6: memref<8x128x128xf32, #tpu.memory_space<vmem>>, %arg7: memref<128x16xf32, #tpu.memory_space<vmem>>, %arg8: memref<128x16xf32, #tpu.memory_space<vmem>>, %arg9: memref<1x400x256xf32, #tpu.memory_space<vmem>>, %arg10: memref<1x400x16xf32, #tpu.memory_space<vmem>>) attributes {dimension_semantics = [#tpu.dimension_semantics<arbitrary>, #tpu.dimension_semantics<arbitrary>], iteration_bounds = array<i64: 4, 25>, scalar_prefetch = 0 : i64, scratch_operands = 0 : i64, tpu.core_type = #tpu.core_type<tc>, window_params = [{transform_indices = @transform_0, window_bounds = array<i64: 1, 400, 1024>}, {transform_indices = @transform_1, window_bounds = array<i64: 1, 400, 16>}, {pipeline_mode = #tpu.pipeline_mode<synchronous>, transform_indices = @transform_2, window_bounds = array<i64: 8, 128, 128>}, {pipeline_mode = #tpu.pipeline_mode<synchronous>, transform_indices = @transform_3, window_bounds = array<i64: 1, 1024>}, {pipeline_mode = #tpu.pipeline_mode<synchronous>, transform_indices = @transform_4, window_bounds = array<i64: 8, 128, 128>}, {pipeline_mode = #tpu.pipeline_mode<synchronous>, transform_indices = @transform_5, window_bounds = array<i64: 128, 16>}, {pipeline_mode = #tpu.pipeline_mode<synchronous>, transform_indices = @transform_6, window_bounds = array<i64: 128, 16>}, {transform_indices = @transform_7, window_bounds = array<i64: 1, 400, 256>}, {transform_indices = @transform_8, window_bounds = array<i64: 1, 400, 16>}]} {
    %get3A = arith.constant 0 : index
    %get3A_0 = arith.constant 0 : index
    %get3A_1 = arith.constant 0 : index
    %get3A_2 = vector.load %arg2[%get3A, %get3A_0, %get3A_1] : memref<1x400x1024xf32, #tpu.memory_space<vmem>>, vector<1x400x1024xf32>
    %get3A_3 = vector.shape_cast %get3A_2 : vector<1x400x1024xf32> to vector<400x1024xf32>
    %get3A_4 = arith.constant 0 : index
    %get3A_5 = arith.constant 0 : index
    %get3A_6 = arith.constant 0 : index
    %get3A_7 = vector.load %arg3[%get3A_4, %get3A_5, %get3A_6] : memref<1x400x16xf32, #tpu.memory_space<vmem>>, vector<1x400x16xf32>
    %get3A_8 = vector.shape_cast %get3A_7 : vector<1x400x16xf32> to vector<400x16xf32>
    %broadcast_in_dim3A = arith.constant 0.000000e+00 : f32
    %broadcast_in_dim3A_9 = vector.broadcast %broadcast_in_dim3A : f32 to vector<400x128xf32>
    %slice3A = vector.extract_strided_slice %get3A_3 {offsets = [0, 0], sizes = [400, 128], strides = [1, 1]} : vector<400x1024xf32> to vector<400x128xf32>
    %slice3A_10 = vector.extract_strided_slice %get3A_8 {offsets = [0, 0], sizes = [400, 1], strides = [1, 1]} : vector<400x16xf32> to vector<400x1xf32>
    %add3A = arith.constant 1.000000e-16 : f32
    %add3A_11 = vector.broadcast %add3A : f32 to vector<400x1xf32>
    %add3A_12 = arith.addf %slice3A_10, %add3A_11 : vector<400x1xf32>
    %div3A = vector.broadcast %add3A_12 : vector<400x1xf32> to vector<400x128xf32>
    %div3A_13 = arith.divf %slice3A, %div3A : vector<400x128xf32>
    %get3A_14 = arith.constant 0 : index
    %get3A_15 = arith.constant 0 : index
    %get3A_16 = arith.constant 0 : index
    %get3A_17 = vector.load %arg4[%get3A_14, %get3A_15, %get3A_16] : memref<8x128x128xf32, #tpu.memory_space<vmem>>, vector<1x128x128xf32>
    %get3A_18 = vector.shape_cast %get3A_17 : vector<1x128x128xf32> to vector<128x128xf32>
    %dot_general3A = arith.constant dense<0.000000e+00> : vector<400x128xf32>
    %dot_general3A_19 = tpu.matmul %div3A_13, %get3A_18, %dot_general3A {dimension_numbers = #tpu.dot_dimension_numbers<[1], [0], [0], [1], [0, 0, 1, 1], [], []>, transpose_lhs_hint = false} : vector<400x128xf32>, vector<128x128xf32>, vector<400x128xf32> -> vector<400x128xf32>
    %get3A_20 = arith.constant 0 : index
    %get3A_21 = arith.constant 0 : index
    %get3A_22 = vector.load %arg5[%get3A_20, %get3A_21] : memref<1x1024xf32, #tpu.memory_space<vmem>>, vector<1x128xf32>
    %get3A_23 = vector.shape_cast %get3A_22 : vector<1x128xf32> to vector<128xf32>
    %broadcast_in_dim3A_24 = vector.shape_cast %get3A_23 : vector<128xf32> to vector<1x128xf32>
    %add3A_25 = vector.broadcast %broadcast_in_dim3A_24 : vector<1x128xf32> to vector<400x128xf32>
    %add3A_26 = arith.addf %dot_general3A_19, %add3A_25 : vector<400x128xf32>
    %max3A = arith.constant 0.000000e+00 : f32
    %max3A_27 = vector.broadcast %max3A : f32 to vector<400x128xf32>
    %max3A_28 = arith.maximumf %add3A_26, %max3A_27 : vector<400x128xf32>
    %get3A_29 = arith.constant 0 : index
    %get3A_30 = arith.constant 0 : index
    %get3A_31 = arith.constant 0 : index
    %get3A_32 = vector.load %arg6[%get3A_29, %get3A_30, %get3A_31] : memref<8x128x128xf32, #tpu.memory_space<vmem>>, vector<1x128x128xf32>
    %get3A_33 = vector.shape_cast %get3A_32 : vector<1x128x128xf32> to vector<128x128xf32>
    %dot_general3A_34 = arith.constant dense<0.000000e+00> : vector<400x128xf32>
    %dot_general3A_35 = tpu.matmul %max3A_28, %get3A_33, %dot_general3A_34 {dimension_numbers = #tpu.dot_dimension_numbers<[1], [0], [0], [1], [0, 0, 1, 1], [], []>, transpose_lhs_hint = false} : vector<400x128xf32>, vector<128x128xf32>, vector<400x128xf32> -> vector<400x128xf32>
    %add3A_36 = arith.addf %broadcast_in_dim3A_9, %dot_general3A_35 : vector<400x128xf32>
    %slice3A_37 = vector.extract_strided_slice %get3A_3 {offsets = [0, 128], sizes = [400, 128], strides = [1, 1]} : vector<400x1024xf32> to vector<400x128xf32>
    %slice3A_38 = vector.extract_strided_slice %get3A_8 {offsets = [0, 1], sizes = [400, 1], strides = [1, 1]} : vector<400x16xf32> to vector<400x1xf32>
    %add3A_39 = arith.constant 1.000000e-16 : f32
    %add3A_40 = vector.broadcast %add3A_39 : f32 to vector<400x1xf32>
    %add3A_41 = arith.addf %slice3A_38, %add3A_40 : vector<400x1xf32>
    %div3A_42 = vector.broadcast %add3A_41 : vector<400x1xf32> to vector<400x128xf32>
    %div3A_43 = arith.divf %slice3A_37, %div3A_42 : vector<400x128xf32>
    %get3A_44 = arith.constant 1 : index
    %get3A_45 = arith.constant 0 : index
    %get3A_46 = arith.constant 0 : index
    %get3A_47 = vector.load %arg4[%get3A_44, %get3A_45, %get3A_46] : memref<8x128x128xf32, #tpu.memory_space<vmem>>, vector<1x128x128xf32>
    %get3A_48 = vector.shape_cast %get3A_47 : vector<1x128x128xf32> to vector<128x128xf32>
    %dot_general3A_49 = arith.constant dense<0.000000e+00> : vector<400x128xf32>
    %dot_general3A_50 = tpu.matmul %div3A_43, %get3A_48, %dot_general3A_49 {dimension_numbers = #tpu.dot_dimension_numbers<[1], [0], [0], [1], [0, 0, 1, 1], [], []>, transpose_lhs_hint = false} : vector<400x128xf32>, vector<128x128xf32>, vector<400x128xf32> -> vector<400x128xf32>
    %get3A_51 = arith.constant 0 : index
    %get3A_52 = arith.constant 128 : index
    %get3A_53 = vector.load %arg5[%get3A_51, %get3A_52] : memref<1x1024xf32, #tpu.memory_space<vmem>>, vector<1x128xf32>
    %get3A_54 = vector.shape_cast %get3A_53 : vector<1x128xf32> to vector<128xf32>
    %broadcast_in_dim3A_55 = vector.shape_cast %get3A_54 : vector<128xf32> to vector<1x128xf32>
    %add3A_56 = vector.broadcast %broadcast_in_dim3A_55 : vector<1x128xf32> to vector<400x128xf32>
    %add3A_57 = arith.addf %dot_general3A_50, %add3A_56 : vector<400x128xf32>
    %max3A_58 = arith.constant 0.000000e+00 : f32
    %max3A_59 = vector.broadcast %max3A_58 : f32 to vector<400x128xf32>
    %max3A_60 = arith.maximumf %add3A_57, %max3A_59 : vector<400x128xf32>
    %get3A_61 = arith.constant 1 : index
    %get3A_62 = arith.constant 0 : index
    %get3A_63 = arith.constant 0 : index
    %get3A_64 = vector.load %arg6[%get3A_61, %get3A_62, %get3A_63] : memref<8x128x128xf32, #tpu.memory_space<vmem>>, vector<1x128x128xf32>
    %get3A_65 = vector.shape_cast %get3A_64 : vector<1x128x128xf32> to vector<128x128xf32>
    %dot_general3A_66 = arith.constant dense<0.000000e+00> : vector<400x128xf32>
    %dot_general3A_67 = tpu.matmul %max3A_60, %get3A_65, %dot_general3A_66 {dimension_numbers = #tpu.dot_dimension_numbers<[1], [0], [0], [1], [0, 0, 1, 1], [], []>, transpose_lhs_hint = false} : vector<400x128xf32>, vector<128x128xf32>, vector<400x128xf32> -> vector<400x128xf32>
    %add3A_68 = arith.addf %add3A_36, %dot_general3A_67 : vector<400x128xf32>
    %slice3A_69 = vector.extract_strided_slice %get3A_3 {offsets = [0, 256], sizes = [400, 128], strides = [1, 1]} : vector<400x1024xf32> to vector<400x128xf32>
    %slice3A_70 = vector.extract_strided_slice %get3A_8 {offsets = [0, 2], sizes = [400, 1], strides = [1, 1]} : vector<400x16xf32> to vector<400x1xf32>
    %add3A_71 = arith.constant 1.000000e-16 : f32
    %add3A_72 = vector.broadcast %add3A_71 : f32 to vector<400x1xf32>
    %add3A_73 = arith.addf %slice3A_70, %add3A_72 : vector<400x1xf32>
    %div3A_74 = vector.broadcast %add3A_73 : vector<400x1xf32> to vector<400x128xf32>
    %div3A_75 = arith.divf %slice3A_69, %div3A_74 : vector<400x128xf32>
    %get3A_76 = arith.constant 2 : index
    %get3A_77 = arith.constant 0 : index
    %get3A_78 = arith.constant 0 : index
    %get3A_79 = vector.load %arg4[%get3A_76, %get3A_77, %get3A_78] : memref<8x128x128xf32, #tpu.memory_space<vmem>>, vector<1x128x128xf32>
    %get3A_80 = vector.shape_cast %get3A_79 : vector<1x128x128xf32> to vector<128x128xf32>
    %dot_general3A_81 = arith.constant dense<0.000000e+00> : vector<400x128xf32>
    %dot_general3A_82 = tpu.matmul %div3A_75, %get3A_80, %dot_general3A_81 {dimension_numbers = #tpu.dot_dimension_numbers<[1], [0], [0], [1], [0, 0, 1, 1], [], []>, transpose_lhs_hint = false} : vector<400x128xf32>, vector<128x128xf32>, vector<400x128xf32> -> vector<400x128xf32>
    %get3A_83 = arith.constant 0 : index
    %get3A_84 = arith.constant 256 : index
    %get3A_85 = vector.load %arg5[%get3A_83, %get3A_84] : memref<1x1024xf32, #tpu.memory_space<vmem>>, vector<1x128xf32>
    %get3A_86 = vector.shape_cast %get3A_85 : vector<1x128xf32> to vector<128xf32>
    %broadcast_in_dim3A_87 = vector.shape_cast %get3A_86 : vector<128xf32> to vector<1x128xf32>
    %add3A_88 = vector.broadcast %broadcast_in_dim3A_87 : vector<1x128xf32> to vector<400x128xf32>
    %add3A_89 = arith.addf %dot_general3A_82, %add3A_88 : vector<400x128xf32>
    %max3A_90 = arith.constant 0.000000e+00 : f32
    %max3A_91 = vector.broadcast %max3A_90 : f32 to vector<400x128xf32>
    %max3A_92 = arith.maximumf %add3A_89, %max3A_91 : vector<400x128xf32>
    %get3A_93 = arith.constant 2 : index
    %get3A_94 = arith.constant 0 : index
    %get3A_95 = arith.constant 0 : index
    %get3A_96 = vector.load %arg6[%get3A_93, %get3A_94, %get3A_95] : memref<8x128x128xf32, #tpu.memory_space<vmem>>, vector<1x128x128xf32>
    %get3A_97 = vector.shape_cast %get3A_96 : vector<1x128x128xf32> to vector<128x128xf32>
    %dot_general3A_98 = arith.constant dense<0.000000e+00> : vector<400x128xf32>
    %dot_general3A_99 = tpu.matmul %max3A_92, %get3A_97, %dot_general3A_98 {dimension_numbers = #tpu.dot_dimension_numbers<[1], [0], [0], [1], [0, 0, 1, 1], [], []>, transpose_lhs_hint = false} : vector<400x128xf32>, vector<128x128xf32>, vector<400x128xf32> -> vector<400x128xf32>
    %add3A_100 = arith.addf %add3A_68, %dot_general3A_99 : vector<400x128xf32>
    %slice3A_101 = vector.extract_strided_slice %get3A_3 {offsets = [0, 384], sizes = [400, 128], strides = [1, 1]} : vector<400x1024xf32> to vector<400x128xf32>
    %slice3A_102 = vector.extract_strided_slice %get3A_8 {offsets = [0, 3], sizes = [400, 1], strides = [1, 1]} : vector<400x16xf32> to vector<400x1xf32>
    %add3A_103 = arith.constant 1.000000e-16 : f32
    %add3A_104 = vector.broadcast %add3A_103 : f32 to vector<400x1xf32>
    %add3A_105 = arith.addf %slice3A_102, %add3A_104 : vector<400x1xf32>
    %div3A_106 = vector.broadcast %add3A_105 : vector<400x1xf32> to vector<400x128xf32>
    %div3A_107 = arith.divf %slice3A_101, %div3A_106 : vector<400x128xf32>
    %get3A_108 = arith.constant 3 : index
    %get3A_109 = arith.constant 0 : index
    %get3A_110 = arith.constant 0 : index
    %get3A_111 = vector.load %arg4[%get3A_108, %get3A_109, %get3A_110] : memref<8x128x128xf32, #tpu.memory_space<vmem>>, vector<1x128x128xf32>
    %get3A_112 = vector.shape_cast %get3A_111 : vector<1x128x128xf32> to vector<128x128xf32>
    %dot_general3A_113 = arith.constant dense<0.000000e+00> : vector<400x128xf32>
    %dot_general3A_114 = tpu.matmul %div3A_107, %get3A_112, %dot_general3A_113 {dimension_numbers = #tpu.dot_dimension_numbers<[1], [0], [0], [1], [0, 0, 1, 1], [], []>, transpose_lhs_hint = false} : vector<400x128xf32>, vector<128x128xf32>, vector<400x128xf32> -> vector<400x128xf32>
    %get3A_115 = arith.constant 0 : index
    %get3A_116 = arith.constant 384 : index
    %get3A_117 = vector.load %arg5[%get3A_115, %get3A_116] : memref<1x1024xf32, #tpu.memory_space<vmem>>, vector<1x128xf32>
    %get3A_118 = vector.shape_cast %get3A_117 : vector<1x128xf32> to vector<128xf32>
    %broadcast_in_dim3A_119 = vector.shape_cast %get3A_118 : vector<128xf32> to vector<1x128xf32>
    %add3A_120 = vector.broadcast %broadcast_in_dim3A_119 : vector<1x128xf32> to vector<400x128xf32>
    %add3A_121 = arith.addf %dot_general3A_114, %add3A_120 : vector<400x128xf32>
    %max3A_122 = arith.constant 0.000000e+00 : f32
    %max3A_123 = vector.broadcast %max3A_122 : f32 to vector<400x128xf32>
    %max3A_124 = arith.maximumf %add3A_121, %max3A_123 : vector<400x128xf32>
    %get3A_125 = arith.constant 3 : index
    %get3A_126 = arith.constant 0 : index
    %get3A_127 = arith.constant 0 : index
    %get3A_128 = vector.load %arg6[%get3A_125, %get3A_126, %get3A_127] : memref<8x128x128xf32, #tpu.memory_space<vmem>>, vector<1x128x128xf32>
    %get3A_129 = vector.shape_cast %get3A_128 : vector<1x128x128xf32> to vector<128x128xf32>
    %dot_general3A_130 = arith.constant dense<0.000000e+00> : vector<400x128xf32>
    %dot_general3A_131 = tpu.matmul %max3A_124, %get3A_129, %dot_general3A_130 {dimension_numbers = #tpu.dot_dimension_numbers<[1], [0], [0], [1], [0, 0, 1, 1], [], []>, transpose_lhs_hint = false} : vector<400x128xf32>, vector<128x128xf32>, vector<400x128xf32> -> vector<400x128xf32>
    %add3A_132 = arith.addf %add3A_100, %dot_general3A_131 : vector<400x128xf32>
    %slice3A_133 = vector.extract_strided_slice %get3A_3 {offsets = [0, 512], sizes = [400, 128], strides = [1, 1]} : vector<400x1024xf32> to vector<400x128xf32>
    %slice3A_134 = vector.extract_strided_slice %get3A_8 {offsets = [0, 4], sizes = [400, 1], strides = [1, 1]} : vector<400x16xf32> to vector<400x1xf32>
    %add3A_135 = arith.constant 1.000000e-16 : f32
    %add3A_136 = vector.broadcast %add3A_135 : f32 to vector<400x1xf32>
    %add3A_137 = arith.addf %slice3A_134, %add3A_136 : vector<400x1xf32>
    %div3A_138 = vector.broadcast %add3A_137 : vector<400x1xf32> to vector<400x128xf32>
    %div3A_139 = arith.divf %slice3A_133, %div3A_138 : vector<400x128xf32>
    %get3A_140 = arith.constant 4 : index
    %get3A_141 = arith.constant 0 : index
    %get3A_142 = arith.constant 0 : index
    %get3A_143 = vector.load %arg4[%get3A_140, %get3A_141, %get3A_142] : memref<8x128x128xf32, #tpu.memory_space<vmem>>, vector<1x128x128xf32>
    %get3A_144 = vector.shape_cast %get3A_143 : vector<1x128x128xf32> to vector<128x128xf32>
    %dot_general3A_145 = arith.constant dense<0.000000e+00> : vector<400x128xf32>
    %dot_general3A_146 = tpu.matmul %div3A_139, %get3A_144, %dot_general3A_145 {dimension_numbers = #tpu.dot_dimension_numbers<[1], [0], [0], [1], [0, 0, 1, 1], [], []>, transpose_lhs_hint = false} : vector<400x128xf32>, vector<128x128xf32>, vector<400x128xf32> -> vector<400x128xf32>
    %get3A_147 = arith.constant 0 : index
    %get3A_148 = arith.constant 512 : index
    %get3A_149 = vector.load %arg5[%get3A_147, %get3A_148] : memref<1x1024xf32, #tpu.memory_space<vmem>>, vector<1x128xf32>
    %get3A_150 = vector.shape_cast %get3A_149 : vector<1x128xf32> to vector<128xf32>
    %broadcast_in_dim3A_151 = vector.shape_cast %get3A_150 : vector<128xf32> to vector<1x128xf32>
    %add3A_152 = vector.broadcast %broadcast_in_dim3A_151 : vector<1x128xf32> to vector<400x128xf32>
    %add3A_153 = arith.addf %dot_general3A_146, %add3A_152 : vector<400x128xf32>
    %max3A_154 = arith.constant 0.000000e+00 : f32
    %max3A_155 = vector.broadcast %max3A_154 : f32 to vector<400x128xf32>
    %max3A_156 = arith.maximumf %add3A_153, %max3A_155 : vector<400x128xf32>
    %get3A_157 = arith.constant 4 : index
    %get3A_158 = arith.constant 0 : index
    %get3A_159 = arith.constant 0 : index
    %get3A_160 = vector.load %arg6[%get3A_157, %get3A_158, %get3A_159] : memref<8x128x128xf32, #tpu.memory_space<vmem>>, vector<1x128x128xf32>
    %get3A_161 = vector.shape_cast %get3A_160 : vector<1x128x128xf32> to vector<128x128xf32>
    %dot_general3A_162 = arith.constant dense<0.000000e+00> : vector<400x128xf32>
    %dot_general3A_163 = tpu.matmul %max3A_156, %get3A_161, %dot_general3A_162 {dimension_numbers = #tpu.dot_dimension_numbers<[1], [0], [0], [1], [0, 0, 1, 1], [], []>, transpose_lhs_hint = false} : vector<400x128xf32>, vector<128x128xf32>, vector<400x128xf32> -> vector<400x128xf32>
    %add3A_164 = arith.addf %add3A_132, %dot_general3A_163 : vector<400x128xf32>
    %slice3A_165 = vector.extract_strided_slice %get3A_3 {offsets = [0, 640], sizes = [400, 128], strides = [1, 1]} : vector<400x1024xf32> to vector<400x128xf32>
    %slice3A_166 = vector.extract_strided_slice %get3A_8 {offsets = [0, 5], sizes = [400, 1], strides = [1, 1]} : vector<400x16xf32> to vector<400x1xf32>
    %add3A_167 = arith.constant 1.000000e-16 : f32
    %add3A_168 = vector.broadcast %add3A_167 : f32 to vector<400x1xf32>
    %add3A_169 = arith.addf %slice3A_166, %add3A_168 : vector<400x1xf32>
    %div3A_170 = vector.broadcast %add3A_169 : vector<400x1xf32> to vector<400x128xf32>
    %div3A_171 = arith.divf %slice3A_165, %div3A_170 : vector<400x128xf32>
    %get3A_172 = arith.constant 5 : index
    %get3A_173 = arith.constant 0 : index
    %get3A_174 = arith.constant 0 : index
    %get3A_175 = vector.load %arg4[%get3A_172, %get3A_173, %get3A_174] : memref<8x128x128xf32, #tpu.memory_space<vmem>>, vector<1x128x128xf32>
    %get3A_176 = vector.shape_cast %get3A_175 : vector<1x128x128xf32> to vector<128x128xf32>
    %dot_general3A_177 = arith.constant dense<0.000000e+00> : vector<400x128xf32>
    %dot_general3A_178 = tpu.matmul %div3A_171, %get3A_176, %dot_general3A_177 {dimension_numbers = #tpu.dot_dimension_numbers<[1], [0], [0], [1], [0, 0, 1, 1], [], []>, transpose_lhs_hint = false} : vector<400x128xf32>, vector<128x128xf32>, vector<400x128xf32> -> vector<400x128xf32>
    %get3A_179 = arith.constant 0 : index
    %get3A_180 = arith.constant 640 : index
    %get3A_181 = vector.load %arg5[%get3A_179, %get3A_180] : memref<1x1024xf32, #tpu.memory_space<vmem>>, vector<1x128xf32>
    %get3A_182 = vector.shape_cast %get3A_181 : vector<1x128xf32> to vector<128xf32>
    %broadcast_in_dim3A_183 = vector.shape_cast %get3A_182 : vector<128xf32> to vector<1x128xf32>
    %add3A_184 = vector.broadcast %broadcast_in_dim3A_183 : vector<1x128xf32> to vector<400x128xf32>
    %add3A_185 = arith.addf %dot_general3A_178, %add3A_184 : vector<400x128xf32>
    %max3A_186 = arith.constant 0.000000e+00 : f32
    %max3A_187 = vector.broadcast %max3A_186 : f32 to vector<400x128xf32>
    %max3A_188 = arith.maximumf %add3A_185, %max3A_187 : vector<400x128xf32>
    %get3A_189 = arith.constant 5 : index
    %get3A_190 = arith.constant 0 : index
    %get3A_191 = arith.constant 0 : index
    %get3A_192 = vector.load %arg6[%get3A_189, %get3A_190, %get3A_191] : memref<8x128x128xf32, #tpu.memory_space<vmem>>, vector<1x128x128xf32>
    %get3A_193 = vector.shape_cast %get3A_192 : vector<1x128x128xf32> to vector<128x128xf32>
    %dot_general3A_194 = arith.constant dense<0.000000e+00> : vector<400x128xf32>
    %dot_general3A_195 = tpu.matmul %max3A_188, %get3A_193, %dot_general3A_194 {dimension_numbers = #tpu.dot_dimension_numbers<[1], [0], [0], [1], [0, 0, 1, 1], [], []>, transpose_lhs_hint = false} : vector<400x128xf32>, vector<128x128xf32>, vector<400x128xf32> -> vector<400x128xf32>
    %add3A_196 = arith.addf %add3A_164, %dot_general3A_195 : vector<400x128xf32>
    %slice3A_197 = vector.extract_strided_slice %get3A_3 {offsets = [0, 768], sizes = [400, 128], strides = [1, 1]} : vector<400x1024xf32> to vector<400x128xf32>
    %slice3A_198 = vector.extract_strided_slice %get3A_8 {offsets = [0, 6], sizes = [400, 1], strides = [1, 1]} : vector<400x16xf32> to vector<400x1xf32>
    %add3A_199 = arith.constant 1.000000e-16 : f32
    %add3A_200 = vector.broadcast %add3A_199 : f32 to vector<400x1xf32>
    %add3A_201 = arith.addf %slice3A_198, %add3A_200 : vector<400x1xf32>
    %div3A_202 = vector.broadcast %add3A_201 : vector<400x1xf32> to vector<400x128xf32>
    %div3A_203 = arith.divf %slice3A_197, %div3A_202 : vector<400x128xf32>
    %get3A_204 = arith.constant 6 : index
    %get3A_205 = arith.constant 0 : index
    %get3A_206 = arith.constant 0 : index
    %get3A_207 = vector.load %arg4[%get3A_204, %get3A_205, %get3A_206] : memref<8x128x128xf32, #tpu.memory_space<vmem>>, vector<1x128x128xf32>
    %get3A_208 = vector.shape_cast %get3A_207 : vector<1x128x128xf32> to vector<128x128xf32>
    %dot_general3A_209 = arith.constant dense<0.000000e+00> : vector<400x128xf32>
    %dot_general3A_210 = tpu.matmul %div3A_203, %get3A_208, %dot_general3A_209 {dimension_numbers = #tpu.dot_dimension_numbers<[1], [0], [0], [1], [0, 0, 1, 1], [], []>, transpose_lhs_hint = false} : vector<400x128xf32>, vector<128x128xf32>, vector<400x128xf32> -> vector<400x128xf32>
    %get3A_211 = arith.constant 0 : index
    %get3A_212 = arith.constant 768 : index
    %get3A_213 = vector.load %arg5[%get3A_211, %get3A_212] : memref<1x1024xf32, #tpu.memory_space<vmem>>, vector<1x128xf32>
    %get3A_214 = vector.shape_cast %get3A_213 : vector<1x128xf32> to vector<128xf32>
    %broadcast_in_dim3A_215 = vector.shape_cast %get3A_214 : vector<128xf32> to vector<1x128xf32>
    %add3A_216 = vector.broadcast %broadcast_in_dim3A_215 : vector<1x128xf32> to vector<400x128xf32>
    %add3A_217 = arith.addf %dot_general3A_210, %add3A_216 : vector<400x128xf32>
    %max3A_218 = arith.constant 0.000000e+00 : f32
    %max3A_219 = vector.broadcast %max3A_218 : f32 to vector<400x128xf32>
    %max3A_220 = arith.maximumf %add3A_217, %max3A_219 : vector<400x128xf32>
    %get3A_221 = arith.constant 6 : index
    %get3A_222 = arith.constant 0 : index
    %get3A_223 = arith.constant 0 : index
    %get3A_224 = vector.load %arg6[%get3A_221, %get3A_222, %get3A_223] : memref<8x128x128xf32, #tpu.memory_space<vmem>>, vector<1x128x128xf32>
    %get3A_225 = vector.shape_cast %get3A_224 : vector<1x128x128xf32> to vector<128x128xf32>
    %dot_general3A_226 = arith.constant dense<0.000000e+00> : vector<400x128xf32>
    %dot_general3A_227 = tpu.matmul %max3A_220, %get3A_225, %dot_general3A_226 {dimension_numbers = #tpu.dot_dimension_numbers<[1], [0], [0], [1], [0, 0, 1, 1], [], []>, transpose_lhs_hint = false} : vector<400x128xf32>, vector<128x128xf32>, vector<400x128xf32> -> vector<400x128xf32>
    %add3A_228 = arith.addf %add3A_196, %dot_general3A_227 : vector<400x128xf32>
    %slice3A_229 = vector.extract_strided_slice %get3A_3 {offsets = [0, 896], sizes = [400, 128], strides = [1, 1]} : vector<400x1024xf32> to vector<400x128xf32>
    %slice3A_230 = vector.extract_strided_slice %get3A_8 {offsets = [0, 7], sizes = [400, 1], strides = [1, 1]} : vector<400x16xf32> to vector<400x1xf32>
    %add3A_231 = arith.constant 1.000000e-16 : f32
    %add3A_232 = vector.broadcast %add3A_231 : f32 to vector<400x1xf32>
    %add3A_233 = arith.addf %slice3A_230, %add3A_232 : vector<400x1xf32>
    %div3A_234 = vector.broadcast %add3A_233 : vector<400x1xf32> to vector<400x128xf32>
    %div3A_235 = arith.divf %slice3A_229, %div3A_234 : vector<400x128xf32>
    %get3A_236 = arith.constant 7 : index
    %get3A_237 = arith.constant 0 : index
    %get3A_238 = arith.constant 0 : index
    %get3A_239 = vector.load %arg4[%get3A_236, %get3A_237, %get3A_238] : memref<8x128x128xf32, #tpu.memory_space<vmem>>, vector<1x128x128xf32>
    %get3A_240 = vector.shape_cast %get3A_239 : vector<1x128x128xf32> to vector<128x128xf32>
    %dot_general3A_241 = arith.constant dense<0.000000e+00> : vector<400x128xf32>
    %dot_general3A_242 = tpu.matmul %div3A_235, %get3A_240, %dot_general3A_241 {dimension_numbers = #tpu.dot_dimension_numbers<[1], [0], [0], [1], [0, 0, 1, 1], [], []>, transpose_lhs_hint = false} : vector<400x128xf32>, vector<128x128xf32>, vector<400x128xf32> -> vector<400x128xf32>
    %get3A_243 = arith.constant 0 : index
    %get3A_244 = arith.constant 896 : index
    %get3A_245 = vector.load %arg5[%get3A_243, %get3A_244] : memref<1x1024xf32, #tpu.memory_space<vmem>>, vector<1x128xf32>
    %get3A_246 = vector.shape_cast %get3A_245 : vector<1x128xf32> to vector<128xf32>
    %broadcast_in_dim3A_247 = vector.shape_cast %get3A_246 : vector<128xf32> to vector<1x128xf32>
    %add3A_248 = vector.broadcast %broadcast_in_dim3A_247 : vector<1x128xf32> to vector<400x128xf32>
    %add3A_249 = arith.addf %dot_general3A_242, %add3A_248 : vector<400x128xf32>
    %max3A_250 = arith.constant 0.000000e+00 : f32
    %max3A_251 = vector.broadcast %max3A_250 : f32 to vector<400x128xf32>
    %max3A_252 = arith.maximumf %add3A_249, %max3A_251 : vector<400x128xf32>
    %get3A_253 = arith.constant 7 : index
    %get3A_254 = arith.constant 0 : index
    %get3A_255 = arith.constant 0 : index
    %get3A_256 = vector.load %arg6[%get3A_253, %get3A_254, %get3A_255] : memref<8x128x128xf32, #tpu.memory_space<vmem>>, vector<1x128x128xf32>
    %get3A_257 = vector.shape_cast %get3A_256 : vector<1x128x128xf32> to vector<128x128xf32>
    %dot_general3A_258 = arith.constant dense<0.000000e+00> : vector<400x128xf32>
    %dot_general3A_259 = tpu.matmul %max3A_252, %get3A_257, %dot_general3A_258 {dimension_numbers = #tpu.dot_dimension_numbers<[1], [0], [0], [1], [0, 0, 1, 1], [], []>, transpose_lhs_hint = false} : vector<400x128xf32>, vector<128x128xf32>, vector<400x128xf32> -> vector<400x128xf32>
    %add3A_260 = arith.addf %add3A_228, %dot_general3A_259 : vector<400x128xf32>
    %get3A_261 = arith.constant 0 : index
    %get3A_262 = arith.constant 0 : index
    %get3A_263 = vector.load %arg7[%get3A_261, %get3A_262] : memref<128x16xf32, #tpu.memory_space<vmem>>, vector<128x16xf32>
    %dot_general3A_264 = arith.constant dense<0.000000e+00> : vector<400x16xf32>
    %dot_general3A_265 = tpu.matmul %add3A_260, %get3A_263, %dot_general3A_264 {dimension_numbers = #tpu.dot_dimension_numbers<[1], [0], [0], [1], [0, 0, 1, 1], [], []>, transpose_lhs_hint = false} : vector<400x128xf32>, vector<128x16xf32>, vector<400x16xf32> -> vector<400x16xf32>
    %broadcast_in_dim3A_266 = arith.constant 0.000000e+00 : f32
    %broadcast_in_dim3A_267 = vector.broadcast %broadcast_in_dim3A_266 : f32 to vector<400x112xf32>
    %concatenate3A = tpu.concatenate %add3A_260, %dot_general3A_265, %broadcast_in_dim3A_267 in 1 : vector<400x128xf32>, vector<400x16xf32>, vector<400x112xf32> -> vector<400x256xf32>
    %swap3A = arith.constant 0 : index
    %swap3A_268 = arith.constant 0 : index
    %swap3A_269 = arith.constant 0 : index
    %swap3A_270 = vector.load %arg9[%swap3A, %swap3A_268, %swap3A_269] : memref<1x400x256xf32, #tpu.memory_space<vmem>>, vector<1x400x256xf32>
    %swap3A_271 = vector.shape_cast %swap3A_270 : vector<1x400x256xf32> to vector<400x256xf32>
    %swap3A_272 = vector.shape_cast %concatenate3A : vector<400x256xf32> to vector<1x400x256xf32>
    tpu.vector_store %arg9[%swap3A, %swap3A_268, %swap3A_269], %swap3A_272 {strides = array<i32>} : memref<1x400x256xf32, #tpu.memory_space<vmem>>, vector<1x400x256xf32>,
    %get3A_273 = arith.constant 0 : index
    %get3A_274 = arith.constant 0 : index
    %get3A_275 = vector.load %arg8[%get3A_273, %get3A_274] : memref<128x16xf32, #tpu.memory_space<vmem>>, vector<128x16xf32>
    %dot_general3A_276 = arith.constant dense<0.000000e+00> : vector<400x16xf32>
    %dot_general3A_277 = tpu.matmul %add3A_260, %get3A_275, %dot_general3A_276 {dimension_numbers = #tpu.dot_dimension_numbers<[1], [0], [0], [1], [0, 0, 1, 1], [], []>, transpose_lhs_hint = false} : vector<400x128xf32>, vector<128x16xf32>, vector<400x16xf32> -> vector<400x16xf32>
    %swap3A_278 = arith.constant 0 : index
    %swap3A_279 = arith.constant 0 : index
    %swap3A_280 = arith.constant 0 : index
    %swap3A_281 = vector.load %arg10[%swap3A_278, %swap3A_279, %swap3A_280] : memref<1x400x16xf32, #tpu.memory_space<vmem>>, vector<1x400x16xf32>
    %swap3A_282 = vector.shape_cast %swap3A_281 : vector<1x400x16xf32> to vector<400x16xf32>
    %swap3A_283 = vector.shape_cast %dot_general3A_277 : vector<400x16xf32> to vector<1x400x16xf32>
    tpu.vector_store %arg10[%swap3A_278, %swap3A_279, %swap3A_280], %swap3A_283 {strides = array<i32>} : memref<1x400x16xf32, #tpu.memory_space<vmem>>, vector<1x400x16xf32>,
    return
  }
  func.func @transform_0(%arg0: i32, %arg1: i32) -> (i32, i32, i32) {
    %c0_i32 = arith.constant 0 : i32
    %c0_i32_0 = arith.constant 0 : i32
    return %arg0, %arg1, %c0_i32 : i32, i32, i32
  }
  func.func @transform_1(%arg0: i32, %arg1: i32) -> (i32, i32, i32) {
    %c0_i32 = arith.constant 0 : i32
    %c0_i32_0 = arith.constant 0 : i32
    return %arg0, %arg1, %c0_i32 : i32, i32, i32
  }
  func.func @transform_2(%arg0: i32, %arg1: i32) -> (i32, i32, i32) {
    %c0_i32 = arith.constant 0 : i32
    %c0_i32_0 = arith.constant 0 : i32
    %c0_i32_1 = arith.constant 0 : i32
    %c0_i32_2 = arith.constant 0 : i32
    return %c0_i32, %c0_i32_0, %c0_i32_1 : i32, i32, i32
  }
  func.func @transform_3(%arg0: i32, %arg1: i32) -> (i32, i32) {
    %c0_i32 = arith.constant 0 : i32
    %c0_i32_0 = arith.constant 0 : i32
    %c0_i32_1 = arith.constant 0 : i32
    return %c0_i32, %c0_i32_0 : i32, i32
  }
  func.func @transform_4(%arg0: i32, %arg1: i32) -> (i32, i32, i32) {
    %c0_i32 = arith.constant 0 : i32
    %c0_i32_0 = arith.constant 0 : i32
    %c0_i32_1 = arith.constant 0 : i32
    %c0_i32_2 = arith.constant 0 : i32
    return %c0_i32, %c0_i32_0, %c0_i32_1 : i32, i32, i32
  }
  func.func @transform_5(%arg0: i32, %arg1: i32) -> (i32, i32) {
    %c0_i32 = arith.constant 0 : i32
    %c0_i32_0 = arith.constant 0 : i32
    %c0_i32_1 = arith.constant 0 : i32
    return %c0_i32, %c0_i32_0 : i32, i32
  }
  func.func @transform_6(%arg0: i32, %arg1: i32) -> (i32, i32) {
    %c0_i32 = arith.constant 0 : i32
    %c0_i32_0 = arith.constant 0 : i32
    %c0_i32_1 = arith.constant 0 : i32
    return %c0_i32, %c0_i32_0 : i32, i32
  }
  func.func @transform_7(%arg0: i32, %arg1: i32) -> (i32, i32, i32) {
    %c0_i32 = arith.constant 0 : i32
    %c0_i32_0 = arith.constant 0 : i32
    return %arg0, %arg1, %c0_i32 : i32, i32, i32
  }
  func.func @transform_8(%arg0: i32, %arg1: i32) -> (i32, i32, i32) {
    %c0_i32 = arith.constant 0 : i32
    %c0_i32_0 = arith.constant 0 : i32
    return %arg0, %arg1, %c0_i32 : i32, i32, i32
  }
}

module attributes {stable_mosaic.version = 14 : i64} {
  func.func @_stage_c_kernel(%arg0: i32, %arg1: i32, %arg2: memref<1x400x128xf32, #tpu.memory_space<vmem>>, %arg3: memref<1x400x16xf32, #tpu.memory_space<vmem>>, %arg4: memref<1x128xf32, #tpu.memory_space<vmem>>, %arg5: memref<4x128xf32, #tpu.memory_space<vmem>>) attributes {dimension_semantics = [#tpu.dimension_semantics<arbitrary>, #tpu.dimension_semantics<arbitrary>], iteration_bounds = array<i64: 4, 25>, scalar_prefetch = 0 : i64, scratch_operands = 0 : i64, tpu.core_type = #tpu.core_type<tc>, window_params = [{transform_indices = @transform_0, window_bounds = array<i64: 1, 400, 128>}, {transform_indices = @transform_1, window_bounds = array<i64: 1, 400, 16>}, {pipeline_mode = #tpu.pipeline_mode<synchronous>, transform_indices = @transform_2, window_bounds = array<i64: 1, 128>}, {pipeline_mode = #tpu.pipeline_mode<synchronous>, transform_indices = @transform_3, window_bounds = array<i64: 4, 128>}]} {
    %get3A = arith.constant 0 : index
    %get3A_0 = arith.constant 0 : index
    %get3A_1 = arith.constant 0 : index
    %get3A_2 = vector.load %arg2[%get3A, %get3A_0, %get3A_1] : memref<1x400x128xf32, #tpu.memory_space<vmem>>, vector<1x400x128xf32>
    %get3A_3 = vector.shape_cast %get3A_2 : vector<1x400x128xf32> to vector<400x128xf32>
    %get3A_4 = arith.constant 0 : index
    %get3A_5 = arith.constant 0 : index
    %get3A_6 = arith.constant 0 : index
    %get3A_7 = vector.load %arg3[%get3A_4, %get3A_5, %get3A_6] : memref<1x400x16xf32, #tpu.memory_space<vmem>>, vector<1x400x1xf32>
    %get3A_8 = vector.shape_cast %get3A_7 : vector<1x400x1xf32> to vector<400x1xf32>
    %add3A = arith.constant 1.000000e-16 : f32
    %add3A_9 = vector.broadcast %add3A : f32 to vector<400x1xf32>
    %add3A_10 = arith.addf %get3A_8, %add3A_9 : vector<400x1xf32>
    %div3A = vector.broadcast %add3A_10 : vector<400x1xf32> to vector<400x128xf32>
    %div3A_11 = arith.divf %get3A_3, %div3A : vector<400x128xf32>
    %get3A_12 = arith.constant 0 : index
    %get3A_13 = arith.constant 0 : index
    %get3A_14 = vector.load %arg4[%get3A_12, %get3A_13] : memref<1x128xf32, #tpu.memory_space<vmem>>, vector<1x128xf32>
    %add3A_15 = vector.broadcast %get3A_14 : vector<1x128xf32> to vector<400x128xf32>
    %add3A_16 = arith.addf %div3A_11, %add3A_15 : vector<400x128xf32>
    %max3A = arith.constant 0.000000e+00 : f32
    %max3A_17 = vector.broadcast %max3A : f32 to vector<400x128xf32>
    %max3A_18 = arith.maximumf %add3A_16, %max3A_17 : vector<400x128xf32>
    %reduce_sum3A = arith.constant dense<0.000000e+00> : vector<128xf32>
    %reduce_sum3A_19 = vector.multi_reduction <add>, %max3A_18, %reduce_sum3A [0] : vector<400x128xf32> to vector<128xf32>
    %broadcast_in_dim3A = vector.shape_cast %reduce_sum3A_19 : vector<128xf32> to vector<1x128xf32>
    %mul3A = arith.constant 9.99999974E-5 : f32
    %mul3A_20 = vector.broadcast %mul3A : f32 to vector<1x128xf32>
    %mul3A_21 = arith.mulf %broadcast_in_dim3A, %mul3A_20 : vector<1x128xf32>
    %eq3A = arith.constant 0 : i32
    %eq3A_22 = arith.cmpi eq, %arg0, %eq3A : i32
    %eq3A_23 = arith.constant 0 : i32
    %eq3A_24 = arith.cmpi eq, %arg1, %eq3A_23 : i32
    %and3A = arith.andi %eq3A_22, %eq3A_24 : i1
    %convert_element_type3A = arith.extui %and3A : i1 to i32
    %cond3A = arith.constant 0 : i32
    %cond3A_25 = arith.cmpi ne, %convert_element_type3A, %cond3A : i32
    scf.if %cond3A_25 {
      %broadcast_in_dim3A_37 = arith.constant 0.000000e+00 : f32
      %broadcast_in_dim3A_38 = vector.broadcast %broadcast_in_dim3A_37 : f32 to vector<4x128xf32>
      %swap3A_39 = arith.constant 0 : index
      %swap3A_40 = arith.constant 0 : index
      %swap3A_41 = vector.load %arg5[%swap3A_39, %swap3A_40] : memref<4x128xf32, #tpu.memory_space<vmem>>, vector<4x128xf32>
      tpu.vector_store %arg5[%swap3A_39, %swap3A_40], %broadcast_in_dim3A_38 {strides = array<i32>} : memref<4x128xf32, #tpu.memory_space<vmem>>, vector<4x128xf32>,
    } else {
    }
    %iota3A = tpu.iota {dimensions = array<i32: 0>} : vector<4x128xi32>
    %get3A_26 = arith.constant 0 : index
    %get3A_27 = arith.constant 0 : index
    %get3A_28 = vector.load %arg5[%get3A_26, %get3A_27] : memref<4x128xf32, #tpu.memory_space<vmem>>, vector<4x128xf32>
    %eq3A_29 = vector.broadcast %arg0 : i32 to vector<4x128xi32>
    %eq3A_30 = arith.cmpi eq, %iota3A, %eq3A_29 : vector<4x128xi32>
    %broadcast_in_dim3A_31 = vector.shape_cast %mul3A_21 : vector<1x128xf32> to vector<1x128xf32>
    %broadcast_in_dim3A_32 = vector.broadcast %broadcast_in_dim3A_31 : vector<1x128xf32> to vector<4x128xf32>
    %jit3A = arith.constant 0.000000e+00 : f32
    %broadcast_in_dim3A_33 = vector.broadcast %jit3A : f32 to vector<4x128xf32>
    %select_n3A = arith.select %eq3A_30, %broadcast_in_dim3A_32, %broadcast_in_dim3A_33 : vector<4x128xi1>, vector<4x128xf32>
    %add3A_34 = arith.addf %get3A_28, %select_n3A : vector<4x128xf32>
    %swap3A = arith.constant 0 : index
    %swap3A_35 = arith.constant 0 : index
    %swap3A_36 = vector.load %arg5[%swap3A, %swap3A_35] : memref<4x128xf32, #tpu.memory_space<vmem>>, vector<4x128xf32>
    tpu.vector_store %arg5[%swap3A, %swap3A_35], %add3A_34 {strides = array<i32>} : memref<4x128xf32, #tpu.memory_space<vmem>>, vector<4x128xf32>,
    return
  }
  func.func @transform_0(%arg0: i32, %arg1: i32) -> (i32, i32, i32) {
    %c0_i32 = arith.constant 0 : i32
    %c0_i32_0 = arith.constant 0 : i32
    return %arg0, %arg1, %c0_i32 : i32, i32, i32
  }
  func.func @transform_1(%arg0: i32, %arg1: i32) -> (i32, i32, i32) {
    %c0_i32 = arith.constant 0 : i32
    %c0_i32_0 = arith.constant 0 : i32
    return %arg0, %arg1, %c0_i32 : i32, i32, i32
  }
  func.func @transform_2(%arg0: i32, %arg1: i32) -> (i32, i32) {
    %c0_i32 = arith.constant 0 : i32
    %c0_i32_0 = arith.constant 0 : i32
    %c0_i32_1 = arith.constant 0 : i32
    return %c0_i32, %c0_i32_0 : i32, i32
  }
  func.func @transform_3(%arg0: i32, %arg1: i32) -> (i32, i32) {
    %c0_i32 = arith.constant 0 : i32
    %c0_i32_0 = arith.constant 0 : i32
    %c0_i32_1 = arith.constant 0 : i32
    return %c0_i32, %c0_i32_0 : i32, i32
  }
}

module attributes {stable_mosaic.version = 14 : i64} {
  func.func @_gru_head_kernel(%arg0: memref<4x128xf32, #tpu.memory_space<vmem>>, %arg1: memref<128x384xf32, #tpu.memory_space<vmem>>, %arg2: memref<128x384xf32, #tpu.memory_space<vmem>>, %arg3: memref<1x384xf32, #tpu.memory_space<vmem>>, %arg4: memref<1x384xf32, #tpu.memory_space<vmem>>, %arg5: memref<128x16xf32, #tpu.memory_space<vmem>>, %arg6: memref<1x16xf32, #tpu.memory_space<vmem>>, %arg7: memref<4x16xf32, #tpu.memory_space<vmem>>) attributes {dimension_semantics = [], scalar_prefetch = 0 : i64, scratch_operands = 0 : i64, tpu.core_type = #tpu.core_type<tc>} {
    %broadcast_in_dim3A = arith.constant 0.000000e+00 : f32
    %broadcast_in_dim3A_0 = vector.broadcast %broadcast_in_dim3A : f32 to vector<1x128xf32>
    %get3A = arith.constant 0 : index
    %get3A_1 = arith.constant 0 : index
    %get3A_2 = vector.load %arg1[%get3A, %get3A_1] : memref<128x384xf32, #tpu.memory_space<vmem>>, vector<128x384xf32>
    %get3A_3 = arith.constant 0 : index
    %get3A_4 = arith.constant 0 : index
    %get3A_5 = vector.load %arg2[%get3A_3, %get3A_4] : memref<128x384xf32, #tpu.memory_space<vmem>>, vector<128x384xf32>
    %get3A_6 = arith.constant 0 : index
    %get3A_7 = arith.constant 0 : index
    %get3A_8 = vector.load %arg3[%get3A_6, %get3A_7] : memref<1x384xf32, #tpu.memory_space<vmem>>, vector<1x384xf32>
    %get3A_9 = arith.constant 0 : index
    %get3A_10 = arith.constant 0 : index
    %get3A_11 = vector.load %arg4[%get3A_9, %get3A_10] : memref<1x384xf32, #tpu.memory_space<vmem>>, vector<1x384xf32>
    %get3A_12 = arith.constant 0 : index
    %get3A_13 = arith.constant 0 : index
    %get3A_14 = vector.load %arg0[%get3A_12, %get3A_13] : memref<4x128xf32, #tpu.memory_space<vmem>>, vector<1x128xf32>
    %get3A_15 = vector.shape_cast %get3A_14 : vector<1x128xf32> to vector<128xf32>
    %broadcast_in_dim3A_16 = vector.shape_cast %get3A_15 : vector<128xf32> to vector<1x128xf32>
    %dot_general3A = arith.constant dense<0.000000e+00> : vector<1x384xf32>
    %dot_general3A_17 = tpu.matmul %broadcast_in_dim3A_16, %get3A_2, %dot_general3A {dimension_numbers = #tpu.dot_dimension_numbers<[1], [0], [0], [1], [0, 0, 1, 1], [], []>, transpose_lhs_hint = false} : vector<1x128xf32>, vector<128x384xf32>, vector<1x384xf32> -> vector<1x384xf32>
    %add3A = arith.addf %dot_general3A_17, %get3A_8 : vector<1x384xf32>
    %dot_general3A_18 = arith.constant dense<0.000000e+00> : vector<1x384xf32>
    %dot_general3A_19 = tpu.matmul %broadcast_in_dim3A_0, %get3A_5, %dot_general3A_18 {dimension_numbers = #tpu.dot_dimension_numbers<[1], [0], [0], [1], [0, 0, 1, 1], [], []>, transpose_lhs_hint = false} : vector<1x128xf32>, vector<128x384xf32>, vector<1x384xf32> -> vector<1x384xf32>
    %add3A_20 = arith.addf %dot_general3A_19, %get3A_11 : vector<1x384xf32>
    %slice3A = vector.extract_strided_slice %add3A {offsets = [0, 0], sizes = [1, 128], strides = [1, 1]} : vector<1x384xf32> to vector<1x128xf32>
    %slice3A_21 = vector.extract_strided_slice %add3A_20 {offsets = [0, 0], sizes = [1, 128], strides = [1, 1]} : vector<1x384xf32> to vector<1x128xf32>
    %add3A_22 = arith.addf %slice3A, %slice3A_21 : vector<1x128xf32>
    %logistic3A = arith.negf %add3A_22 : vector<1x128xf32>
    %logistic3A_23 = math.exp %logistic3A : vector<1x128xf32>
    %logistic3A_24 = arith.constant 1.000000e+00 : f32
    %logistic3A_25 = vector.broadcast %logistic3A_24 : f32 to vector<1x128xf32>
    %logistic3A_26 = arith.addf %logistic3A_25, %logistic3A_23 : vector<1x128xf32>
    %logistic3A_27 = arith.divf %logistic3A_25, %logistic3A_26 : vector<1x128xf32>
    %slice3A_28 = vector.extract_strided_slice %add3A {offsets = [0, 128], sizes = [1, 128], strides = [1, 1]} : vector<1x384xf32> to vector<1x128xf32>
    %slice3A_29 = vector.extract_strided_slice %add3A_20 {offsets = [0, 128], sizes = [1, 128], strides = [1, 1]} : vector<1x384xf32> to vector<1x128xf32>
    %add3A_30 = arith.addf %slice3A_28, %slice3A_29 : vector<1x128xf32>
    %logistic3A_31 = arith.negf %add3A_30 : vector<1x128xf32>
    %logistic3A_32 = math.exp %logistic3A_31 : vector<1x128xf32>
    %logistic3A_33 = arith.constant 1.000000e+00 : f32
    %logistic3A_34 = vector.broadcast %logistic3A_33 : f32 to vector<1x128xf32>
    %logistic3A_35 = arith.addf %logistic3A_34, %logistic3A_32 : vector<1x128xf32>
    %logistic3A_36 = arith.divf %logistic3A_34, %logistic3A_35 : vector<1x128xf32>
    %slice3A_37 = vector.extract_strided_slice %add3A {offsets = [0, 256], sizes = [1, 128], strides = [1, 1]} : vector<1x384xf32> to vector<1x128xf32>
    %slice3A_38 = vector.extract_strided_slice %add3A_20 {offsets = [0, 256], sizes = [1, 128], strides = [1, 1]} : vector<1x384xf32> to vector<1x128xf32>
    %mul3A = arith.mulf %logistic3A_27, %slice3A_38 : vector<1x128xf32>
    %add3A_39 = arith.addf %slice3A_37, %mul3A : vector<1x128xf32>
    %tanh3A = math.tanh %add3A_39 : vector<1x128xf32>
    %sub3A = arith.constant 1.000000e+00 : f32
    %sub3A_40 = vector.broadcast %sub3A : f32 to vector<1x128xf32>
    %sub3A_41 = arith.subf %sub3A_40, %logistic3A_36 : vector<1x128xf32>
    %mul3A_42 = arith.mulf %sub3A_41, %tanh3A : vector<1x128xf32>
    %mul3A_43 = arith.mulf %logistic3A_36, %broadcast_in_dim3A_0 : vector<1x128xf32>
    %add3A_44 = arith.addf %mul3A_42, %mul3A_43 : vector<1x128xf32>
    %get3A_45 = arith.constant 0 : index
    %get3A_46 = arith.constant 0 : index
    %get3A_47 = vector.load %arg5[%get3A_45, %get3A_46] : memref<128x16xf32, #tpu.memory_space<vmem>>, vector<128x16xf32>
    %dot_general3A_48 = arith.constant dense<0.000000e+00> : vector<1x16xf32>
    %dot_general3A_49 = tpu.matmul %add3A_44, %get3A_47, %dot_general3A_48 {dimension_numbers = #tpu.dot_dimension_numbers<[1], [0], [0], [1], [0, 0, 1, 1], [], []>, transpose_lhs_hint = false} : vector<1x128xf32>, vector<128x16xf32>, vector<1x16xf32> -> vector<1x16xf32>
    %squeeze3A = vector.shape_cast %dot_general3A_49 : vector<1x16xf32> to vector<16xf32>
    %get3A_50 = arith.constant 0 : index
    %get3A_51 = arith.constant 0 : index
    %get3A_52 = vector.load %arg6[%get3A_50, %get3A_51] : memref<1x16xf32, #tpu.memory_space<vmem>>, vector<1x16xf32>
    %get3A_53 = vector.shape_cast %get3A_52 : vector<1x16xf32> to vector<16xf32>
    %add3A_54 = arith.addf %squeeze3A, %get3A_53 : vector<16xf32>
    %swap3A = arith.constant 0 : index
    %swap3A_55 = arith.constant 0 : index
    %swap3A_56 = vector.load %arg7[%swap3A, %swap3A_55] : memref<4x16xf32, #tpu.memory_space<vmem>>, vector<1x16xf32>
    %swap3A_57 = vector.shape_cast %swap3A_56 : vector<1x16xf32> to vector<16xf32>
    %swap3A_58 = vector.shape_cast %add3A_54 : vector<16xf32> to vector<1x16xf32>
    tpu.vector_store %arg7[%swap3A, %swap3A_55], %swap3A_58 {strides = array<i32>} : memref<4x16xf32, #tpu.memory_space<vmem>>, vector<1x16xf32>,
    %get3A_59 = arith.constant 1 : index
    %get3A_60 = arith.constant 0 : index
    %get3A_61 = vector.load %arg0[%get3A_59, %get3A_60] : memref<4x128xf32, #tpu.memory_space<vmem>>, vector<1x128xf32>
    %get3A_62 = vector.shape_cast %get3A_61 : vector<1x128xf32> to vector<128xf32>
    %broadcast_in_dim3A_63 = vector.shape_cast %get3A_62 : vector<128xf32> to vector<1x128xf32>
    %dot_general3A_64 = arith.constant dense<0.000000e+00> : vector<1x384xf32>
    %dot_general3A_65 = tpu.matmul %broadcast_in_dim3A_63, %get3A_2, %dot_general3A_64 {dimension_numbers = #tpu.dot_dimension_numbers<[1], [0], [0], [1], [0, 0, 1, 1], [], []>, transpose_lhs_hint = false} : vector<1x128xf32>, vector<128x384xf32>, vector<1x384xf32> -> vector<1x384xf32>
    %add3A_66 = arith.addf %dot_general3A_65, %get3A_8 : vector<1x384xf32>
    %dot_general3A_67 = arith.constant dense<0.000000e+00> : vector<1x384xf32>
    %dot_general3A_68 = tpu.matmul %add3A_44, %get3A_5, %dot_general3A_67 {dimension_numbers = #tpu.dot_dimension_numbers<[1], [0], [0], [1], [0, 0, 1, 1], [], []>, transpose_lhs_hint = false} : vector<1x128xf32>, vector<128x384xf32>, vector<1x384xf32> -> vector<1x384xf32>
    %add3A_69 = arith.addf %dot_general3A_68, %get3A_11 : vector<1x384xf32>
    %slice3A_70 = vector.extract_strided_slice %add3A_66 {offsets = [0, 0], sizes = [1, 128], strides = [1, 1]} : vector<1x384xf32> to vector<1x128xf32>
    %slice3A_71 = vector.extract_strided_slice %add3A_69 {offsets = [0, 0], sizes = [1, 128], strides = [1, 1]} : vector<1x384xf32> to vector<1x128xf32>
    %add3A_72 = arith.addf %slice3A_70, %slice3A_71 : vector<1x128xf32>
    %logistic3A_73 = arith.negf %add3A_72 : vector<1x128xf32>
    %logistic3A_74 = math.exp %logistic3A_73 : vector<1x128xf32>
    %logistic3A_75 = arith.constant 1.000000e+00 : f32
    %logistic3A_76 = vector.broadcast %logistic3A_75 : f32 to vector<1x128xf32>
    %logistic3A_77 = arith.addf %logistic3A_76, %logistic3A_74 : vector<1x128xf32>
    %logistic3A_78 = arith.divf %logistic3A_76, %logistic3A_77 : vector<1x128xf32>
    %slice3A_79 = vector.extract_strided_slice %add3A_66 {offsets = [0, 128], sizes = [1, 128], strides = [1, 1]} : vector<1x384xf32> to vector<1x128xf32>
    %slice3A_80 = vector.extract_strided_slice %add3A_69 {offsets = [0, 128], sizes = [1, 128], strides = [1, 1]} : vector<1x384xf32> to vector<1x128xf32>
    %add3A_81 = arith.addf %slice3A_79, %slice3A_80 : vector<1x128xf32>
    %logistic3A_82 = arith.negf %add3A_81 : vector<1x128xf32>
    %logistic3A_83 = math.exp %logistic3A_82 : vector<1x128xf32>
    %logistic3A_84 = arith.constant 1.000000e+00 : f32
    %logistic3A_85 = vector.broadcast %logistic3A_84 : f32 to vector<1x128xf32>
    %logistic3A_86 = arith.addf %logistic3A_85, %logistic3A_83 : vector<1x128xf32>
    %logistic3A_87 = arith.divf %logistic3A_85, %logistic3A_86 : vector<1x128xf32>
    %slice3A_88 = vector.extract_strided_slice %add3A_66 {offsets = [0, 256], sizes = [1, 128], strides = [1, 1]} : vector<1x384xf32> to vector<1x128xf32>
    %slice3A_89 = vector.extract_strided_slice %add3A_69 {offsets = [0, 256], sizes = [1, 128], strides = [1, 1]} : vector<1x384xf32> to vector<1x128xf32>
    %mul3A_90 = arith.mulf %logistic3A_78, %slice3A_89 : vector<1x128xf32>
    %add3A_91 = arith.addf %slice3A_88, %mul3A_90 : vector<1x128xf32>
    %tanh3A_92 = math.tanh %add3A_91 : vector<1x128xf32>
    %sub3A_93 = arith.constant 1.000000e+00 : f32
    %sub3A_94 = vector.broadcast %sub3A_93 : f32 to vector<1x128xf32>
    %sub3A_95 = arith.subf %sub3A_94, %logistic3A_87 : vector<1x128xf32>
    %mul3A_96 = arith.mulf %sub3A_95, %tanh3A_92 : vector<1x128xf32>
    %mul3A_97 = arith.mulf %logistic3A_87, %add3A_44 : vector<1x128xf32>
    %add3A_98 = arith.addf %mul3A_96, %mul3A_97 : vector<1x128xf32>
    %get3A_99 = arith.constant 0 : index
    %get3A_100 = arith.constant 0 : index
    %get3A_101 = vector.load %arg5[%get3A_99, %get3A_100] : memref<128x16xf32, #tpu.memory_space<vmem>>, vector<128x16xf32>
    %dot_general3A_102 = arith.constant dense<0.000000e+00> : vector<1x16xf32>
    %dot_general3A_103 = tpu.matmul %add3A_98, %get3A_101, %dot_general3A_102 {dimension_numbers = #tpu.dot_dimension_numbers<[1], [0], [0], [1], [0, 0, 1, 1], [], []>, transpose_lhs_hint = false} : vector<1x128xf32>, vector<128x16xf32>, vector<1x16xf32> -> vector<1x16xf32>
    %squeeze3A_104 = vector.shape_cast %dot_general3A_103 : vector<1x16xf32> to vector<16xf32>
    %get3A_105 = arith.constant 0 : index
    %get3A_106 = arith.constant 0 : index
    %get3A_107 = vector.load %arg6[%get3A_105, %get3A_106] : memref<1x16xf32, #tpu.memory_space<vmem>>, vector<1x16xf32>
    %get3A_108 = vector.shape_cast %get3A_107 : vector<1x16xf32> to vector<16xf32>
    %add3A_109 = arith.addf %squeeze3A_104, %get3A_108 : vector<16xf32>
    %swap3A_110 = arith.constant 1 : index
    %swap3A_111 = arith.constant 0 : index
    %swap3A_112 = vector.load %arg7[%swap3A_110, %swap3A_111] : memref<4x16xf32, #tpu.memory_space<vmem>>, vector<1x16xf32>
    %swap3A_113 = vector.shape_cast %swap3A_112 : vector<1x16xf32> to vector<16xf32>
    %swap3A_114 = vector.shape_cast %add3A_109 : vector<16xf32> to vector<1x16xf32>
    tpu.vector_store %arg7[%swap3A_110, %swap3A_111], %swap3A_114 {strides = array<i32>} : memref<4x16xf32, #tpu.memory_space<vmem>>, vector<1x16xf32>,
    %get3A_115 = arith.constant 2 : index
    %get3A_116 = arith.constant 0 : index
    %get3A_117 = vector.load %arg0[%get3A_115, %get3A_116] : memref<4x128xf32, #tpu.memory_space<vmem>>, vector<1x128xf32>
    %get3A_118 = vector.shape_cast %get3A_117 : vector<1x128xf32> to vector<128xf32>
    %broadcast_in_dim3A_119 = vector.shape_cast %get3A_118 : vector<128xf32> to vector<1x128xf32>
    %dot_general3A_120 = arith.constant dense<0.000000e+00> : vector<1x384xf32>
    %dot_general3A_121 = tpu.matmul %broadcast_in_dim3A_119, %get3A_2, %dot_general3A_120 {dimension_numbers = #tpu.dot_dimension_numbers<[1], [0], [0], [1], [0, 0, 1, 1], [], []>, transpose_lhs_hint = false} : vector<1x128xf32>, vector<128x384xf32>, vector<1x384xf32> -> vector<1x384xf32>
    %add3A_122 = arith.addf %dot_general3A_121, %get3A_8 : vector<1x384xf32>
    %dot_general3A_123 = arith.constant dense<0.000000e+00> : vector<1x384xf32>
    %dot_general3A_124 = tpu.matmul %add3A_98, %get3A_5, %dot_general3A_123 {dimension_numbers = #tpu.dot_dimension_numbers<[1], [0], [0], [1], [0, 0, 1, 1], [], []>, transpose_lhs_hint = false} : vector<1x128xf32>, vector<128x384xf32>, vector<1x384xf32> -> vector<1x384xf32>
    %add3A_125 = arith.addf %dot_general3A_124, %get3A_11 : vector<1x384xf32>
    %slice3A_126 = vector.extract_strided_slice %add3A_122 {offsets = [0, 0], sizes = [1, 128], strides = [1, 1]} : vector<1x384xf32> to vector<1x128xf32>
    %slice3A_127 = vector.extract_strided_slice %add3A_125 {offsets = [0, 0], sizes = [1, 128], strides = [1, 1]} : vector<1x384xf32> to vector<1x128xf32>
    %add3A_128 = arith.addf %slice3A_126, %slice3A_127 : vector<1x128xf32>
    %logistic3A_129 = arith.negf %add3A_128 : vector<1x128xf32>
    %logistic3A_130 = math.exp %logistic3A_129 : vector<1x128xf32>
    %logistic3A_131 = arith.constant 1.000000e+00 : f32
    %logistic3A_132 = vector.broadcast %logistic3A_131 : f32 to vector<1x128xf32>
    %logistic3A_133 = arith.addf %logistic3A_132, %logistic3A_130 : vector<1x128xf32>
    %logistic3A_134 = arith.divf %logistic3A_132, %logistic3A_133 : vector<1x128xf32>
    %slice3A_135 = vector.extract_strided_slice %add3A_122 {offsets = [0, 128], sizes = [1, 128], strides = [1, 1]} : vector<1x384xf32> to vector<1x128xf32>
    %slice3A_136 = vector.extract_strided_slice %add3A_125 {offsets = [0, 128], sizes = [1, 128], strides = [1, 1]} : vector<1x384xf32> to vector<1x128xf32>
    %add3A_137 = arith.addf %slice3A_135, %slice3A_136 : vector<1x128xf32>
    %logistic3A_138 = arith.negf %add3A_137 : vector<1x128xf32>
    %logistic3A_139 = math.exp %logistic3A_138 : vector<1x128xf32>
    %logistic3A_140 = arith.constant 1.000000e+00 : f32
    %logistic3A_141 = vector.broadcast %logistic3A_140 : f32 to vector<1x128xf32>
    %logistic3A_142 = arith.addf %logistic3A_141, %logistic3A_139 : vector<1x128xf32>
    %logistic3A_143 = arith.divf %logistic3A_141, %logistic3A_142 : vector<1x128xf32>
    %slice3A_144 = vector.extract_strided_slice %add3A_122 {offsets = [0, 256], sizes = [1, 128], strides = [1, 1]} : vector<1x384xf32> to vector<1x128xf32>
    %slice3A_145 = vector.extract_strided_slice %add3A_125 {offsets = [0, 256], sizes = [1, 128], strides = [1, 1]} : vector<1x384xf32> to vector<1x128xf32>
    %mul3A_146 = arith.mulf %logistic3A_134, %slice3A_145 : vector<1x128xf32>
    %add3A_147 = arith.addf %slice3A_144, %mul3A_146 : vector<1x128xf32>
    %tanh3A_148 = math.tanh %add3A_147 : vector<1x128xf32>
    %sub3A_149 = arith.constant 1.000000e+00 : f32
    %sub3A_150 = vector.broadcast %sub3A_149 : f32 to vector<1x128xf32>
    %sub3A_151 = arith.subf %sub3A_150, %logistic3A_143 : vector<1x128xf32>
    %mul3A_152 = arith.mulf %sub3A_151, %tanh3A_148 : vector<1x128xf32>
    %mul3A_153 = arith.mulf %logistic3A_143, %add3A_98 : vector<1x128xf32>
    %add3A_154 = arith.addf %mul3A_152, %mul3A_153 : vector<1x128xf32>
    %get3A_155 = arith.constant 0 : index
    %get3A_156 = arith.constant 0 : index
    %get3A_157 = vector.load %arg5[%get3A_155, %get3A_156] : memref<128x16xf32, #tpu.memory_space<vmem>>, vector<128x16xf32>
    %dot_general3A_158 = arith.constant dense<0.000000e+00> : vector<1x16xf32>
    %dot_general3A_159 = tpu.matmul %add3A_154, %get3A_157, %dot_general3A_158 {dimension_numbers = #tpu.dot_dimension_numbers<[1], [0], [0], [1], [0, 0, 1, 1], [], []>, transpose_lhs_hint = false} : vector<1x128xf32>, vector<128x16xf32>, vector<1x16xf32> -> vector<1x16xf32>
    %squeeze3A_160 = vector.shape_cast %dot_general3A_159 : vector<1x16xf32> to vector<16xf32>
    %get3A_161 = arith.constant 0 : index
    %get3A_162 = arith.constant 0 : index
    %get3A_163 = vector.load %arg6[%get3A_161, %get3A_162] : memref<1x16xf32, #tpu.memory_space<vmem>>, vector<1x16xf32>
    %get3A_164 = vector.shape_cast %get3A_163 : vector<1x16xf32> to vector<16xf32>
    %add3A_165 = arith.addf %squeeze3A_160, %get3A_164 : vector<16xf32>
    %swap3A_166 = arith.constant 2 : index
    %swap3A_167 = arith.constant 0 : index
    %swap3A_168 = vector.load %arg7[%swap3A_166, %swap3A_167] : memref<4x16xf32, #tpu.memory_space<vmem>>, vector<1x16xf32>
    %swap3A_169 = vector.shape_cast %swap3A_168 : vector<1x16xf32> to vector<16xf32>
    %swap3A_170 = vector.shape_cast %add3A_165 : vector<16xf32> to vector<1x16xf32>
    tpu.vector_store %arg7[%swap3A_166, %swap3A_167], %swap3A_170 {strides = array<i32>} : memref<4x16xf32, #tpu.memory_space<vmem>>, vector<1x16xf32>,
    %get3A_171 = arith.constant 3 : index
    %get3A_172 = arith.constant 0 : index
    %get3A_173 = vector.load %arg0[%get3A_171, %get3A_172] : memref<4x128xf32, #tpu.memory_space<vmem>>, vector<1x128xf32>
    %get3A_174 = vector.shape_cast %get3A_173 : vector<1x128xf32> to vector<128xf32>
    %broadcast_in_dim3A_175 = vector.shape_cast %get3A_174 : vector<128xf32> to vector<1x128xf32>
    %dot_general3A_176 = arith.constant dense<0.000000e+00> : vector<1x384xf32>
    %dot_general3A_177 = tpu.matmul %broadcast_in_dim3A_175, %get3A_2, %dot_general3A_176 {dimension_numbers = #tpu.dot_dimension_numbers<[1], [0], [0], [1], [0, 0, 1, 1], [], []>, transpose_lhs_hint = false} : vector<1x128xf32>, vector<128x384xf32>, vector<1x384xf32> -> vector<1x384xf32>
    %add3A_178 = arith.addf %dot_general3A_177, %get3A_8 : vector<1x384xf32>
    %dot_general3A_179 = arith.constant dense<0.000000e+00> : vector<1x384xf32>
    %dot_general3A_180 = tpu.matmul %add3A_154, %get3A_5, %dot_general3A_179 {dimension_numbers = #tpu.dot_dimension_numbers<[1], [0], [0], [1], [0, 0, 1, 1], [], []>, transpose_lhs_hint = false} : vector<1x128xf32>, vector<128x384xf32>, vector<1x384xf32> -> vector<1x384xf32>
    %add3A_181 = arith.addf %dot_general3A_180, %get3A_11 : vector<1x384xf32>
    %slice3A_182 = vector.extract_strided_slice %add3A_178 {offsets = [0, 0], sizes = [1, 128], strides = [1, 1]} : vector<1x384xf32> to vector<1x128xf32>
    %slice3A_183 = vector.extract_strided_slice %add3A_181 {offsets = [0, 0], sizes = [1, 128], strides = [1, 1]} : vector<1x384xf32> to vector<1x128xf32>
    %add3A_184 = arith.addf %slice3A_182, %slice3A_183 : vector<1x128xf32>
    %logistic3A_185 = arith.negf %add3A_184 : vector<1x128xf32>
    %logistic3A_186 = math.exp %logistic3A_185 : vector<1x128xf32>
    %logistic3A_187 = arith.constant 1.000000e+00 : f32
    %logistic3A_188 = vector.broadcast %logistic3A_187 : f32 to vector<1x128xf32>
    %logistic3A_189 = arith.addf %logistic3A_188, %logistic3A_186 : vector<1x128xf32>
    %logistic3A_190 = arith.divf %logistic3A_188, %logistic3A_189 : vector<1x128xf32>
    %slice3A_191 = vector.extract_strided_slice %add3A_178 {offsets = [0, 128], sizes = [1, 128], strides = [1, 1]} : vector<1x384xf32> to vector<1x128xf32>
    %slice3A_192 = vector.extract_strided_slice %add3A_181 {offsets = [0, 128], sizes = [1, 128], strides = [1, 1]} : vector<1x384xf32> to vector<1x128xf32>
    %add3A_193 = arith.addf %slice3A_191, %slice3A_192 : vector<1x128xf32>
    %logistic3A_194 = arith.negf %add3A_193 : vector<1x128xf32>
    %logistic3A_195 = math.exp %logistic3A_194 : vector<1x128xf32>
    %logistic3A_196 = arith.constant 1.000000e+00 : f32
    %logistic3A_197 = vector.broadcast %logistic3A_196 : f32 to vector<1x128xf32>
    %logistic3A_198 = arith.addf %logistic3A_197, %logistic3A_195 : vector<1x128xf32>
    %logistic3A_199 = arith.divf %logistic3A_197, %logistic3A_198 : vector<1x128xf32>
    %slice3A_200 = vector.extract_strided_slice %add3A_178 {offsets = [0, 256], sizes = [1, 128], strides = [1, 1]} : vector<1x384xf32> to vector<1x128xf32>
    %slice3A_201 = vector.extract_strided_slice %add3A_181 {offsets = [0, 256], sizes = [1, 128], strides = [1, 1]} : vector<1x384xf32> to vector<1x128xf32>
    %mul3A_202 = arith.mulf %logistic3A_190, %slice3A_201 : vector<1x128xf32>
    %add3A_203 = arith.addf %slice3A_200, %mul3A_202 : vector<1x128xf32>
    %tanh3A_204 = math.tanh %add3A_203 : vector<1x128xf32>
    %sub3A_205 = arith.constant 1.000000e+00 : f32
    %sub3A_206 = vector.broadcast %sub3A_205 : f32 to vector<1x128xf32>
    %sub3A_207 = arith.subf %sub3A_206, %logistic3A_199 : vector<1x128xf32>
    %mul3A_208 = arith.mulf %sub3A_207, %tanh3A_204 : vector<1x128xf32>
    %mul3A_209 = arith.mulf %logistic3A_199, %add3A_154 : vector<1x128xf32>
    %add3A_210 = arith.addf %mul3A_208, %mul3A_209 : vector<1x128xf32>
    %get3A_211 = arith.constant 0 : index
    %get3A_212 = arith.constant 0 : index
    %get3A_213 = vector.load %arg5[%get3A_211, %get3A_212] : memref<128x16xf32, #tpu.memory_space<vmem>>, vector<128x16xf32>
    %dot_general3A_214 = arith.constant dense<0.000000e+00> : vector<1x16xf32>
    %dot_general3A_215 = tpu.matmul %add3A_210, %get3A_213, %dot_general3A_214 {dimension_numbers = #tpu.dot_dimension_numbers<[1], [0], [0], [1], [0, 0, 1, 1], [], []>, transpose_lhs_hint = false} : vector<1x128xf32>, vector<128x16xf32>, vector<1x16xf32> -> vector<1x16xf32>
    %squeeze3A_216 = vector.shape_cast %dot_general3A_215 : vector<1x16xf32> to vector<16xf32>
    %get3A_217 = arith.constant 0 : index
    %get3A_218 = arith.constant 0 : index
    %get3A_219 = vector.load %arg6[%get3A_217, %get3A_218] : memref<1x16xf32, #tpu.memory_space<vmem>>, vector<1x16xf32>
    %get3A_220 = vector.shape_cast %get3A_219 : vector<1x16xf32> to vector<16xf32>
    %add3A_221 = arith.addf %squeeze3A_216, %get3A_220 : vector<16xf32>
    %swap3A_222 = arith.constant 3 : index
    %swap3A_223 = arith.constant 0 : index
    %swap3A_224 = vector.load %arg7[%swap3A_222, %swap3A_223] : memref<4x16xf32, #tpu.memory_space<vmem>>, vector<1x16xf32>
    %swap3A_225 = vector.shape_cast %swap3A_224 : vector<1x16xf32> to vector<16xf32>
    %swap3A_226 = vector.shape_cast %add3A_221 : vector<16xf32> to vector<1x16xf32>
    tpu.vector_store %arg7[%swap3A_222, %swap3A_223], %swap3A_226 {strides = array<i32>} : memref<4x16xf32, #tpu.memory_space<vmem>>, vector<1x16xf32>,
    return
  }
}

</mosaic_0001>

<sc_bundles>
// kernel: gather_offload_async_start.1
scs
__scs_entry_jumppad:
0x0: {  	(pc) =	sbr.rel $0x88, $3  }
0x1: {  	(tag) =	ssettag $0x0;
	lr =	simm.s32 $0x1  }
0x2: {  	[smem:$0x3F91] =	sst lr;
	_ =	strace $0xD0000000  }
0x3: {  	_ = 	snop  }
0x4: {  	_ = 	snop  }
0x5: {  	_ = 	snop  }
0x6: {  	_ = 	snop  }
0x7: {  	_ = 	snop  }
__scs_overlays_trampoline_lowered:
0x8: {  	[smem:$0x3FA0] =	sst s0  }
0x9: {  	[smem:$0x3FA1] =	sst s1  }
0xa: {  	[smem:$0x3FA2] =	sst s2  }
0xb: {  	[smem:$0x3FA3] =	sst s3  }
0xc: {  	[smem:$0x3FA4] =	sst s4  }
0xd: {  	[smem:$0x3FA5] =	sst s5  }
0xe: {  	[smem:$0x3FA6] =	sst s6  }
0xf: {  	[smem:$0x3FA7] =	sst s7  }
0x10: {  	[smem:$0x3FA8] =	sst s8  }
0x11: {  	[smem:$0x3FA9] =	sst s9;
	s0 =	simm.s32 @!p0 $0x0  }
0x12: {  	s1 =	sld [smem:$0x3F8F];
	s0 =	simm.s32 @p0 $0x1  }
0x13: {  	[smem:$0x3FAA] =	sst s0;
	s0 =	simm.s32 @!p1 $0x0  }
0x14: {  	s2 =	sld [smem:$0x3F8E];
	s0 =	simm.s32 @p1 $0x1  }
0x15: {  	[smem:$0x3FAB] =	sst s0;
	s0 =	simm.s32 @!p2 $0x0  }
0x16: {  	s3 =	sld [smem:$0x3FDB];
	s0 =	simm.s32 @p2 $0x1  }
0x17: {  	s4 =	simm.s32 $0x1BF5;
	[smem:$0x3FAD] =	sst s0  }
0x18: {  	s0 =	sld [smem:$0x3F90];
	_ =	swait.ge [sflag:s4], $0x0  }
0x19: {  	s7 =	sld [smem:$0x3F91]  }
0x1a: {  	s8 =	sadd.s32 $0xFFFFE003, lr  }
0x1b: {  	s9 =	sadd.s32 $0xFFFFFEF7, lr;
	s5 =	simm.s32 $0xFFFFFFFF;
	p2 =	slt.u32 s8, $0xFFFFF086  }
0x1c: {  	p1 =	slt.u32 s9, $0xF7A;
	s5 =	simm.s32 @!p2 $0x0  }
0x1d: {  	s5 =	simm.s32 @p1 $0x1;
	p0 =	seq.s32 s7, s2  }
0x1e: {  	s7 =	smul.u32 @!p0 $0xF7A, s2;
	p2 =	seq.s32 @!p0 s5, $0x0  }
0x1f: {  	s9 =	smul.u32 $0xF7A, s1;
	s8 =	simm.s32 @!p0 $0x1BF5;
	p2 =	por !p2, p0  }
0x20: {  	[sflag:s8] =	ssyncset.s32 @!p0 $0xFFFFF086;
	s6 =	sadd.s32 @!p0 s3, s7;
	s7 =	simm.s32 @!p0 $0x108  }
0x21: {  	s3 =	sadd.s32 s3, s9;
	s6 =	sadd.s32 @!p0 $0x88, s6;
	s7 =	simm.s32 @p2 $0x1082  }
0x22: {  	[simem:s7], [sflag:s8] =	dma.local @!p0 [hbm:s6], $0xF7A  }
0x23: {  	s9 =	sor.u32 $0xD0000000, s2;
	s6 =	simm.s32 $0x108;
	_ =	swait.ge @!p0 [sflag:s8], $0x0  }
0x24: {  	s3 =	sadd.s32 $0x88, s3;
	s6 =	simm.s32 @!p1 $0x1082;
	[sflag:s4] =	ssyncset.s32 $0xFFFFF086  }
0x25: {  	[simem:s6], [sflag:s4] =	dma.local [hbm:s3], $0xF7A  }
0x26: {  	[smem:$0x3F91] =	sst s1;
	(tag) =	ssettag s2;
	_ =	strace s9  }
0x27: {  	s1 =	sld [smem:$0x3FA1]  }
0x28: {  	s2 =	sld [smem:$0x3FA2]  }
0x29: {  	s4 =	sld [smem:$0x3FA4]  }
0x2a: {  	p0 =	seq.s32 s5, $0x0;
	s5 =	sld [smem:$0x3FA5]  }
0x2b: {  	s6 =	sld [smem:$0x3FA6]  }
0x2c: {  	s7 =	sld [smem:$0x3FA7]  }
0x2d: {  	s3 =	simm.s32 $0x108;
	s8 =	sld [smem:$0x3FA8]  }
0x2e: {  	s3 =	simm.s32 @!p0 $0x1082;
	s9 =	sld [smem:$0x3FA9]  }
0x2f: {  	lr =	sadd.s32 s0, s3;
	s0 =	sld [smem:$0x3FA0]  }
0x30: {  	s3 =	sld [smem:$0x3FA3]  }
0x31: {  	[smem:$0x3FAC] =	sst s10  }
0x32: {  	s10 =	sld [smem:$0x3FAA];
	_ =	sdelay $0x3  }
0x33: {  	p0 =	seq.s32 s10, $0x1;
	s10 =	sld [smem:$0x3FAC];
	_ =	sdelay $0x3  }
0x34: {  	[smem:$0x3FAC] =	sst s10  }
0x35: {  	s10 =	sld [smem:$0x3FAB];
	_ =	sdelay $0x3  }
0x36: {  	p1 =	seq.s32 s10, $0x1;
	s10 =	sld [smem:$0x3FAC];
	_ =	sdelay $0x3  }
0x37: {  	[smem:$0x3FAC] =	sst s10  }
0x38: {  	s10 =	sld [smem:$0x3FAD]  }
0x39: {  	_ = 	snop;
	(pc) =	sbr.ind lr, $3  }
0x3a: {  	_ = 	snop  }
0x3b: {  	_ = 	snop  }
0x3c: {  	p2 =	seq.s32 s10, $0x1;
	s10 =	sld [smem:$0x3FAC]  }
0x3d: {  	_ =	shalt  }
0x3e: {  	_ =	shalt  }
0x3f: {  	_ =	shalt  }
0x40: {  	_ =	shalt  }
0x41: {  	_ =	shalt  }
0x42: {  	_ =	shalt  }
0x43: {  	_ =	shalt  }
0x44: {  	_ =	shalt  }
0x45: {  	_ =	shalt  }
0x46: {  	_ =	shalt  }
0x47: {  	_ =	shalt  }
0x48: {  	_ =	shalt  }
0x49: {  	_ =	shalt  }
0x4a: {  	_ =	shalt  }
0x4b: {  	_ =	shalt  }
0x4c: {  	_ =	shalt  }
0x4d: {  	_ =	shalt  }
0x4e: {  	_ =	shalt  }
0x4f: {  	_ =	shalt  }
0x50: {  	_ =	shalt  }
0x51: {  	_ =	shalt  }
0x52: {  	_ =	shalt  }
0x53: {  	_ =	shalt  }
0x54: {  	_ =	shalt  }
0x55: {  	_ =	shalt  }
0x56: {  	_ =	shalt  }
0x57: {  	_ =	shalt  }
0x58: {  	_ =	shalt  }
0x59: {  	_ =	shalt  }
0x5a: {  	_ =	shalt  }
0x5b: {  	_ =	shalt  }
0x5c: {  	_ =	shalt  }
0x5d: {  	_ =	shalt  }
0x5e: {  	_ =	shalt  }
0x5f: {  	_ =	shalt  }
0x60: {  	_ =	shalt  }
0x61: {  	_ =	shalt  }
0x62: {  	_ =	shalt  }
0x63: {  	_ =	shalt  }
0x64: {  	_ =	shalt  }
0x65: {  	_ =	shalt  }
0x66: {  	_ =	shalt  }
0x67: {  	_ =	shalt  }
0x68: {  	_ =	shalt  }
0x69: {  	_ =	shalt  }
0x6a: {  	_ =	shalt  }
0x6b: {  	_ =	shalt  }
0x6c: {  	_ =	shalt  }
0x6d: {  	_ =	shalt  }
0x6e: {  	_ =	shalt  }
0x6f: {  	_ =	shalt  }
0x70: {  	_ =	shalt  }
0x71: {  	_ =	shalt  }
0x72: {  	_ =	shalt  }
0x73: {  	_ =	shalt  }
0x74: {  	_ =	shalt  }
0x75: {  	_ =	shalt  }
0x76: {  	_ =	shalt  }
0x77: {  	_ =	shalt  }
0x78: {  	_ =	shalt  }
0x79: {  	_ =	shalt  }
0x7a: {  	_ =	shalt  }
0x7b: {  	_ =	shalt  }
0x7c: {  	_ =	shalt  }
0x7d: {  	_ =	shalt  }
0x7e: {  	_ =	shalt  }
0x7f: {  	_ =	shalt  }
0x80: {  	_ =	shalt  }
0x81: {  	_ =	shalt  }
0x82: {  	_ =	shalt  }
0x83: {  	_ =	shalt  }
0x84: {  	_ =	shalt  }
0x85: {  	_ =	shalt  }
0x86: {  	_ =	shalt  }
0x87: {  	_ =	shalt  }
.Lfunc_end0:
.L_simem_size_0:
called_computation.1_lowered:
.L_overlay_start_0:
0x88: {  	s2 =	sld [smem:$0x3FD9]  }
0x89: {  	s3 =	sld [smem:$0x3FFE];
	_ =	sdelay $0x1  }
0x8a: {  	s1 =	srdreg.scid  }
0x8b: {  	s0 =	sand.u32 $0x1, s1  }
0x8c: {  	s16 =	sshll.u32 s0, $0xA;
	s2 =	sadd.s32 s3, s2  }
0x8d: {  	s2 =	sadd.s32 s2, s16  }
0x8e: {  	[smem:$0x3FB8] =	sst s2  }
0x8f: {  	_ = 	snop  }
0x90: {  	(tm) =	ssettm $0x1  }
0x91: {  	s17 =	sld [smem:$0x3FFB];
	_ =	sdelay $0x3  }
0x92: {  	_ =	strace s17  }
0x93: {  	s2 =	sld [smem:$0x3FFC];
	_ =	sdelay $0x3  }
0x94: {  	_ =	strace s2  }
0x95: {  	s2 =	sld [smem:$0x3FFD];
	_ =	sdelay $0x3  }
0x96: {  	_ =	strace s2  }
0x97: {  	_ =	strace $0x8FFFFFFF  }
0x98: {  	s18 =	sld [smem:$0x3FDB];
	_ =	sdelay $0x1  }
0x99: {  	s19 =	simm.s32 $_scs_section_size  }
0x9a: {  	s4 =	simm.s32 $_size__tile_overlayer_lowered;
	s5 =	simm.s32 $_tile_overlayer_lowered  }
0x9b: {  	s22 =	simm.s32 $0x1BFF;
	s21 =	sshll.u32 s5, $0x1;
	s2 =	sadd.s32 s19, s18  }
0x9c: {  	s6 =	simm.s32 $0x0;
	s20 =	sshll.u32 s4, $0x1;
	s4 =	sadd.s32 s21, s2  }
0x9d: {  	[timem:s6], [sflag:s22] =	dma.local [hbm:s4], s20  }
0x9e: {  	_ =	swait.ge [sflag:s22], s20  }
0x9f: {  	s3 =	ssub.s32 $0x0, s20;
	[sflag:s22] =	ssyncset.done $0x0  }
0xa0: {  	[sflag:s22] =	ssyncadd.s32 s3;
	_ =	sdelay $0x1  }
0xa1: {  	s23 =	simm.s32 $0x1B8B  }
0xa2: {  	_ =	swait.ge [sflag:s23], $0x1  }
0xa3: {  	[sflag:s23] =	ssyncset.done $0x0  }
0xa4: {  	s25 =	simm.s32 $0x1B8E;
	s24 =	sld [smem:$0x3FFE];
	[sflag:s23] =	ssyncadd.s32 $0xFFFFFFFF  }
0xa5: {  	s26 =	simm.s32 $execute0_lowered;
	[smem:$0x3FD2] =	sst s25  }
0xa6: {  	s4 =	sshll.u32 s26, $0x1;
	_ =	strace $0x80000046;
	[dreg:$0x1] =	wrdreg $0xFFFFFFFF  }
0xa7: {  	s28 =	simm.s32 $_size_execute0_lowered;
	s2 =	sadd.s32 s2, s4;
	[dreg:$0x0] =	wrdreg $0x0  }
0xa8: {  	s4 =	sshll.u32 s28, $0x1;
	[dreg:$0x2] =	wrdreg s2  }
0xa9: {  	[dreg:$0x3] =	wrdreg s4  }
0xaa: {  	[dreg:$0x4] =	wrdreg $0xC0  }
0xab: {  	_ =	task [dreg:s6], $0x5FFFF  }
0xac: {  	[dreg:$0x1] =	wrdreg $0xFFFFFFFF  }
0xad: {  	[dreg:$0x0] =	wrdreg $0x60  }
0xae: {  	[dreg:$0x2] =	wrdreg s24  }
0xaf: {  	[dreg:$0x3] =	wrdreg $0x9  }
0xb0: {  	_ =	task.clear_ibuf [dreg:s6], $0x4FFFF;
	_ =	strace $0x90000046  }
0xb1: {  	s29 =	simm.s32 $0x9;
	_ =	strace $0x80000048  }
0xb2: {  	_ =	swait.ge [sflag:s29], $0x1  }
0xb3: {  	[sflag:s29] =	ssyncadd.s32 $0xFFFFFFFF  }
0xb4: {  	_ =	strace $0x90000048  }
0xb5: {  	_ =	sfence  }
0xb6: {  	s30 =	sld [smem:$0x0];
	_ =	sdelay $0x2  }
0xb7: {  	s31 =	sshll.u32 s1, $0xD;
	s1 =	sshrl.u32 s1, $0x2  }
0xb8: {  	s3 =	sand.u32 $0x4000, s31;
	s1 =	sadd.s32 s1, s30  }
0xb9: {  	s0 =	sor.u32 s3, s0;
	s1 =	sshll.u32 s1, $0x11  }
0xba: {  	s0 =	sor.u32 s1, s0  }
0xbb: {  	s0 =	sadd.s32 $0x8F2B, s0  }
0xbc: {  	[sflag:s0] =	ssyncadd.remote.s32 $0x1  }
0xbd: {  	_ =	sfence.sel $0xFFFF  }
0xbe: {  	[dreg:$0x0] =	wrdreg $0xFFFFFFFF;
	(pc) =	sbr.abs _section_cstart, $3  }
0xbf: {  	[dreg:$0x1] =	wrdreg $0xFFFFFFFF  }
0xc0: {  	_ =	task.clear_ibuf [dreg:s6], $0x2FFFF;
	_ =	strace $0x9FFFFFFF  }
0xc1: {  	(tm) =	ssettm $0x7FFFFFFF  }
tec
execute0_lowered:
.L_overlay_start_1:
0x0: {  	(tag) =	ssettag $0x1  }
0x1: {  	s8 =	rddreg [dreg:$0x0]  }
0x2: {  	s0 =	rddreg [dreg:$0x1];
	_ =	strace $0x80000047;
	s1 =	stileid.u32  }
0x3: {  	s3 =	srdreg.scid;
	s4 =	simm.s32 $0x1;
	s7 =	simm.s32 $0x1  }
0x4: {  	s9 =	simm.s32 $0x1;
	s10 =	simm.s32 $0x3;
	s13 =	simm.s32 $0x0  }
0x5: {  	s12 =	simm.s32 $0x0;
	s5 =	sand.u32 $0x1, s3;
	s6 =	sshll.u32 s1, $0x1  }
0x6: {  	s2 =	sadd.s32 $0xE400, s8;
	s3 =	sadd.s32 $0x18200, s8;
	s5 =	sor.u32 s6, s5  }
.Ltmp0:
0x7: {  	[sflag:s4] =	ssyncpa.u1 $0x0;
	p0 =	slt.u32 s5, $0x9;
	(pc) =	sbr.rel .LBB2_1-.Ltmp0, $4  }
0x8: {  	s6 =	simm.s32 $0x2;
	s7 =	simm.s32 @!p0 $0x0;
	p0 =	sne.s32 s5, $0x8  }
0x9: {  	[sflag:s6] =	ssyncpa.u1 $0x0;
	s5 =	smul.u32 $0x1F40, s5;
	s9 =	simm.s32 @!p0 $0x0  }
0xa: {  	s8 =	sadd.s32 $0x27600, s8;
	[sflag:s10] =	ssyncpa.u1 $0x0;
	s7 =	sadd.s32 s9, s7  }
0xb: {  	vm0 =	vmmov $0xffff;
	s10 =	simm.s32 $0x0;
	s11 =	smov.u32 s5;
	s9 =	sadd.s32 $0x1, s7  }
.LBB2_4:
0xc: {  	v2 =	vnsel vm1, $0x0, v2  }
0xd: {  	vm1 =	vgt.s32 v0, $0x0;
	v2 =	vmin.u32 v2, $0x4E1FF  }
0xe: {  	v0 =	vnsel vm1, $0x0, v0  }
0xf: {  	v0 =	vmin.u32 v0, $0x4E1FF  }
0x10: {  	[tilespmem:s18], [sflag:$0x1] =	stream.indirect_vreg.gather [hbm4b:s2+s10], $0x1, v1, vm0, $0x4038;
	[tilespmem:$0x7D00] =	vst v63  }
0x11: {  	(ifvalue) =	ssetifvalue $0x7FFFFFFF  }
0x12: {  	[tilespmem:s15], [sflag:$0x1] =	stream.indirect_vreg.gather [hbm4b:s2+s10], $0x1, v2, vm0, $0x4038;
	[tilespmem:$0x7D00] =	vst v63  }
0x13: {  	s29 =	sadd.s32 $0x10, s15;
	(ifvalue) =	ssetifvalue $0x7FFFFFFF  }
0x14: {  	[tilespmem:s29], [sflag:$0x1] =	stream.indirect_vreg.gather [hbm4b:s2+s10], $0x1, v0, vm0, $0x4038;
	[tilespmem:$0x7D00] =	vst v63  }
0x15: {  	_ =	swait.ge [sflag:s4], $0x1F40  }
0x16: {  	s30 =	sshrl.u32 s13, $0x3;
	[sflag:s4] =	ssyncset.done $0x0  }
0x17: {  	s31 =	sand.u32 $0x7, s13;
	s15 =	sadd.s32 s8, s30;
	[sflag:s4] =	ssyncadd.s32 $0xFFFFE0C0  }
0x18: {  	[hbm4b:s15+s31] =	stream.linear.scatter [tilespmem:s14], [sflag:$0x3], $0x1F40, $0x38;
	[tilespmem:$0x7D00] =	vst v63  }
.LBB2_5:
0x19: {  	s15 =	sadd.s32 $0x3E800, s11  }
0x1a: {  	p1 =	sgt.s32 s15, $0x4E1FF  }
0x1b: {  	s15 =	smov.u32 @p1 s5;
	p1 =	sne.s32 s12, s9  }
.Ltmp1:
0x1c: {  	p0 =	slt.u32 s12, $0x2;
	(pc) =	sbr.rel @!p1 .LBB2_6-.Ltmp1, $4  }
0x1d: {  	s14 =	simm.s32 @!p0 $0x3  }
0x1e: {  	_ =	swait.ge @!p0 [sflag:s14], $0x1F40  }
0x1f: {  	s16 =	sadd.s32 $0x1, s12;
	s13 =	smov.u32 s11;
	[sflag:s14] =	ssyncset.done @!p0 $0x0  }
0x20: {  	s12 =	smov.u32 s16;
	s11 =	smov.u32 s15;
	[sflag:s14] =	ssyncadd.s32 @!p0 $0xFFFFE0C0  }
.LBB2_1:
0x21: {  	p0 =	sge.u32 s12, s7  }
0x22: {  	s14 =	sxor.u32 @!p0 $0x1, s12  }
0x23: {  	s14 =	smul.u32 @!p0 $0x7D00, s14  }
0x24: {  	s31 =	sadd.s32 $0xFFFFFFFF, s12;
	s15 =	sshrl.u32 @!p0 s11, $0x3  }
0x25: {  	s16 =	sand.u32 @!p0 $0x7, s11;
	s15 =	sadd.s32 @!p0 s3, s15;
	s14 =	sshra.s32 @!p0 s14, $0x2  }
0x26: {  	[tilespmem:s14], [sflag:$0x2] =	stream.linear.gather @!p0 [hbm4b:s15+s16], $0x1F40, $0x38;
	[tilespmem:$0x7D00] =	vst v63  }
0x27: {  	p0 =	sge.u32 s31, s7  }
.Ltmp2:
0x28: {  	_ = 	snop;
	(pc) =	sbr.rel @p0 .LBB2_5-.Ltmp2, $1  }
0x29: {  	_ =	sdelay $0x3  }
0x2a: {  	s14 =	sand.u32 $0x1, s12  }
0x2b: {  	_ =	swait.ge [sflag:s6], $0x1F40;
	p0 =	seq.s32 s14, $0x1;
	s14 =	simm.s32 $0x1F40  }
0x2c: {  	[sflag:s6] =	ssyncset.done $0x0;
	s14 =	simm.s32 @!p0 $0x0  }
0x2d: {  	[sflag:s6] =	ssyncadd.s32 $0xFFFFE0C0;
	(ifvalue) =	ssetifvalue $0x7FFFFFFF;
	v0 =	vld.msk [tilespmem:s14+$0x0 ss:$0x1], $0xffff;
	_ =	sdelay $0x4  }
0x2e: {  	s15 =	sadd.s32 $0x10, s14;
	vm1 =	vgt.s32 v0, $0x0  }
0x2f: {  	v2 =	vld.msk [tilespmem:s15+$0x0 ss:$0x1], $0xffff;
	v1 =	vnsel vm1, $0x0, v0  }
0x30: {  	v1 =	vmin.u32 v1, $0x4E1FF;
	_ =	sdelay $0x2  }
0x31: {  	s17 =	simm.s32 $0x20;
	s14 =	sadd.s32 $0x3E80, s14;
	s16 =	sadd.s32 $0x10, s15  }
0x32: {  	s15 =	sadd.s32 $0x10, s14;
	s18 =	smov.u32 s14;
	v0 =	vld.msk [tilespmem:s16+$0x0 ss:$0x1], $0xffff;
	vm1 =	vgt.s32 v2, $0x0;
	(ifvalue) =	ssetifvalue $0x7FFFFFFF  }
.LBB2_3:
0x33: {  	[tilespmem:s18], [sflag:$0x1] =	stream.indirect_vreg.gather [hbm4b:s2+s10], $0x1, v1, vm0, $0x4038;
	[tilespmem:$0x7D00] =	vst v63  }
0x34: {  	s17 =	sadd.s32 $0x10, s17  }
0x35: {  	v2 =	vnsel vm1, $0x0, v2;
	p0 =	slt.u32 s17, $0x1F30  }
.Ltmp3:
0x36: {  	s18 =	smov.u32 s15;
	v1 =	vmin.u32 v2, $0x4E1FF;
	(pc) =	sbr.rel @p0 .LBB2_3-.Ltmp3, $3  }
0x37: {  	_ =	sdelay $0x1  }
0x38: {  	s16 =	sadd.s32 $0x10, s16  }
0x39: {  	vm1 =	vgt.s32 v0, $0x0;
	s15 =	sadd.s32 $0x10, s15;
	v2 =	vmov v0;
	(ifvalue) =	ssetifvalue $0x7FFFFFFF;
	v0 =	vld.msk [tilespmem:s16+$0x0 ss:$0x1], $0xffff  }
.Ltmp4:
0x3a: {  	_ = 	snop;
	(pc) =	sbr.rel .LBB2_4-.Ltmp4, $1  }
0x3b: {  	_ =	sdelay $0x3  }
.LBB2_6:
0x3c: {  	_ =	sfence.sel $0x180000  }
0x3d: {  	s2 =	simm.s32 $0x2;
	[bflag:$0x0] =	sbarrier.arrive $0xFFFF  }
0x3e: {  	s30 =	simm.s32 $0x3;
	[sflag:s2] =	ssyncpa.u1 $0x1  }
0x3f: {  	s31 =	simm.s32 $0x1;
	[sflag:s30] =	ssyncpa.u1 $0x1  }
0x40: {  	[sflag:s31] =	ssyncpa.u1 $0x1  }
0x41: {  	p0 =	sne.s32 s1, $0x0;
	_ =	strace $0x90000047  }
0x42: {  	s0 =	sadd.s32 @!p0 $0x100000, s0;
	[bflag:$0x2] =	sbarrier.arrive $0xFFFF  }
0x43: {  	[sflag:s0] =	ssyncadd.tile.s32 @!p0 $0x1;
	_ =	shalt  }
.Lfunc_end2:
_tile_overlayer_lowered:
.L_overlay_start_2:
0x44: {  	(tag) =	ssettag $0x2  }
0x45: {  	s0 =	rddreg [dreg:$0x0];
	s2 =	stileid.u32  }
0x46: {  	s1 =	rddreg [dreg:$0x1];
	p0 =	sne.s32 s2, $0x0  }
0x47: {  	s3 =	rddreg [dreg:$0x2];
	[bflag:$0x3] =	sbarrier.arrive $0xFFFF;
	s2 =	simm.s32 @!p0 $0x1C01  }
0x48: {  	[timem:s3], [sflag:s2] =	dma.local @!p0 [hbm:s0], s1  }
0x49: {  	s0 =	simm.s32 @!p0 $0x1  }
0x4a: {  	_ =	swait.ge @!p0 [sflag:s0], s1  }
0x4b: {  	s1 =	ssub.s32 @!p0 $0x0, s1;
	[sflag:s0] =	ssyncset.done @!p0 $0x0  }
0x4c: {  	[sflag:s0] =	ssyncadd.s32 @!p0 s1  }
0x4d: {  	[bflag:$0x3] =	sbarrier.arrive $0xFFFF  }
0x4e: {  	_ =	shalt  }

// kernel: gather_offload_async_start
scs
__scs_entry_jumppad:
0x0: {  	(pc) =	sbr.rel $0x88, $3  }
0x1: {  	(tag) =	ssettag $0x0;
	lr =	simm.s32 $0x1  }
0x2: {  	[smem:$0x3F91] =	sst lr;
	_ =	strace $0xD0000000  }
0x3: {  	_ = 	snop  }
0x4: {  	_ = 	snop  }
0x5: {  	_ = 	snop  }
0x6: {  	_ = 	snop  }
0x7: {  	_ = 	snop  }
__scs_overlays_trampoline_lowered:
0x8: {  	[smem:$0x3FA0] =	sst s0  }
0x9: {  	[smem:$0x3FA1] =	sst s1  }
0xa: {  	[smem:$0x3FA2] =	sst s2  }
0xb: {  	[smem:$0x3FA3] =	sst s3  }
0xc: {  	[smem:$0x3FA4] =	sst s4  }
0xd: {  	[smem:$0x3FA5] =	sst s5  }
0xe: {  	[smem:$0x3FA6] =	sst s6  }
0xf: {  	[smem:$0x3FA7] =	sst s7  }
0x10: {  	[smem:$0x3FA8] =	sst s8  }
0x11: {  	[smem:$0x3FA9] =	sst s9;
	s0 =	simm.s32 @!p0 $0x0  }
0x12: {  	s1 =	sld [smem:$0x3F8F];
	s0 =	simm.s32 @p0 $0x1  }
0x13: {  	[smem:$0x3FAA] =	sst s0;
	s0 =	simm.s32 @!p1 $0x0  }
0x14: {  	s2 =	sld [smem:$0x3F8E];
	s0 =	simm.s32 @p1 $0x1  }
0x15: {  	[smem:$0x3FAB] =	sst s0;
	s0 =	simm.s32 @!p2 $0x0  }
0x16: {  	s3 =	sld [smem:$0x3FDB];
	s0 =	simm.s32 @p2 $0x1  }
0x17: {  	s4 =	simm.s32 $0x1BF5;
	[smem:$0x3FAD] =	sst s0  }
0x18: {  	s0 =	sld [smem:$0x3F90];
	_ =	swait.ge [sflag:s4], $0x0  }
0x19: {  	s7 =	sld [smem:$0x3F91]  }
0x1a: {  	s8 =	sadd.s32 $0xFFFFE003, lr  }
0x1b: {  	s9 =	sadd.s32 $0xFFFFFEF7, lr;
	s5 =	simm.s32 $0xFFFFFFFF;
	p2 =	slt.u32 s8, $0xFFFFF086  }
0x1c: {  	p1 =	slt.u32 s9, $0xF7A;
	s5 =	simm.s32 @!p2 $0x0  }
0x1d: {  	s5 =	simm.s32 @p1 $0x1;
	p0 =	seq.s32 s7, s2  }
0x1e: {  	s7 =	smul.u32 @!p0 $0xF7A, s2;
	p2 =	seq.s32 @!p0 s5, $0x0  }
0x1f: {  	s9 =	smul.u32 $0xF7A, s1;
	s8 =	simm.s32 @!p0 $0x1BF5;
	p2 =	por !p2, p0  }
0x20: {  	[sflag:s8] =	ssyncset.s32 @!p0 $0xFFFFF086;
	s6 =	sadd.s32 @!p0 s3, s7;
	s7 =	simm.s32 @!p0 $0x108  }
0x21: {  	s3 =	sadd.s32 s3, s9;
	s6 =	sadd.s32 @!p0 $0x88, s6;
	s7 =	simm.s32 @p2 $0x1082  }
0x22: {  	[simem:s7], [sflag:s8] =	dma.local @!p0 [hbm:s6], $0xF7A  }
0x23: {  	s9 =	sor.u32 $0xD0000000, s2;
	s6 =	simm.s32 $0x108;
	_ =	swait.ge @!p0 [sflag:s8], $0x0  }
0x24: {  	s3 =	sadd.s32 $0x88, s3;
	s6 =	simm.s32 @!p1 $0x1082;
	[sflag:s4] =	ssyncset.s32 $0xFFFFF086  }
0x25: {  	[simem:s6], [sflag:s4] =	dma.local [hbm:s3], $0xF7A  }
0x26: {  	[smem:$0x3F91] =	sst s1;
	(tag) =	ssettag s2;
	_ =	strace s9  }
0x27: {  	s1 =	sld [smem:$0x3FA1]  }
0x28: {  	s2 =	sld [smem:$0x3FA2]  }
0x29: {  	s4 =	sld [smem:$0x3FA4]  }
0x2a: {  	p0 =	seq.s32 s5, $0x0;
	s5 =	sld [smem:$0x3FA5]  }
0x2b: {  	s6 =	sld [smem:$0x3FA6]  }
0x2c: {  	s7 =	sld [smem:$0x3FA7]  }
0x2d: {  	s3 =	simm.s32 $0x108;
	s8 =	sld [smem:$0x3FA8]  }
0x2e: {  	s3 =	simm.s32 @!p0 $0x1082;
	s9 =	sld [smem:$0x3FA9]  }
0x2f: {  	lr =	sadd.s32 s0, s3;
	s0 =	sld [smem:$0x3FA0]  }
0x30: {  	s3 =	sld [smem:$0x3FA3]  }
0x31: {  	[smem:$0x3FAC] =	sst s10  }
0x32: {  	s10 =	sld [smem:$0x3FAA];
	_ =	sdelay $0x3  }
0x33: {  	p0 =	seq.s32 s10, $0x1;
	s10 =	sld [smem:$0x3FAC];
	_ =	sdelay $0x3  }
0x34: {  	[smem:$0x3FAC] =	sst s10  }
0x35: {  	s10 =	sld [smem:$0x3FAB];
	_ =	sdelay $0x3  }
0x36: {  	p1 =	seq.s32 s10, $0x1;
	s10 =	sld [smem:$0x3FAC];
	_ =	sdelay $0x3  }
0x37: {  	[smem:$0x3FAC] =	sst s10  }
0x38: {  	s10 =	sld [smem:$0x3FAD]  }
0x39: {  	_ = 	snop;
	(pc) =	sbr.ind lr, $3  }
0x3a: {  	_ = 	snop  }
0x3b: {  	_ = 	snop  }
0x3c: {  	p2 =	seq.s32 s10, $0x1;
	s10 =	sld [smem:$0x3FAC]  }
0x3d: {  	_ =	shalt  }
0x3e: {  	_ =	shalt  }
0x3f: {  	_ =	shalt  }
0x40: {  	_ =	shalt  }
0x41: {  	_ =	shalt  }
0x42: {  	_ =	shalt  }
0x43: {  	_ =	shalt  }
0x44: {  	_ =	shalt  }
0x45: {  	_ =	shalt  }
0x46: {  	_ =	shalt  }
0x47: {  	_ =	shalt  }
0x48: {  	_ =	shalt  }
0x49: {  	_ =	shalt  }
0x4a: {  	_ =	shalt  }
0x4b: {  	_ =	shalt  }
0x4c: {  	_ =	shalt  }
0x4d: {  	_ =	shalt  }
0x4e: {  	_ =	shalt  }
0x4f: {  	_ =	shalt  }
0x50: {  	_ =	shalt  }
0x51: {  	_ =	shalt  }
0x52: {  	_ =	shalt  }
0x53: {  	_ =	shalt  }
0x54: {  	_ =	shalt  }
0x55: {  	_ =	shalt  }
0x56: {  	_ =	shalt  }
0x57: {  	_ =	shalt  }
0x58: {  	_ =	shalt  }
0x59: {  	_ =	shalt  }
0x5a: {  	_ =	shalt  }
0x5b: {  	_ =	shalt  }
0x5c: {  	_ =	shalt  }
0x5d: {  	_ =	shalt  }
0x5e: {  	_ =	shalt  }
0x5f: {  	_ =	shalt  }
0x60: {  	_ =	shalt  }
0x61: {  	_ =	shalt  }
0x62: {  	_ =	shalt  }
0x63: {  	_ =	shalt  }
0x64: {  	_ =	shalt  }
0x65: {  	_ =	shalt  }
0x66: {  	_ =	shalt  }
0x67: {  	_ =	shalt  }
0x68: {  	_ =	shalt  }
0x69: {  	_ =	shalt  }
0x6a: {  	_ =	shalt  }
0x6b: {  	_ =	shalt  }
0x6c: {  	_ =	shalt  }
0x6d: {  	_ =	shalt  }
0x6e: {  	_ =	shalt  }
0x6f: {  	_ =	shalt  }
0x70: {  	_ =	shalt  }
0x71: {  	_ =	shalt  }
0x72: {  	_ =	shalt  }
0x73: {  	_ =	shalt  }
0x74: {  	_ =	shalt  }
0x75: {  	_ =	shalt  }
0x76: {  	_ =	shalt  }
0x77: {  	_ =	shalt  }
0x78: {  	_ =	shalt  }
0x79: {  	_ =	shalt  }
0x7a: {  	_ =	shalt  }
0x7b: {  	_ =	shalt  }
0x7c: {  	_ =	shalt  }
0x7d: {  	_ =	shalt  }
0x7e: {  	_ =	shalt  }
0x7f: {  	_ =	shalt  }
0x80: {  	_ =	shalt  }
0x81: {  	_ =	shalt  }
0x82: {  	_ =	shalt  }
0x83: {  	_ =	shalt  }
0x84: {  	_ =	shalt  }
0x85: {  	_ =	shalt  }
0x86: {  	_ =	shalt  }
0x87: {  	_ =	shalt  }
.Lfunc_end0:
.L_simem_size_0:
called_computation_lowered:
.L_overlay_start_0:
0x88: {  	s2 =	sld [smem:$0x3FD9]  }
0x89: {  	s3 =	sld [smem:$0x3FFE];
	_ =	sdelay $0x1  }
0x8a: {  	s1 =	srdreg.scid  }
0x8b: {  	s0 =	sand.u32 $0x1, s1  }
0x8c: {  	s16 =	sshll.u32 s0, $0xA;
	s2 =	sadd.s32 s3, s2  }
0x8d: {  	s2 =	sadd.s32 s2, s16  }
0x8e: {  	[smem:$0x3FB8] =	sst s2  }
0x8f: {  	_ = 	snop  }
0x90: {  	(tm) =	ssettm $0x1  }
0x91: {  	s17 =	sld [smem:$0x3FFB];
	_ =	sdelay $0x3  }
0x92: {  	_ =	strace s17  }
0x93: {  	s2 =	sld [smem:$0x3FFC];
	_ =	sdelay $0x3  }
0x94: {  	_ =	strace s2  }
0x95: {  	s2 =	sld [smem:$0x3FFD];
	_ =	sdelay $0x3  }
0x96: {  	_ =	strace s2  }
0x97: {  	_ =	strace $0x8FFFFFFF  }
0x98: {  	s18 =	sld [smem:$0x3FDB];
	_ =	sdelay $0x1  }
0x99: {  	s19 =	simm.s32 $_scs_section_size  }
0x9a: {  	s4 =	simm.s32 $_size__tile_overlayer_lowered;
	s5 =	simm.s32 $_tile_overlayer_lowered  }
0x9b: {  	s22 =	simm.s32 $0x1BFF;
	s21 =	sshll.u32 s5, $0x1;
	s2 =	sadd.s32 s19, s18  }
0x9c: {  	s6 =	simm.s32 $0x0;
	s20 =	sshll.u32 s4, $0x1;
	s4 =	sadd.s32 s21, s2  }
0x9d: {  	[timem:s6], [sflag:s22] =	dma.local [hbm:s4], s20  }
0x9e: {  	_ =	swait.ge [sflag:s22], s20  }
0x9f: {  	s3 =	ssub.s32 $0x0, s20;
	[sflag:s22] =	ssyncset.done $0x0  }
0xa0: {  	[sflag:s22] =	ssyncadd.s32 s3;
	_ =	sdelay $0x1  }
0xa1: {  	s23 =	simm.s32 $0x1B8B  }
0xa2: {  	_ =	swait.ge [sflag:s23], $0x1  }
0xa3: {  	[sflag:s23] =	ssyncset.done $0x0  }
0xa4: {  	s25 =	simm.s32 $0x1B8E;
	s24 =	sld [smem:$0x3FFE];
	[sflag:s23] =	ssyncadd.s32 $0xFFFFFFFF  }
0xa5: {  	s26 =	simm.s32 $execute0_lowered;
	[smem:$0x3FD2] =	sst s25  }
0xa6: {  	s4 =	sshll.u32 s26, $0x1;
	_ =	strace $0x80000049;
	[dreg:$0x1] =	wrdreg $0xFFFFFFFF  }
0xa7: {  	s28 =	simm.s32 $_size_execute0_lowered;
	s2 =	sadd.s32 s2, s4;
	[dreg:$0x0] =	wrdreg $0x0  }
0xa8: {  	s4 =	sshll.u32 s28, $0x1;
	[dreg:$0x2] =	wrdreg s2  }
0xa9: {  	[dreg:$0x3] =	wrdreg s4  }
0xaa: {  	[dreg:$0x4] =	wrdreg $0xC0  }
0xab: {  	_ =	task [dreg:s6], $0x5FFFF  }
0xac: {  	[dreg:$0x1] =	wrdreg $0xFFFFFFFF  }
0xad: {  	[dreg:$0x0] =	wrdreg $0x60  }
0xae: {  	[dreg:$0x2] =	wrdreg s24  }
0xaf: {  	[dreg:$0x3] =	wrdreg $0x9  }
0xb0: {  	_ =	task.clear_ibuf [dreg:s6], $0x4FFFF;
	_ =	strace $0x90000049  }
0xb1: {  	s29 =	simm.s32 $0x9;
	_ =	strace $0x8000004B  }
0xb2: {  	_ =	swait.ge [sflag:s29], $0x1  }
0xb3: {  	[sflag:s29] =	ssyncadd.s32 $0xFFFFFFFF  }
0xb4: {  	_ =	strace $0x9000004B  }
0xb5: {  	_ =	sfence  }
0xb6: {  	s30 =	sld [smem:$0x0];
	_ =	sdelay $0x2  }
0xb7: {  	s31 =	sshll.u32 s1, $0xD;
	s1 =	sshrl.u32 s1, $0x2  }
0xb8: {  	s3 =	sand.u32 $0x4000, s31;
	s1 =	sadd.s32 s1, s30  }
0xb9: {  	s0 =	sor.u32 s3, s0;
	s1 =	sshll.u32 s1, $0x11  }
0xba: {  	s0 =	sor.u32 s1, s0  }
0xbb: {  	s0 =	sadd.s32 $0x8F2B, s0  }
0xbc: {  	[sflag:s0] =	ssyncadd.remote.s32 $0x1  }
0xbd: {  	_ =	sfence.sel $0xFFFF  }
0xbe: {  	[dreg:$0x0] =	wrdreg $0xFFFFFFFF;
	(pc) =	sbr.abs _section_cstart, $3  }
0xbf: {  	[dreg:$0x1] =	wrdreg $0xFFFFFFFF  }
0xc0: {  	_ =	task.clear_ibuf [dreg:s6], $0x2FFFF;
	_ =	strace $0x9FFFFFFF  }
0xc1: {  	(tm) =	ssettm $0x7FFFFFFF  }
tec
execute0_lowered:
.L_overlay_start_1:
0x0: {  	(tag) =	ssettag $0x1  }
0x1: {  	s8 =	rddreg [dreg:$0x0]  }
0x2: {  	s0 =	rddreg [dreg:$0x1];
	_ =	strace $0x8000004A;
	s1 =	stileid.u32  }
0x3: {  	s3 =	srdreg.scid;
	s4 =	simm.s32 $0x1;
	s7 =	simm.s32 $0x1  }
0x4: {  	s9 =	simm.s32 $0x1;
	s10 =	simm.s32 $0x3;
	s13 =	simm.s32 $0x0  }
0x5: {  	s12 =	simm.s32 $0x0;
	s5 =	sand.u32 $0x1, s3;
	s6 =	sshll.u32 s1, $0x1  }
0x6: {  	s2 =	sadd.s32 $0x4600, s8;
	s3 =	sadd.s32 $0x18200, s8;
	s5 =	sor.u32 s6, s5  }
.Ltmp0:
0x7: {  	[sflag:s4] =	ssyncpa.u1 $0x0;
	p0 =	slt.u32 s5, $0x9;
	(pc) =	sbr.rel .LBB2_1-.Ltmp0, $4  }
0x8: {  	s6 =	simm.s32 $0x2;
	s7 =	simm.s32 @!p0 $0x0;
	p0 =	sne.s32 s5, $0x8  }
0x9: {  	[sflag:s6] =	ssyncpa.u1 $0x0;
	s5 =	smul.u32 $0x1F40, s5;
	s9 =	simm.s32 @!p0 $0x0  }
0xa: {  	s8 =	sadd.s32 $0xE400, s8;
	[sflag:s10] =	ssyncpa.u1 $0x0;
	s7 =	sadd.s32 s9, s7  }
0xb: {  	vm0 =	vmmov $0xffff;
	s10 =	simm.s32 $0x0;
	s11 =	smov.u32 s5;
	s9 =	sadd.s32 $0x1, s7  }
.LBB2_4:
0xc: {  	v2 =	vnsel vm1, $0x0, v2  }
0xd: {  	vm1 =	vgt.s32 v0, $0x0;
	v2 =	vmin.u32 v2, $0x4E1FF  }
0xe: {  	v0 =	vnsel vm1, $0x0, v0  }
0xf: {  	v0 =	vmin.u32 v0, $0x4E1FF  }
0x10: {  	[tilespmem:s18], [sflag:$0x1] =	stream.indirect_vreg.gather [hbm4b:s2+s10], $0x1, v1, vm0, $0x4038;
	[tilespmem:$0x7D00] =	vst v63  }
0x11: {  	(ifvalue) =	ssetifvalue $0x7FFFFFFF  }
0x12: {  	[tilespmem:s15], [sflag:$0x1] =	stream.indirect_vreg.gather [hbm4b:s2+s10], $0x1, v2, vm0, $0x4038;
	[tilespmem:$0x7D00] =	vst v63  }
0x13: {  	s29 =	sadd.s32 $0x10, s15;
	(ifvalue) =	ssetifvalue $0x7FFFFFFF  }
0x14: {  	[tilespmem:s29], [sflag:$0x1] =	stream.indirect_vreg.gather [hbm4b:s2+s10], $0x1, v0, vm0, $0x4038;
	[tilespmem:$0x7D00] =	vst v63  }
0x15: {  	_ =	swait.ge [sflag:s4], $0x1F40  }
0x16: {  	s30 =	sshrl.u32 s13, $0x3;
	[sflag:s4] =	ssyncset.done $0x0  }
0x17: {  	s31 =	sand.u32 $0x7, s13;
	s15 =	sadd.s32 s8, s30;
	[sflag:s4] =	ssyncadd.s32 $0xFFFFE0C0  }
0x18: {  	[hbm4b:s15+s31] =	stream.linear.scatter [tilespmem:s14], [sflag:$0x3], $0x1F40, $0x38;
	[tilespmem:$0x7D00] =	vst v63  }
.LBB2_5:
0x19: {  	s15 =	sadd.s32 $0x3E800, s11  }
0x1a: {  	p1 =	sgt.s32 s15, $0x4E1FF  }
0x1b: {  	s15 =	smov.u32 @p1 s5;
	p1 =	sne.s32 s12, s9  }
.Ltmp1:
0x1c: {  	p0 =	slt.u32 s12, $0x2;
	(pc) =	sbr.rel @!p1 .LBB2_6-.Ltmp1, $4  }
0x1d: {  	s14 =	simm.s32 @!p0 $0x3  }
0x1e: {  	_ =	swait.ge @!p0 [sflag:s14], $0x1F40  }
0x1f: {  	s16 =	sadd.s32 $0x1, s12;
	s13 =	smov.u32 s11;
	[sflag:s14] =	ssyncset.done @!p0 $0x0  }
0x20: {  	s12 =	smov.u32 s16;
	s11 =	smov.u32 s15;
	[sflag:s14] =	ssyncadd.s32 @!p0 $0xFFFFE0C0  }
.LBB2_1:
0x21: {  	p0 =	sge.u32 s12, s7  }
0x22: {  	s14 =	sxor.u32 @!p0 $0x1, s12  }
0x23: {  	s14 =	smul.u32 @!p0 $0x7D00, s14  }
0x24: {  	s31 =	sadd.s32 $0xFFFFFFFF, s12;
	s15 =	sshrl.u32 @!p0 s11, $0x3  }
0x25: {  	s16 =	sand.u32 @!p0 $0x7, s11;
	s15 =	sadd.s32 @!p0 s3, s15;
	s14 =	sshra.s32 @!p0 s14, $0x2  }
0x26: {  	[tilespmem:s14], [sflag:$0x2] =	stream.linear.gather @!p0 [hbm4b:s15+s16], $0x1F40, $0x38;
	[tilespmem:$0x7D00] =	vst v63  }
0x27: {  	p0 =	sge.u32 s31, s7  }
.Ltmp2:
0x28: {  	_ = 	snop;
	(pc) =	sbr.rel @p0 .LBB2_5-.Ltmp2, $1  }
0x29: {  	_ =	sdelay $0x3  }
0x2a: {  	s14 =	sand.u32 $0x1, s12  }
0x2b: {  	_ =	swait.ge [sflag:s6], $0x1F40;
	p0 =	seq.s32 s14, $0x1;
	s14 =	simm.s32 $0x1F40  }
0x2c: {  	[sflag:s6] =	ssyncset.done $0x0;
	s14 =	simm.s32 @!p0 $0x0  }
0x2d: {  	[sflag:s6] =	ssyncadd.s32 $0xFFFFE0C0;
	(ifvalue) =	ssetifvalue $0x7FFFFFFF;
	v0 =	vld.msk [tilespmem:s14+$0x0 ss:$0x1], $0xffff;
	_ =	sdelay $0x4  }
0x2e: {  	s15 =	sadd.s32 $0x10, s14;
	vm1 =	vgt.s32 v0, $0x0  }
0x2f: {  	v2 =	vld.msk [tilespmem:s15+$0x0 ss:$0x1], $0xffff;
	v1 =	vnsel vm1, $0x0, v0  }
0x30: {  	v1 =	vmin.u32 v1, $0x4E1FF;
	_ =	sdelay $0x2  }
0x31: {  	s17 =	simm.s32 $0x20;
	s14 =	sadd.s32 $0x3E80, s14;
	s16 =	sadd.s32 $0x10, s15  }
0x32: {  	s15 =	sadd.s32 $0x10, s14;
	s18 =	smov.u32 s14;
	v0 =	vld.msk [tilespmem:s16+$0x0 ss:$0x1], $0xffff;
	vm1 =	vgt.s32 v2, $0x0;
	(ifvalue) =	ssetifvalue $0x7FFFFFFF  }
.LBB2_3:
0x33: {  	[tilespmem:s18], [sflag:$0x1] =	stream.indirect_vreg.gather [hbm4b:s2+s10], $0x1, v1, vm0, $0x4038;
	[tilespmem:$0x7D00] =	vst v63  }
0x34: {  	s17 =	sadd.s32 $0x10, s17  }
0x35: {  	v2 =	vnsel vm1, $0x0, v2;
	p0 =	slt.u32 s17, $0x1F30  }
.Ltmp3:
0x36: {  	s18 =	smov.u32 s15;
	v1 =	vmin.u32 v2, $0x4E1FF;
	(pc) =	sbr.rel @p0 .LBB2_3-.Ltmp3, $3  }
0x37: {  	_ =	sdelay $0x1  }
0x38: {  	s16 =	sadd.s32 $0x10, s16  }
0x39: {  	vm1 =	vgt.s32 v0, $0x0;
	s15 =	sadd.s32 $0x10, s15;
	v2 =	vmov v0;
	(ifvalue) =	ssetifvalue $0x7FFFFFFF;
	v0 =	vld.msk [tilespmem:s16+$0x0 ss:$0x1], $0xffff  }
.Ltmp4:
0x3a: {  	_ = 	snop;
	(pc) =	sbr.rel .LBB2_4-.Ltmp4, $1  }
0x3b: {  	_ =	sdelay $0x3  }
.LBB2_6:
0x3c: {  	_ =	sfence.sel $0x180000  }
0x3d: {  	s2 =	simm.s32 $0x2;
	[bflag:$0x0] =	sbarrier.arrive $0xFFFF  }
0x3e: {  	s30 =	simm.s32 $0x3;
	[sflag:s2] =	ssyncpa.u1 $0x1  }
0x3f: {  	s31 =	simm.s32 $0x1;
	[sflag:s30] =	ssyncpa.u1 $0x1  }
0x40: {  	[sflag:s31] =	ssyncpa.u1 $0x1  }
0x41: {  	p0 =	sne.s32 s1, $0x0;
	_ =	strace $0x9000004A  }
0x42: {  	s0 =	sadd.s32 @!p0 $0x100000, s0;
	[bflag:$0x2] =	sbarrier.arrive $0xFFFF  }
0x43: {  	[sflag:s0] =	ssyncadd.tile.s32 @!p0 $0x1;
	_ =	shalt  }
.Lfunc_end2:
_tile_overlayer_lowered:
.L_overlay_start_2:
0x44: {  	(tag) =	ssettag $0x2  }
0x45: {  	s0 =	rddreg [dreg:$0x0];
	s2 =	stileid.u32  }
0x46: {  	s1 =	rddreg [dreg:$0x1];
	p0 =	sne.s32 s2, $0x0  }
0x47: {  	s3 =	rddreg [dreg:$0x2];
	[bflag:$0x3] =	sbarrier.arrive $0xFFFF;
	s2 =	simm.s32 @!p0 $0x1C01  }
0x48: {  	[timem:s3], [sflag:s2] =	dma.local @!p0 [hbm:s0], s1  }
0x49: {  	s0 =	simm.s32 @!p0 $0x1  }
0x4a: {  	_ =	swait.ge @!p0 [sflag:s0], s1  }
0x4b: {  	s1 =	ssub.s32 @!p0 $0x0, s1;
	[sflag:s0] =	ssyncset.done @!p0 $0x0  }
0x4c: {  	[sflag:s0] =	ssyncadd.s32 @!p0 s1  }
0x4d: {  	[bflag:$0x3] =	sbarrier.arrive $0xFFFF  }
0x4e: {  	_ =	shalt  }

// kernel: kernel.11.cloned.1.call-start
scs
__scs_entry_jumppad:
0x0: {  	(pc) =	sbr.rel $0x88, $3  }
0x1: {  	(tag) =	ssettag $0x0;
	lr =	simm.s32 $0x1  }
0x2: {  	[smem:$0x3F91] =	sst lr;
	_ =	strace $0xD0000000  }
0x3: {  	_ = 	snop  }
0x4: {  	_ = 	snop  }
0x5: {  	_ = 	snop  }
0x6: {  	_ = 	snop  }
0x7: {  	_ = 	snop  }
__scs_overlays_trampoline_lowered:
0x8: {  	[smem:$0x3FA0] =	sst s0  }
0x9: {  	[smem:$0x3FA1] =	sst s1  }
0xa: {  	[smem:$0x3FA2] =	sst s2  }
0xb: {  	[smem:$0x3FA3] =	sst s3  }
0xc: {  	[smem:$0x3FA4] =	sst s4  }
0xd: {  	[smem:$0x3FA5] =	sst s5  }
0xe: {  	[smem:$0x3FA6] =	sst s6  }
0xf: {  	[smem:$0x3FA7] =	sst s7  }
0x10: {  	[smem:$0x3FA8] =	sst s8  }
0x11: {  	[smem:$0x3FA9] =	sst s9;
	s0 =	simm.s32 @!p0 $0x0  }
0x12: {  	s1 =	sld [smem:$0x3F8F];
	s0 =	simm.s32 @p0 $0x1  }
0x13: {  	[smem:$0x3FAA] =	sst s0;
	s0 =	simm.s32 @!p1 $0x0  }
0x14: {  	s2 =	sld [smem:$0x3F8E];
	s0 =	simm.s32 @p1 $0x1  }
0x15: {  	[smem:$0x3FAB] =	sst s0;
	s0 =	simm.s32 @!p2 $0x0  }
0x16: {  	s3 =	sld [smem:$0x3FDB];
	s0 =	simm.s32 @p2 $0x1  }
0x17: {  	s4 =	simm.s32 $0x1BF5;
	[smem:$0x3FAD] =	sst s0  }
0x18: {  	s0 =	sld [smem:$0x3F90];
	_ =	swait.ge [sflag:s4], $0x0  }
0x19: {  	s7 =	sld [smem:$0x3F91]  }
0x1a: {  	s8 =	sadd.s32 $0xFFFFE003, lr  }
0x1b: {  	s9 =	sadd.s32 $0xFFFFFEF7, lr;
	s5 =	simm.s32 $0xFFFFFFFF;
	p2 =	slt.u32 s8, $0xFFFFF086  }
0x1c: {  	p1 =	slt.u32 s9, $0xF7A;
	s5 =	simm.s32 @!p2 $0x0  }
0x1d: {  	s5 =	simm.s32 @p1 $0x1;
	p0 =	seq.s32 s7, s2  }
0x1e: {  	s7 =	smul.u32 @!p0 $0xF7A, s2;
	p2 =	seq.s32 @!p0 s5, $0x0  }
0x1f: {  	s9 =	smul.u32 $0xF7A, s1;
	s8 =	simm.s32 @!p0 $0x1BF5;
	p2 =	por !p2, p0  }
0x20: {  	[sflag:s8] =	ssyncset.s32 @!p0 $0xFFFFF086;
	s6 =	sadd.s32 @!p0 s3, s7;
	s7 =	simm.s32 @!p0 $0x108  }
0x21: {  	s3 =	sadd.s32 s3, s9;
	s6 =	sadd.s32 @!p0 $0x88, s6;
	s7 =	simm.s32 @p2 $0x1082  }
0x22: {  	[simem:s7], [sflag:s8] =	dma.local @!p0 [hbm:s6], $0xF7A  }
0x23: {  	s9 =	sor.u32 $0xD0000000, s2;
	s6 =	simm.s32 $0x108;
	_ =	swait.ge @!p0 [sflag:s8], $0x0  }
0x24: {  	s3 =	sadd.s32 $0x88, s3;
	s6 =	simm.s32 @!p1 $0x1082;
	[sflag:s4] =	ssyncset.s32 $0xFFFFF086  }
0x25: {  	[simem:s6], [sflag:s4] =	dma.local [hbm:s3], $0xF7A  }
0x26: {  	[smem:$0x3F91] =	sst s1;
	(tag) =	ssettag s2;
	_ =	strace s9  }
0x27: {  	s1 =	sld [smem:$0x3FA1]  }
0x28: {  	s2 =	sld [smem:$0x3FA2]  }
0x29: {  	s4 =	sld [smem:$0x3FA4]  }
0x2a: {  	p0 =	seq.s32 s5, $0x0;
	s5 =	sld [smem:$0x3FA5]  }
0x2b: {  	s6 =	sld [smem:$0x3FA6]  }
0x2c: {  	s7 =	sld [smem:$0x3FA7]  }
0x2d: {  	s3 =	simm.s32 $0x108;
	s8 =	sld [smem:$0x3FA8]  }
0x2e: {  	s3 =	simm.s32 @!p0 $0x1082;
	s9 =	sld [smem:$0x3FA9]  }
0x2f: {  	lr =	sadd.s32 s0, s3;
	s0 =	sld [smem:$0x3FA0]  }
0x30: {  	s3 =	sld [smem:$0x3FA3]  }
0x31: {  	[smem:$0x3FAC] =	sst s10  }
0x32: {  	s10 =	sld [smem:$0x3FAA];
	_ =	sdelay $0x3  }
0x33: {  	p0 =	seq.s32 s10, $0x1;
	s10 =	sld [smem:$0x3FAC];
	_ =	sdelay $0x3  }
0x34: {  	[smem:$0x3FAC] =	sst s10  }
0x35: {  	s10 =	sld [smem:$0x3FAB];
	_ =	sdelay $0x3  }
0x36: {  	p1 =	seq.s32 s10, $0x1;
	s10 =	sld [smem:$0x3FAC];
	_ =	sdelay $0x3  }
0x37: {  	[smem:$0x3FAC] =	sst s10  }
0x38: {  	s10 =	sld [smem:$0x3FAD]  }
0x39: {  	_ = 	snop;
	(pc) =	sbr.ind lr, $3  }
0x3a: {  	_ = 	snop  }
0x3b: {  	_ = 	snop  }
0x3c: {  	p2 =	seq.s32 s10, $0x1;
	s10 =	sld [smem:$0x3FAC]  }
0x3d: {  	_ =	shalt  }
0x3e: {  	_ =	shalt  }
0x3f: {  	_ =	shalt  }
0x40: {  	_ =	shalt  }
0x41: {  	_ =	shalt  }
0x42: {  	_ =	shalt  }
0x43: {  	_ =	shalt  }
0x44: {  	_ =	shalt  }
0x45: {  	_ =	shalt  }
0x46: {  	_ =	shalt  }
0x47: {  	_ =	shalt  }
0x48: {  	_ =	shalt  }
0x49: {  	_ =	shalt  }
0x4a: {  	_ =	shalt  }
0x4b: {  	_ =	shalt  }
0x4c: {  	_ =	shalt  }
0x4d: {  	_ =	shalt  }
0x4e: {  	_ =	shalt  }
0x4f: {  	_ =	shalt  }
0x50: {  	_ =	shalt  }
0x51: {  	_ =	shalt  }
0x52: {  	_ =	shalt  }
0x53: {  	_ =	shalt  }
0x54: {  	_ =	shalt  }
0x55: {  	_ =	shalt  }
0x56: {  	_ =	shalt  }
0x57: {  	_ =	shalt  }
0x58: {  	_ =	shalt  }
0x59: {  	_ =	shalt  }
0x5a: {  	_ =	shalt  }
0x5b: {  	_ =	shalt  }
0x5c: {  	_ =	shalt  }
0x5d: {  	_ =	shalt  }
0x5e: {  	_ =	shalt  }
0x5f: {  	_ =	shalt  }
0x60: {  	_ =	shalt  }
0x61: {  	_ =	shalt  }
0x62: {  	_ =	shalt  }
0x63: {  	_ =	shalt  }
0x64: {  	_ =	shalt  }
0x65: {  	_ =	shalt  }
0x66: {  	_ =	shalt  }
0x67: {  	_ =	shalt  }
0x68: {  	_ =	shalt  }
0x69: {  	_ =	shalt  }
0x6a: {  	_ =	shalt  }
0x6b: {  	_ =	shalt  }
0x6c: {  	_ =	shalt  }
0x6d: {  	_ =	shalt  }
0x6e: {  	_ =	shalt  }
0x6f: {  	_ =	shalt  }
0x70: {  	_ =	shalt  }
0x71: {  	_ =	shalt  }
0x72: {  	_ =	shalt  }
0x73: {  	_ =	shalt  }
0x74: {  	_ =	shalt  }
0x75: {  	_ =	shalt  }
0x76: {  	_ =	shalt  }
0x77: {  	_ =	shalt  }
0x78: {  	_ =	shalt  }
0x79: {  	_ =	shalt  }
0x7a: {  	_ =	shalt  }
0x7b: {  	_ =	shalt  }
0x7c: {  	_ =	shalt  }
0x7d: {  	_ =	shalt  }
0x7e: {  	_ =	shalt  }
0x7f: {  	_ =	shalt  }
0x80: {  	_ =	shalt  }
0x81: {  	_ =	shalt  }
0x82: {  	_ =	shalt  }
0x83: {  	_ =	shalt  }
0x84: {  	_ =	shalt  }
0x85: {  	_ =	shalt  }
0x86: {  	_ =	shalt  }
0x87: {  	_ =	shalt  }
.Lfunc_end0:
.L_simem_size_0:
called_computation.3_lowered:
.L_overlay_start_0:
0x88: {  	s2 =	sld [smem:$0x3FD9]  }
0x89: {  	s3 =	sld [smem:$0x3FFE];
	_ =	sdelay $0x1  }
0x8a: {  	s1 =	srdreg.scid  }
0x8b: {  	s0 =	sand.u32 $0x1, s1  }
0x8c: {  	s16 =	sshll.u32 s0, $0xA;
	s2 =	sadd.s32 s3, s2  }
0x8d: {  	s2 =	sadd.s32 s2, s16  }
0x8e: {  	[smem:$0x3FB8] =	sst s2  }
0x8f: {  	_ = 	snop  }
0x90: {  	(tm) =	ssettm $0x1  }
0x91: {  	s17 =	sld [smem:$0x3FFB];
	_ =	sdelay $0x3  }
0x92: {  	_ =	strace s17  }
0x93: {  	s2 =	sld [smem:$0x3FFC];
	_ =	sdelay $0x3  }
0x94: {  	_ =	strace s2  }
0x95: {  	s2 =	sld [smem:$0x3FFD];
	_ =	sdelay $0x3  }
0x96: {  	_ =	strace s2  }
0x97: {  	_ =	strace $0x8FFFFFFF  }
0x98: {  	s18 =	sld [smem:$0x3FDB];
	_ =	sdelay $0x1  }
0x99: {  	s19 =	simm.s32 $_scs_section_size  }
0x9a: {  	s4 =	simm.s32 $_size__tile_overlayer_lowered;
	s5 =	simm.s32 $_tile_overlayer_lowered  }
0x9b: {  	s22 =	simm.s32 $0x1BFF;
	s21 =	sshll.u32 s5, $0x1;
	s2 =	sadd.s32 s19, s18  }
0x9c: {  	s6 =	simm.s32 $0x0;
	s20 =	sshll.u32 s4, $0x1;
	s4 =	sadd.s32 s21, s2  }
0x9d: {  	[timem:s6], [sflag:s22] =	dma.local [hbm:s4], s20  }
0x9e: {  	_ =	swait.ge [sflag:s22], s20  }
0x9f: {  	s3 =	ssub.s32 $0x0, s20;
	[sflag:s22] =	ssyncset.done $0x0  }
0xa0: {  	[sflag:s22] =	ssyncadd.s32 s3;
	_ =	sdelay $0x1  }
0xa1: {  	s23 =	simm.s32 $0x1B8B  }
0xa2: {  	_ =	swait.ge [sflag:s23], $0x1  }
0xa3: {  	[sflag:s23] =	ssyncset.done $0x0  }
0xa4: {  	s25 =	simm.s32 $0x1B8E;
	s24 =	sld [smem:$0x3FFE];
	[sflag:s23] =	ssyncadd.s32 $0xFFFFFFFF  }
0xa5: {  	s26 =	simm.s32 $execute0_lowered;
	[smem:$0x3FD2] =	sst s25  }
0xa6: {  	s4 =	sshll.u32 s26, $0x1;
	_ =	strace $0x8000004F;
	[dreg:$0x1] =	wrdreg $0xFFFFFFFF  }
0xa7: {  	s28 =	simm.s32 $_size_execute0_lowered;
	s2 =	sadd.s32 s2, s4;
	[dreg:$0x0] =	wrdreg $0x0  }
0xa8: {  	s4 =	sshll.u32 s28, $0x1;
	[dreg:$0x2] =	wrdreg s2  }
0xa9: {  	[dreg:$0x3] =	wrdreg s4  }
0xaa: {  	[dreg:$0x4] =	wrdreg $0xC0  }
0xab: {  	_ =	task [dreg:s6], $0x5FFFF  }
0xac: {  	[dreg:$0x1] =	wrdreg $0xFFFFFFFF  }
0xad: {  	[dreg:$0x0] =	wrdreg $0x60  }
0xae: {  	[dreg:$0x2] =	wrdreg s24  }
0xaf: {  	[dreg:$0x3] =	wrdreg $0x9  }
0xb0: {  	_ =	task.clear_ibuf [dreg:s6], $0x4FFFF;
	_ =	strace $0x9000004F  }
0xb1: {  	s29 =	simm.s32 $0x9;
	_ =	strace $0x80000051  }
0xb2: {  	_ =	swait.ge [sflag:s29], $0x1  }
0xb3: {  	[sflag:s29] =	ssyncadd.s32 $0xFFFFFFFF  }
0xb4: {  	_ =	strace $0x90000051  }
0xb5: {  	_ =	sfence  }
0xb6: {  	s30 =	sld [smem:$0x0];
	_ =	sdelay $0x2  }
0xb7: {  	s31 =	sshll.u32 s1, $0xD;
	s1 =	sshrl.u32 s1, $0x2  }
0xb8: {  	s3 =	sand.u32 $0x4000, s31;
	s1 =	sadd.s32 s1, s30  }
0xb9: {  	s0 =	sor.u32 s3, s0;
	s1 =	sshll.u32 s1, $0x11  }
0xba: {  	s0 =	sor.u32 s1, s0  }
0xbb: {  	s0 =	sadd.s32 $0x8F2B, s0  }
0xbc: {  	[sflag:s0] =	ssyncadd.remote.s32 $0x1  }
0xbd: {  	_ =	sfence.sel $0xFFFF  }
0xbe: {  	[dreg:$0x0] =	wrdreg $0xFFFFFFFF;
	(pc) =	sbr.abs _section_cstart, $3  }
0xbf: {  	[dreg:$0x1] =	wrdreg $0xFFFFFFFF  }
0xc0: {  	_ =	task.clear_ibuf [dreg:s6], $0x2FFFF;
	_ =	strace $0x9FFFFFFF  }
0xc1: {  	(tm) =	ssettm $0x7FFFFFFF  }
tec
execute0_lowered:
.L_overlay_start_1:
0x0: {  	(tag) =	ssettag $0x1  }
0x1: {  	s0 =	rddreg [dreg:$0x0];
	s1 =	simm.s32 $0x0;
	s22 =	srdreg.scid  }
0x2: {  	s7 =	stileid.u32;
	s16 =	simm.s32 $0x3;
	s17 =	simm.s32 $0x1  }
0x3: {  	s11 =	simm.s32 $0x2000;
	s20 =	simm.s32 $0xA000;
	s28 =	simm.s32 $0x7000  }
0x4: {  	s29 =	simm.s32 $0x7800;
	[smem:$0x7FF] =	sst s1;
	s3 =	sadd.s32 $0x166A00, s0  }
0x5: {  	s21 =	sadd.s32 $0x3E00, s0;
	_ =	strace $0x80000050;
	[dreg:$0x2] =	wrdreg s3  }
0x6: {  	s31 =	simm.s32 $0x0;
	s5 =	sadd.s32 $0x4000, s0;
	[dreg:$0x3] =	wrdreg s21  }
0x7: {  	s2 =	sadd.s32 $0x26A00, s0;
	s23 =	sadd.s32 $0x26600, s0;
	[dreg:$0x4] =	wrdreg s5  }
0x8: {  	s4 =	sadd.s32 $0xCDA400, s0;
	s8 =	sadd.s32 $0x73A400, s0;
	[dreg:$0x5] =	wrdreg s23  }
0x9: {  	s6 =	sadd.s32 $0x258000, s0;
	s0 =	sadd.s32 $0x7DA400, s0;
	[dreg:$0x6] =	wrdreg s8  }
0xa: {  	s7 =	sshll.u32 s7, $0x1;
	s3 =	sand.u32 $0x1, s22;
	[dreg:$0x7] =	wrdreg s0  }
0xb: {  	s21 =	simm.s32 $0x4000;
	s22 =	simm.s32 $0x4800;
	s23 =	simm.s32 $0x5000  }
.Ltmp0:
0xc: {  	s24 =	ssub.s32 $0x2, s3;
	s3 =	sor.u32 s3, s7;
	(pc) =	sbr.rel .LBB2_1-.Ltmp0, $4  }
0xd: {  	s25 =	sshrl.u32 s24, $0x1;
	s30 =	smul.u32 $0x5, s3;
	s3 =	sshll.u32 s3, $0x6  }
0xe: {  	v2 =	vlaneseq.u32;
	s26 =	ssub.s32 s24, s25;
	[dreg:$0x9] =	wrdreg s3;
	s24 =	simm.s32 $0x5800  }
0xf: {  	vm0 =	vmmov $0xffff;
	v3 =	vimm.f32 $0.0e+00;
	v1 =	vshrl.u32 v2, $0x3;
	s25 =	simm.s32 $0x6000;
	[dreg:$0x8] =	wrdreg s30;
	s0 =	smax.u32 s26, $0x1  }
0x10: {  	v0 =	vand.u32 $0x7, v2;
	v2 =	vor.u32 $0x8, v2;
	v1 =	vmul.u32 $0x8, v1;
	s3 =	simm.s32 $0x0;
	s26 =	simm.s32 $0x6800;
	[dreg:$0xa] =	wrdreg s0  }
.LBB2_18:
0x11: {  	s3 =	rddreg [dreg:$0xb]  }
0x12: {  	s0 =	rddreg [dreg:$0xa];
	s3 =	sadd.s32 $0x1, s3  }
0x13: {  	p0 =	sne.s32 s3, s0  }
.Ltmp1:
0x14: {  	_ = 	snop;
	(pc) =	sbr.rel @!p0 .LBB2_19-.Ltmp1, $1  }
0x15: {  	_ =	sdelay $0x3  }
.LBB2_1:
.Ltmp2:
0x16: {  	(pc) =	sbr.rel .LBB2_2-.Ltmp2, $3  }
0x17: {  	_ =	sdelay $0x1  }
0x18: {  	[dreg:$0xb] =	wrdreg s3;
	s0 =	simm.s32 $0x0  }
0x19: {  	s7 =	simm.s32 $0x0;
	[dreg:$0xc] =	wrdreg s0  }
.LBB2_17:
0x1a: {  	s0 =	rddreg [dreg:$0x6]  }
0x1b: {  	s3 =	rddreg [dreg:$0xf]  }
0x1c: {  	s0 =	sadd.s32 s0, s3  }
0x1d: {  	[hbm4b:s0+s1] =	stream.linear.scatter [tilespmem:s1], [sflag:$0x3], $0x2000, $0x38;
	[tilespmem:$0x10180] =	vst v63  }
0x1e: {  	_ =	swait.ge [sflag:s16], $0x2000  }
0x1f: {  	[sflag:s16] =	ssyncset.done $0x0;
	s19 =	rddreg [dreg:$0x7]  }
0x20: {  	[sflag:s16] =	ssyncadd.s32 $0xFFFFE000;
	s0 =	sadd.s32 s19, s3  }
0x21: {  	[hbm4b:s0+s1] =	stream.linear.scatter [tilespmem:s11], [sflag:$0x3], $0x2000, $0x38;
	[tilespmem:$0x10180] =	vst v63  }
0x22: {  	_ =	swait.ge [sflag:s16], $0x2000  }
0x23: {  	s7 =	rddreg [dreg:$0xd]  }
0x24: {  	s7 =	sadd.s32 $0x1, s7  }
0x25: {  	p0 =	sne.s32 s7, $0x14  }
.Ltmp3:
0x26: {  	_ = 	snop;
	(pc) =	sbr.rel @!p0 .LBB2_18-.Ltmp3, $4  }
0x27: {  	_ = 	snop  }
0x28: {  	s30 =	rddreg [dreg:$0xc]  }
0x29: {  	[sflag:s16] =	ssyncset.done $0x0;
	s0 =	sadd.s32 $0x1, s30  }
0x2a: {  	[sflag:s16] =	ssyncadd.s32 $0xFFFFE000;
	[dreg:$0xc] =	wrdreg s0  }
.LBB2_2:
0x2b: {  	s0 =	sshrl.u32 s7, $0x2;
	s3 =	rddreg [dreg:$0x8]  }
0x2c: {  	s3 =	sadd.s32 s3, s0  }
0x2d: {  	s3 =	sshll.u32 s3, $0x1  }
0x2e: {  	s5 =	rddreg [dreg:$0x3];
	s3 =	sand.u32 $0x1FFFFFFE, s3  }
0x2f: {  	s15 =	simm.s32 $0xC080;
	s3 =	sadd.s32 s5, s3  }
0x30: {  	[tilespmem:s15], [sflag:$0x3] =	stream.linear.gather [hbm4b:s3+s1], $0x10, $0x38;
	[tilespmem:$0x10180] =	vst v63  }
0x31: {  	_ =	swait.ge [sflag:s16], $0x10  }
0x32: {  	[sflag:s16] =	ssyncset.done $0x0  }
0x33: {  	[sflag:s16] =	ssyncadd.s32 $0xFFFFFFF0  }
0x34: {  	v4 =	vld [tilespmem:$0xC080];
	_ =	sdelay $0x4  }
0x35: {  	(v2sf) =	vpush v4, $0x0  }
0x36: {  	(v2sf) =	vpush v4, $0x1;
	_ =	sdelay $0xa  }
0x37: {  	s5 =	sand.u32 $0x3, s7  }
0x38: {  	s13 =	smul.u32 $0x140000, s5;
	s10 =	rddreg [dreg:$0x4]  }
0x39: {  	[tilespmem:s1], [sflag:$0x3] =	stream.linear.gather [hbm4b:s10+s1], $0x2000, $0x38;
	[tilespmem:$0x10180] =	vst v63  }
0x3a: {  	s0 =	sshll.u32 s0, $0xB;
	[dreg:$0xd] =	wrdreg s7;
	s18 =	spop (v2sf)  }
0x3b: {  	s9 =	rddreg [dreg:$0x9];
	s19 =	spop (v2sf);
	s8 =	sshra.s32 s18, $0x1F  }
0x3c: {  	s30 =	sand.u32 $0x3F, s18;
	p0 =	slt.s32 s18, $0x1;
	s8 =	sshrl.u32 s8, $0x1A  }
0x3d: {  	p1 =	sne.s32 s30, $0x0;
	_ =	swait.ge [sflag:s16], $0x2000;
	s3 =	sadd.s32 s8, s18  }
0x3e: {  	p0 =	por !p0, !p1;
	[sflag:s16] =	ssyncset.done $0x0;
	s8 =	simm.s32 $0x1  }
0x3f: {  	s12 =	rddreg [dreg:$0x5];
	p0 =	por !p0, !p0;
	[sflag:s16] =	ssyncadd.s32 $0xFFFFE000  }
0x40: {  	[tilespmem:s11], [sflag:$0x3] =	stream.linear.gather [hbm4b:s12+s1], $0x2000, $0x38;
	[tilespmem:$0x10180] =	vst v63  }
0x41: {  	s0 =	sor.u32 s9, s0;
	s3 =	sshra.s32 s3, $0x6;
	s8 =	simm.s32 @!p0 $0x0  }
0x42: {  	s14 =	sshll.u32 s0, $0x7;
	s18 =	simm.s32 $0x8000;
	s3 =	ssub.s32 s3, s8  }
0x43: {  	s8 =	sadd.s32 s13, s14;
	[dreg:$0xe] =	wrdreg s3;
	s3 =	sshll.u32 s3, $0x6  }
0x44: {  	s9 =	sshrl.u32 s8, $0x3;
	_ =	swait.ge [sflag:s16], $0x2000;
	s7 =	ssub.s32 s19, s3  }
0x45: {  	[sflag:s16] =	ssyncset.done $0x0;
	s7 =	sadd.s32 $0x3F, s7;
	s15 =	rddreg [dreg:$0x2]  }
0x46: {  	[sflag:s16] =	ssyncadd.s32 $0xFFFFE000;
	s8 =	sadd.s32 s15, s9;
	s19 =	sand.u32 $0x3F, s7  }
0x47: {  	[tilespmem:s18], [sflag:$0x3] =	stream.linear.gather [hbm4b:s8+s1], $0x2000, $0x38;
	[tilespmem:$0x10180] =	vst v63  }
0x48: {  	s30 =	sshra.s32 s7, $0x1F;
	p6 =	slt.s32 s7, $0x1;
	p5 =	sne.s32 s19, $0x0  }
0x49: {  	s8 =	sshrl.u32 s30, $0x1A;
	p0 =	por !p6, !p5  }
0x4a: {  	s7 =	sadd.s32 s8, s7;
	s8 =	simm.s32 $0x1;
	p0 =	por !p0, !p0  }
0x4b: {  	s7 =	sshra.s32 s7, $0x6;
	s8 =	simm.s32 @!p0 $0x0  }
0x4c: {  	s13 =	ssub.s32 s7, s8  }
0x4d: {  	p0 =	slt.s32 s13, $0x1  }
.Ltmp4:
0x4e: {  	_ = 	snop;
	(pc) =	sbr.rel @p0 .LBB2_4-.Ltmp4, $4  }
0x4f: {  	[dreg:$0xf] =	wrdreg s9  }
0x50: {  	_ =	swait.ge [sflag:s16], $0x2000  }
0x51: {  	[sflag:s16] =	ssyncset.done $0x0  }
0x52: {  	[sflag:s16] =	ssyncadd.s32 $0xFFFFE000;
	s8 =	smul.u32 $0x4E240, s5  }
0x53: {  	_ = 	snop  }
0x54: {  	s5 =	sadd.s32 s8, s3  }
0x55: {  	s5 =	sshrl.u32 s5, $0x3  }
0x56: {  	s5 =	sadd.s32 s4, s5  }
0x57: {  	[tilespmem:s20], [sflag:$0x3] =	stream.linear.gather [hbm4b:s5+s1], $0x40, $0x38;
	[tilespmem:$0x10180] =	vst v63  }
0x58: {  	_ =	swait.ge [sflag:s16], $0x40  }
0x59: {  	[sflag:s16] =	ssyncset.done $0x0  }
0x5a: {  	[sflag:s16] =	ssyncadd.s32 $0xFFFFFFC0  }
0x5b: {  	v4 =	vld [tilespmem:$0xA000];
	_ =	sdelay $0x4  }
0x5c: {  	v5 =	vshll.u32 v4, $0x1  }
0x5d: {  	v4 =	vand.u32 $0x7, v4;
	v5 =	vand.u32 $0xFFFFFFF0, v5  }
0x5e: {  	v4 =	vor.u32 v4, v5  }
0x5f: {  	v5 =	vperm.xlane v4, v0;
	_ =	sdelay $0x1  }
0x60: {  	v4 =	vperm.xlane v4, v2;
	v5 =	vadd.s32 v1, v5;
	_ =	sdelay $0x1  }
0x61: {  	v4 =	vadd.s32 v1, v4;
	_ =	sdelay $0x2  }
0x62: {  	[tilespmem:s21], [sflag:$0x1] =	stream.indirect_vreg.gather [hbm4b:s2+s1], $0x80, v5, vm0, $0xb8;
	[tilespmem:$0x10180] =	vst v63  }
0x63: {  	_ = 	snop  }
0x64: {  	[tilespmem:s22], [sflag:$0x1] =	stream.indirect_vreg.gather [hbm4b:s2+s1], $0x80, v4, vm0, $0xb8;
	[tilespmem:$0x10180] =	vst v63  }
0x65: {  	v4 =	vld [tilespmem:$0xA010];
	_ =	sdelay $0x4  }
0x66: {  	v5 =	vshll.u32 v4, $0x1  }
0x67: {  	v4 =	vand.u32 $0x7, v4;
	v5 =	vand.u32 $0xFFFFFFF0, v5  }
0x68: {  	v4 =	vor.u32 v4, v5  }
0x69: {  	v5 =	vperm.xlane v4, v0;
	_ =	sdelay $0x1  }
0x6a: {  	v4 =	vperm.xlane v4, v2;
	v5 =	vadd.s32 v1, v5;
	_ =	sdelay $0x1  }
0x6b: {  	v4 =	vadd.s32 v1, v4;
	_ =	sdelay $0x2  }
0x6c: {  	[tilespmem:s23], [sflag:$0x1] =	stream.indirect_vreg.gather [hbm4b:s2+s1], $0x80, v5, vm0, $0xb8;
	[tilespmem:$0x10180] =	vst v63  }
0x6d: {  	_ = 	snop  }
0x6e: {  	[tilespmem:s24], [sflag:$0x1] =	stream.indirect_vreg.gather [hbm4b:s2+s1], $0x80, v4, vm0, $0xb8;
	[tilespmem:$0x10180] =	vst v63  }
0x6f: {  	v4 =	vld [tilespmem:$0xA020];
	_ =	sdelay $0x4  }
0x70: {  	v5 =	vshll.u32 v4, $0x1  }
0x71: {  	v4 =	vand.u32 $0x7, v4;
	v5 =	vand.u32 $0xFFFFFFF0, v5  }
0x72: {  	v4 =	vor.u32 v4, v5  }
0x73: {  	v5 =	vperm.xlane v4, v0;
	_ =	sdelay $0x1  }
0x74: {  	v4 =	vperm.xlane v4, v2;
	v5 =	vadd.s32 v1, v5;
	_ =	sdelay $0x1  }
0x75: {  	v4 =	vadd.s32 v1, v4;
	_ =	sdelay $0x2  }
0x76: {  	[tilespmem:s25], [sflag:$0x1] =	stream.indirect_vreg.gather [hbm4b:s2+s1], $0x80, v5, vm0, $0xb8;
	[tilespmem:$0x10180] =	vst v63  }
0x77: {  	_ = 	snop  }
0x78: {  	[tilespmem:s26], [sflag:$0x1] =	stream.indirect_vreg.gather [hbm4b:s2+s1], $0x80, v4, vm0, $0xb8;
	[tilespmem:$0x10180] =	vst v63  }
0x79: {  	v4 =	vld [tilespmem:$0xA030];
	_ =	sdelay $0x4  }
0x7a: {  	v5 =	vshll.u32 v4, $0x1  }
0x7b: {  	v4 =	vand.u32 $0x7, v4;
	v5 =	vand.u32 $0xFFFFFFF0, v5  }
0x7c: {  	v4 =	vor.u32 v4, v5  }
0x7d: {  	v5 =	vperm.xlane v4, v0;
	_ =	sdelay $0x1  }
0x7e: {  	v4 =	vperm.xlane v4, v2;
	v5 =	vadd.s32 v1, v5;
	_ =	sdelay $0x1  }
0x7f: {  	v4 =	vadd.s32 v1, v4;
	_ =	sdelay $0x2  }
0x80: {  	[tilespmem:s28], [sflag:$0x1] =	stream.indirect_vreg.gather [hbm4b:s2+s1], $0x80, v5, vm0, $0xb8;
	[tilespmem:$0x10180] =	vst v63  }
0x81: {  	_ = 	snop  }
0x82: {  	[tilespmem:s29], [sflag:$0x1] =	stream.indirect_vreg.gather [hbm4b:s2+s1], $0x80, v4, vm0, $0xb8;
	[tilespmem:$0x10180] =	vst v63  }
.LBB2_4:
0x83: {  	s5 =	sand.u32 $0x1, s13  }
0x84: {  	p1 =	seq.s32 s5, $0x1  }
0x85: {  	s30 =	sshrl.u32 s13, $0x1F;
	p0 =	por !p0, !p1  }
0x86: {  	s7 =	simm.s32 $0x1;
	s5 =	sadd.s32 s30, s13;
	p0 =	por !p0, !p0  }
0x87: {  	s5 =	sshra.s32 s5, $0x1;
	s7 =	simm.s32 @!p0 $0x0  }
0x88: {  	s12 =	ssub.s32 s5, s7  }
0x89: {  	p0 =	slt.s32 s12, $0x1  }
.Ltmp5:
0x8a: {  	_ = 	snop;
	(pc) =	sbr.rel @p0 .LBB2_13-.Ltmp5, $2  }
0x8b: {  	_ =	sdelay $0x2  }
0x8c: {  	v4 =	vmov s0  }
0x8d: {  	s0 =	rddreg [dreg:$0xc]  }
0x8e: {  	s0 =	sand.u32 $0x3, s0  }
0x8f: {  	s5 =	sadd.s32 $0x40, s3;
	s19 =	rddreg [dreg:$0xe];
	s0 =	smul.u32 $0x4E240, s0  }
0x90: {  	s14 =	simm.s32 $0x0;
	[dreg:$0x10] =	wrdreg s5  }
0x91: {  	s5 =	simm.s32 $0xFFFFFFFE;
	s0 =	sadd.s32 s3, s0;
	s3 =	sshll.u32 s19, $0xD  }
0x92: {  	[dreg:$0x11] =	wrdreg s3;
	s30 =	sadd.s32 $0x80, s0;
	s0 =	simm.s32 $0x3  }
.LBB2_6:
0x93: {  	s3 =	sshll.u32 s14, $0x7;
	s7 =	rddreg [dreg:$0x10]  }
0x94: {  	s15 =	sadd.s32 s3, s7  }
0x95: {  	s3 =	sadd.s32 s8, s15  }
0x96: {  	s3 =	sshrl.u32 s3, $0x3  }
0x97: {  	s19 =	simm.s32 $0x10100;
	s3 =	sadd.s32 s4, s3  }
0x98: {  	[tilespmem:s19], [sflag:$0x3] =	stream.linear.gather [hbm4b:s3+s31], $0x40, $0x38;
	[tilespmem:$0x10180] =	vst v63  }
0x99: {  	_ =	swait.ge [sflag:s16], $0x40  }
0x9a: {  	[sflag:s16] =	ssyncset.done $0x0  }
0x9b: {  	[sflag:s16] =	ssyncadd.s32 $0xFFFFFFC0  }
0x9c: {  	v5 =	vld [tilespmem:$0x10100];
	_ =	sdelay $0x4  }
0x9d: {  	v6 =	vshll.u32 v5, $0x1  }
0x9e: {  	v5 =	vand.u32 $0x7, v5;
	v6 =	vand.u32 $0xFFFFFFF0, v6  }
0x9f: {  	v5 =	vor.u32 v5, v6  }
0xa0: {  	v6 =	vperm.xlane v5, v0;
	_ =	sdelay $0x1  }
0xa1: {  	v5 =	vperm.xlane v5, v2;
	v6 =	vadd.s32 v1, v6;
	_ =	sdelay $0x1  }
0xa2: {  	v5 =	vadd.s32 v1, v5;
	_ =	sdelay $0x1  }
0xa3: {  	s10 =	smov.u32 s8;
	s8 =	simm.s32 $0xC100  }
0xa4: {  	[tilespmem:s8], [sflag:$0x2] =	stream.indirect_vreg.gather [hbm4b:s2+s31], $0x80, v6, vm0, $0xb8;
	[tilespmem:$0x10180] =	vst v63  }
0xa5: {  	s9 =	simm.s32 $0xC900  }
0xa6: {  	[tilespmem:s9], [sflag:$0x2] =	stream.indirect_vreg.gather [hbm4b:s2+s31], $0x80, v5, vm0, $0xb8;
	[tilespmem:$0x10180] =	vst v63  }
0xa7: {  	v5 =	vld [tilespmem:$0x10110];
	_ =	sdelay $0x4  }
0xa8: {  	v6 =	vshll.u32 v5, $0x1  }
0xa9: {  	v5 =	vand.u32 $0x7, v5;
	v6 =	vand.u32 $0xFFFFFFF0, v6  }
0xaa: {  	v5 =	vor.u32 v5, v6  }
0xab: {  	v6 =	vperm.xlane v5, v0;
	_ =	sdelay $0x1  }
0xac: {  	v5 =	vperm.xlane v5, v2;
	v6 =	vadd.s32 v1, v6;
	_ =	sdelay $0x1  }
0xad: {  	v5 =	vadd.s32 v1, v5;
	_ =	sdelay $0x1  }
0xae: {  	s11 =	simm.s32 $0xD100  }
0xaf: {  	[tilespmem:s11], [sflag:$0x2] =	stream.indirect_vreg.gather [hbm4b:s2+s31], $0x80, v6, vm0, $0xb8;
	[tilespmem:$0x10180] =	vst v63  }
0xb0: {  	s18 =	simm.s32 $0xD900  }
0xb1: {  	[tilespmem:s18], [sflag:$0x2] =	stream.indirect_vreg.gather [hbm4b:s2+s31], $0x80, v5, vm0, $0xb8;
	[tilespmem:$0x10180] =	vst v63  }
0xb2: {  	v5 =	vld [tilespmem:$0x10120];
	_ =	sdelay $0x4  }
0xb3: {  	v6 =	vshll.u32 v5, $0x1  }
0xb4: {  	v5 =	vand.u32 $0x7, v5;
	v6 =	vand.u32 $0xFFFFFFF0, v6  }
0xb5: {  	v5 =	vor.u32 v5, v6  }
0xb6: {  	v6 =	vperm.xlane v5, v0;
	_ =	sdelay $0x1  }
0xb7: {  	v5 =	vperm.xlane v5, v2;
	v6 =	vadd.s32 v1, v6;
	_ =	sdelay $0x1  }
0xb8: {  	v5 =	vadd.s32 v1, v5;
	_ =	sdelay $0x1  }
0xb9: {  	s19 =	simm.s32 $0xE100  }
0xba: {  	[tilespmem:s19], [sflag:$0x2] =	stream.indirect_vreg.gather [hbm4b:s2+s31], $0x80, v6, vm0, $0xb8;
	[tilespmem:$0x10180] =	vst v63  }
0xbb: {  	s7 =	simm.s32 $0xE900  }
0xbc: {  	[tilespmem:s7], [sflag:$0x2] =	stream.indirect_vreg.gather [hbm4b:s2+s31], $0x80, v5, vm0, $0xb8;
	[tilespmem:$0x10180] =	vst v63  }
0xbd: {  	v5 =	vld [tilespmem:$0x10130];
	_ =	sdelay $0x4  }
0xbe: {  	v6 =	vshll.u32 v5, $0x1  }
0xbf: {  	v5 =	vand.u32 $0x7, v5;
	v6 =	vand.u32 $0xFFFFFFF0, v6  }
0xc0: {  	v5 =	vor.u32 v5, v6  }
0xc1: {  	v6 =	vperm.xlane v5, v0;
	_ =	sdelay $0x1  }
0xc2: {  	v5 =	vperm.xlane v5, v2;
	v6 =	vadd.s32 v1, v6;
	_ =	sdelay $0x1  }
0xc3: {  	v5 =	vadd.s32 v1, v5;
	_ =	sdelay $0x1  }
0xc4: {  	s8 =	simm.s32 $0xF100  }
0xc5: {  	[tilespmem:s8], [sflag:$0x2] =	stream.indirect_vreg.gather [hbm4b:s2+s31], $0x80, v6, vm0, $0xb8;
	[tilespmem:$0x10180] =	vst v63  }
0xc6: {  	s9 =	simm.s32 $0xF900  }
0xc7: {  	[tilespmem:s9], [sflag:$0x2] =	stream.indirect_vreg.gather [hbm4b:s2+s31], $0x80, v5, vm0, $0xb8;
	[tilespmem:$0x10180] =	vst v63  }
0xc8: {  	_ =	swait.ge [sflag:s17], $0x4000  }
0xc9: {  	s11 =	sshll.u32 s14, $0xE;
	s18 =	rddreg [dreg:$0x11]  }
0xca: {  	s3 =	sadd.s32 s18, s11  }
0xcb: {  	[sflag:s17] =	ssyncset.done $0x0;
	s3 =	sshrl.u32 s3, $0x3  }
0xcc: {  	[sflag:s17] =	ssyncadd.s32 $0xFFFFC000;
	s19 =	sadd.s32 s6, s3;
	s3 =	simm.s32 $0xA080  }
0xcd: {  	[tilespmem:s3], [sflag:$0x3] =	stream.linear.gather [hbm4b:s19+s31], $0x2000, $0x38;
	[tilespmem:$0x10180] =	vst v63  }
0xce: {  	_ =	swait.ge [sflag:s16], $0x2000  }
0xcf: {  	[sflag:s16] =	ssyncset.done $0x0  }
0xd0: {  	[sflag:s16] =	ssyncadd.s32 $0xFFFFE000  }
0xd1: {  	v5 =	vld [tilespmem:s3+$0x0];
	_ =	sdelay $0x4  }
0xd2: {  	v5 =	vsub.s32 v5, v4  }
0xd3: {  	vm1 =	vlt.u32 v5, $0x40  }
0xd4: {  	v5 =	vnsel vm1, $0x0, v5  }
0xd5: {  	(v2sf) =	vpush v5, $0x0;
	_ =	sdelay $0xd  }
0xd6: {  	s8 =	sand.u32 $0x3800, s31;
	s9 =	sand.u32 $0x380, s31  }
0xd7: {  	s7 =	sor.u32 s9, s8;
	s11 =	spop (v2sf)  }
0xd8: {  	v5 =	vld [tilespmem:s7+$0x4400];
	s8 =	sshll.u32 s11, $0x7  }
0xd9: {  	v6 =	vld [tilespmem:s8+$0x8000];
	_ =	sdelay $0x4  }
0xda: {  	v5 =	vadd.f32 v5, v6;
	_ =	sdelay $0x1  }
0xdb: {  	v6 =	vmul.f32 $2.000000030e-01, v5  }
0xdc: {  	vm2 =	vgt.f32 v5, $0.0e+00  }
0xdd: {  	v5 =	vsel vm2, v5, v6  }
0xde: {  	v5 =	vmul.f32 $1.442695020e+00, v5;
	_ =	sdelay $0x1  }
0xdf: {  	(erf) = vpow2.f32 v5;
	_ =	sdelay $0x8  }
0xe0: {  	v5 =	vsel vm1, $0x3F800000, v3;
	v6 =	vpop (erf)  }
0xe1: {  	v5 =	vmul.f32 v6, v5;
	_ =	sdelay $0x1  }
0xe2: {  	[tilespmem:s8+$0x2000] =	vst.add.f32.msk $0xffff, v5  }
0xe3: {  	v6 =	vld [tilespmem:s7+$0x4000];
	_ =	sdelay $0x2  }
0xe4: {  	v5 =	vbroadcast v5, $0x0;
	_ =	sdelay $0x1  }
0xe5: {  	v6 =	vmul.f32 v6, v5;
	_ =	sdelay $0x1  }
0xe6: {  	[tilespmem:s8+$0x0] =	vst.add.f32.msk $0xffff, v6  }
0xe7: {  	v6 =	vld [tilespmem:s7+$0x4010];
	_ =	sdelay $0x4  }
0xe8: {  	v6 =	vmul.f32 v6, v5  }
0xe9: {  	s11 =	sor.u32 $0x10, s8  }
0xea: {  	[tilespmem:s11+$0x0] =	vst.add.f32.msk $0xffff, v6  }
0xeb: {  	v6 =	vld [tilespmem:s7+$0x4020];
	_ =	sdelay $0x4  }
0xec: {  	v6 =	vmul.f32 v6, v5  }
0xed: {  	s18 =	sor.u32 $0x20, s8  }
0xee: {  	[tilespmem:s18+$0x0] =	vst.add.f32.msk $0xffff, v6  }
0xef: {  	v6 =	vld [tilespmem:s7+$0x4030];
	_ =	sdelay $0x4  }
0xf0: {  	v6 =	vmul.f32 v6, v5  }
0xf1: {  	s19 =	sor.u32 $0x30, s8  }
0xf2: {  	[tilespmem:s19+$0x0] =	vst.add.f32.msk $0xffff, v6  }
0xf3: {  	v6 =	vld [tilespmem:s7+$0x4040];
	_ =	sdelay $0x4  }
0xf4: {  	v6 =	vmul.f32 v6, v5  }
0xf5: {  	s9 =	sor.u32 $0x40, s8  }
0xf6: {  	[tilespmem:s9+$0x0] =	vst.add.f32.msk $0xffff, v6  }
0xf7: {  	v6 =	vld [tilespmem:s7+$0x4050];
	_ =	sdelay $0x4  }
0xf8: {  	v6 =	vmul.f32 v6, v5  }
0xf9: {  	s18 =	sor.u32 $0x50, s8  }
0xfa: {  	[tilespmem:s18+$0x0] =	vst.add.f32.msk $0xffff, v6  }
0xfb: {  	v6 =	vld [tilespmem:s7+$0x4060];
	_ =	sdelay $0x4  }
0xfc: {  	v6 =	vmul.f32 v6, v5  }
0xfd: {  	s19 =	sor.u32 $0x60, s8  }
0xfe: {  	[tilespmem:s19+$0x0] =	vst.add.f32.msk $0xffff, v6  }
0xff: {  	v6 =	vld [tilespmem:s7+$0x4070];
	_ =	sdelay $0x2  }
0x100: {  	p0 =	slt.s32 s0, s13;
	s7 =	smov.u32 s13  }
0x101: {  	s11 =	simm.s32 $0x0;
	s7 =	smov.u32 @p0 s0  }
0x102: {  	s8 =	sor.u32 $0x70, s8;
	s19 =	sadd.s32 s5, s7;
	s7 =	simm.s32 $0x100;
	v5 =	vmul.f32 v6, v5  }
.LBB2_7:
0x103: {  	p0 =	sne.s32 s7, $0x3F00;
	s11 =	sadd.s32 $0x80, s11;
	s3 =	sadd.s32 $0x80, s3  }
0x104: {  	[tilespmem:s8+$0x0] =	vst.add.f32.msk $0xffff, v5;
	s8 =	smov.u32 s7;
	s7 =	sadd.s32 $0x100, s7  }
0x105: {  	v5 =	vld [tilespmem:s3+$0x0];
	_ =	sdelay $0x4  }
0x106: {  	v5 =	vsub.s32 v5, v4  }
0x107: {  	vm1 =	vlt.u32 v5, $0x40  }
0x108: {  	v5 =	vnsel vm1, $0x0, v5  }
0x109: {  	(v2sf) =	vpush v5, $0x0;
	_ =	sdelay $0xd  }
0x10a: {  	s18 =	sand.u32 $0x380, s11;
	s8 =	sand.u32 $0x3800, s8  }
0x10b: {  	s18 =	sor.u32 s18, s8;
	s8 =	spop (v2sf)  }
0x10c: {  	s8 =	sshll.u32 s8, $0x7;
	v5 =	vld [tilespmem:s18+$0x4400]  }
0x10d: {  	v6 =	vld [tilespmem:s8+$0x8000];
	_ =	sdelay $0x4  }
0x10e: {  	v5 =	vadd.f32 v5, v6;
	_ =	sdelay $0x1  }
0x10f: {  	vm2 =	vgt.f32 v5, $0.0e+00;
	v6 =	vmul.f32 $2.000000030e-01, v5;
	_ =	sdelay $0x1  }
0x110: {  	v5 =	vsel vm2, v5, v6  }
0x111: {  	v5 =	vmul.f32 $1.442695020e+00, v5;
	_ =	sdelay $0x1  }
0x112: {  	(erf) = vpow2.f32 v5;
	_ =	sdelay $0x7  }
0x113: {  	v5 =	vsel vm1, $0x3F800000, v3  }
0x114: {  	v6 =	vpop (erf)  }
0x115: {  	v5 =	vmul.f32 v6, v5;
	_ =	sdelay $0x1  }
0x116: {  	[tilespmem:s8+$0x2000] =	vst.add.f32.msk $0xffff, v5  }
0x117: {  	v6 =	vld [tilespmem:s18+$0x4000];
	_ =	sdelay $0x1  }
0x118: {  	v5 =	vbroadcast v5, $0x0;
	_ =	sdelay $0x2  }
0x119: {  	v6 =	vmul.f32 v6, v5;
	_ =	sdelay $0x1  }
0x11a: {  	[tilespmem:s8+$0x0] =	vst.add.f32.msk $0xffff, v6  }
0x11b: {  	v6 =	vld [tilespmem:s18+$0x4010];
	_ =	sdelay $0x4  }
0x11c: {  	s9 =	sor.u32 $0x10, s8;
	v6 =	vmul.f32 v6, v5;
	_ =	sdelay $0x1  }
0x11d: {  	[tilespmem:s9+$0x0] =	vst.add.f32.msk $0xffff, v6  }
0x11e: {  	v6 =	vld [tilespmem:s18+$0x4020];
	_ =	sdelay $0x4  }
0x11f: {  	s9 =	sor.u32 $0x20, s8;
	v6 =	vmul.f32 v6, v5;
	_ =	sdelay $0x1  }
0x120: {  	[tilespmem:s9+$0x0] =	vst.add.f32.msk $0xffff, v6  }
0x121: {  	v6 =	vld [tilespmem:s18+$0x4030];
	_ =	sdelay $0x4  }
0x122: {  	s9 =	sor.u32 $0x30, s8;
	v6 =	vmul.f32 v6, v5;
	_ =	sdelay $0x1  }
0x123: {  	[tilespmem:s9+$0x0] =	vst.add.f32.msk $0xffff, v6  }
0x124: {  	v6 =	vld [tilespmem:s18+$0x4040];
	_ =	sdelay $0x4  }
0x125: {  	s9 =	sor.u32 $0x40, s8;
	v6 =	vmul.f32 v6, v5;
	_ =	sdelay $0x1  }
0x126: {  	[tilespmem:s9+$0x0] =	vst.add.f32.msk $0xffff, v6  }
0x127: {  	v6 =	vld [tilespmem:s18+$0x4050];
	_ =	sdelay $0x4  }
0x128: {  	s9 =	sor.u32 $0x50, s8;
	v6 =	vmul.f32 v6, v5;
	_ =	sdelay $0x1  }
0x129: {  	[tilespmem:s9+$0x0] =	vst.add.f32.msk $0xffff, v6  }
0x12a: {  	v6 =	vld [tilespmem:s18+$0x4060];
	_ =	sdelay $0x4  }
0x12b: {  	s9 =	sor.u32 $0x60, s8;
	v6 =	vmul.f32 v6, v5;
	_ =	sdelay $0x1  }
0x12c: {  	[tilespmem:s9+$0x0] =	vst.add.f32.msk $0xffff, v6  }
0x12d: {  	v6 =	vld [tilespmem:s18+$0x4070]  }
.Ltmp6:
0x12e: {  	(pc) =	sbr.rel @p0 .LBB2_7-.Ltmp6, $2  }
0x12f: {  	_ =	sdelay $0x2  }
0x130: {  	s8 =	sor.u32 $0x70, s8;
	v5 =	vmul.f32 v6, v5  }
0x131: {  	s3 =	sshll.u32 s14, $0x1  }
0x132: {  	s3 =	sadd.s32 $0x2, s3  }
0x133: {  	p0 =	sle.s32 s13, s3  }
.Ltmp7:
0x134: {  	_ = 	snop;
	(pc) =	sbr.rel @p0 .LBB2_10-.Ltmp7, $2  }
0x135: {  	_ =	sdelay $0x2  }
0x136: {  	[tilespmem:s8+$0x0] =	vst.add.f32.msk $0xffff, v5;
	s3 =	smov.u32 s30  }
.LBB2_9:
0x137: {  	s7 =	sshrl.u32 s3, $0x3  }
0x138: {  	s7 =	sadd.s32 s4, s7  }
0x139: {  	[tilespmem:s20], [sflag:$0x3] =	stream.linear.gather [hbm4b:s7+s1], $0x40, $0x38;
	[tilespmem:$0x10180] =	vst v63  }
0x13a: {  	_ =	swait.ge [sflag:s16], $0x40  }
0x13b: {  	[sflag:s16] =	ssyncset.done $0x0  }
0x13c: {  	[sflag:s16] =	ssyncadd.s32 $0xFFFFFFC0  }
0x13d: {  	v5 =	vld [tilespmem:$0xA000];
	_ =	sdelay $0x4  }
0x13e: {  	v6 =	vshll.u32 v5, $0x1  }
0x13f: {  	v5 =	vand.u32 $0x7, v5;
	v6 =	vand.u32 $0xFFFFFFF0, v6  }
0x140: {  	v5 =	vor.u32 v5, v6  }
0x141: {  	v6 =	vperm.xlane v5, v0;
	_ =	sdelay $0x1  }
0x142: {  	v5 =	vperm.xlane v5, v2;
	v6 =	vadd.s32 v1, v6;
	_ =	sdelay $0x1  }
0x143: {  	v5 =	vadd.s32 v1, v5;
	_ =	sdelay $0x2  }
0x144: {  	[tilespmem:s21], [sflag:$0x1] =	stream.indirect_vreg.gather [hbm4b:s2+s1], $0x80, v6, vm0, $0xb8;
	[tilespmem:$0x10180] =	vst v63  }
0x145: {  	_ = 	snop  }
0x146: {  	[tilespmem:s22], [sflag:$0x1] =	stream.indirect_vreg.gather [hbm4b:s2+s1], $0x80, v5, vm0, $0xb8;
	[tilespmem:$0x10180] =	vst v63  }
0x147: {  	v5 =	vld [tilespmem:$0xA010];
	_ =	sdelay $0x4  }
0x148: {  	v6 =	vshll.u32 v5, $0x1  }
0x149: {  	v5 =	vand.u32 $0x7, v5;
	v6 =	vand.u32 $0xFFFFFFF0, v6  }
0x14a: {  	v5 =	vor.u32 v5, v6  }
0x14b: {  	v6 =	vperm.xlane v5, v0;
	_ =	sdelay $0x1  }
0x14c: {  	v5 =	vperm.xlane v5, v2;
	v6 =	vadd.s32 v1, v6;
	_ =	sdelay $0x1  }
0x14d: {  	v5 =	vadd.s32 v1, v5;
	_ =	sdelay $0x2  }
0x14e: {  	[tilespmem:s23], [sflag:$0x1] =	stream.indirect_vreg.gather [hbm4b:s2+s1], $0x80, v6, vm0, $0xb8;
	[tilespmem:$0x10180] =	vst v63  }
0x14f: {  	_ = 	snop  }
0x150: {  	[tilespmem:s24], [sflag:$0x1] =	stream.indirect_vreg.gather [hbm4b:s2+s1], $0x80, v5, vm0, $0xb8;
	[tilespmem:$0x10180] =	vst v63  }
0x151: {  	v5 =	vld [tilespmem:$0xA020];
	_ =	sdelay $0x4  }
0x152: {  	v6 =	vshll.u32 v5, $0x1  }
0x153: {  	v5 =	vand.u32 $0x7, v5;
	v6 =	vand.u32 $0xFFFFFFF0, v6  }
0x154: {  	v5 =	vor.u32 v5, v6  }
0x155: {  	v6 =	vperm.xlane v5, v0;
	_ =	sdelay $0x1  }
0x156: {  	v5 =	vperm.xlane v5, v2;
	v6 =	vadd.s32 v1, v6;
	_ =	sdelay $0x1  }
0x157: {  	v5 =	vadd.s32 v1, v5;
	_ =	sdelay $0x2  }
0x158: {  	[tilespmem:s25], [sflag:$0x1] =	stream.indirect_vreg.gather [hbm4b:s2+s1], $0x80, v6, vm0, $0xb8;
	[tilespmem:$0x10180] =	vst v63  }
0x159: {  	_ = 	snop  }
0x15a: {  	[tilespmem:s26], [sflag:$0x1] =	stream.indirect_vreg.gather [hbm4b:s2+s1], $0x80, v5, vm0, $0xb8;
	[tilespmem:$0x10180] =	vst v63  }
0x15b: {  	v5 =	vld [tilespmem:$0xA030];
	_ =	sdelay $0x4  }
0x15c: {  	v6 =	vshll.u32 v5, $0x1  }
0x15d: {  	v5 =	vand.u32 $0x7, v5;
	v6 =	vand.u32 $0xFFFFFFF0, v6  }
0x15e: {  	v5 =	vor.u32 v5, v6  }
0x15f: {  	v6 =	vperm.xlane v5, v0;
	_ =	sdelay $0x1  }
0x160: {  	v5 =	vperm.xlane v5, v2;
	v6 =	vadd.s32 v1, v6;
	_ =	sdelay $0x1  }
0x161: {  	p0 =	sne.s32 s19, $0x1;
	v5 =	vadd.s32 v1, v5  }
.Ltmp8:
0x162: {  	_ = 	snop;
	(pc) =	sbr.rel @p0 .LBB2_9-.Ltmp8, $4  }
0x163: {  	_ = 	snop  }
0x164: {  	[tilespmem:s28], [sflag:$0x1] =	stream.indirect_vreg.gather [hbm4b:s2+s1], $0x80, v6, vm0, $0xb8;
	[tilespmem:$0x10180] =	vst v63  }
0x165: {  	s3 =	sadd.s32 $0x40, s3;
	s19 =	sadd.s32 $0xFFFFFFFF, s19  }
0x166: {  	[tilespmem:s29], [sflag:$0x1] =	stream.indirect_vreg.gather [hbm4b:s2+s1], $0x80, v5, vm0, $0xb8;
	[tilespmem:$0x10180] =	vst v63  }
.LBB2_10:
0x167: {  	s3 =	simm.s32 $0x2  }
0x168: {  	_ =	swait.ge [sflag:s3], $0x4000  }
0x169: {  	s8 =	sshll.u32 s15, $0x4;
	s15 =	simm.s32 $0xA080;
	[sflag:s3] =	ssyncset.done $0x0  }
0x16a: {  	s7 =	sadd.s32 s6, s8;
	[sflag:s3] =	ssyncadd.s32 $0xFFFFC000;
	s3 =	simm.s32 $0x0  }
0x16b: {  	[tilespmem:s15], [sflag:$0x3] =	stream.linear.gather [hbm4b:s7+s3], $0x2000, $0x38;
	[tilespmem:$0x10180] =	vst v63  }
0x16c: {  	_ =	swait.ge [sflag:s16], $0x2000  }
0x16d: {  	[sflag:s16] =	ssyncset.done $0x0  }
0x16e: {  	[sflag:s16] =	ssyncadd.s32 $0xFFFFE000  }
0x16f: {  	v5 =	vld [tilespmem:s15+$0x0];
	_ =	sdelay $0x4  }
0x170: {  	v5 =	vsub.s32 v5, v4  }
0x171: {  	vm1 =	vlt.u32 v5, $0x40  }
0x172: {  	v5 =	vnsel vm1, $0x0, v5  }
0x173: {  	(v2sf) =	vpush v5, $0x0;
	_ =	sdelay $0xd  }
0x174: {  	s9 =	sand.u32 $0x3800, s3;
	s8 =	sand.u32 $0x380, s3  }
0x175: {  	s7 =	sor.u32 s8, s9;
	s11 =	spop (v2sf)  }
0x176: {  	v5 =	vld [tilespmem:s7+$0xC500];
	s8 =	sshll.u32 s11, $0x7  }
0x177: {  	v6 =	vld [tilespmem:s8+$0x8000];
	_ =	sdelay $0x4  }
0x178: {  	v5 =	vadd.f32 v5, v6;
	_ =	sdelay $0x1  }
0x179: {  	v6 =	vmul.f32 $2.000000030e-01, v5  }
0x17a: {  	vm2 =	vgt.f32 v5, $0.0e+00  }
0x17b: {  	v5 =	vsel vm2, v5, v6  }
0x17c: {  	v5 =	vmul.f32 $1.442695020e+00, v5;
	_ =	sdelay $0x1  }
0x17d: {  	(erf) = vpow2.f32 v5;
	_ =	sdelay $0x8  }
0x17e: {  	v5 =	vsel vm1, $0x3F800000, v3;
	v6 =	vpop (erf)  }
0x17f: {  	v5 =	vmul.f32 v6, v5;
	_ =	sdelay $0x1  }
0x180: {  	[tilespmem:s8+$0x2000] =	vst.add.f32.msk $0xffff, v5  }
0x181: {  	v6 =	vld [tilespmem:s7+$0xC100];
	_ =	sdelay $0x2  }
0x182: {  	v5 =	vbroadcast v5, $0x0;
	_ =	sdelay $0x1  }
0x183: {  	v6 =	vmul.f32 v6, v5;
	_ =	sdelay $0x1  }
0x184: {  	[tilespmem:s8+$0x0] =	vst.add.f32.msk $0xffff, v6  }
0x185: {  	v6 =	vld [tilespmem:s7+$0xC110];
	_ =	sdelay $0x4  }
0x186: {  	v6 =	vmul.f32 v6, v5  }
0x187: {  	s9 =	sor.u32 $0x10, s8  }
0x188: {  	[tilespmem:s9+$0x0] =	vst.add.f32.msk $0xffff, v6  }
0x189: {  	v6 =	vld [tilespmem:s7+$0xC120];
	_ =	sdelay $0x4  }
0x18a: {  	v6 =	vmul.f32 v6, v5  }
0x18b: {  	s18 =	sor.u32 $0x20, s8  }
0x18c: {  	[tilespmem:s18+$0x0] =	vst.add.f32.msk $0xffff, v6  }
0x18d: {  	v6 =	vld [tilespmem:s7+$0xC130];
	_ =	sdelay $0x4  }
0x18e: {  	v6 =	vmul.f32 v6, v5  }
0x18f: {  	s19 =	sor.u32 $0x30, s8  }
0x190: {  	[tilespmem:s19+$0x0] =	vst.add.f32.msk $0xffff, v6  }
0x191: {  	v6 =	vld [tilespmem:s7+$0xC140];
	_ =	sdelay $0x4  }
0x192: {  	v6 =	vmul.f32 v6, v5  }
0x193: {  	s11 =	sor.u32 $0x40, s8  }
0x194: {  	[tilespmem:s11+$0x0] =	vst.add.f32.msk $0xffff, v6  }
0x195: {  	v6 =	vld [tilespmem:s7+$0xC150];
	_ =	sdelay $0x4  }
0x196: {  	v6 =	vmul.f32 v6, v5  }
0x197: {  	s18 =	sor.u32 $0x50, s8  }
0x198: {  	[tilespmem:s18+$0x0] =	vst.add.f32.msk $0xffff, v6  }
0x199: {  	v6 =	vld [tilespmem:s7+$0xC160];
	_ =	sdelay $0x4  }
0x19a: {  	v6 =	vmul.f32 v6, v5  }
0x19b: {  	s19 =	sor.u32 $0x60, s8  }
0x19c: {  	[tilespmem:s19+$0x0] =	vst.add.f32.msk $0xffff, v6  }
0x19d: {  	v6 =	vld [tilespmem:s7+$0xC170];
	_ =	sdelay $0x4  }
0x19e: {  	s8 =	sor.u32 $0x70, s8;
	s7 =	simm.s32 $0x100;
	v5 =	vmul.f32 v6, v5  }
.LBB2_11:
0x19f: {  	p0 =	sne.s32 s7, $0x3F00;
	s3 =	sadd.s32 $0x80, s3;
	s15 =	sadd.s32 $0x80, s15  }
0x1a0: {  	[tilespmem:s8+$0x0] =	vst.add.f32.msk $0xffff, v5;
	s8 =	smov.u32 s7;
	s7 =	sadd.s32 $0x100, s7  }
0x1a1: {  	v5 =	vld [tilespmem:s15+$0x0];
	_ =	sdelay $0x4  }
0x1a2: {  	v5 =	vsub.s32 v5, v4  }
0x1a3: {  	vm1 =	vlt.u32 v5, $0x40  }
0x1a4: {  	v5 =	vnsel vm1, $0x0, v5  }
0x1a5: {  	(v2sf) =	vpush v5, $0x0;
	_ =	sdelay $0xd  }
0x1a6: {  	s9 =	sand.u32 $0x380, s3;
	s8 =	sand.u32 $0x3800, s8  }
0x1a7: {  	s11 =	sor.u32 s9, s8;
	s8 =	spop (v2sf)  }
0x1a8: {  	s8 =	sshll.u32 s8, $0x7;
	v5 =	vld [tilespmem:s11+$0xC500]  }
0x1a9: {  	v6 =	vld [tilespmem:s8+$0x8000];
	_ =	sdelay $0x4  }
0x1aa: {  	v5 =	vadd.f32 v5, v6;
	_ =	sdelay $0x1  }
0x1ab: {  	vm2 =	vgt.f32 v5, $0.0e+00;
	v6 =	vmul.f32 $2.000000030e-01, v5;
	_ =	sdelay $0x1  }
0x1ac: {  	v5 =	vsel vm2, v5, v6  }
0x1ad: {  	v5 =	vmul.f32 $1.442695020e+00, v5;
	_ =	sdelay $0x1  }
0x1ae: {  	(erf) = vpow2.f32 v5;
	_ =	sdelay $0x7  }
0x1af: {  	v5 =	vsel vm1, $0x3F800000, v3  }
0x1b0: {  	v6 =	vpop (erf)  }
0x1b1: {  	v5 =	vmul.f32 v6, v5;
	_ =	sdelay $0x1  }
0x1b2: {  	[tilespmem:s8+$0x2000] =	vst.add.f32.msk $0xffff, v5  }
0x1b3: {  	v6 =	vld [tilespmem:s11+$0xC100];
	_ =	sdelay $0x1  }
0x1b4: {  	v5 =	vbroadcast v5, $0x0;
	_ =	sdelay $0x2  }
0x1b5: {  	v6 =	vmul.f32 v6, v5;
	_ =	sdelay $0x1  }
0x1b6: {  	[tilespmem:s8+$0x0] =	vst.add.f32.msk $0xffff, v6  }
0x1b7: {  	v6 =	vld [tilespmem:s11+$0xC110];
	_ =	sdelay $0x4  }
0x1b8: {  	s9 =	sor.u32 $0x10, s8;
	v6 =	vmul.f32 v6, v5;
	_ =	sdelay $0x1  }
0x1b9: {  	[tilespmem:s9+$0x0] =	vst.add.f32.msk $0xffff, v6  }
0x1ba: {  	v6 =	vld [tilespmem:s11+$0xC120];
	_ =	sdelay $0x4  }
0x1bb: {  	s9 =	sor.u32 $0x20, s8;
	v6 =	vmul.f32 v6, v5;
	_ =	sdelay $0x1  }
0x1bc: {  	[tilespmem:s9+$0x0] =	vst.add.f32.msk $0xffff, v6  }
0x1bd: {  	v6 =	vld [tilespmem:s11+$0xC130];
	_ =	sdelay $0x4  }
0x1be: {  	s9 =	sor.u32 $0x30, s8;
	v6 =	vmul.f32 v6, v5;
	_ =	sdelay $0x1  }
0x1bf: {  	[tilespmem:s9+$0x0] =	vst.add.f32.msk $0xffff, v6  }
0x1c0: {  	v6 =	vld [tilespmem:s11+$0xC140];
	_ =	sdelay $0x4  }
0x1c1: {  	s9 =	sor.u32 $0x40, s8;
	v6 =	vmul.f32 v6, v5;
	_ =	sdelay $0x1  }
0x1c2: {  	[tilespmem:s9+$0x0] =	vst.add.f32.msk $0xffff, v6  }
0x1c3: {  	v6 =	vld [tilespmem:s11+$0xC150];
	_ =	sdelay $0x4  }
0x1c4: {  	s9 =	sor.u32 $0x50, s8;
	v6 =	vmul.f32 v6, v5;
	_ =	sdelay $0x1  }
0x1c5: {  	[tilespmem:s9+$0x0] =	vst.add.f32.msk $0xffff, v6  }
0x1c6: {  	v6 =	vld [tilespmem:s11+$0xC160];
	_ =	sdelay $0x4  }
0x1c7: {  	s9 =	sor.u32 $0x60, s8;
	v6 =	vmul.f32 v6, v5;
	_ =	sdelay $0x1  }
0x1c8: {  	[tilespmem:s9+$0x0] =	vst.add.f32.msk $0xffff, v6  }
0x1c9: {  	v6 =	vld [tilespmem:s11+$0xC170]  }
.Ltmp9:
0x1ca: {  	(pc) =	sbr.rel @p0 .LBB2_11-.Ltmp9, $2  }
0x1cb: {  	_ =	sdelay $0x2  }
0x1cc: {  	s8 =	sor.u32 $0x70, s8;
	v5 =	vmul.f32 v6, v5  }
0x1cd: {  	s14 =	sadd.s32 $0x1, s14  }
0x1ce: {  	p0 =	sne.s32 s14, s12  }
.Ltmp10:
0x1cf: {  	_ = 	snop;
	(pc) =	sbr.rel @p0 .LBB2_6-.Ltmp10, $3  }
0x1d0: {  	_ =	sdelay $0x1  }
0x1d1: {  	s0 =	sadd.s32 $0x2, s0  }
0x1d2: {  	s5 =	sadd.s32 $0xFFFFFFFE, s5;
	s30 =	sadd.s32 $0x80, s30;
	[tilespmem:s8+$0x0] =	vst.add.f32.msk $0xffff, v5;
	s8 =	smov.u32 s10  }
.LBB2_13:
0x1d3: {  	s0 =	sshll.u32 s12, $0x1  }
0x1d4: {  	p0 =	sge.s32 s0, s13  }
.Ltmp11:
0x1d5: {  	_ = 	snop;
	(pc) =	sbr.rel @p0 .LBB2_17-.Ltmp11, $2  }
0x1d6: {  	_ =	sdelay $0x2  }
0x1d7: {  	s11 =	simm.s32 $0x2000;
	s12 =	rddreg [dreg:$0xe]  }
.LBB2_14:
0x1d8: {  	s3 =	sadd.s32 s12, s0  }
0x1d9: {  	_ =	swait.ge [sflag:s17], $0x4000;
	s3 =	sshll.u32 s3, $0xA  }
0x1da: {  	s5 =	simm.s32 $0xA080;
	[sflag:s17] =	ssyncset.done $0x0;
	s3 =	sand.u32 $0x1FFFFC00, s3  }
0x1db: {  	[sflag:s17] =	ssyncadd.s32 $0xFFFFC000;
	s7 =	sadd.s32 s6, s3;
	s3 =	simm.s32 $0x0  }
0x1dc: {  	[tilespmem:s5], [sflag:$0x3] =	stream.linear.gather [hbm4b:s7+s3], $0x2000, $0x38;
	[tilespmem:$0x10180] =	vst v63  }
0x1dd: {  	_ =	swait.ge [sflag:s16], $0x2000  }
0x1de: {  	[sflag:s16] =	ssyncset.done $0x0  }
0x1df: {  	[sflag:s16] =	ssyncadd.s32 $0xFFFFE000  }
0x1e0: {  	v5 =	vld [tilespmem:s5+$0x0];
	_ =	sdelay $0x4  }
0x1e1: {  	v5 =	vsub.s32 v5, v4  }
0x1e2: {  	vm1 =	vlt.u32 v5, $0x40  }
0x1e3: {  	v5 =	vnsel vm1, $0x0, v5  }
0x1e4: {  	(v2sf) =	vpush v5, $0x0;
	_ =	sdelay $0xd  }
0x1e5: {  	s9 =	sand.u32 $0x3800, s3;
	s8 =	sand.u32 $0x380, s3  }
0x1e6: {  	s7 =	sor.u32 s8, s9;
	s10 =	spop (v2sf)  }
0x1e7: {  	v5 =	vld [tilespmem:s7+$0x4400];
	s8 =	sshll.u32 s10, $0x7  }
0x1e8: {  	v6 =	vld [tilespmem:s8+$0x8000];
	_ =	sdelay $0x4  }
0x1e9: {  	v5 =	vadd.f32 v5, v6;
	_ =	sdelay $0x1  }
0x1ea: {  	v6 =	vmul.f32 $2.000000030e-01, v5  }
0x1eb: {  	vm2 =	vgt.f32 v5, $0.0e+00  }
0x1ec: {  	v5 =	vsel vm2, v5, v6  }
0x1ed: {  	v5 =	vmul.f32 $1.442695020e+00, v5;
	_ =	sdelay $0x1  }
0x1ee: {  	(erf) = vpow2.f32 v5;
	_ =	sdelay $0x8  }
0x1ef: {  	v5 =	vsel vm1, $0x3F800000, v3;
	v6 =	vpop (erf)  }
0x1f0: {  	v5 =	vmul.f32 v6, v5;
	_ =	sdelay $0x1  }
0x1f1: {  	[tilespmem:s8+$0x2000] =	vst.add.f32.msk $0xffff, v5  }
0x1f2: {  	v6 =	vld [tilespmem:s7+$0x4000];
	_ =	sdelay $0x2  }
0x1f3: {  	v5 =	vbroadcast v5, $0x0;
	_ =	sdelay $0x1  }
0x1f4: {  	v6 =	vmul.f32 v6, v5;
	_ =	sdelay $0x1  }
0x1f5: {  	[tilespmem:s8+$0x0] =	vst.add.f32.msk $0xffff, v6  }
0x1f6: {  	v6 =	vld [tilespmem:s7+$0x4010];
	_ =	sdelay $0x4  }
0x1f7: {  	v6 =	vmul.f32 v6, v5  }
0x1f8: {  	s9 =	sor.u32 $0x10, s8  }
0x1f9: {  	[tilespmem:s9+$0x0] =	vst.add.f32.msk $0xffff, v6  }
0x1fa: {  	v6 =	vld [tilespmem:s7+$0x4020];
	_ =	sdelay $0x4  }
0x1fb: {  	v6 =	vmul.f32 v6, v5  }
0x1fc: {  	s14 =	sor.u32 $0x20, s8  }
0x1fd: {  	[tilespmem:s14+$0x0] =	vst.add.f32.msk $0xffff, v6  }
0x1fe: {  	v6 =	vld [tilespmem:s7+$0x4030];
	_ =	sdelay $0x4  }
0x1ff: {  	v6 =	vmul.f32 v6, v5  }
0x200: {  	s15 =	sor.u32 $0x30, s8  }
0x201: {  	[tilespmem:s15+$0x0] =	vst.add.f32.msk $0xffff, v6  }
0x202: {  	v6 =	vld [tilespmem:s7+$0x4040];
	_ =	sdelay $0x4  }
0x203: {  	v6 =	vmul.f32 v6, v5  }
0x204: {  	s18 =	sor.u32 $0x40, s8  }
0x205: {  	[tilespmem:s18+$0x0] =	vst.add.f32.msk $0xffff, v6  }
0x206: {  	v6 =	vld [tilespmem:s7+$0x4050];
	_ =	sdelay $0x4  }
0x207: {  	v6 =	vmul.f32 v6, v5  }
0x208: {  	s19 =	sor.u32 $0x50, s8  }
0x209: {  	[tilespmem:s19+$0x0] =	vst.add.f32.msk $0xffff, v6  }
0x20a: {  	v6 =	vld [tilespmem:s7+$0x4060];
	_ =	sdelay $0x4  }
0x20b: {  	v6 =	vmul.f32 v6, v5  }
0x20c: {  	s30 =	sor.u32 $0x60, s8  }
0x20d: {  	[tilespmem:s30+$0x0] =	vst.add.f32.msk $0xffff, v6  }
0x20e: {  	v6 =	vld [tilespmem:s7+$0x4070];
	_ =	sdelay $0x4  }
0x20f: {  	s8 =	sor.u32 $0x70, s8;
	s7 =	simm.s32 $0x100;
	v5 =	vmul.f32 v6, v5  }
.LBB2_15:
0x210: {  	p0 =	sne.s32 s7, $0x3F00;
	s3 =	sadd.s32 $0x80, s3;
	s5 =	sadd.s32 $0x80, s5  }
0x211: {  	[tilespmem:s8+$0x0] =	vst.add.f32.msk $0xffff, v5;
	s8 =	smov.u32 s7;
	s7 =	sadd.s32 $0x100, s7  }
0x212: {  	v5 =	vld [tilespmem:s5+$0x0];
	_ =	sdelay $0x4  }
0x213: {  	v5 =	vsub.s32 v5, v4  }
0x214: {  	vm1 =	vlt.u32 v5, $0x40  }
0x215: {  	v5 =	vnsel vm1, $0x0, v5  }
0x216: {  	(v2sf) =	vpush v5, $0x0;
	_ =	sdelay $0xd  }
0x217: {  	s9 =	sand.u32 $0x380, s3;
	s8 =	sand.u32 $0x3800, s8  }
0x218: {  	s9 =	sor.u32 s9, s8;
	s8 =	spop (v2sf)  }
0x219: {  	s8 =	sshll.u32 s8, $0x7;
	v5 =	vld [tilespmem:s9+$0x4400]  }
0x21a: {  	v6 =	vld [tilespmem:s8+$0x8000];
	_ =	sdelay $0x4  }
0x21b: {  	v5 =	vadd.f32 v5, v6;
	_ =	sdelay $0x1  }
0x21c: {  	vm2 =	vgt.f32 v5, $0.0e+00;
	v6 =	vmul.f32 $2.000000030e-01, v5;
	_ =	sdelay $0x1  }
0x21d: {  	v5 =	vsel vm2, v5, v6  }
0x21e: {  	v5 =	vmul.f32 $1.442695020e+00, v5;
	_ =	sdelay $0x1  }
0x21f: {  	(erf) = vpow2.f32 v5;
	_ =	sdelay $0x7  }
0x220: {  	v5 =	vsel vm1, $0x3F800000, v3  }
0x221: {  	v6 =	vpop (erf)  }
0x222: {  	v5 =	vmul.f32 v6, v5;
	_ =	sdelay $0x1  }
0x223: {  	[tilespmem:s8+$0x2000] =	vst.add.f32.msk $0xffff, v5  }
0x224: {  	v6 =	vld [tilespmem:s9+$0x4000];
	_ =	sdelay $0x1  }
0x225: {  	v5 =	vbroadcast v5, $0x0;
	_ =	sdelay $0x2  }
0x226: {  	v6 =	vmul.f32 v6, v5;
	_ =	sdelay $0x1  }
0x227: {  	[tilespmem:s8+$0x0] =	vst.add.f32.msk $0xffff, v6  }
0x228: {  	v6 =	vld [tilespmem:s9+$0x4010];
	_ =	sdelay $0x4  }
0x229: {  	s10 =	sor.u32 $0x10, s8;
	v6 =	vmul.f32 v6, v5;
	_ =	sdelay $0x1  }
0x22a: {  	[tilespmem:s10+$0x0] =	vst.add.f32.msk $0xffff, v6  }
0x22b: {  	v6 =	vld [tilespmem:s9+$0x4020];
	_ =	sdelay $0x4  }
0x22c: {  	s10 =	sor.u32 $0x20, s8;
	v6 =	vmul.f32 v6, v5;
	_ =	sdelay $0x1  }
0x22d: {  	[tilespmem:s10+$0x0] =	vst.add.f32.msk $0xffff, v6  }
0x22e: {  	v6 =	vld [tilespmem:s9+$0x4030];
	_ =	sdelay $0x4  }
0x22f: {  	s10 =	sor.u32 $0x30, s8;
	v6 =	vmul.f32 v6, v5;
	_ =	sdelay $0x1  }
0x230: {  	[tilespmem:s10+$0x0] =	vst.add.f32.msk $0xffff, v6  }
0x231: {  	v6 =	vld [tilespmem:s9+$0x4040];
	_ =	sdelay $0x4  }
0x232: {  	s10 =	sor.u32 $0x40, s8;
	v6 =	vmul.f32 v6, v5;
	_ =	sdelay $0x1  }
0x233: {  	[tilespmem:s10+$0x0] =	vst.add.f32.msk $0xffff, v6  }
0x234: {  	v6 =	vld [tilespmem:s9+$0x4050];
	_ =	sdelay $0x4  }
0x235: {  	s10 =	sor.u32 $0x50, s8;
	v6 =	vmul.f32 v6, v5;
	_ =	sdelay $0x1  }
0x236: {  	[tilespmem:s10+$0x0] =	vst.add.f32.msk $0xffff, v6  }
0x237: {  	v6 =	vld [tilespmem:s9+$0x4060];
	_ =	sdelay $0x4  }
0x238: {  	s10 =	sor.u32 $0x60, s8;
	v6 =	vmul.f32 v6, v5;
	_ =	sdelay $0x1  }
0x239: {  	[tilespmem:s10+$0x0] =	vst.add.f32.msk $0xffff, v6  }
0x23a: {  	v6 =	vld [tilespmem:s9+$0x4070]  }
.Ltmp12:
0x23b: {  	(pc) =	sbr.rel @p0 .LBB2_15-.Ltmp12, $2  }
0x23c: {  	_ =	sdelay $0x2  }
0x23d: {  	s8 =	sor.u32 $0x70, s8;
	v5 =	vmul.f32 v6, v5  }
0x23e: {  	s0 =	sadd.s32 $0x1, s0  }
0x23f: {  	p0 =	sne.s32 s0, s13  }
.Ltmp13:
0x240: {  	_ = 	snop;
	(pc) =	sbr.rel @p0 .LBB2_14-.Ltmp13, $4  }
.Ltmp14:
0x241: {  	_ = 	snop;
	(pc) =	sbr.rel @!p0 .LBB2_17-.Ltmp14, $4  }
0x242: {  	_ = 	snop  }
0x243: {  	_ = 	snop  }
0x244: {  	[tilespmem:s8+$0x0] =	vst.add.f32.msk $0xffff, v5  }
0x245: {  	_ = 	snop  }
.LBB2_19:
0x246: {  	_ =	sfence.sel $0x180000  }
0x247: {  	[bflag:$0x0] =	sbarrier.arrive $0xFFFF  }
0x248: {  	_ =	strace $0x90000050  }
0x249: {  	s0 =	stileid.u32;
	[bflag:$0x2] =	sbarrier.arrive $0xFFFF  }
0x24a: {  	p0 =	sne.s32 s0, $0x0;
	s0 =	rddreg [dreg:$0x1]  }
0x24b: {  	s0 =	sadd.s32 @!p0 $0x100000, s0  }
0x24c: {  	[sflag:s0] =	ssyncadd.tile.s32 @!p0 $0x1;
	_ =	shalt  }
.Lfunc_end2:
_tile_overlayer_lowered:
.L_overlay_start_2:
0x24d: {  	(tag) =	ssettag $0x2  }
0x24e: {  	s0 =	rddreg [dreg:$0x0];
	s2 =	stileid.u32  }
0x24f: {  	s1 =	rddreg [dreg:$0x1];
	p0 =	sne.s32 s2, $0x0  }
0x250: {  	s3 =	rddreg [dreg:$0x2];
	[bflag:$0x3] =	sbarrier.arrive $0xFFFF;
	s2 =	simm.s32 @!p0 $0x1C03  }
0x251: {  	[timem:s3], [sflag:s2] =	dma.local @!p0 [hbm:s0], s1  }
0x252: {  	s0 =	simm.s32 @!p0 $0x3  }
0x253: {  	_ =	swait.ge @!p0 [sflag:s0], s1  }
0x254: {  	s1 =	ssub.s32 @!p0 $0x0, s1;
	[sflag:s0] =	ssyncset.done @!p0 $0x0  }
0x255: {  	[sflag:s0] =	ssyncadd.s32 @!p0 s1  }
0x256: {  	[bflag:$0x3] =	sbarrier.arrive $0xFFFF  }
0x257: {  	_ =	shalt  }

// kernel: kernel.8.cloned.1.call-start
scs
__scs_entry_jumppad:
0x0: {  	(pc) =	sbr.rel $0x88, $3  }
0x1: {  	(tag) =	ssettag $0x0;
	lr =	simm.s32 $0x1  }
0x2: {  	[smem:$0x3F91] =	sst lr;
	_ =	strace $0xD0000000  }
0x3: {  	_ = 	snop  }
0x4: {  	_ = 	snop  }
0x5: {  	_ = 	snop  }
0x6: {  	_ = 	snop  }
0x7: {  	_ = 	snop  }
__scs_overlays_trampoline_lowered:
0x8: {  	[smem:$0x3FA0] =	sst s0  }
0x9: {  	[smem:$0x3FA1] =	sst s1  }
0xa: {  	[smem:$0x3FA2] =	sst s2  }
0xb: {  	[smem:$0x3FA3] =	sst s3  }
0xc: {  	[smem:$0x3FA4] =	sst s4  }
0xd: {  	[smem:$0x3FA5] =	sst s5  }
0xe: {  	[smem:$0x3FA6] =	sst s6  }
0xf: {  	[smem:$0x3FA7] =	sst s7  }
0x10: {  	[smem:$0x3FA8] =	sst s8  }
0x11: {  	[smem:$0x3FA9] =	sst s9;
	s0 =	simm.s32 @!p0 $0x0  }
0x12: {  	s1 =	sld [smem:$0x3F8F];
	s0 =	simm.s32 @p0 $0x1  }
0x13: {  	[smem:$0x3FAA] =	sst s0;
	s0 =	simm.s32 @!p1 $0x0  }
0x14: {  	s2 =	sld [smem:$0x3F8E];
	s0 =	simm.s32 @p1 $0x1  }
0x15: {  	[smem:$0x3FAB] =	sst s0;
	s0 =	simm.s32 @!p2 $0x0  }
0x16: {  	s3 =	sld [smem:$0x3FDB];
	s0 =	simm.s32 @p2 $0x1  }
0x17: {  	s4 =	simm.s32 $0x1BF5;
	[smem:$0x3FAD] =	sst s0  }
0x18: {  	s0 =	sld [smem:$0x3F90];
	_ =	swait.ge [sflag:s4], $0x0  }
0x19: {  	s7 =	sld [smem:$0x3F91]  }
0x1a: {  	s8 =	sadd.s32 $0xFFFFE003, lr  }
0x1b: {  	s9 =	sadd.s32 $0xFFFFFEF7, lr;
	s5 =	simm.s32 $0xFFFFFFFF;
	p2 =	slt.u32 s8, $0xFFFFF086  }
0x1c: {  	p1 =	slt.u32 s9, $0xF7A;
	s5 =	simm.s32 @!p2 $0x0  }
0x1d: {  	s5 =	simm.s32 @p1 $0x1;
	p0 =	seq.s32 s7, s2  }
0x1e: {  	s7 =	smul.u32 @!p0 $0xF7A, s2;
	p2 =	seq.s32 @!p0 s5, $0x0  }
0x1f: {  	s9 =	smul.u32 $0xF7A, s1;
	s8 =	simm.s32 @!p0 $0x1BF5;
	p2 =	por !p2, p0  }
0x20: {  	[sflag:s8] =	ssyncset.s32 @!p0 $0xFFFFF086;
	s6 =	sadd.s32 @!p0 s3, s7;
	s7 =	simm.s32 @!p0 $0x108  }
0x21: {  	s3 =	sadd.s32 s3, s9;
	s6 =	sadd.s32 @!p0 $0x88, s6;
	s7 =	simm.s32 @p2 $0x1082  }
0x22: {  	[simem:s7], [sflag:s8] =	dma.local @!p0 [hbm:s6], $0xF7A  }
0x23: {  	s9 =	sor.u32 $0xD0000000, s2;
	s6 =	simm.s32 $0x108;
	_ =	swait.ge @!p0 [sflag:s8], $0x0  }
0x24: {  	s3 =	sadd.s32 $0x88, s3;
	s6 =	simm.s32 @!p1 $0x1082;
	[sflag:s4] =	ssyncset.s32 $0xFFFFF086  }
0x25: {  	[simem:s6], [sflag:s4] =	dma.local [hbm:s3], $0xF7A  }
0x26: {  	[smem:$0x3F91] =	sst s1;
	(tag) =	ssettag s2;
	_ =	strace s9  }
0x27: {  	s1 =	sld [smem:$0x3FA1]  }
0x28: {  	s2 =	sld [smem:$0x3FA2]  }
0x29: {  	s4 =	sld [smem:$0x3FA4]  }
0x2a: {  	p0 =	seq.s32 s5, $0x0;
	s5 =	sld [smem:$0x3FA5]  }
0x2b: {  	s6 =	sld [smem:$0x3FA6]  }
0x2c: {  	s7 =	sld [smem:$0x3FA7]  }
0x2d: {  	s3 =	simm.s32 $0x108;
	s8 =	sld [smem:$0x3FA8]  }
0x2e: {  	s3 =	simm.s32 @!p0 $0x1082;
	s9 =	sld [smem:$0x3FA9]  }
0x2f: {  	lr =	sadd.s32 s0, s3;
	s0 =	sld [smem:$0x3FA0]  }
0x30: {  	s3 =	sld [smem:$0x3FA3]  }
0x31: {  	[smem:$0x3FAC] =	sst s10  }
0x32: {  	s10 =	sld [smem:$0x3FAA];
	_ =	sdelay $0x3  }
0x33: {  	p0 =	seq.s32 s10, $0x1;
	s10 =	sld [smem:$0x3FAC];
	_ =	sdelay $0x3  }
0x34: {  	[smem:$0x3FAC] =	sst s10  }
0x35: {  	s10 =	sld [smem:$0x3FAB];
	_ =	sdelay $0x3  }
0x36: {  	p1 =	seq.s32 s10, $0x1;
	s10 =	sld [smem:$0x3FAC];
	_ =	sdelay $0x3  }
0x37: {  	[smem:$0x3FAC] =	sst s10  }
0x38: {  	s10 =	sld [smem:$0x3FAD]  }
0x39: {  	_ = 	snop;
	(pc) =	sbr.ind lr, $3  }
0x3a: {  	_ = 	snop  }
0x3b: {  	_ = 	snop  }
0x3c: {  	p2 =	seq.s32 s10, $0x1;
	s10 =	sld [smem:$0x3FAC]  }
0x3d: {  	_ =	shalt  }
0x3e: {  	_ =	shalt  }
0x3f: {  	_ =	shalt  }
0x40: {  	_ =	shalt  }
0x41: {  	_ =	shalt  }
0x42: {  	_ =	shalt  }
0x43: {  	_ =	shalt  }
0x44: {  	_ =	shalt  }
0x45: {  	_ =	shalt  }
0x46: {  	_ =	shalt  }
0x47: {  	_ =	shalt  }
0x48: {  	_ =	shalt  }
0x49: {  	_ =	shalt  }
0x4a: {  	_ =	shalt  }
0x4b: {  	_ =	shalt  }
0x4c: {  	_ =	shalt  }
0x4d: {  	_ =	shalt  }
0x4e: {  	_ =	shalt  }
0x4f: {  	_ =	shalt  }
0x50: {  	_ =	shalt  }
0x51: {  	_ =	shalt  }
0x52: {  	_ =	shalt  }
0x53: {  	_ =	shalt  }
0x54: {  	_ =	shalt  }
0x55: {  	_ =	shalt  }
0x56: {  	_ =	shalt  }
0x57: {  	_ =	shalt  }
0x58: {  	_ =	shalt  }
0x59: {  	_ =	shalt  }
0x5a: {  	_ =	shalt  }
0x5b: {  	_ =	shalt  }
0x5c: {  	_ =	shalt  }
0x5d: {  	_ =	shalt  }
0x5e: {  	_ =	shalt  }
0x5f: {  	_ =	shalt  }
0x60: {  	_ =	shalt  }
0x61: {  	_ =	shalt  }
0x62: {  	_ =	shalt  }
0x63: {  	_ =	shalt  }
0x64: {  	_ =	shalt  }
0x65: {  	_ =	shalt  }
0x66: {  	_ =	shalt  }
0x67: {  	_ =	shalt  }
0x68: {  	_ =	shalt  }
0x69: {  	_ =	shalt  }
0x6a: {  	_ =	shalt  }
0x6b: {  	_ =	shalt  }
0x6c: {  	_ =	shalt  }
0x6d: {  	_ =	shalt  }
0x6e: {  	_ =	shalt  }
0x6f: {  	_ =	shalt  }
0x70: {  	_ =	shalt  }
0x71: {  	_ =	shalt  }
0x72: {  	_ =	shalt  }
0x73: {  	_ =	shalt  }
0x74: {  	_ =	shalt  }
0x75: {  	_ =	shalt  }
0x76: {  	_ =	shalt  }
0x77: {  	_ =	shalt  }
0x78: {  	_ =	shalt  }
0x79: {  	_ =	shalt  }
0x7a: {  	_ =	shalt  }
0x7b: {  	_ =	shalt  }
0x7c: {  	_ =	shalt  }
0x7d: {  	_ =	shalt  }
0x7e: {  	_ =	shalt  }
0x7f: {  	_ =	shalt  }
0x80: {  	_ =	shalt  }
0x81: {  	_ =	shalt  }
0x82: {  	_ =	shalt  }
0x83: {  	_ =	shalt  }
0x84: {  	_ =	shalt  }
0x85: {  	_ =	shalt  }
0x86: {  	_ =	shalt  }
0x87: {  	_ =	shalt  }
.Lfunc_end0:
.L_simem_size_0:
called_computation.2_lowered:
.L_overlay_start_0:
0x88: {  	s2 =	sld [smem:$0x3FD9]  }
0x89: {  	s3 =	sld [smem:$0x3FFE];
	_ =	sdelay $0x1  }
0x8a: {  	s1 =	srdreg.scid  }
0x8b: {  	s0 =	sand.u32 $0x1, s1  }
0x8c: {  	s16 =	sshll.u32 s0, $0xA;
	s2 =	sadd.s32 s3, s2  }
0x8d: {  	s2 =	sadd.s32 s2, s16  }
0x8e: {  	[smem:$0x3FB8] =	sst s2  }
0x8f: {  	_ = 	snop  }
0x90: {  	(tm) =	ssettm $0x1  }
0x91: {  	s17 =	sld [smem:$0x3FFB];
	_ =	sdelay $0x3  }
0x92: {  	_ =	strace s17  }
0x93: {  	s2 =	sld [smem:$0x3FFC];
	_ =	sdelay $0x3  }
0x94: {  	_ =	strace s2  }
0x95: {  	s2 =	sld [smem:$0x3FFD];
	_ =	sdelay $0x3  }
0x96: {  	_ =	strace s2  }
0x97: {  	_ =	strace $0x8FFFFFFF  }
0x98: {  	s18 =	sld [smem:$0x3FDB];
	_ =	sdelay $0x1  }
0x99: {  	s19 =	simm.s32 $_scs_section_size  }
0x9a: {  	s4 =	simm.s32 $_size__tile_overlayer_lowered;
	s5 =	simm.s32 $_tile_overlayer_lowered  }
0x9b: {  	s22 =	simm.s32 $0x1BFF;
	s21 =	sshll.u32 s5, $0x1;
	s2 =	sadd.s32 s19, s18  }
0x9c: {  	s6 =	simm.s32 $0x0;
	s20 =	sshll.u32 s4, $0x1;
	s4 =	sadd.s32 s21, s2  }
0x9d: {  	[timem:s6], [sflag:s22] =	dma.local [hbm:s4], s20  }
0x9e: {  	_ =	swait.ge [sflag:s22], s20  }
0x9f: {  	s3 =	ssub.s32 $0x0, s20;
	[sflag:s22] =	ssyncset.done $0x0  }
0xa0: {  	[sflag:s22] =	ssyncadd.s32 s3;
	_ =	sdelay $0x1  }
0xa1: {  	s23 =	simm.s32 $0x1B8B  }
0xa2: {  	_ =	swait.ge [sflag:s23], $0x1  }
0xa3: {  	[sflag:s23] =	ssyncset.done $0x0  }
0xa4: {  	s25 =	simm.s32 $0x1B8E;
	s24 =	sld [smem:$0x3FFE];
	[sflag:s23] =	ssyncadd.s32 $0xFFFFFFFF  }
0xa5: {  	s26 =	simm.s32 $execute0_lowered;
	[smem:$0x3FD2] =	sst s25  }
0xa6: {  	s4 =	sshll.u32 s26, $0x1;
	_ =	strace $0x8000004C;
	[dreg:$0x1] =	wrdreg $0xFFFFFFFF  }
0xa7: {  	s28 =	simm.s32 $_size_execute0_lowered;
	s2 =	sadd.s32 s2, s4;
	[dreg:$0x0] =	wrdreg $0x0  }
0xa8: {  	s4 =	sshll.u32 s28, $0x1;
	[dreg:$0x2] =	wrdreg s2  }
0xa9: {  	[dreg:$0x3] =	wrdreg s4  }
0xaa: {  	[dreg:$0x4] =	wrdreg $0xC0  }
0xab: {  	_ =	task [dreg:s6], $0x5FFFF  }
0xac: {  	[dreg:$0x1] =	wrdreg $0xFFFFFFFF  }
0xad: {  	[dreg:$0x0] =	wrdreg $0x60  }
0xae: {  	[dreg:$0x2] =	wrdreg s24  }
0xaf: {  	[dreg:$0x3] =	wrdreg $0x9  }
0xb0: {  	_ =	task.clear_ibuf [dreg:s6], $0x4FFFF;
	_ =	strace $0x9000004C  }
0xb1: {  	s29 =	simm.s32 $0x9;
	_ =	strace $0x8000004E  }
0xb2: {  	_ =	swait.ge [sflag:s29], $0x1  }
0xb3: {  	[sflag:s29] =	ssyncadd.s32 $0xFFFFFFFF  }
0xb4: {  	_ =	strace $0x9000004E  }
0xb5: {  	_ =	sfence  }
0xb6: {  	s30 =	sld [smem:$0x0];
	_ =	sdelay $0x2  }
0xb7: {  	s31 =	sshll.u32 s1, $0xD;
	s1 =	sshrl.u32 s1, $0x2  }
0xb8: {  	s3 =	sand.u32 $0x4000, s31;
	s1 =	sadd.s32 s1, s30  }
0xb9: {  	s0 =	sor.u32 s3, s0;
	s1 =	sshll.u32 s1, $0x11  }
0xba: {  	s0 =	sor.u32 s1, s0  }
0xbb: {  	s0 =	sadd.s32 $0x8F2B, s0  }
0xbc: {  	[sflag:s0] =	ssyncadd.remote.s32 $0x1  }
0xbd: {  	_ =	sfence.sel $0xFFFF  }
0xbe: {  	[dreg:$0x0] =	wrdreg $0xFFFFFFFF;
	(pc) =	sbr.abs _section_cstart, $3  }
0xbf: {  	[dreg:$0x1] =	wrdreg $0xFFFFFFFF  }
0xc0: {  	_ =	task.clear_ibuf [dreg:s6], $0x2FFFF;
	_ =	strace $0x9FFFFFFF  }
0xc1: {  	(tm) =	ssettm $0x7FFFFFFF  }
tec
execute0_lowered:
.L_overlay_start_1:
0x0: {  	(tag) =	ssettag $0x1  }
0x1: {  	s0 =	rddreg [dreg:$0x0];
	s1 =	simm.s32 $0x0  }
0x2: {  	s22 =	srdreg.scid;
	s7 =	stileid.u32;
	s16 =	simm.s32 $0x3  }
0x3: {  	s9 =	simm.s32 $0x10000;
	s20 =	simm.s32 $0x18000;
	s28 =	simm.s32 $0x15000  }
0x4: {  	s29 =	simm.s32 $0x15800;
	[smem:$0x7FF] =	sst s1;
	s3 =	sadd.s32 $0x169C00, s0  }
0x5: {  	s21 =	sadd.s32 $0x3E00, s0;
	_ =	strace $0x8000004D;
	[dreg:$0x2] =	wrdreg s3  }
0x6: {  	s31 =	simm.s32 $0x0;
	s5 =	sadd.s32 $0x26A00, s0;
	[dreg:$0x3] =	wrdreg s21  }
0x7: {  	s2 =	sadd.s32 $0x31400, s0;
	s23 =	sadd.s32 $0x26600, s0;
	[dreg:$0x4] =	wrdreg s5  }
0x8: {  	s4 =	sadd.s32 $0x230E00, s0;
	s8 =	sadd.s32 $0x73A400, s0;
	[dreg:$0x5] =	wrdreg s23  }
0x9: {  	s6 =	sadd.s32 $0x258000, s0;
	s0 =	sadd.s32 $0xC3A400, s0;
	[dreg:$0x6] =	wrdreg s8  }
0xa: {  	s7 =	sshll.u32 s7, $0x1;
	s3 =	sand.u32 $0x1, s22;
	[dreg:$0x7] =	wrdreg s0  }
0xb: {  	s21 =	simm.s32 $0x12000;
	s22 =	simm.s32 $0x12800;
	s23 =	simm.s32 $0x13000  }
.Ltmp0:
0xc: {  	s24 =	ssub.s32 $0x2, s3;
	s3 =	sor.u32 s3, s7;
	(pc) =	sbr.rel .LBB2_1-.Ltmp0, $4  }
0xd: {  	s25 =	sshrl.u32 s24, $0x1;
	s30 =	smul.u32 $0x5, s3;
	s3 =	sshll.u32 s3, $0x6  }
0xe: {  	v2 =	vlaneseq.u32;
	s26 =	ssub.s32 s24, s25;
	[dreg:$0x9] =	wrdreg s3;
	s24 =	simm.s32 $0x13800  }
0xf: {  	vm0 =	vmmov $0xffff;
	v3 =	vimm.f32 $0.0e+00;
	v1 =	vshrl.u32 v2, $0x3;
	s25 =	simm.s32 $0x14000;
	[dreg:$0x8] =	wrdreg s30;
	s0 =	smax.u32 s26, $0x1  }
0x10: {  	v0 =	vand.u32 $0x7, v2;
	v2 =	vor.u32 $0x8, v2;
	v1 =	vmul.u32 $0x8, v1;
	s3 =	simm.s32 $0x0;
	s26 =	simm.s32 $0x14800;
	[dreg:$0xa] =	wrdreg s0  }
.LBB2_18:
0x11: {  	s3 =	rddreg [dreg:$0xb]  }
0x12: {  	s0 =	rddreg [dreg:$0xa];
	s3 =	sadd.s32 $0x1, s3  }
0x13: {  	p0 =	sne.s32 s3, s0  }
.Ltmp1:
0x14: {  	_ = 	snop;
	(pc) =	sbr.rel @!p0 .LBB2_19-.Ltmp1, $1  }
0x15: {  	_ =	sdelay $0x3  }
.LBB2_1:
.Ltmp2:
0x16: {  	(pc) =	sbr.rel .LBB2_2-.Ltmp2, $3  }
0x17: {  	_ =	sdelay $0x1  }
0x18: {  	[dreg:$0xb] =	wrdreg s3;
	s0 =	simm.s32 $0x0  }
0x19: {  	s7 =	simm.s32 $0x0;
	[dreg:$0xc] =	wrdreg s0  }
.LBB2_17:
0x1a: {  	s0 =	rddreg [dreg:$0xe]  }
0x1b: {  	s3 =	rddreg [dreg:$0xf];
	s0 =	smul.u32 $0xA00000, s0  }
0x1c: {  	s3 =	sshll.u32 s3, $0xA  }
0x1d: {  	s0 =	sadd.s32 s0, s3  }
0x1e: {  	s17 =	rddreg [dreg:$0x6];
	s0 =	sshrl.u32 s0, $0x3  }
0x1f: {  	s0 =	sadd.s32 s17, s0  }
0x20: {  	[hbm4b:s0+s1] =	stream.linear.scatter [tilespmem:s1], [sflag:$0x3], $0x10000, $0x38;
	[tilespmem:$0x1E180] =	vst v63  }
0x21: {  	_ =	swait.ge [sflag:s16], $0x10000  }
0x22: {  	s18 =	rddreg [dreg:$0x7]  }
0x23: {  	[sflag:s16] =	ssyncset.done $0x0;
	s19 =	rddreg [dreg:$0x10]  }
0x24: {  	s9 =	simm.s32 $0x10000;
	[sflag:s16] =	ssyncadd.s32 $0xFFFF0000;
	s0 =	sadd.s32 s18, s19  }
0x25: {  	[hbm4b:s0+s1] =	stream.linear.scatter [tilespmem:s9], [sflag:$0x3], $0x2000, $0x38;
	[tilespmem:$0x1E180] =	vst v63  }
0x26: {  	_ =	swait.ge [sflag:s16], $0x2000  }
0x27: {  	s7 =	rddreg [dreg:$0xd]  }
0x28: {  	s7 =	sadd.s32 $0x1, s7  }
0x29: {  	p0 =	sne.s32 s7, $0x14  }
.Ltmp3:
0x2a: {  	_ = 	snop;
	(pc) =	sbr.rel @!p0 .LBB2_18-.Ltmp3, $4  }
0x2b: {  	_ = 	snop  }
0x2c: {  	s30 =	rddreg [dreg:$0xc]  }
0x2d: {  	[sflag:s16] =	ssyncset.done $0x0;
	s0 =	sadd.s32 $0x1, s30  }
0x2e: {  	[sflag:s16] =	ssyncadd.s32 $0xFFFFE000;
	[dreg:$0xc] =	wrdreg s0  }
.LBB2_2:
0x2f: {  	s0 =	sshrl.u32 s7, $0x2;
	s3 =	rddreg [dreg:$0x8]  }
0x30: {  	s3 =	sadd.s32 s3, s0  }
0x31: {  	s3 =	sshll.u32 s3, $0x1  }
0x32: {  	s5 =	rddreg [dreg:$0x3];
	s3 =	sand.u32 $0x1FFFFFFE, s3  }
0x33: {  	s13 =	simm.s32 $0x1A080;
	s3 =	sadd.s32 s5, s3  }
0x34: {  	[tilespmem:s13], [sflag:$0x3] =	stream.linear.gather [hbm4b:s3+s1], $0x10, $0x38;
	[tilespmem:$0x1E180] =	vst v63  }
0x35: {  	_ =	swait.ge [sflag:s16], $0x10  }
0x36: {  	[sflag:s16] =	ssyncset.done $0x0  }
0x37: {  	[sflag:s16] =	ssyncadd.s32 $0xFFFFFFF0  }
0x38: {  	v4 =	vld [tilespmem:$0x1A080];
	_ =	sdelay $0x4  }
0x39: {  	(v2sf) =	vpush v4, $0x0  }
0x3a: {  	(v2sf) =	vpush v4, $0x1;
	_ =	sdelay $0xb  }
0x3b: {  	s10 =	sand.u32 $0x3, s7;
	s0 =	sshll.u32 s0, $0xB;
	s30 =	rddreg [dreg:$0x4]  }
0x3c: {  	[tilespmem:s1], [sflag:$0x3] =	stream.linear.gather [hbm4b:s30+s1], $0x10000, $0x38;
	[tilespmem:$0x1E180] =	vst v63  }
0x3d: {  	s3 =	simm.s32 $0x1;
	s8 =	rddreg [dreg:$0x9];
	s14 =	spop (v2sf)  }
0x3e: {  	[dreg:$0xd] =	wrdreg s7;
	s11 =	sor.u32 s8, s0;
	s15 =	spop (v2sf)  }
0x3f: {  	s17 =	sshra.s32 s14, $0x1F;
	s19 =	sand.u32 $0x3F, s14;
	p0 =	slt.s32 s14, $0x1  }
0x40: {  	s18 =	sshrl.u32 s17, $0x1A;
	p1 =	sne.s32 s19, $0x0;
	_ =	swait.ge [sflag:s16], $0x10000  }
0x41: {  	s0 =	sadd.s32 s18, s14;
	p0 =	por !p0, !p1;
	[sflag:s16] =	ssyncset.done $0x0  }
0x42: {  	s12 =	rddreg [dreg:$0x5];
	p0 =	por !p0, !p0;
	[sflag:s16] =	ssyncadd.s32 $0xFFFF0000  }
0x43: {  	[tilespmem:s9], [sflag:$0x3] =	stream.linear.gather [hbm4b:s12+s1], $0x2000, $0x38;
	[tilespmem:$0x1E180] =	vst v63  }
0x44: {  	s13 =	smul.u32 $0x140000, s10;
	s0 =	sshra.s32 s0, $0x6;
	s3 =	simm.s32 @!p0 $0x0  }
0x45: {  	s14 =	sshll.u32 s11, $0x7;
	s18 =	simm.s32 $0x16000;
	s0 =	ssub.s32 s0, s3  }
0x46: {  	s3 =	sadd.s32 s13, s14;
	[dreg:$0x11] =	wrdreg s0;
	s0 =	sshll.u32 s0, $0x6  }
0x47: {  	s7 =	sshrl.u32 s3, $0x3;
	_ =	swait.ge [sflag:s16], $0x2000;
	s5 =	ssub.s32 s15, s0  }
0x48: {  	[sflag:s16] =	ssyncset.done $0x0;
	s15 =	sadd.s32 $0x3F, s5;
	s17 =	rddreg [dreg:$0x2]  }
0x49: {  	[sflag:s16] =	ssyncadd.s32 $0xFFFFE000;
	s5 =	sadd.s32 s17, s7;
	s19 =	sand.u32 $0x3F, s15  }
0x4a: {  	[tilespmem:s18], [sflag:$0x3] =	stream.linear.gather [hbm4b:s5+s1], $0x2000, $0x38;
	[tilespmem:$0x1E180] =	vst v63  }
0x4b: {  	s30 =	sshra.s32 s15, $0x1F;
	p6 =	slt.s32 s15, $0x1;
	p5 =	sne.s32 s19, $0x0  }
0x4c: {  	s5 =	sshrl.u32 s30, $0x1A;
	p0 =	por !p6, !p5  }
0x4d: {  	s3 =	sadd.s32 s5, s15;
	s5 =	simm.s32 $0x1;
	p0 =	por !p0, !p0  }
0x4e: {  	s3 =	sshra.s32 s3, $0x6;
	s5 =	simm.s32 @!p0 $0x0  }
0x4f: {  	s13 =	ssub.s32 s3, s5  }
0x50: {  	p0 =	slt.s32 s13, $0x1  }
.Ltmp4:
0x51: {  	_ = 	snop;
	(pc) =	sbr.rel @p0 .LBB2_4-.Ltmp4, $4  }
0x52: {  	[dreg:$0x10] =	wrdreg s7  }
0x53: {  	_ =	swait.ge [sflag:s16], $0x2000  }
0x54: {  	[sflag:s16] =	ssyncset.done $0x0  }
0x55: {  	s7 =	smul.u32 $0x4E240, s10;
	[dreg:$0xe] =	wrdreg s10;
	[sflag:s16] =	ssyncadd.s32 $0xFFFFE000  }
0x56: {  	_ = 	snop  }
0x57: {  	s3 =	sadd.s32 s7, s0  }
0x58: {  	s3 =	sshrl.u32 s3, $0x3  }
0x59: {  	s3 =	sadd.s32 s4, s3  }
0x5a: {  	[tilespmem:s20], [sflag:$0x3] =	stream.linear.gather [hbm4b:s3+s1], $0x40, $0x38;
	[tilespmem:$0x1E180] =	vst v63  }
0x5b: {  	_ =	swait.ge [sflag:s16], $0x40  }
0x5c: {  	[sflag:s16] =	ssyncset.done $0x0  }
0x5d: {  	[sflag:s16] =	ssyncadd.s32 $0xFFFFFFC0  }
0x5e: {  	v4 =	vld [tilespmem:$0x18000];
	_ =	sdelay $0x4  }
0x5f: {  	v5 =	vshll.u32 v4, $0x1  }
0x60: {  	v4 =	vand.u32 $0x7, v4;
	v5 =	vand.u32 $0xFFFFFFF0, v5  }
0x61: {  	v4 =	vor.u32 v4, v5  }
0x62: {  	v5 =	vperm.xlane v4, v0;
	_ =	sdelay $0x1  }
0x63: {  	v4 =	vperm.xlane v4, v2;
	v5 =	vadd.s32 v1, v5;
	_ =	sdelay $0x1  }
0x64: {  	v4 =	vadd.s32 v1, v4;
	_ =	sdelay $0x2  }
0x65: {  	[tilespmem:s21], [sflag:$0x1] =	stream.indirect_vreg.gather [hbm4b:s2+s1], $0x80, v5, vm0, $0xb8;
	[tilespmem:$0x1E180] =	vst v63  }
0x66: {  	_ = 	snop  }
0x67: {  	[tilespmem:s22], [sflag:$0x1] =	stream.indirect_vreg.gather [hbm4b:s2+s1], $0x80, v4, vm0, $0xb8;
	[tilespmem:$0x1E180] =	vst v63  }
0x68: {  	v4 =	vld [tilespmem:$0x18010];
	_ =	sdelay $0x4  }
0x69: {  	v5 =	vshll.u32 v4, $0x1  }
0x6a: {  	v4 =	vand.u32 $0x7, v4;
	v5 =	vand.u32 $0xFFFFFFF0, v5  }
0x6b: {  	v4 =	vor.u32 v4, v5  }
0x6c: {  	v5 =	vperm.xlane v4, v0;
	_ =	sdelay $0x1  }
0x6d: {  	v4 =	vperm.xlane v4, v2;
	v5 =	vadd.s32 v1, v5;
	_ =	sdelay $0x1  }
0x6e: {  	v4 =	vadd.s32 v1, v4;
	_ =	sdelay $0x2  }
0x6f: {  	[tilespmem:s23], [sflag:$0x1] =	stream.indirect_vreg.gather [hbm4b:s2+s1], $0x80, v5, vm0, $0xb8;
	[tilespmem:$0x1E180] =	vst v63  }
0x70: {  	_ = 	snop  }
0x71: {  	[tilespmem:s24], [sflag:$0x1] =	stream.indirect_vreg.gather [hbm4b:s2+s1], $0x80, v4, vm0, $0xb8;
	[tilespmem:$0x1E180] =	vst v63  }
0x72: {  	v4 =	vld [tilespmem:$0x18020];
	_ =	sdelay $0x4  }
0x73: {  	v5 =	vshll.u32 v4, $0x1  }
0x74: {  	v4 =	vand.u32 $0x7, v4;
	v5 =	vand.u32 $0xFFFFFFF0, v5  }
0x75: {  	v4 =	vor.u32 v4, v5  }
0x76: {  	v5 =	vperm.xlane v4, v0;
	_ =	sdelay $0x1  }
0x77: {  	v4 =	vperm.xlane v4, v2;
	v5 =	vadd.s32 v1, v5;
	_ =	sdelay $0x1  }
0x78: {  	v4 =	vadd.s32 v1, v4;
	_ =	sdelay $0x2  }
0x79: {  	[tilespmem:s25], [sflag:$0x1] =	stream.indirect_vreg.gather [hbm4b:s2+s1], $0x80, v5, vm0, $0xb8;
	[tilespmem:$0x1E180] =	vst v63  }
0x7a: {  	_ = 	snop  }
0x7b: {  	[tilespmem:s26], [sflag:$0x1] =	stream.indirect_vreg.gather [hbm4b:s2+s1], $0x80, v4, vm0, $0xb8;
	[tilespmem:$0x1E180] =	vst v63  }
0x7c: {  	v4 =	vld [tilespmem:$0x18030];
	_ =	sdelay $0x4  }
0x7d: {  	v5 =	vshll.u32 v4, $0x1  }
0x7e: {  	v4 =	vand.u32 $0x7, v4;
	v5 =	vand.u32 $0xFFFFFFF0, v5  }
0x7f: {  	v4 =	vor.u32 v4, v5  }
0x80: {  	v5 =	vperm.xlane v4, v0;
	_ =	sdelay $0x1  }
0x81: {  	v4 =	vperm.xlane v4, v2;
	v5 =	vadd.s32 v1, v5;
	_ =	sdelay $0x1  }
0x82: {  	v4 =	vadd.s32 v1, v4;
	_ =	sdelay $0x2  }
0x83: {  	[tilespmem:s28], [sflag:$0x1] =	stream.indirect_vreg.gather [hbm4b:s2+s1], $0x80, v5, vm0, $0xb8;
	[tilespmem:$0x1E180] =	vst v63  }
0x84: {  	_ = 	snop  }
0x85: {  	[tilespmem:s29], [sflag:$0x1] =	stream.indirect_vreg.gather [hbm4b:s2+s1], $0x80, v4, vm0, $0xb8;
	[tilespmem:$0x1E180] =	vst v63  }
.LBB2_4:
0x86: {  	s3 =	sand.u32 $0x1, s13  }
0x87: {  	p1 =	seq.s32 s3, $0x1  }
0x88: {  	s30 =	sshrl.u32 s13, $0x1F;
	p0 =	por !p0, !p1  }
0x89: {  	s5 =	simm.s32 $0x1;
	s3 =	sadd.s32 s30, s13;
	p0 =	por !p0, !p0  }
0x8a: {  	s3 =	sshra.s32 s3, $0x1;
	s5 =	simm.s32 @!p0 $0x0  }
0x8b: {  	s3 =	ssub.s32 s3, s5  }
0x8c: {  	p0 =	slt.s32 s3, $0x1  }
.Ltmp5:
0x8d: {  	_ = 	snop;
	(pc) =	sbr.rel @p0 .LBB2_13-.Ltmp5, $3  }
0x8e: {  	_ =	sdelay $0x1  }
0x8f: {  	[dreg:$0xf] =	wrdreg s11  }
0x90: {  	v4 =	vmov s11;
	[dreg:$0x12] =	wrdreg s3  }
0x91: {  	s3 =	rddreg [dreg:$0xc]  }
0x92: {  	s3 =	sand.u32 $0x3, s3  }
0x93: {  	s5 =	sadd.s32 $0x40, s0;
	s19 =	rddreg [dreg:$0x11];
	s3 =	smul.u32 $0x4E240, s3  }
0x94: {  	s14 =	simm.s32 $0x0;
	[dreg:$0x13] =	wrdreg s5  }
0x95: {  	s5 =	simm.s32 $0xFFFFFFFE;
	s18 =	sadd.s32 s0, s3;
	s3 =	sshll.u32 s19, $0xD  }
0x96: {  	s0 =	simm.s32 $0x3;
	[dreg:$0x14] =	wrdreg s3;
	s30 =	sadd.s32 $0x80, s18  }
.LBB2_6:
0x97: {  	s3 =	sshll.u32 s14, $0x7;
	s8 =	rddreg [dreg:$0x13]  }
0x98: {  	s15 =	sadd.s32 s3, s8  }
0x99: {  	s3 =	sadd.s32 s7, s15  }
0x9a: {  	s3 =	sshrl.u32 s3, $0x3  }
0x9b: {  	s11 =	simm.s32 $0x1E100;
	s3 =	sadd.s32 s4, s3  }
0x9c: {  	[tilespmem:s11], [sflag:$0x3] =	stream.linear.gather [hbm4b:s3+s31], $0x40, $0x38;
	[tilespmem:$0x1E180] =	vst v63  }
0x9d: {  	_ =	swait.ge [sflag:s16], $0x40  }
0x9e: {  	[sflag:s16] =	ssyncset.done $0x0  }
0x9f: {  	[sflag:s16] =	ssyncadd.s32 $0xFFFFFFC0  }
0xa0: {  	v5 =	vld [tilespmem:$0x1E100];
	_ =	sdelay $0x4  }
0xa1: {  	v6 =	vshll.u32 v5, $0x1  }
0xa2: {  	v5 =	vand.u32 $0x7, v5;
	v6 =	vand.u32 $0xFFFFFFF0, v6  }
0xa3: {  	v5 =	vor.u32 v5, v6  }
0xa4: {  	v6 =	vperm.xlane v5, v0;
	_ =	sdelay $0x1  }
0xa5: {  	v5 =	vperm.xlane v5, v2;
	v6 =	vadd.s32 v1, v6;
	_ =	sdelay $0x1  }
0xa6: {  	v5 =	vadd.s32 v1, v5;
	_ =	sdelay $0x1  }
0xa7: {  	s12 =	simm.s32 $0x1A100  }
0xa8: {  	[tilespmem:s12], [sflag:$0x2] =	stream.indirect_vreg.gather [hbm4b:s2+s31], $0x80, v6, vm0, $0xb8;
	[tilespmem:$0x1E180] =	vst v63  }
0xa9: {  	s18 =	simm.s32 $0x1A900  }
0xaa: {  	[tilespmem:s18], [sflag:$0x2] =	stream.indirect_vreg.gather [hbm4b:s2+s31], $0x80, v5, vm0, $0xb8;
	[tilespmem:$0x1E180] =	vst v63  }
0xab: {  	v5 =	vld [tilespmem:$0x1E110];
	_ =	sdelay $0x4  }
0xac: {  	v6 =	vshll.u32 v5, $0x1  }
0xad: {  	v5 =	vand.u32 $0x7, v5;
	v6 =	vand.u32 $0xFFFFFFF0, v6  }
0xae: {  	v5 =	vor.u32 v5, v6  }
0xaf: {  	v6 =	vperm.xlane v5, v0;
	_ =	sdelay $0x1  }
0xb0: {  	v5 =	vperm.xlane v5, v2;
	v6 =	vadd.s32 v1, v6;
	_ =	sdelay $0x1  }
0xb1: {  	v5 =	vadd.s32 v1, v5;
	_ =	sdelay $0x1  }
0xb2: {  	s19 =	simm.s32 $0x1B100  }
0xb3: {  	[tilespmem:s19], [sflag:$0x2] =	stream.indirect_vreg.gather [hbm4b:s2+s31], $0x80, v6, vm0, $0xb8;
	[tilespmem:$0x1E180] =	vst v63  }
0xb4: {  	s17 =	smov.u32 s7;
	s7 =	simm.s32 $0x1B900  }
0xb5: {  	[tilespmem:s7], [sflag:$0x2] =	stream.indirect_vreg.gather [hbm4b:s2+s31], $0x80, v5, vm0, $0xb8;
	[tilespmem:$0x1E180] =	vst v63  }
0xb6: {  	v5 =	vld [tilespmem:$0x1E120];
	_ =	sdelay $0x4  }
0xb7: {  	v6 =	vshll.u32 v5, $0x1  }
0xb8: {  	v5 =	vand.u32 $0x7, v5;
	v6 =	vand.u32 $0xFFFFFFF0, v6  }
0xb9: {  	v5 =	vor.u32 v5, v6  }
0xba: {  	v6 =	vperm.xlane v5, v0;
	_ =	sdelay $0x1  }
0xbb: {  	v5 =	vperm.xlane v5, v2;
	v6 =	vadd.s32 v1, v6;
	_ =	sdelay $0x1  }
0xbc: {  	v5 =	vadd.s32 v1, v5;
	_ =	sdelay $0x1  }
0xbd: {  	s8 =	simm.s32 $0x1C100  }
0xbe: {  	[tilespmem:s8], [sflag:$0x2] =	stream.indirect_vreg.gather [hbm4b:s2+s31], $0x80, v6, vm0, $0xb8;
	[tilespmem:$0x1E180] =	vst v63  }
0xbf: {  	s9 =	simm.s32 $0x1C900  }
0xc0: {  	[tilespmem:s9], [sflag:$0x2] =	stream.indirect_vreg.gather [hbm4b:s2+s31], $0x80, v5, vm0, $0xb8;
	[tilespmem:$0x1E180] =	vst v63  }
0xc1: {  	v5 =	vld [tilespmem:$0x1E130];
	_ =	sdelay $0x4  }
0xc2: {  	v6 =	vshll.u32 v5, $0x1  }
0xc3: {  	v5 =	vand.u32 $0x7, v5;
	v6 =	vand.u32 $0xFFFFFFF0, v6  }
0xc4: {  	v5 =	vor.u32 v5, v6  }
0xc5: {  	v6 =	vperm.xlane v5, v0;
	_ =	sdelay $0x1  }
0xc6: {  	v5 =	vperm.xlane v5, v2;
	v6 =	vadd.s32 v1, v6;
	_ =	sdelay $0x1  }
0xc7: {  	v5 =	vadd.s32 v1, v5;
	_ =	sdelay $0x1  }
0xc8: {  	s10 =	simm.s32 $0x1D100  }
0xc9: {  	[tilespmem:s10], [sflag:$0x2] =	stream.indirect_vreg.gather [hbm4b:s2+s31], $0x80, v6, vm0, $0xb8;
	[tilespmem:$0x1E180] =	vst v63  }
0xca: {  	s11 =	simm.s32 $0x1D900;
	s18 =	simm.s32 $0x1  }
0xcb: {  	[tilespmem:s11], [sflag:$0x2] =	stream.indirect_vreg.gather [hbm4b:s2+s31], $0x80, v5, vm0, $0xb8;
	[tilespmem:$0x1E180] =	vst v63  }
0xcc: {  	_ =	swait.ge [sflag:s18], $0x4000  }
0xcd: {  	s12 =	sshll.u32 s14, $0xE;
	s19 =	rddreg [dreg:$0x14]  }
0xce: {  	s3 =	sadd.s32 s19, s12  }
0xcf: {  	[sflag:s18] =	ssyncset.done $0x0;
	s3 =	sshrl.u32 s3, $0x3  }
0xd0: {  	[sflag:s18] =	ssyncadd.s32 $0xFFFFC000;
	s19 =	simm.s32 $0x18080;
	s3 =	sadd.s32 s6, s3  }
0xd1: {  	[tilespmem:s19], [sflag:$0x3] =	stream.linear.gather [hbm4b:s3+s31], $0x2000, $0x38;
	[tilespmem:$0x1E180] =	vst v63  }
0xd2: {  	_ =	swait.ge [sflag:s16], $0x2000  }
0xd3: {  	[sflag:s16] =	ssyncset.done $0x0  }
0xd4: {  	[sflag:s16] =	ssyncadd.s32 $0xFFFFE000  }
0xd5: {  	v5 =	vld [tilespmem:s19+$0x0];
	_ =	sdelay $0x4  }
0xd6: {  	v5 =	vsub.s32 v5, v4  }
0xd7: {  	vm1 =	vlt.u32 v5, $0x40  }
0xd8: {  	v5 =	vnsel vm1, $0x0, v5  }
0xd9: {  	(v2sf) =	vpush v5, $0x0;
	_ =	sdelay $0xc  }
0xda: {  	s7 =	sand.u32 $0x3800, s31;
	s8 =	sand.u32 $0x380, s31  }
0xdb: {  	s7 =	sor.u32 s8, s7  }
0xdc: {  	s3 =	sadd.s32 $0x12000, s7;
	s9 =	spop (v2sf)  }
0xdd: {  	v5 =	vld [tilespmem:s3+$0x400];
	s11 =	sshll.u32 s9, $0x7  }
0xde: {  	v6 =	vld [tilespmem:s11+$0x16000];
	_ =	sdelay $0x4  }
0xdf: {  	v5 =	vadd.f32 v5, v6;
	_ =	sdelay $0x1  }
0xe0: {  	v6 =	vmul.f32 $2.000000030e-01, v5  }
0xe1: {  	vm2 =	vgt.f32 v5, $0.0e+00  }
0xe2: {  	v5 =	vsel vm2, v5, v6  }
0xe3: {  	v5 =	vmul.f32 $1.442695020e+00, v5;
	_ =	sdelay $0x1  }
0xe4: {  	(erf) = vpow2.f32 v5;
	_ =	sdelay $0x8  }
0xe5: {  	v5 =	vsel vm1, $0x3F800000, v3;
	v6 =	vpop (erf)  }
0xe6: {  	v8 =	vmul.f32 v6, v5;
	_ =	sdelay $0x1  }
0xe7: {  	[tilespmem:s11+$0x10000] =	vst.add.f32.msk $0xffff, v8  }
0xe8: {  	v13 =	vld [tilespmem:s7+$0x12000];
	_ =	sdelay $0x2  }
0xe9: {  	v9 =	vbroadcast v8, $0x0  }
0xea: {  	s10 =	sshll.u32 s9, $0xA;
	v10 =	vbroadcast v8, $0x1  }
0xeb: {  	s11 =	sand.u32 $0x380, s11;
	v11 =	vbroadcast v8, $0x2;
	s7 =	sand.u32 $0xFFFFE000, s10;
	v5 =	vmul.f32 v13, v9  }
0xec: {  	v12 =	vbroadcast v8, $0x3;
	s8 =	sor.u32 s11, s7;
	v14 =	vmul.f32 v13, v10  }
0xed: {  	v6 =	vbroadcast v8, $0x4;
	s7 =	sor.u32 $0x400, s8;
	v15 =	vmul.f32 v13, v11;
	[tilespmem:s8+$0x0] =	vst.add.f32.msk $0xffff, v5  }
0xee: {  	v7 =	vbroadcast v8, $0x5;
	s12 =	sor.u32 $0x800, s8;
	v16 =	vmul.f32 v13, v12;
	[tilespmem:s7+$0x0] =	vst.add.f32.msk $0xffff, v14  }
0xef: {  	s18 =	sor.u32 $0xC00, s8;
	v62 =	vmul.f32 v13, v6;
	v5 =	vbroadcast v8, $0x6;
	[tilespmem:s12+$0x0] =	vst.add.f32.msk $0xffff, v15  }
0xf0: {  	s9 =	sor.u32 $0x1000, s8;
	v63 =	vmul.f32 v13, v7;
	v8 =	vbroadcast v8, $0x7;
	[tilespmem:s18+$0x0] =	vst.add.f32.msk $0xffff, v16  }
0xf1: {  	s10 =	sor.u32 $0x1400, s8;
	v20 =	vmul.f32 v13, v5;
	[tilespmem:s9+$0x0] =	vst.add.f32.msk $0xffff, v62  }
0xf2: {  	s12 =	sor.u32 $0x1800, s8;
	v13 =	vmul.f32 v13, v8;
	[tilespmem:s10+$0x0] =	vst.add.f32.msk $0xffff, v63  }
0xf3: {  	s18 =	sor.u32 $0x1C00, s8;
	[tilespmem:s12+$0x0] =	vst.add.f32.msk $0xffff, v20  }
0xf4: {  	[tilespmem:s18+$0x0] =	vst.add.f32.msk $0xffff, v13  }
0xf5: {  	v13 =	vld [tilespmem:s3+$0x10];
	_ =	sdelay $0x4  }
0xf6: {  	v21 =	vmul.f32 v13, v9  }
0xf7: {  	s9 =	sor.u32 $0x10, s8;
	v22 =	vmul.f32 v13, v10  }
0xf8: {  	s10 =	sor.u32 $0x410, s8;
	v23 =	vmul.f32 v13, v11;
	[tilespmem:s9+$0x0] =	vst.add.f32.msk $0xffff, v21  }
0xf9: {  	s12 =	sor.u32 $0x810, s8;
	v24 =	vmul.f32 v13, v12;
	[tilespmem:s10+$0x0] =	vst.add.f32.msk $0xffff, v22  }
0xfa: {  	s18 =	sor.u32 $0xC10, s8;
	v25 =	vmul.f32 v13, v6;
	[tilespmem:s12+$0x0] =	vst.add.f32.msk $0xffff, v23  }
0xfb: {  	v26 =	vmul.f32 v13, v7;
	s9 =	sor.u32 $0x1010, s8;
	[tilespmem:s18+$0x0] =	vst.add.f32.msk $0xffff, v24  }
0xfc: {  	v27 =	vmul.f32 v13, v5;
	s10 =	sor.u32 $0x1410, s8;
	[tilespmem:s9+$0x0] =	vst.add.f32.msk $0xffff, v25  }
0xfd: {  	v13 =	vmul.f32 v13, v8;
	s12 =	sor.u32 $0x1810, s8;
	[tilespmem:s10+$0x0] =	vst.add.f32.msk $0xffff, v26  }
0xfe: {  	s18 =	sor.u32 $0x1C10, s8;
	[tilespmem:s12+$0x0] =	vst.add.f32.msk $0xffff, v27  }
0xff: {  	[tilespmem:s18+$0x0] =	vst.add.f32.msk $0xffff, v13  }
0x100: {  	v13 =	vld [tilespmem:s3+$0x20];
	_ =	sdelay $0x4  }
0x101: {  	v28 =	vmul.f32 v13, v9  }
0x102: {  	s9 =	sor.u32 $0x20, s8;
	v29 =	vmul.f32 v13, v10  }
0x103: {  	s10 =	sor.u32 $0x420, s8;
	v30 =	vmul.f32 v13, v11;
	[tilespmem:s9+$0x0] =	vst.add.f32.msk $0xffff, v28  }
0x104: {  	s12 =	sor.u32 $0x820, s8;
	v31 =	vmul.f32 v13, v12;
	[tilespmem:s10+$0x0] =	vst.add.f32.msk $0xffff, v29  }
0x105: {  	s18 =	sor.u32 $0xC20, s8;
	v32 =	vmul.f32 v13, v6;
	[tilespmem:s12+$0x0] =	vst.add.f32.msk $0xffff, v30  }
0x106: {  	v33 =	vmul.f32 v13, v7;
	s9 =	sor.u32 $0x1020, s8;
	[tilespmem:s18+$0x0] =	vst.add.f32.msk $0xffff, v31  }
0x107: {  	v34 =	vmul.f32 v13, v5;
	s10 =	sor.u32 $0x1420, s8;
	[tilespmem:s9+$0x0] =	vst.add.f32.msk $0xffff, v32  }
0x108: {  	v13 =	vmul.f32 v13, v8;
	s12 =	sor.u32 $0x1820, s8;
	[tilespmem:s10+$0x0] =	vst.add.f32.msk $0xffff, v33  }
0x109: {  	s18 =	sor.u32 $0x1C20, s8;
	[tilespmem:s12+$0x0] =	vst.add.f32.msk $0xffff, v34  }
0x10a: {  	[tilespmem:s18+$0x0] =	vst.add.f32.msk $0xffff, v13  }
0x10b: {  	v13 =	vld [tilespmem:s3+$0x30];
	_ =	sdelay $0x4  }
0x10c: {  	v35 =	vmul.f32 v13, v9  }
0x10d: {  	s9 =	sor.u32 $0x30, s8;
	v36 =	vmul.f32 v13, v10  }
0x10e: {  	s10 =	sor.u32 $0x430, s8;
	v37 =	vmul.f32 v13, v11;
	[tilespmem:s9+$0x0] =	vst.add.f32.msk $0xffff, v35  }
0x10f: {  	s12 =	sor.u32 $0x830, s8;
	v38 =	vmul.f32 v13, v12;
	[tilespmem:s10+$0x0] =	vst.add.f32.msk $0xffff, v36  }
0x110: {  	s18 =	sor.u32 $0xC30, s8;
	v39 =	vmul.f32 v13, v6;
	[tilespmem:s12+$0x0] =	vst.add.f32.msk $0xffff, v37  }
0x111: {  	v40 =	vmul.f32 v13, v7;
	s9 =	sor.u32 $0x1030, s8;
	[tilespmem:s18+$0x0] =	vst.add.f32.msk $0xffff, v38  }
0x112: {  	v41 =	vmul.f32 v13, v5;
	s10 =	sor.u32 $0x1430, s8;
	[tilespmem:s9+$0x0] =	vst.add.f32.msk $0xffff, v39  }
0x113: {  	v13 =	vmul.f32 v13, v8;
	s12 =	sor.u32 $0x1830, s8;
	[tilespmem:s10+$0x0] =	vst.add.f32.msk $0xffff, v40  }
0x114: {  	s18 =	sor.u32 $0x1C30, s8;
	[tilespmem:s12+$0x0] =	vst.add.f32.msk $0xffff, v41  }
0x115: {  	[tilespmem:s18+$0x0] =	vst.add.f32.msk $0xffff, v13  }
0x116: {  	v13 =	vld [tilespmem:s3+$0x40];
	_ =	sdelay $0x4  }
0x117: {  	v42 =	vmul.f32 v13, v9  }
0x118: {  	s9 =	sor.u32 $0x40, s8;
	v43 =	vmul.f32 v13, v10  }
0x119: {  	s10 =	sor.u32 $0x440, s8;
	v44 =	vmul.f32 v13, v11;
	[tilespmem:s9+$0x0] =	vst.add.f32.msk $0xffff, v42  }
0x11a: {  	s12 =	sor.u32 $0x840, s8;
	v45 =	vmul.f32 v13, v12;
	[tilespmem:s10+$0x0] =	vst.add.f32.msk $0xffff, v43  }
0x11b: {  	s18 =	sor.u32 $0xC40, s8;
	v46 =	vmul.f32 v13, v6;
	[tilespmem:s12+$0x0] =	vst.add.f32.msk $0xffff, v44  }
0x11c: {  	v47 =	vmul.f32 v13, v7;
	s9 =	sor.u32 $0x1040, s8;
	[tilespmem:s18+$0x0] =	vst.add.f32.msk $0xffff, v45  }
0x11d: {  	v48 =	vmul.f32 v13, v5;
	s10 =	sor.u32 $0x1440, s8;
	[tilespmem:s9+$0x0] =	vst.add.f32.msk $0xffff, v46  }
0x11e: {  	v13 =	vmul.f32 v13, v8;
	s12 =	sor.u32 $0x1840, s8;
	[tilespmem:s10+$0x0] =	vst.add.f32.msk $0xffff, v47  }
0x11f: {  	s18 =	sor.u32 $0x1C40, s8;
	[tilespmem:s12+$0x0] =	vst.add.f32.msk $0xffff, v48  }
0x120: {  	[tilespmem:s18+$0x0] =	vst.add.f32.msk $0xffff, v13  }
0x121: {  	v13 =	vld [tilespmem:s3+$0x50];
	_ =	sdelay $0x4  }
0x122: {  	v49 =	vmul.f32 v13, v9  }
0x123: {  	s9 =	sor.u32 $0x50, s8;
	v50 =	vmul.f32 v13, v10  }
0x124: {  	s10 =	sor.u32 $0x450, s8;
	v51 =	vmul.f32 v13, v11;
	[tilespmem:s9+$0x0] =	vst.add.f32.msk $0xffff, v49  }
0x125: {  	s12 =	sor.u32 $0x850, s8;
	v52 =	vmul.f32 v13, v12;
	[tilespmem:s10+$0x0] =	vst.add.f32.msk $0xffff, v50  }
0x126: {  	s18 =	sor.u32 $0xC50, s8;
	v53 =	vmul.f32 v13, v6;
	[tilespmem:s12+$0x0] =	vst.add.f32.msk $0xffff, v51  }
0x127: {  	v54 =	vmul.f32 v13, v7;
	s9 =	sor.u32 $0x1050, s8;
	[tilespmem:s18+$0x0] =	vst.add.f32.msk $0xffff, v52  }
0x128: {  	v55 =	vmul.f32 v13, v5;
	s10 =	sor.u32 $0x1450, s8;
	[tilespmem:s9+$0x0] =	vst.add.f32.msk $0xffff, v53  }
0x129: {  	v13 =	vmul.f32 v13, v8;
	s12 =	sor.u32 $0x1850, s8;
	[tilespmem:s10+$0x0] =	vst.add.f32.msk $0xffff, v54  }
0x12a: {  	s18 =	sor.u32 $0x1C50, s8;
	[tilespmem:s12+$0x0] =	vst.add.f32.msk $0xffff, v55  }
0x12b: {  	[tilespmem:s18+$0x0] =	vst.add.f32.msk $0xffff, v13  }
0x12c: {  	v13 =	vld [tilespmem:s3+$0x60];
	_ =	sdelay $0x4  }
0x12d: {  	v56 =	vmul.f32 v13, v9  }
0x12e: {  	s9 =	sor.u32 $0x60, s8;
	v57 =	vmul.f32 v13, v10  }
0x12f: {  	s10 =	sor.u32 $0x460, s8;
	v58 =	vmul.f32 v13, v11;
	[tilespmem:s9+$0x0] =	vst.add.f32.msk $0xffff, v56  }
0x130: {  	s12 =	sor.u32 $0x860, s8;
	v59 =	vmul.f32 v13, v12;
	[tilespmem:s10+$0x0] =	vst.add.f32.msk $0xffff, v57  }
0x131: {  	s18 =	sor.u32 $0xC60, s8;
	v60 =	vmul.f32 v13, v6;
	[tilespmem:s12+$0x0] =	vst.add.f32.msk $0xffff, v58  }
0x132: {  	v61 =	vmul.f32 v13, v7;
	s9 =	sor.u32 $0x1060, s8;
	[tilespmem:s18+$0x0] =	vst.add.f32.msk $0xffff, v59  }
0x133: {  	v62 =	vmul.f32 v13, v5;
	s10 =	sor.u32 $0x1460, s8;
	[tilespmem:s9+$0x0] =	vst.add.f32.msk $0xffff, v60  }
0x134: {  	v13 =	vmul.f32 v13, v8;
	s12 =	sor.u32 $0x1860, s8;
	[tilespmem:s10+$0x0] =	vst.add.f32.msk $0xffff, v61  }
0x135: {  	s18 =	sor.u32 $0x1C60, s8;
	[tilespmem:s12+$0x0] =	vst.add.f32.msk $0xffff, v62  }
0x136: {  	[tilespmem:s18+$0x0] =	vst.add.f32.msk $0xffff, v13  }
0x137: {  	v13 =	vld [tilespmem:s3+$0x70];
	_ =	sdelay $0x4  }
0x138: {  	v9 =	vmul.f32 v13, v9  }
0x139: {  	s9 =	sor.u32 $0x70, s8;
	v10 =	vmul.f32 v13, v10  }
0x13a: {  	s10 =	sor.u32 $0x470, s8;
	v11 =	vmul.f32 v13, v11;
	[tilespmem:s9+$0x0] =	vst.add.f32.msk $0xffff, v9  }
0x13b: {  	s11 =	sor.u32 $0x870, s8;
	v63 =	vmul.f32 v13, v12;
	[tilespmem:s10+$0x0] =	vst.add.f32.msk $0xffff, v10  }
0x13c: {  	p0 =	slt.s32 s0, s13;
	s7 =	smov.u32 s13;
	s12 =	sor.u32 $0xC70, s8;
	v6 =	vmul.f32 v13, v6;
	[tilespmem:s11+$0x0] =	vst.add.f32.msk $0xffff, v11  }
0x13d: {  	s7 =	smov.u32 @p0 s0;
	s18 =	sor.u32 $0x1070, s8;
	v7 =	vmul.f32 v13, v7;
	[tilespmem:s12+$0x0] =	vst.add.f32.msk $0xffff, v63  }
0x13e: {  	s3 =	sadd.s32 s5, s7;
	s7 =	simm.s32 $0x100;
	v5 =	vmul.f32 v13, v5;
	s9 =	sor.u32 $0x1470, s8;
	[tilespmem:s18+$0x0] =	vst.add.f32.msk $0xffff, v6  }
0x13f: {  	s11 =	sor.u32 $0x1870, s8;
	s8 =	sor.u32 $0x1C70, s8;
	v6 =	vmul.f32 v13, v8;
	s18 =	simm.s32 $0x0;
	[tilespmem:s9+$0x0] =	vst.add.f32.msk $0xffff, v7  }
.LBB2_7:
0x140: {  	p0 =	sne.s32 s7, $0x3F00;
	[tilespmem:s11+$0x0] =	vst.add.f32.msk $0xffff, v5;
	s18 =	sadd.s32 $0x80, s18;
	s19 =	sadd.s32 $0x80, s19  }
0x141: {  	[tilespmem:s8+$0x0] =	vst.add.f32.msk $0xffff, v6;
	s8 =	smov.u32 s7;
	s7 =	sadd.s32 $0x100, s7  }
0x142: {  	v5 =	vld [tilespmem:s19+$0x0];
	_ =	sdelay $0x4  }
0x143: {  	v5 =	vsub.s32 v5, v4  }
0x144: {  	vm1 =	vlt.u32 v5, $0x40  }
0x145: {  	v5 =	vnsel vm1, $0x0, v5  }
0x146: {  	(v2sf) =	vpush v5, $0x0;
	_ =	sdelay $0xc  }
0x147: {  	s9 =	sand.u32 $0x380, s18;
	s8 =	sand.u32 $0x3800, s8  }
0x148: {  	s9 =	sor.u32 s9, s8  }
0x149: {  	s11 =	sadd.s32 $0x12000, s9;
	s8 =	spop (v2sf)  }
0x14a: {  	s10 =	sshll.u32 s8, $0x7;
	v5 =	vld [tilespmem:s11+$0x400];
	s8 =	sshll.u32 s8, $0xA  }
0x14b: {  	v6 =	vld [tilespmem:s10+$0x16000];
	s8 =	sand.u32 $0xFFFFE000, s8;
	s12 =	sand.u32 $0x380, s10  }
0x14c: {  	s8 =	sor.u32 s12, s8;
	_ =	sdelay $0x3  }
0x14d: {  	v5 =	vadd.f32 v5, v6;
	_ =	sdelay $0x1  }
0x14e: {  	vm2 =	vgt.f32 v5, $0.0e+00;
	v6 =	vmul.f32 $2.000000030e-01, v5;
	_ =	sdelay $0x1  }
0x14f: {  	v5 =	vsel vm2, v5, v6  }
0x150: {  	v5 =	vmul.f32 $1.442695020e+00, v5;
	_ =	sdelay $0x1  }
0x151: {  	(erf) = vpow2.f32 v5;
	_ =	sdelay $0x7  }
0x152: {  	v5 =	vsel vm1, $0x3F800000, v3  }
0x153: {  	v6 =	vpop (erf)  }
0x154: {  	v12 =	vmul.f32 v6, v5;
	_ =	sdelay $0x1  }
0x155: {  	[tilespmem:s10+$0x10000] =	vst.add.f32.msk $0xffff, v12  }
0x156: {  	v13 =	vld [tilespmem:s9+$0x12000];
	_ =	sdelay $0x1  }
0x157: {  	v10 =	vbroadcast v12, $0x0  }
0x158: {  	v11 =	vbroadcast v12, $0x1  }
0x159: {  	v8 =	vbroadcast v12, $0x2;
	v5 =	vbroadcast v12, $0x3  }
0x15a: {  	v9 =	vmul.f32 v13, v10;
	v14 =	vmul.f32 v13, v11  }
0x15b: {  	v6 =	vbroadcast v12, $0x4;
	s9 =	sor.u32 $0x400, s8;
	v15 =	vmul.f32 v13, v8  }
0x15c: {  	s10 =	sor.u32 $0x800, s8;
	v7 =	vbroadcast v12, $0x5;
	v16 =	vmul.f32 v13, v5;
	[tilespmem:s8+$0x0] =	vst.add.f32.msk $0xffff, v9  }
0x15d: {  	s12 =	sor.u32 $0xC00, s8;
	v9 =	vbroadcast v12, $0x6;
	[tilespmem:s9+$0x0] =	vst.add.f32.msk $0xffff, v14;
	v14 =	vmul.f32 v13, v6  }
0x15e: {  	v12 =	vbroadcast v12, $0x7;
	s9 =	sor.u32 $0x1000, s8;
	[tilespmem:s10+$0x0] =	vst.add.f32.msk $0xffff, v15;
	v15 =	vmul.f32 v13, v7  }
0x15f: {  	s10 =	sor.u32 $0x1400, s8;
	[tilespmem:s12+$0x0] =	vst.add.f32.msk $0xffff, v16;
	v16 =	vmul.f32 v13, v9  }
0x160: {  	s12 =	sor.u32 $0x1800, s8;
	v13 =	vmul.f32 v13, v12;
	[tilespmem:s9+$0x0] =	vst.add.f32.msk $0xffff, v14  }
0x161: {  	s9 =	sor.u32 $0x1C00, s8;
	[tilespmem:s10+$0x0] =	vst.add.f32.msk $0xffff, v15  }
0x162: {  	[tilespmem:s12+$0x0] =	vst.add.f32.msk $0xffff, v16  }
0x163: {  	[tilespmem:s9+$0x0] =	vst.add.f32.msk $0xffff, v13  }
0x164: {  	v13 =	vld [tilespmem:s11+$0x10];
	_ =	sdelay $0x4  }
0x165: {  	s9 =	sor.u32 $0x10, s8;
	v14 =	vmul.f32 v13, v10;
	v15 =	vmul.f32 v13, v11  }
0x166: {  	s10 =	sor.u32 $0x410, s8;
	v16 =	vmul.f32 v13, v8  }
0x167: {  	[tilespmem:s9+$0x0] =	vst.add.f32.msk $0xffff, v14;
	s9 =	sor.u32 $0x810, s8;
	v14 =	vmul.f32 v13, v5  }
0x168: {  	[tilespmem:s10+$0x0] =	vst.add.f32.msk $0xffff, v15;
	s10 =	sor.u32 $0xC10, s8;
	v15 =	vmul.f32 v13, v6  }
0x169: {  	[tilespmem:s9+$0x0] =	vst.add.f32.msk $0xffff, v16;
	s9 =	sor.u32 $0x1010, s8;
	v16 =	vmul.f32 v13, v7  }
0x16a: {  	[tilespmem:s10+$0x0] =	vst.add.f32.msk $0xffff, v14;
	s10 =	sor.u32 $0x1410, s8;
	v14 =	vmul.f32 v13, v9  }
0x16b: {  	v13 =	vmul.f32 v13, v12;
	[tilespmem:s9+$0x0] =	vst.add.f32.msk $0xffff, v15;
	s9 =	sor.u32 $0x1810, s8  }
0x16c: {  	[tilespmem:s10+$0x0] =	vst.add.f32.msk $0xffff, v16;
	s10 =	sor.u32 $0x1C10, s8  }
0x16d: {  	[tilespmem:s9+$0x0] =	vst.add.f32.msk $0xffff, v14  }
0x16e: {  	[tilespmem:s10+$0x0] =	vst.add.f32.msk $0xffff, v13  }
0x16f: {  	v13 =	vld [tilespmem:s11+$0x20];
	_ =	sdelay $0x4  }
0x170: {  	s9 =	sor.u32 $0x20, s8;
	v14 =	vmul.f32 v13, v10;
	v15 =	vmul.f32 v13, v11  }
0x171: {  	s10 =	sor.u32 $0x420, s8;
	v16 =	vmul.f32 v13, v8  }
0x172: {  	[tilespmem:s9+$0x0] =	vst.add.f32.msk $0xffff, v14;
	s9 =	sor.u32 $0x820, s8;
	v14 =	vmul.f32 v13, v5  }
0x173: {  	[tilespmem:s10+$0x0] =	vst.add.f32.msk $0xffff, v15;
	s10 =	sor.u32 $0xC20, s8;
	v15 =	vmul.f32 v13, v6  }
0x174: {  	[tilespmem:s9+$0x0] =	vst.add.f32.msk $0xffff, v16;
	s9 =	sor.u32 $0x1020, s8;
	v16 =	vmul.f32 v13, v7  }
0x175: {  	[tilespmem:s10+$0x0] =	vst.add.f32.msk $0xffff, v14;
	s10 =	sor.u32 $0x1420, s8;
	v14 =	vmul.f32 v13, v9  }
0x176: {  	v13 =	vmul.f32 v13, v12;
	[tilespmem:s9+$0x0] =	vst.add.f32.msk $0xffff, v15;
	s9 =	sor.u32 $0x1820, s8  }
0x177: {  	[tilespmem:s10+$0x0] =	vst.add.f32.msk $0xffff, v16;
	s10 =	sor.u32 $0x1C20, s8  }
0x178: {  	[tilespmem:s9+$0x0] =	vst.add.f32.msk $0xffff, v14  }
0x179: {  	[tilespmem:s10+$0x0] =	vst.add.f32.msk $0xffff, v13  }
0x17a: {  	v13 =	vld [tilespmem:s11+$0x30];
	_ =	sdelay $0x4  }
0x17b: {  	s9 =	sor.u32 $0x30, s8;
	v14 =	vmul.f32 v13, v10;
	v15 =	vmul.f32 v13, v11  }
0x17c: {  	s10 =	sor.u32 $0x430, s8;
	v16 =	vmul.f32 v13, v8  }
0x17d: {  	[tilespmem:s9+$0x0] =	vst.add.f32.msk $0xffff, v14;
	s9 =	sor.u32 $0x830, s8;
	v14 =	vmul.f32 v13, v5  }
0x17e: {  	[tilespmem:s10+$0x0] =	vst.add.f32.msk $0xffff, v15;
	s10 =	sor.u32 $0xC30, s8;
	v15 =	vmul.f32 v13, v6  }
0x17f: {  	[tilespmem:s9+$0x0] =	vst.add.f32.msk $0xffff, v16;
	s9 =	sor.u32 $0x1030, s8;
	v16 =	vmul.f32 v13, v7  }
0x180: {  	[tilespmem:s10+$0x0] =	vst.add.f32.msk $0xffff, v14;
	s10 =	sor.u32 $0x1430, s8;
	v14 =	vmul.f32 v13, v9  }
0x181: {  	v13 =	vmul.f32 v13, v12;
	[tilespmem:s9+$0x0] =	vst.add.f32.msk $0xffff, v15;
	s9 =	sor.u32 $0x1830, s8  }
0x182: {  	[tilespmem:s10+$0x0] =	vst.add.f32.msk $0xffff, v16;
	s10 =	sor.u32 $0x1C30, s8  }
0x183: {  	[tilespmem:s9+$0x0] =	vst.add.f32.msk $0xffff, v14  }
0x184: {  	[tilespmem:s10+$0x0] =	vst.add.f32.msk $0xffff, v13  }
0x185: {  	v13 =	vld [tilespmem:s11+$0x40];
	_ =	sdelay $0x4  }
0x186: {  	s9 =	sor.u32 $0x40, s8;
	v14 =	vmul.f32 v13, v10;
	v15 =	vmul.f32 v13, v11  }
0x187: {  	s10 =	sor.u32 $0x440, s8;
	v16 =	vmul.f32 v13, v8  }
0x188: {  	[tilespmem:s9+$0x0] =	vst.add.f32.msk $0xffff, v14;
	s9 =	sor.u32 $0x840, s8;
	v14 =	vmul.f32 v13, v5  }
0x189: {  	[tilespmem:s10+$0x0] =	vst.add.f32.msk $0xffff, v15;
	s10 =	sor.u32 $0xC40, s8;
	v15 =	vmul.f32 v13, v6  }
0x18a: {  	[tilespmem:s9+$0x0] =	vst.add.f32.msk $0xffff, v16;
	s9 =	sor.u32 $0x1040, s8;
	v16 =	vmul.f32 v13, v7  }
0x18b: {  	[tilespmem:s10+$0x0] =	vst.add.f32.msk $0xffff, v14;
	s10 =	sor.u32 $0x1440, s8;
	v14 =	vmul.f32 v13, v9  }
0x18c: {  	v13 =	vmul.f32 v13, v12;
	[tilespmem:s9+$0x0] =	vst.add.f32.msk $0xffff, v15;
	s9 =	sor.u32 $0x1840, s8  }
0x18d: {  	[tilespmem:s10+$0x0] =	vst.add.f32.msk $0xffff, v16;
	s10 =	sor.u32 $0x1C40, s8  }
0x18e: {  	[tilespmem:s9+$0x0] =	vst.add.f32.msk $0xffff, v14  }
0x18f: {  	[tilespmem:s10+$0x0] =	vst.add.f32.msk $0xffff, v13  }
0x190: {  	v13 =	vld [tilespmem:s11+$0x50];
	_ =	sdelay $0x4  }
0x191: {  	s9 =	sor.u32 $0x50, s8;
	v14 =	vmul.f32 v13, v10;
	v15 =	vmul.f32 v13, v11  }
0x192: {  	s10 =	sor.u32 $0x450, s8;
	v16 =	vmul.f32 v13, v8  }
0x193: {  	[tilespmem:s9+$0x0] =	vst.add.f32.msk $0xffff, v14;
	s9 =	sor.u32 $0x850, s8;
	v14 =	vmul.f32 v13, v5  }
0x194: {  	[tilespmem:s10+$0x0] =	vst.add.f32.msk $0xffff, v15;
	s10 =	sor.u32 $0xC50, s8;
	v15 =	vmul.f32 v13, v6  }
0x195: {  	[tilespmem:s9+$0x0] =	vst.add.f32.msk $0xffff, v16;
	s9 =	sor.u32 $0x1050, s8;
	v16 =	vmul.f32 v13, v7  }
0x196: {  	[tilespmem:s10+$0x0] =	vst.add.f32.msk $0xffff, v14;
	s10 =	sor.u32 $0x1450, s8;
	v14 =	vmul.f32 v13, v9  }
0x197: {  	v13 =	vmul.f32 v13, v12;
	[tilespmem:s9+$0x0] =	vst.add.f32.msk $0xffff, v15;
	s9 =	sor.u32 $0x1850, s8  }
0x198: {  	[tilespmem:s10+$0x0] =	vst.add.f32.msk $0xffff, v16;
	s10 =	sor.u32 $0x1C50, s8  }
0x199: {  	[tilespmem:s9+$0x0] =	vst.add.f32.msk $0xffff, v14  }
0x19a: {  	[tilespmem:s10+$0x0] =	vst.add.f32.msk $0xffff, v13  }
0x19b: {  	v13 =	vld [tilespmem:s11+$0x60];
	_ =	sdelay $0x4  }
0x19c: {  	s9 =	sor.u32 $0x60, s8;
	v14 =	vmul.f32 v13, v10;
	v15 =	vmul.f32 v13, v11  }
0x19d: {  	s10 =	sor.u32 $0x460, s8;
	v16 =	vmul.f32 v13, v8  }
0x19e: {  	[tilespmem:s9+$0x0] =	vst.add.f32.msk $0xffff, v14;
	s9 =	sor.u32 $0x860, s8;
	v14 =	vmul.f32 v13, v5  }
0x19f: {  	[tilespmem:s10+$0x0] =	vst.add.f32.msk $0xffff, v15;
	s10 =	sor.u32 $0xC60, s8;
	v15 =	vmul.f32 v13, v6  }
0x1a0: {  	[tilespmem:s9+$0x0] =	vst.add.f32.msk $0xffff, v16;
	s9 =	sor.u32 $0x1060, s8;
	v16 =	vmul.f32 v13, v7  }
0x1a1: {  	[tilespmem:s10+$0x0] =	vst.add.f32.msk $0xffff, v14;
	s10 =	sor.u32 $0x1460, s8;
	v14 =	vmul.f32 v13, v9  }
0x1a2: {  	v13 =	vmul.f32 v13, v12;
	[tilespmem:s9+$0x0] =	vst.add.f32.msk $0xffff, v15;
	s9 =	sor.u32 $0x1860, s8  }
0x1a3: {  	[tilespmem:s10+$0x0] =	vst.add.f32.msk $0xffff, v16;
	s10 =	sor.u32 $0x1C60, s8  }
0x1a4: {  	[tilespmem:s9+$0x0] =	vst.add.f32.msk $0xffff, v14  }
0x1a5: {  	[tilespmem:s10+$0x0] =	vst.add.f32.msk $0xffff, v13  }
0x1a6: {  	v13 =	vld [tilespmem:s11+$0x70];
	_ =	sdelay $0x4  }
0x1a7: {  	s9 =	sor.u32 $0x70, s8;
	v10 =	vmul.f32 v13, v10;
	v11 =	vmul.f32 v13, v11  }
0x1a8: {  	s10 =	sor.u32 $0x470, s8;
	v8 =	vmul.f32 v13, v8  }
0x1a9: {  	v5 =	vmul.f32 v13, v5;
	[tilespmem:s9+$0x0] =	vst.add.f32.msk $0xffff, v10;
	s9 =	sor.u32 $0x870, s8  }
.Ltmp6:
0x1aa: {  	v6 =	vmul.f32 v13, v6;
	[tilespmem:s10+$0x0] =	vst.add.f32.msk $0xffff, v11;
	s10 =	sor.u32 $0xC70, s8;
	(pc) =	sbr.rel @p0 .LBB2_7-.Ltmp6, $4  }
0x1ab: {  	v7 =	vmul.f32 v13, v7;
	[tilespmem:s9+$0x0] =	vst.add.f32.msk $0xffff, v8;
	s9 =	sor.u32 $0x1070, s8  }
0x1ac: {  	[tilespmem:s10+$0x0] =	vst.add.f32.msk $0xffff, v5;
	s10 =	sor.u32 $0x1470, s8;
	v5 =	vmul.f32 v13, v9  }
0x1ad: {  	s11 =	sor.u32 $0x1870, s8;
	[tilespmem:s9+$0x0] =	vst.add.f32.msk $0xffff, v6;
	v6 =	vmul.f32 v13, v12  }
0x1ae: {  	s8 =	sor.u32 $0x1C70, s8;
	[tilespmem:s10+$0x0] =	vst.add.f32.msk $0xffff, v7  }
0x1af: {  	s7 =	sshll.u32 s14, $0x1  }
0x1b0: {  	s7 =	sadd.s32 $0x2, s7  }
0x1b1: {  	p0 =	sle.s32 s13, s7  }
.Ltmp7:
0x1b2: {  	_ = 	snop;
	(pc) =	sbr.rel @p0 .LBB2_10-.Ltmp7, $3  }
0x1b3: {  	_ =	sdelay $0x1  }
0x1b4: {  	[tilespmem:s11+$0x0] =	vst.add.f32.msk $0xffff, v5  }
0x1b5: {  	[tilespmem:s8+$0x0] =	vst.add.f32.msk $0xffff, v6;
	s7 =	smov.u32 s30  }
.LBB2_9:
0x1b6: {  	s8 =	sshrl.u32 s7, $0x3  }
0x1b7: {  	s8 =	sadd.s32 s4, s8  }
0x1b8: {  	[tilespmem:s20], [sflag:$0x3] =	stream.linear.gather [hbm4b:s8+s1], $0x40, $0x38;
	[tilespmem:$0x1E180] =	vst v63  }
0x1b9: {  	_ =	swait.ge [sflag:s16], $0x40  }
0x1ba: {  	[sflag:s16] =	ssyncset.done $0x0  }
0x1bb: {  	[sflag:s16] =	ssyncadd.s32 $0xFFFFFFC0  }
0x1bc: {  	v5 =	vld [tilespmem:$0x18000];
	_ =	sdelay $0x4  }
0x1bd: {  	v6 =	vshll.u32 v5, $0x1  }
0x1be: {  	v5 =	vand.u32 $0x7, v5;
	v6 =	vand.u32 $0xFFFFFFF0, v6  }
0x1bf: {  	v5 =	vor.u32 v5, v6  }
0x1c0: {  	v6 =	vperm.xlane v5, v0;
	_ =	sdelay $0x1  }
0x1c1: {  	v5 =	vperm.xlane v5, v2;
	v6 =	vadd.s32 v1, v6;
	_ =	sdelay $0x1  }
0x1c2: {  	v5 =	vadd.s32 v1, v5;
	_ =	sdelay $0x2  }
0x1c3: {  	[tilespmem:s21], [sflag:$0x1] =	stream.indirect_vreg.gather [hbm4b:s2+s1], $0x80, v6, vm0, $0xb8;
	[tilespmem:$0x1E180] =	vst v63  }
0x1c4: {  	_ = 	snop  }
0x1c5: {  	[tilespmem:s22], [sflag:$0x1] =	stream.indirect_vreg.gather [hbm4b:s2+s1], $0x80, v5, vm0, $0xb8;
	[tilespmem:$0x1E180] =	vst v63  }
0x1c6: {  	v5 =	vld [tilespmem:$0x18010];
	_ =	sdelay $0x4  }
0x1c7: {  	v6 =	vshll.u32 v5, $0x1  }
0x1c8: {  	v5 =	vand.u32 $0x7, v5;
	v6 =	vand.u32 $0xFFFFFFF0, v6  }
0x1c9: {  	v5 =	vor.u32 v5, v6  }
0x1ca: {  	v6 =	vperm.xlane v5, v0;
	_ =	sdelay $0x1  }
0x1cb: {  	v5 =	vperm.xlane v5, v2;
	v6 =	vadd.s32 v1, v6;
	_ =	sdelay $0x1  }
0x1cc: {  	v5 =	vadd.s32 v1, v5;
	_ =	sdelay $0x2  }
0x1cd: {  	[tilespmem:s23], [sflag:$0x1] =	stream.indirect_vreg.gather [hbm4b:s2+s1], $0x80, v6, vm0, $0xb8;
	[tilespmem:$0x1E180] =	vst v63  }
0x1ce: {  	_ = 	snop  }
0x1cf: {  	[tilespmem:s24], [sflag:$0x1] =	stream.indirect_vreg.gather [hbm4b:s2+s1], $0x80, v5, vm0, $0xb8;
	[tilespmem:$0x1E180] =	vst v63  }
0x1d0: {  	v5 =	vld [tilespmem:$0x18020];
	_ =	sdelay $0x4  }
0x1d1: {  	v6 =	vshll.u32 v5, $0x1  }
0x1d2: {  	v5 =	vand.u32 $0x7, v5;
	v6 =	vand.u32 $0xFFFFFFF0, v6  }
0x1d3: {  	v5 =	vor.u32 v5, v6  }
0x1d4: {  	v6 =	vperm.xlane v5, v0;
	_ =	sdelay $0x1  }
0x1d5: {  	v5 =	vperm.xlane v5, v2;
	v6 =	vadd.s32 v1, v6;
	_ =	sdelay $0x1  }
0x1d6: {  	v5 =	vadd.s32 v1, v5;
	_ =	sdelay $0x2  }
0x1d7: {  	[tilespmem:s25], [sflag:$0x1] =	stream.indirect_vreg.gather [hbm4b:s2+s1], $0x80, v6, vm0, $0xb8;
	[tilespmem:$0x1E180] =	vst v63  }
0x1d8: {  	_ = 	snop  }
0x1d9: {  	[tilespmem:s26], [sflag:$0x1] =	stream.indirect_vreg.gather [hbm4b:s2+s1], $0x80, v5, vm0, $0xb8;
	[tilespmem:$0x1E180] =	vst v63  }
0x1da: {  	v5 =	vld [tilespmem:$0x18030];
	_ =	sdelay $0x4  }
0x1db: {  	v6 =	vshll.u32 v5, $0x1  }
0x1dc: {  	v5 =	vand.u32 $0x7, v5;
	v6 =	vand.u32 $0xFFFFFFF0, v6  }
0x1dd: {  	v5 =	vor.u32 v5, v6  }
0x1de: {  	v6 =	vperm.xlane v5, v0;
	_ =	sdelay $0x1  }
0x1df: {  	v5 =	vperm.xlane v5, v2;
	v6 =	vadd.s32 v1, v6;
	_ =	sdelay $0x1  }
0x1e0: {  	p0 =	sne.s32 s3, $0x1;
	v5 =	vadd.s32 v1, v5  }
.Ltmp8:
0x1e1: {  	_ = 	snop;
	(pc) =	sbr.rel @p0 .LBB2_9-.Ltmp8, $4  }
0x1e2: {  	_ = 	snop  }
0x1e3: {  	[tilespmem:s28], [sflag:$0x1] =	stream.indirect_vreg.gather [hbm4b:s2+s1], $0x80, v6, vm0, $0xb8;
	[tilespmem:$0x1E180] =	vst v63  }
0x1e4: {  	s7 =	sadd.s32 $0x40, s7;
	s3 =	sadd.s32 $0xFFFFFFFF, s3  }
0x1e5: {  	[tilespmem:s29], [sflag:$0x1] =	stream.indirect_vreg.gather [hbm4b:s2+s1], $0x80, v5, vm0, $0xb8;
	[tilespmem:$0x1E180] =	vst v63  }
.LBB2_10:
0x1e6: {  	s3 =	simm.s32 $0x2  }
0x1e7: {  	_ =	swait.ge [sflag:s3], $0x4000  }
0x1e8: {  	s8 =	sshll.u32 s15, $0x4;
	s15 =	simm.s32 $0x0;
	[sflag:s3] =	ssyncset.done $0x0  }
0x1e9: {  	s19 =	simm.s32 $0x18080;
	[sflag:s3] =	ssyncadd.s32 $0xFFFFC000;
	s3 =	sadd.s32 s6, s8  }
0x1ea: {  	[tilespmem:s19], [sflag:$0x3] =	stream.linear.gather [hbm4b:s3+s15], $0x2000, $0x38;
	[tilespmem:$0x1E180] =	vst v63  }
0x1eb: {  	_ =	swait.ge [sflag:s16], $0x2000  }
0x1ec: {  	[sflag:s16] =	ssyncset.done $0x0  }
0x1ed: {  	[sflag:s16] =	ssyncadd.s32 $0xFFFFE000  }
0x1ee: {  	v5 =	vld [tilespmem:s19+$0x0];
	_ =	sdelay $0x4  }
0x1ef: {  	v5 =	vsub.s32 v5, v4  }
0x1f0: {  	vm1 =	vlt.u32 v5, $0x40  }
0x1f1: {  	v5 =	vnsel vm1, $0x0, v5  }
0x1f2: {  	(v2sf) =	vpush v5, $0x0;
	_ =	sdelay $0xc  }
0x1f3: {  	s9 =	sand.u32 $0x3800, s15;
	s7 =	sand.u32 $0x380, s15  }
0x1f4: {  	s7 =	sor.u32 s7, s9  }
0x1f5: {  	s3 =	sadd.s32 $0x1A100, s7;
	s8 =	spop (v2sf)  }
0x1f6: {  	v5 =	vld [tilespmem:s3+$0x400];
	s9 =	sshll.u32 s8, $0x7  }
0x1f7: {  	v6 =	vld [tilespmem:s9+$0x16000];
	_ =	sdelay $0x4  }
0x1f8: {  	v5 =	vadd.f32 v5, v6;
	_ =	sdelay $0x1  }
0x1f9: {  	v6 =	vmul.f32 $2.000000030e-01, v5  }
0x1fa: {  	vm2 =	vgt.f32 v5, $0.0e+00  }
0x1fb: {  	v5 =	vsel vm2, v5, v6  }
0x1fc: {  	v5 =	vmul.f32 $1.442695020e+00, v5;
	_ =	sdelay $0x1  }
0x1fd: {  	(erf) = vpow2.f32 v5;
	_ =	sdelay $0x8  }
0x1fe: {  	v5 =	vsel vm1, $0x3F800000, v3;
	v6 =	vpop (erf)  }
0x1ff: {  	v12 =	vmul.f32 v6, v5;
	_ =	sdelay $0x1  }
0x200: {  	[tilespmem:s9+$0x10000] =	vst.add.f32.msk $0xffff, v12  }
0x201: {  	v13 =	vld [tilespmem:s7+$0x1A100];
	_ =	sdelay $0x2  }
0x202: {  	v5 =	vbroadcast v12, $0x0  }
0x203: {  	s10 =	sshll.u32 s8, $0xA;
	v6 =	vbroadcast v12, $0x1  }
0x204: {  	s11 =	sand.u32 $0x380, s9;
	v7 =	vbroadcast v12, $0x2;
	s7 =	sand.u32 $0xFFFFE000, s10;
	v10 =	vmul.f32 v13, v5  }
0x205: {  	v8 =	vbroadcast v12, $0x3;
	s7 =	sor.u32 s11, s7;
	v14 =	vmul.f32 v13, v6  }
0x206: {  	v9 =	vbroadcast v12, $0x4;
	s8 =	sor.u32 $0x400, s7;
	v15 =	vmul.f32 v13, v7;
	[tilespmem:s7+$0x0] =	vst.add.f32.msk $0xffff, v10  }
0x207: {  	v11 =	vbroadcast v12, $0x5;
	s12 =	sor.u32 $0x800, s7;
	v16 =	vmul.f32 v13, v8;
	[tilespmem:s8+$0x0] =	vst.add.f32.msk $0xffff, v14  }
0x208: {  	s18 =	sor.u32 $0xC00, s7;
	v63 =	vmul.f32 v13, v9;
	v10 =	vbroadcast v12, $0x6;
	[tilespmem:s12+$0x0] =	vst.add.f32.msk $0xffff, v15  }
0x209: {  	s10 =	sor.u32 $0x1000, s7;
	v20 =	vmul.f32 v13, v11;
	v12 =	vbroadcast v12, $0x7;
	[tilespmem:s18+$0x0] =	vst.add.f32.msk $0xffff, v16  }
0x20a: {  	s11 =	sor.u32 $0x1400, s7;
	v21 =	vmul.f32 v13, v10;
	[tilespmem:s10+$0x0] =	vst.add.f32.msk $0xffff, v63  }
0x20b: {  	s12 =	sor.u32 $0x1800, s7;
	v13 =	vmul.f32 v13, v12;
	[tilespmem:s11+$0x0] =	vst.add.f32.msk $0xffff, v20  }
0x20c: {  	s18 =	sor.u32 $0x1C00, s7;
	[tilespmem:s12+$0x0] =	vst.add.f32.msk $0xffff, v21  }
0x20d: {  	[tilespmem:s18+$0x0] =	vst.add.f32.msk $0xffff, v13  }
0x20e: {  	v13 =	vld [tilespmem:s3+$0x10];
	_ =	sdelay $0x4  }
0x20f: {  	v22 =	vmul.f32 v13, v5  }
0x210: {  	s10 =	sor.u32 $0x10, s7;
	v23 =	vmul.f32 v13, v6  }
0x211: {  	s11 =	sor.u32 $0x410, s7;
	v24 =	vmul.f32 v13, v7;
	[tilespmem:s10+$0x0] =	vst.add.f32.msk $0xffff, v22  }
0x212: {  	s12 =	sor.u32 $0x810, s7;
	v25 =	vmul.f32 v13, v8;
	[tilespmem:s11+$0x0] =	vst.add.f32.msk $0xffff, v23  }
0x213: {  	s18 =	sor.u32 $0xC10, s7;
	v26 =	vmul.f32 v13, v9;
	[tilespmem:s12+$0x0] =	vst.add.f32.msk $0xffff, v24  }
0x214: {  	v27 =	vmul.f32 v13, v11;
	s10 =	sor.u32 $0x1010, s7;
	[tilespmem:s18+$0x0] =	vst.add.f32.msk $0xffff, v25  }
0x215: {  	v28 =	vmul.f32 v13, v10;
	s11 =	sor.u32 $0x1410, s7;
	[tilespmem:s10+$0x0] =	vst.add.f32.msk $0xffff, v26  }
0x216: {  	v13 =	vmul.f32 v13, v12;
	s12 =	sor.u32 $0x1810, s7;
	[tilespmem:s11+$0x0] =	vst.add.f32.msk $0xffff, v27  }
0x217: {  	s18 =	sor.u32 $0x1C10, s7;
	[tilespmem:s12+$0x0] =	vst.add.f32.msk $0xffff, v28  }
0x218: {  	[tilespmem:s18+$0x0] =	vst.add.f32.msk $0xffff, v13  }
0x219: {  	v13 =	vld [tilespmem:s3+$0x20];
	_ =	sdelay $0x4  }
0x21a: {  	v29 =	vmul.f32 v13, v5  }
0x21b: {  	s10 =	sor.u32 $0x20, s7;
	v30 =	vmul.f32 v13, v6  }
0x21c: {  	s11 =	sor.u32 $0x420, s7;
	v31 =	vmul.f32 v13, v7;
	[tilespmem:s10+$0x0] =	vst.add.f32.msk $0xffff, v29  }
0x21d: {  	s12 =	sor.u32 $0x820, s7;
	v32 =	vmul.f32 v13, v8;
	[tilespmem:s11+$0x0] =	vst.add.f32.msk $0xffff, v30  }
0x21e: {  	s18 =	sor.u32 $0xC20, s7;
	v33 =	vmul.f32 v13, v9;
	[tilespmem:s12+$0x0] =	vst.add.f32.msk $0xffff, v31  }
0x21f: {  	v34 =	vmul.f32 v13, v11;
	s10 =	sor.u32 $0x1020, s7;
	[tilespmem:s18+$0x0] =	vst.add.f32.msk $0xffff, v32  }
0x220: {  	v35 =	vmul.f32 v13, v10;
	s11 =	sor.u32 $0x1420, s7;
	[tilespmem:s10+$0x0] =	vst.add.f32.msk $0xffff, v33  }
0x221: {  	v13 =	vmul.f32 v13, v12;
	s12 =	sor.u32 $0x1820, s7;
	[tilespmem:s11+$0x0] =	vst.add.f32.msk $0xffff, v34  }
0x222: {  	s18 =	sor.u32 $0x1C20, s7;
	[tilespmem:s12+$0x0] =	vst.add.f32.msk $0xffff, v35  }
0x223: {  	[tilespmem:s18+$0x0] =	vst.add.f32.msk $0xffff, v13  }
0x224: {  	v13 =	vld [tilespmem:s3+$0x30];
	_ =	sdelay $0x4  }
0x225: {  	v36 =	vmul.f32 v13, v5  }
0x226: {  	s10 =	sor.u32 $0x30, s7;
	v37 =	vmul.f32 v13, v6  }
0x227: {  	s11 =	sor.u32 $0x430, s7;
	v38 =	vmul.f32 v13, v7;
	[tilespmem:s10+$0x0] =	vst.add.f32.msk $0xffff, v36  }
0x228: {  	s12 =	sor.u32 $0x830, s7;
	v39 =	vmul.f32 v13, v8;
	[tilespmem:s11+$0x0] =	vst.add.f32.msk $0xffff, v37  }
0x229: {  	s18 =	sor.u32 $0xC30, s7;
	v40 =	vmul.f32 v13, v9;
	[tilespmem:s12+$0x0] =	vst.add.f32.msk $0xffff, v38  }
0x22a: {  	v41 =	vmul.f32 v13, v11;
	s10 =	sor.u32 $0x1030, s7;
	[tilespmem:s18+$0x0] =	vst.add.f32.msk $0xffff, v39  }
0x22b: {  	v42 =	vmul.f32 v13, v10;
	s11 =	sor.u32 $0x1430, s7;
	[tilespmem:s10+$0x0] =	vst.add.f32.msk $0xffff, v40  }
0x22c: {  	v13 =	vmul.f32 v13, v12;
	s12 =	sor.u32 $0x1830, s7;
	[tilespmem:s11+$0x0] =	vst.add.f32.msk $0xffff, v41  }
0x22d: {  	s18 =	sor.u32 $0x1C30, s7;
	[tilespmem:s12+$0x0] =	vst.add.f32.msk $0xffff, v42  }
0x22e: {  	[tilespmem:s18+$0x0] =	vst.add.f32.msk $0xffff, v13  }
0x22f: {  	v13 =	vld [tilespmem:s3+$0x40];
	_ =	sdelay $0x4  }
0x230: {  	v43 =	vmul.f32 v13, v5  }
0x231: {  	s10 =	sor.u32 $0x40, s7;
	v44 =	vmul.f32 v13, v6  }
0x232: {  	s11 =	sor.u32 $0x440, s7;
	v45 =	vmul.f32 v13, v7;
	[tilespmem:s10+$0x0] =	vst.add.f32.msk $0xffff, v43  }
0x233: {  	s12 =	sor.u32 $0x840, s7;
	v46 =	vmul.f32 v13, v8;
	[tilespmem:s11+$0x0] =	vst.add.f32.msk $0xffff, v44  }
0x234: {  	s18 =	sor.u32 $0xC40, s7;
	v47 =	vmul.f32 v13, v9;
	[tilespmem:s12+$0x0] =	vst.add.f32.msk $0xffff, v45  }
0x235: {  	v48 =	vmul.f32 v13, v11;
	s10 =	sor.u32 $0x1040, s7;
	[tilespmem:s18+$0x0] =	vst.add.f32.msk $0xffff, v46  }
0x236: {  	v49 =	vmul.f32 v13, v10;
	s11 =	sor.u32 $0x1440, s7;
	[tilespmem:s10+$0x0] =	vst.add.f32.msk $0xffff, v47  }
0x237: {  	v13 =	vmul.f32 v13, v12;
	s12 =	sor.u32 $0x1840, s7;
	[tilespmem:s11+$0x0] =	vst.add.f32.msk $0xffff, v48  }
0x238: {  	s18 =	sor.u32 $0x1C40, s7;
	[tilespmem:s12+$0x0] =	vst.add.f32.msk $0xffff, v49  }
0x239: {  	[tilespmem:s18+$0x0] =	vst.add.f32.msk $0xffff, v13  }
0x23a: {  	v13 =	vld [tilespmem:s3+$0x50];
	_ =	sdelay $0x4  }
0x23b: {  	v50 =	vmul.f32 v13, v5  }
0x23c: {  	s10 =	sor.u32 $0x50, s7;
	v51 =	vmul.f32 v13, v6  }
0x23d: {  	s11 =	sor.u32 $0x450, s7;
	v52 =	vmul.f32 v13, v7;
	[tilespmem:s10+$0x0] =	vst.add.f32.msk $0xffff, v50  }
0x23e: {  	s12 =	sor.u32 $0x850, s7;
	v53 =	vmul.f32 v13, v8;
	[tilespmem:s11+$0x0] =	vst.add.f32.msk $0xffff, v51  }
0x23f: {  	s18 =	sor.u32 $0xC50, s7;
	v54 =	vmul.f32 v13, v9;
	[tilespmem:s12+$0x0] =	vst.add.f32.msk $0xffff, v52  }
0x240: {  	v55 =	vmul.f32 v13, v11;
	s10 =	sor.u32 $0x1050, s7;
	[tilespmem:s18+$0x0] =	vst.add.f32.msk $0xffff, v53  }
0x241: {  	v56 =	vmul.f32 v13, v10;
	s11 =	sor.u32 $0x1450, s7;
	[tilespmem:s10+$0x0] =	vst.add.f32.msk $0xffff, v54  }
0x242: {  	v13 =	vmul.f32 v13, v12;
	s12 =	sor.u32 $0x1850, s7;
	[tilespmem:s11+$0x0] =	vst.add.f32.msk $0xffff, v55  }
0x243: {  	s18 =	sor.u32 $0x1C50, s7;
	[tilespmem:s12+$0x0] =	vst.add.f32.msk $0xffff, v56  }
0x244: {  	[tilespmem:s18+$0x0] =	vst.add.f32.msk $0xffff, v13  }
0x245: {  	v13 =	vld [tilespmem:s3+$0x60];
	_ =	sdelay $0x4  }
0x246: {  	v57 =	vmul.f32 v13, v5  }
0x247: {  	s10 =	sor.u32 $0x60, s7;
	v58 =	vmul.f32 v13, v6  }
0x248: {  	s11 =	sor.u32 $0x460, s7;
	v59 =	vmul.f32 v13, v7;
	[tilespmem:s10+$0x0] =	vst.add.f32.msk $0xffff, v57  }
0x249: {  	s12 =	sor.u32 $0x860, s7;
	v60 =	vmul.f32 v13, v8;
	[tilespmem:s11+$0x0] =	vst.add.f32.msk $0xffff, v58  }
0x24a: {  	s18 =	sor.u32 $0xC60, s7;
	v61 =	vmul.f32 v13, v9;
	[tilespmem:s12+$0x0] =	vst.add.f32.msk $0xffff, v59  }
0x24b: {  	v62 =	vmul.f32 v13, v11;
	s10 =	sor.u32 $0x1060, s7;
	[tilespmem:s18+$0x0] =	vst.add.f32.msk $0xffff, v60  }
0x24c: {  	v63 =	vmul.f32 v13, v10;
	s11 =	sor.u32 $0x1460, s7;
	[tilespmem:s10+$0x0] =	vst.add.f32.msk $0xffff, v61  }
0x24d: {  	v13 =	vmul.f32 v13, v12;
	s12 =	sor.u32 $0x1860, s7;
	[tilespmem:s11+$0x0] =	vst.add.f32.msk $0xffff, v62  }
0x24e: {  	s18 =	sor.u32 $0x1C60, s7;
	[tilespmem:s12+$0x0] =	vst.add.f32.msk $0xffff, v63  }
0x24f: {  	[tilespmem:s18+$0x0] =	vst.add.f32.msk $0xffff, v13  }
0x250: {  	v13 =	vld [tilespmem:s3+$0x70];
	_ =	sdelay $0x4  }
0x251: {  	v5 =	vmul.f32 v13, v5  }
0x252: {  	s8 =	sor.u32 $0x70, s7;
	v6 =	vmul.f32 v13, v6  }
0x253: {  	s9 =	sor.u32 $0x470, s7;
	v7 =	vmul.f32 v13, v7;
	[tilespmem:s8+$0x0] =	vst.add.f32.msk $0xffff, v5  }
0x254: {  	s10 =	sor.u32 $0x870, s7;
	v5 =	vmul.f32 v13, v8;
	[tilespmem:s9+$0x0] =	vst.add.f32.msk $0xffff, v6  }
0x255: {  	s11 =	sor.u32 $0xC70, s7;
	v6 =	vmul.f32 v13, v9;
	[tilespmem:s10+$0x0] =	vst.add.f32.msk $0xffff, v7  }
0x256: {  	s12 =	sor.u32 $0x1070, s7;
	v7 =	vmul.f32 v13, v11;
	[tilespmem:s11+$0x0] =	vst.add.f32.msk $0xffff, v5  }
0x257: {  	s18 =	sor.u32 $0x1470, s7;
	v5 =	vmul.f32 v13, v10;
	[tilespmem:s12+$0x0] =	vst.add.f32.msk $0xffff, v6  }
0x258: {  	s3 =	simm.s32 $0x100;
	s8 =	sor.u32 $0x1870, s7;
	s7 =	sor.u32 $0x1C70, s7;
	v6 =	vmul.f32 v13, v12;
	[tilespmem:s18+$0x0] =	vst.add.f32.msk $0xffff, v7  }
.LBB2_11:
0x259: {  	p0 =	sne.s32 s3, $0x3F00;
	[tilespmem:s8+$0x0] =	vst.add.f32.msk $0xffff, v5;
	s15 =	sadd.s32 $0x80, s15;
	s19 =	sadd.s32 $0x80, s19  }
0x25a: {  	[tilespmem:s7+$0x0] =	vst.add.f32.msk $0xffff, v6;
	s7 =	smov.u32 s3;
	s3 =	sadd.s32 $0x100, s3  }
0x25b: {  	v5 =	vld [tilespmem:s19+$0x0];
	_ =	sdelay $0x4  }
0x25c: {  	v5 =	vsub.s32 v5, v4  }
0x25d: {  	vm1 =	vlt.u32 v5, $0x40  }
0x25e: {  	v5 =	vnsel vm1, $0x0, v5  }
0x25f: {  	(v2sf) =	vpush v5, $0x0;
	_ =	sdelay $0xc  }
0x260: {  	s8 =	sand.u32 $0x380, s15;
	s7 =	sand.u32 $0x3800, s7  }
0x261: {  	s9 =	sor.u32 s8, s7  }
0x262: {  	s8 =	sadd.s32 $0x1A100, s9;
	s7 =	spop (v2sf)  }
0x263: {  	s10 =	sshll.u32 s7, $0x7;
	v5 =	vld [tilespmem:s8+$0x400];
	s7 =	sshll.u32 s7, $0xA  }
0x264: {  	v6 =	vld [tilespmem:s10+$0x16000];
	s7 =	sand.u32 $0xFFFFE000, s7;
	s11 =	sand.u32 $0x380, s10  }
0x265: {  	s7 =	sor.u32 s11, s7;
	_ =	sdelay $0x3  }
0x266: {  	v5 =	vadd.f32 v5, v6;
	_ =	sdelay $0x1  }
0x267: {  	vm2 =	vgt.f32 v5, $0.0e+00;
	v6 =	vmul.f32 $2.000000030e-01, v5;
	_ =	sdelay $0x1  }
0x268: {  	v5 =	vsel vm2, v5, v6  }
0x269: {  	v5 =	vmul.f32 $1.442695020e+00, v5;
	_ =	sdelay $0x1  }
0x26a: {  	(erf) = vpow2.f32 v5;
	_ =	sdelay $0x7  }
0x26b: {  	v5 =	vsel vm1, $0x3F800000, v3  }
0x26c: {  	v6 =	vpop (erf)  }
0x26d: {  	v12 =	vmul.f32 v6, v5;
	_ =	sdelay $0x1  }
0x26e: {  	[tilespmem:s10+$0x10000] =	vst.add.f32.msk $0xffff, v12  }
0x26f: {  	v13 =	vld [tilespmem:s9+$0x1A100];
	_ =	sdelay $0x1  }
0x270: {  	v10 =	vbroadcast v12, $0x0  }
0x271: {  	v11 =	vbroadcast v12, $0x1  }
0x272: {  	v8 =	vbroadcast v12, $0x2;
	v5 =	vbroadcast v12, $0x3  }
0x273: {  	v9 =	vmul.f32 v13, v10;
	v14 =	vmul.f32 v13, v11  }
0x274: {  	v6 =	vbroadcast v12, $0x4;
	s9 =	sor.u32 $0x400, s7;
	v15 =	vmul.f32 v13, v8  }
0x275: {  	s10 =	sor.u32 $0x800, s7;
	v7 =	vbroadcast v12, $0x5;
	v16 =	vmul.f32 v13, v5;
	[tilespmem:s7+$0x0] =	vst.add.f32.msk $0xffff, v9  }
0x276: {  	s11 =	sor.u32 $0xC00, s7;
	v9 =	vbroadcast v12, $0x6;
	[tilespmem:s9+$0x0] =	vst.add.f32.msk $0xffff, v14;
	v14 =	vmul.f32 v13, v6  }
0x277: {  	v12 =	vbroadcast v12, $0x7;
	s9 =	sor.u32 $0x1000, s7;
	[tilespmem:s10+$0x0] =	vst.add.f32.msk $0xffff, v15;
	v15 =	vmul.f32 v13, v7  }
0x278: {  	s10 =	sor.u32 $0x1400, s7;
	[tilespmem:s11+$0x0] =	vst.add.f32.msk $0xffff, v16;
	v16 =	vmul.f32 v13, v9  }
0x279: {  	s11 =	sor.u32 $0x1800, s7;
	v13 =	vmul.f32 v13, v12;
	[tilespmem:s9+$0x0] =	vst.add.f32.msk $0xffff, v14  }
0x27a: {  	s9 =	sor.u32 $0x1C00, s7;
	[tilespmem:s10+$0x0] =	vst.add.f32.msk $0xffff, v15  }
0x27b: {  	[tilespmem:s11+$0x0] =	vst.add.f32.msk $0xffff, v16  }
0x27c: {  	[tilespmem:s9+$0x0] =	vst.add.f32.msk $0xffff, v13  }
0x27d: {  	v13 =	vld [tilespmem:s8+$0x10];
	_ =	sdelay $0x4  }
0x27e: {  	s9 =	sor.u32 $0x10, s7;
	v14 =	vmul.f32 v13, v10;
	v15 =	vmul.f32 v13, v11  }
0x27f: {  	s10 =	sor.u32 $0x410, s7;
	v16 =	vmul.f32 v13, v8  }
0x280: {  	[tilespmem:s9+$0x0] =	vst.add.f32.msk $0xffff, v14;
	s9 =	sor.u32 $0x810, s7;
	v14 =	vmul.f32 v13, v5  }
0x281: {  	[tilespmem:s10+$0x0] =	vst.add.f32.msk $0xffff, v15;
	s10 =	sor.u32 $0xC10, s7;
	v15 =	vmul.f32 v13, v6  }
0x282: {  	[tilespmem:s9+$0x0] =	vst.add.f32.msk $0xffff, v16;
	s9 =	sor.u32 $0x1010, s7;
	v16 =	vmul.f32 v13, v7  }
0x283: {  	[tilespmem:s10+$0x0] =	vst.add.f32.msk $0xffff, v14;
	s10 =	sor.u32 $0x1410, s7;
	v14 =	vmul.f32 v13, v9  }
0x284: {  	v13 =	vmul.f32 v13, v12;
	[tilespmem:s9+$0x0] =	vst.add.f32.msk $0xffff, v15;
	s9 =	sor.u32 $0x1810, s7  }
0x285: {  	[tilespmem:s10+$0x0] =	vst.add.f32.msk $0xffff, v16;
	s10 =	sor.u32 $0x1C10, s7  }
0x286: {  	[tilespmem:s9+$0x0] =	vst.add.f32.msk $0xffff, v14  }
0x287: {  	[tilespmem:s10+$0x0] =	vst.add.f32.msk $0xffff, v13  }
0x288: {  	v13 =	vld [tilespmem:s8+$0x20];
	_ =	sdelay $0x4  }
0x289: {  	s9 =	sor.u32 $0x20, s7;
	v14 =	vmul.f32 v13, v10;
	v15 =	vmul.f32 v13, v11  }
0x28a: {  	s10 =	sor.u32 $0x420, s7;
	v16 =	vmul.f32 v13, v8  }
0x28b: {  	[tilespmem:s9+$0x0] =	vst.add.f32.msk $0xffff, v14;
	s9 =	sor.u32 $0x820, s7;
	v14 =	vmul.f32 v13, v5  }
0x28c: {  	[tilespmem:s10+$0x0] =	vst.add.f32.msk $0xffff, v15;
	s10 =	sor.u32 $0xC20, s7;
	v15 =	vmul.f32 v13, v6  }
0x28d: {  	[tilespmem:s9+$0x0] =	vst.add.f32.msk $0xffff, v16;
	s9 =	sor.u32 $0x1020, s7;
	v16 =	vmul.f32 v13, v7  }
0x28e: {  	[tilespmem:s10+$0x0] =	vst.add.f32.msk $0xffff, v14;
	s10 =	sor.u32 $0x1420, s7;
	v14 =	vmul.f32 v13, v9  }
0x28f: {  	v13 =	vmul.f32 v13, v12;
	[tilespmem:s9+$0x0] =	vst.add.f32.msk $0xffff, v15;
	s9 =	sor.u32 $0x1820, s7  }
0x290: {  	[tilespmem:s10+$0x0] =	vst.add.f32.msk $0xffff, v16;
	s10 =	sor.u32 $0x1C20, s7  }
0x291: {  	[tilespmem:s9+$0x0] =	vst.add.f32.msk $0xffff, v14  }
0x292: {  	[tilespmem:s10+$0x0] =	vst.add.f32.msk $0xffff, v13  }
0x293: {  	v13 =	vld [tilespmem:s8+$0x30];
	_ =	sdelay $0x4  }
0x294: {  	s9 =	sor.u32 $0x30, s7;
	v14 =	vmul.f32 v13, v10;
	v15 =	vmul.f32 v13, v11  }
0x295: {  	s10 =	sor.u32 $0x430, s7;
	v16 =	vmul.f32 v13, v8  }
0x296: {  	[tilespmem:s9+$0x0] =	vst.add.f32.msk $0xffff, v14;
	s9 =	sor.u32 $0x830, s7;
	v14 =	vmul.f32 v13, v5  }
0x297: {  	[tilespmem:s10+$0x0] =	vst.add.f32.msk $0xffff, v15;
	s10 =	sor.u32 $0xC30, s7;
	v15 =	vmul.f32 v13, v6  }
0x298: {  	[tilespmem:s9+$0x0] =	vst.add.f32.msk $0xffff, v16;
	s9 =	sor.u32 $0x1030, s7;
	v16 =	vmul.f32 v13, v7  }
0x299: {  	[tilespmem:s10+$0x0] =	vst.add.f32.msk $0xffff, v14;
	s10 =	sor.u32 $0x1430, s7;
	v14 =	vmul.f32 v13, v9  }
0x29a: {  	v13 =	vmul.f32 v13, v12;
	[tilespmem:s9+$0x0] =	vst.add.f32.msk $0xffff, v15;
	s9 =	sor.u32 $0x1830, s7  }
0x29b: {  	[tilespmem:s10+$0x0] =	vst.add.f32.msk $0xffff, v16;
	s10 =	sor.u32 $0x1C30, s7  }
0x29c: {  	[tilespmem:s9+$0x0] =	vst.add.f32.msk $0xffff, v14  }
0x29d: {  	[tilespmem:s10+$0x0] =	vst.add.f32.msk $0xffff, v13  }
0x29e: {  	v13 =	vld [tilespmem:s8+$0x40];
	_ =	sdelay $0x4  }
0x29f: {  	s9 =	sor.u32 $0x40, s7;
	v14 =	vmul.f32 v13, v10;
	v15 =	vmul.f32 v13, v11  }
0x2a0: {  	s10 =	sor.u32 $0x440, s7;
	v16 =	vmul.f32 v13, v8  }
0x2a1: {  	[tilespmem:s9+$0x0] =	vst.add.f32.msk $0xffff, v14;
	s9 =	sor.u32 $0x840, s7;
	v14 =	vmul.f32 v13, v5  }
0x2a2: {  	[tilespmem:s10+$0x0] =	vst.add.f32.msk $0xffff, v15;
	s10 =	sor.u32 $0xC40, s7;
	v15 =	vmul.f32 v13, v6  }
0x2a3: {  	[tilespmem:s9+$0x0] =	vst.add.f32.msk $0xffff, v16;
	s9 =	sor.u32 $0x1040, s7;
	v16 =	vmul.f32 v13, v7  }
0x2a4: {  	[tilespmem:s10+$0x0] =	vst.add.f32.msk $0xffff, v14;
	s10 =	sor.u32 $0x1440, s7;
	v14 =	vmul.f32 v13, v9  }
0x2a5: {  	v13 =	vmul.f32 v13, v12;
	[tilespmem:s9+$0x0] =	vst.add.f32.msk $0xffff, v15;
	s9 =	sor.u32 $0x1840, s7  }
0x2a6: {  	[tilespmem:s10+$0x0] =	vst.add.f32.msk $0xffff, v16;
	s10 =	sor.u32 $0x1C40, s7  }
0x2a7: {  	[tilespmem:s9+$0x0] =	vst.add.f32.msk $0xffff, v14  }
0x2a8: {  	[tilespmem:s10+$0x0] =	vst.add.f32.msk $0xffff, v13  }
0x2a9: {  	v13 =	vld [tilespmem:s8+$0x50];
	_ =	sdelay $0x4  }
0x2aa: {  	s9 =	sor.u32 $0x50, s7;
	v14 =	vmul.f32 v13, v10;
	v15 =	vmul.f32 v13, v11  }
0x2ab: {  	s10 =	sor.u32 $0x450, s7;
	v16 =	vmul.f32 v13, v8  }
0x2ac: {  	[tilespmem:s9+$0x0] =	vst.add.f32.msk $0xffff, v14;
	s9 =	sor.u32 $0x850, s7;
	v14 =	vmul.f32 v13, v5  }
0x2ad: {  	[tilespmem:s10+$0x0] =	vst.add.f32.msk $0xffff, v15;
	s10 =	sor.u32 $0xC50, s7;
	v15 =	vmul.f32 v13, v6  }
0x2ae: {  	[tilespmem:s9+$0x0] =	vst.add.f32.msk $0xffff, v16;
	s9 =	sor.u32 $0x1050, s7;
	v16 =	vmul.f32 v13, v7  }
0x2af: {  	[tilespmem:s10+$0x0] =	vst.add.f32.msk $0xffff, v14;
	s10 =	sor.u32 $0x1450, s7;
	v14 =	vmul.f32 v13, v9  }
0x2b0: {  	v13 =	vmul.f32 v13, v12;
	[tilespmem:s9+$0x0] =	vst.add.f32.msk $0xffff, v15;
	s9 =	sor.u32 $0x1850, s7  }
0x2b1: {  	[tilespmem:s10+$0x0] =	vst.add.f32.msk $0xffff, v16;
	s10 =	sor.u32 $0x1C50, s7  }
0x2b2: {  	[tilespmem:s9+$0x0] =	vst.add.f32.msk $0xffff, v14  }
0x2b3: {  	[tilespmem:s10+$0x0] =	vst.add.f32.msk $0xffff, v13  }
0x2b4: {  	v13 =	vld [tilespmem:s8+$0x60];
	_ =	sdelay $0x4  }
0x2b5: {  	s9 =	sor.u32 $0x60, s7;
	v14 =	vmul.f32 v13, v10;
	v15 =	vmul.f32 v13, v11  }
0x2b6: {  	s10 =	sor.u32 $0x460, s7;
	v16 =	vmul.f32 v13, v8  }
0x2b7: {  	[tilespmem:s9+$0x0] =	vst.add.f32.msk $0xffff, v14;
	s9 =	sor.u32 $0x860, s7;
	v14 =	vmul.f32 v13, v5  }
0x2b8: {  	[tilespmem:s10+$0x0] =	vst.add.f32.msk $0xffff, v15;
	s10 =	sor.u32 $0xC60, s7;
	v15 =	vmul.f32 v13, v6  }
0x2b9: {  	[tilespmem:s9+$0x0] =	vst.add.f32.msk $0xffff, v16;
	s9 =	sor.u32 $0x1060, s7;
	v16 =	vmul.f32 v13, v7  }
0x2ba: {  	[tilespmem:s10+$0x0] =	vst.add.f32.msk $0xffff, v14;
	s10 =	sor.u32 $0x1460, s7;
	v14 =	vmul.f32 v13, v9  }
0x2bb: {  	v13 =	vmul.f32 v13, v12;
	[tilespmem:s9+$0x0] =	vst.add.f32.msk $0xffff, v15;
	s9 =	sor.u32 $0x1860, s7  }
0x2bc: {  	[tilespmem:s10+$0x0] =	vst.add.f32.msk $0xffff, v16;
	s10 =	sor.u32 $0x1C60, s7  }
0x2bd: {  	[tilespmem:s9+$0x0] =	vst.add.f32.msk $0xffff, v14  }
0x2be: {  	[tilespmem:s10+$0x0] =	vst.add.f32.msk $0xffff, v13  }
0x2bf: {  	v13 =	vld [tilespmem:s8+$0x70];
	_ =	sdelay $0x4  }
0x2c0: {  	s8 =	sor.u32 $0x70, s7;
	v10 =	vmul.f32 v13, v10;
	v11 =	vmul.f32 v13, v11  }
0x2c1: {  	s9 =	sor.u32 $0x470, s7;
	v8 =	vmul.f32 v13, v8  }
0x2c2: {  	v5 =	vmul.f32 v13, v5;
	[tilespmem:s8+$0x0] =	vst.add.f32.msk $0xffff, v10;
	s8 =	sor.u32 $0x870, s7  }
.Ltmp9:
0x2c3: {  	v6 =	vmul.f32 v13, v6;
	[tilespmem:s9+$0x0] =	vst.add.f32.msk $0xffff, v11;
	s9 =	sor.u32 $0xC70, s7;
	(pc) =	sbr.rel @p0 .LBB2_11-.Ltmp9, $4  }
0x2c4: {  	v7 =	vmul.f32 v13, v7;
	[tilespmem:s8+$0x0] =	vst.add.f32.msk $0xffff, v8;
	s8 =	sor.u32 $0x1070, s7  }
0x2c5: {  	[tilespmem:s9+$0x0] =	vst.add.f32.msk $0xffff, v5;
	s9 =	sor.u32 $0x1470, s7;
	v5 =	vmul.f32 v13, v9  }
0x2c6: {  	[tilespmem:s8+$0x0] =	vst.add.f32.msk $0xffff, v6;
	s8 =	sor.u32 $0x1870, s7;
	v6 =	vmul.f32 v13, v12  }
0x2c7: {  	s7 =	sor.u32 $0x1C70, s7;
	[tilespmem:s9+$0x0] =	vst.add.f32.msk $0xffff, v7  }
0x2c8: {  	s14 =	sadd.s32 $0x1, s14;
	s3 =	rddreg [dreg:$0x12]  }
0x2c9: {  	p0 =	sne.s32 s14, s3  }
.Ltmp10:
0x2ca: {  	_ = 	snop;
	(pc) =	sbr.rel @p0 .LBB2_6-.Ltmp10, $3  }
0x2cb: {  	_ =	sdelay $0x1  }
0x2cc: {  	[tilespmem:s8+$0x0] =	vst.add.f32.msk $0xffff, v5;
	s0 =	sadd.s32 $0x2, s0  }
0x2cd: {  	s5 =	sadd.s32 $0xFFFFFFFE, s5;
	s30 =	sadd.s32 $0x80, s30;
	[tilespmem:s7+$0x0] =	vst.add.f32.msk $0xffff, v6;
	s7 =	smov.u32 s17  }
.LBB2_13:
0x2ce: {  	s0 =	rddreg [dreg:$0x12]  }
0x2cf: {  	s0 =	sshll.u32 s0, $0x1  }
0x2d0: {  	p0 =	sge.s32 s0, s13  }
.Ltmp11:
0x2d1: {  	_ = 	snop;
	(pc) =	sbr.rel @p0 .LBB2_17-.Ltmp11, $2  }
0x2d2: {  	_ =	sdelay $0x2  }
0x2d3: {  	s14 =	rddreg [dreg:$0x11]  }
.LBB2_14:
0x2d4: {  	s5 =	simm.s32 $0x1;
	s3 =	sadd.s32 s14, s0  }
0x2d5: {  	_ =	swait.ge [sflag:s5], $0x4000;
	s3 =	sshll.u32 s3, $0xA  }
0x2d6: {  	s9 =	simm.s32 $0x18080;
	[sflag:s5] =	ssyncset.done $0x0;
	s3 =	sand.u32 $0x1FFFFC00, s3  }
0x2d7: {  	[sflag:s5] =	ssyncadd.s32 $0xFFFFC000;
	s3 =	sadd.s32 s6, s3;
	s5 =	simm.s32 $0x0  }
0x2d8: {  	[tilespmem:s9], [sflag:$0x3] =	stream.linear.gather [hbm4b:s3+s5], $0x2000, $0x38;
	[tilespmem:$0x1E180] =	vst v63  }
0x2d9: {  	_ =	swait.ge [sflag:s16], $0x2000  }
0x2da: {  	[sflag:s16] =	ssyncset.done $0x0  }
0x2db: {  	[sflag:s16] =	ssyncadd.s32 $0xFFFFE000  }
0x2dc: {  	v5 =	vld [tilespmem:s9+$0x0];
	_ =	sdelay $0x4  }
0x2dd: {  	v5 =	vsub.s32 v5, v4  }
0x2de: {  	vm1 =	vlt.u32 v5, $0x40  }
0x2df: {  	v5 =	vnsel vm1, $0x0, v5  }
0x2e0: {  	(v2sf) =	vpush v5, $0x0;
	_ =	sdelay $0xc  }
0x2e1: {  	s30 =	sand.u32 $0x3800, s5;
	s7 =	sand.u32 $0x380, s5  }
0x2e2: {  	s7 =	sor.u32 s7, s30  }
0x2e3: {  	s3 =	sadd.s32 $0x12000, s7;
	s8 =	spop (v2sf)  }
0x2e4: {  	v5 =	vld [tilespmem:s3+$0x400];
	s10 =	sshll.u32 s8, $0x7  }
0x2e5: {  	v6 =	vld [tilespmem:s10+$0x16000];
	_ =	sdelay $0x4  }
0x2e6: {  	v5 =	vadd.f32 v5, v6;
	_ =	sdelay $0x1  }
0x2e7: {  	v6 =	vmul.f32 $2.000000030e-01, v5  }
0x2e8: {  	vm2 =	vgt.f32 v5, $0.0e+00  }
0x2e9: {  	v5 =	vsel vm2, v5, v6  }
0x2ea: {  	v5 =	vmul.f32 $1.442695020e+00, v5;
	_ =	sdelay $0x1  }
0x2eb: {  	(erf) = vpow2.f32 v5;
	_ =	sdelay $0x8  }
0x2ec: {  	v5 =	vsel vm1, $0x3F800000, v3;
	v6 =	vpop (erf)  }
0x2ed: {  	v12 =	vmul.f32 v6, v5;
	_ =	sdelay $0x1  }
0x2ee: {  	[tilespmem:s10+$0x10000] =	vst.add.f32.msk $0xffff, v12  }
0x2ef: {  	v13 =	vld [tilespmem:s7+$0x12000];
	_ =	sdelay $0x2  }
0x2f0: {  	v5 =	vbroadcast v12, $0x0  }
0x2f1: {  	s8 =	sshll.u32 s8, $0xA;
	v6 =	vbroadcast v12, $0x1  }
0x2f2: {  	s11 =	sand.u32 $0x380, s10;
	v7 =	vbroadcast v12, $0x2;
	s7 =	sand.u32 $0xFFFFE000, s8;
	v10 =	vmul.f32 v13, v5  }
0x2f3: {  	v8 =	vbroadcast v12, $0x3;
	s7 =	sor.u32 s11, s7;
	v14 =	vmul.f32 v13, v6  }
0x2f4: {  	v9 =	vbroadcast v12, $0x4;
	s8 =	sor.u32 $0x400, s7;
	v15 =	vmul.f32 v13, v7;
	[tilespmem:s7+$0x0] =	vst.add.f32.msk $0xffff, v10  }
0x2f5: {  	v11 =	vbroadcast v12, $0x5;
	s12 =	sor.u32 $0x800, s7;
	v16 =	vmul.f32 v13, v8;
	[tilespmem:s8+$0x0] =	vst.add.f32.msk $0xffff, v14  }
0x2f6: {  	s15 =	sor.u32 $0xC00, s7;
	v63 =	vmul.f32 v13, v9;
	v10 =	vbroadcast v12, $0x6;
	[tilespmem:s12+$0x0] =	vst.add.f32.msk $0xffff, v15  }
0x2f7: {  	s17 =	sor.u32 $0x1000, s7;
	v20 =	vmul.f32 v13, v11;
	v12 =	vbroadcast v12, $0x7;
	[tilespmem:s15+$0x0] =	vst.add.f32.msk $0xffff, v16  }
0x2f8: {  	s18 =	sor.u32 $0x1400, s7;
	v21 =	vmul.f32 v13, v10;
	[tilespmem:s17+$0x0] =	vst.add.f32.msk $0xffff, v63  }
0x2f9: {  	s19 =	sor.u32 $0x1800, s7;
	v13 =	vmul.f32 v13, v12;
	[tilespmem:s18+$0x0] =	vst.add.f32.msk $0xffff, v20  }
0x2fa: {  	s30 =	sor.u32 $0x1C00, s7;
	[tilespmem:s19+$0x0] =	vst.add.f32.msk $0xffff, v21  }
0x2fb: {  	[tilespmem:s30+$0x0] =	vst.add.f32.msk $0xffff, v13  }
0x2fc: {  	v13 =	vld [tilespmem:s3+$0x10];
	_ =	sdelay $0x4  }
0x2fd: {  	v22 =	vmul.f32 v13, v5  }
0x2fe: {  	s10 =	sor.u32 $0x10, s7;
	v23 =	vmul.f32 v13, v6  }
0x2ff: {  	s11 =	sor.u32 $0x410, s7;
	v24 =	vmul.f32 v13, v7;
	[tilespmem:s10+$0x0] =	vst.add.f32.msk $0xffff, v22  }
0x300: {  	s12 =	sor.u32 $0x810, s7;
	v25 =	vmul.f32 v13, v8;
	[tilespmem:s11+$0x0] =	vst.add.f32.msk $0xffff, v23  }
0x301: {  	s15 =	sor.u32 $0xC10, s7;
	v26 =	vmul.f32 v13, v9;
	[tilespmem:s12+$0x0] =	vst.add.f32.msk $0xffff, v24  }
0x302: {  	s17 =	sor.u32 $0x1010, s7;
	v27 =	vmul.f32 v13, v11;
	[tilespmem:s15+$0x0] =	vst.add.f32.msk $0xffff, v25  }
0x303: {  	s18 =	sor.u32 $0x1410, s7;
	v28 =	vmul.f32 v13, v10;
	[tilespmem:s17+$0x0] =	vst.add.f32.msk $0xffff, v26  }
0x304: {  	s19 =	sor.u32 $0x1810, s7;
	v13 =	vmul.f32 v13, v12;
	[tilespmem:s18+$0x0] =	vst.add.f32.msk $0xffff, v27  }
0x305: {  	s30 =	sor.u32 $0x1C10, s7;
	[tilespmem:s19+$0x0] =	vst.add.f32.msk $0xffff, v28  }
0x306: {  	[tilespmem:s30+$0x0] =	vst.add.f32.msk $0xffff, v13  }
0x307: {  	v13 =	vld [tilespmem:s3+$0x20];
	_ =	sdelay $0x4  }
0x308: {  	v29 =	vmul.f32 v13, v5  }
0x309: {  	s10 =	sor.u32 $0x20, s7;
	v30 =	vmul.f32 v13, v6  }
0x30a: {  	s11 =	sor.u32 $0x420, s7;
	v31 =	vmul.f32 v13, v7;
	[tilespmem:s10+$0x0] =	vst.add.f32.msk $0xffff, v29  }
0x30b: {  	s12 =	sor.u32 $0x820, s7;
	v32 =	vmul.f32 v13, v8;
	[tilespmem:s11+$0x0] =	vst.add.f32.msk $0xffff, v30  }
0x30c: {  	s15 =	sor.u32 $0xC20, s7;
	v33 =	vmul.f32 v13, v9;
	[tilespmem:s12+$0x0] =	vst.add.f32.msk $0xffff, v31  }
0x30d: {  	s17 =	sor.u32 $0x1020, s7;
	v34 =	vmul.f32 v13, v11;
	[tilespmem:s15+$0x0] =	vst.add.f32.msk $0xffff, v32  }
0x30e: {  	s18 =	sor.u32 $0x1420, s7;
	v35 =	vmul.f32 v13, v10;
	[tilespmem:s17+$0x0] =	vst.add.f32.msk $0xffff, v33  }
0x30f: {  	s19 =	sor.u32 $0x1820, s7;
	v13 =	vmul.f32 v13, v12;
	[tilespmem:s18+$0x0] =	vst.add.f32.msk $0xffff, v34  }
0x310: {  	s30 =	sor.u32 $0x1C20, s7;
	[tilespmem:s19+$0x0] =	vst.add.f32.msk $0xffff, v35  }
0x311: {  	[tilespmem:s30+$0x0] =	vst.add.f32.msk $0xffff, v13  }
0x312: {  	v13 =	vld [tilespmem:s3+$0x30];
	_ =	sdelay $0x4  }
0x313: {  	v36 =	vmul.f32 v13, v5  }
0x314: {  	s10 =	sor.u32 $0x30, s7;
	v37 =	vmul.f32 v13, v6  }
0x315: {  	s11 =	sor.u32 $0x430, s7;
	v38 =	vmul.f32 v13, v7;
	[tilespmem:s10+$0x0] =	vst.add.f32.msk $0xffff, v36  }
0x316: {  	s12 =	sor.u32 $0x830, s7;
	v39 =	vmul.f32 v13, v8;
	[tilespmem:s11+$0x0] =	vst.add.f32.msk $0xffff, v37  }
0x317: {  	s15 =	sor.u32 $0xC30, s7;
	v40 =	vmul.f32 v13, v9;
	[tilespmem:s12+$0x0] =	vst.add.f32.msk $0xffff, v38  }
0x318: {  	s17 =	sor.u32 $0x1030, s7;
	v41 =	vmul.f32 v13, v11;
	[tilespmem:s15+$0x0] =	vst.add.f32.msk $0xffff, v39  }
0x319: {  	s18 =	sor.u32 $0x1430, s7;
	v42 =	vmul.f32 v13, v10;
	[tilespmem:s17+$0x0] =	vst.add.f32.msk $0xffff, v40  }
0x31a: {  	s19 =	sor.u32 $0x1830, s7;
	v13 =	vmul.f32 v13, v12;
	[tilespmem:s18+$0x0] =	vst.add.f32.msk $0xffff, v41  }
0x31b: {  	s30 =	sor.u32 $0x1C30, s7;
	[tilespmem:s19+$0x0] =	vst.add.f32.msk $0xffff, v42  }
0x31c: {  	[tilespmem:s30+$0x0] =	vst.add.f32.msk $0xffff, v13  }
0x31d: {  	v13 =	vld [tilespmem:s3+$0x40];
	_ =	sdelay $0x4  }
0x31e: {  	v43 =	vmul.f32 v13, v5  }
0x31f: {  	s10 =	sor.u32 $0x40, s7;
	v44 =	vmul.f32 v13, v6  }
0x320: {  	s11 =	sor.u32 $0x440, s7;
	v45 =	vmul.f32 v13, v7;
	[tilespmem:s10+$0x0] =	vst.add.f32.msk $0xffff, v43  }
0x321: {  	s12 =	sor.u32 $0x840, s7;
	v46 =	vmul.f32 v13, v8;
	[tilespmem:s11+$0x0] =	vst.add.f32.msk $0xffff, v44  }
0x322: {  	s15 =	sor.u32 $0xC40, s7;
	v47 =	vmul.f32 v13, v9;
	[tilespmem:s12+$0x0] =	vst.add.f32.msk $0xffff, v45  }
0x323: {  	s17 =	sor.u32 $0x1040, s7;
	v48 =	vmul.f32 v13, v11;
	[tilespmem:s15+$0x0] =	vst.add.f32.msk $0xffff, v46  }
0x324: {  	s18 =	sor.u32 $0x1440, s7;
	v49 =	vmul.f32 v13, v10;
	[tilespmem:s17+$0x0] =	vst.add.f32.msk $0xffff, v47  }
0x325: {  	s19 =	sor.u32 $0x1840, s7;
	v13 =	vmul.f32 v13, v12;
	[tilespmem:s18+$0x0] =	vst.add.f32.msk $0xffff, v48  }
0x326: {  	s30 =	sor.u32 $0x1C40, s7;
	[tilespmem:s19+$0x0] =	vst.add.f32.msk $0xffff, v49  }
0x327: {  	[tilespmem:s30+$0x0] =	vst.add.f32.msk $0xffff, v13  }
0x328: {  	v13 =	vld [tilespmem:s3+$0x50];
	_ =	sdelay $0x4  }
0x329: {  	v50 =	vmul.f32 v13, v5  }
0x32a: {  	s10 =	sor.u32 $0x50, s7;
	v51 =	vmul.f32 v13, v6  }
0x32b: {  	s11 =	sor.u32 $0x450, s7;
	v52 =	vmul.f32 v13, v7;
	[tilespmem:s10+$0x0] =	vst.add.f32.msk $0xffff, v50  }
0x32c: {  	s12 =	sor.u32 $0x850, s7;
	v53 =	vmul.f32 v13, v8;
	[tilespmem:s11+$0x0] =	vst.add.f32.msk $0xffff, v51  }
0x32d: {  	s15 =	sor.u32 $0xC50, s7;
	v54 =	vmul.f32 v13, v9;
	[tilespmem:s12+$0x0] =	vst.add.f32.msk $0xffff, v52  }
0x32e: {  	s17 =	sor.u32 $0x1050, s7;
	v55 =	vmul.f32 v13, v11;
	[tilespmem:s15+$0x0] =	vst.add.f32.msk $0xffff, v53  }
0x32f: {  	s18 =	sor.u32 $0x1450, s7;
	v56 =	vmul.f32 v13, v10;
	[tilespmem:s17+$0x0] =	vst.add.f32.msk $0xffff, v54  }
0x330: {  	s19 =	sor.u32 $0x1850, s7;
	v13 =	vmul.f32 v13, v12;
	[tilespmem:s18+$0x0] =	vst.add.f32.msk $0xffff, v55  }
0x331: {  	s30 =	sor.u32 $0x1C50, s7;
	[tilespmem:s19+$0x0] =	vst.add.f32.msk $0xffff, v56  }
0x332: {  	[tilespmem:s30+$0x0] =	vst.add.f32.msk $0xffff, v13  }
0x333: {  	v13 =	vld [tilespmem:s3+$0x60];
	_ =	sdelay $0x4  }
0x334: {  	v57 =	vmul.f32 v13, v5  }
0x335: {  	s11 =	sor.u32 $0x60, s7;
	v58 =	vmul.f32 v13, v6  }
0x336: {  	s12 =	sor.u32 $0x460, s7;
	v59 =	vmul.f32 v13, v7;
	[tilespmem:s11+$0x0] =	vst.add.f32.msk $0xffff, v57  }
0x337: {  	s15 =	sor.u32 $0x860, s7;
	v60 =	vmul.f32 v13, v8;
	[tilespmem:s12+$0x0] =	vst.add.f32.msk $0xffff, v58  }
0x338: {  	s17 =	sor.u32 $0xC60, s7;
	v61 =	vmul.f32 v13, v9;
	[tilespmem:s15+$0x0] =	vst.add.f32.msk $0xffff, v59  }
0x339: {  	s18 =	sor.u32 $0x1060, s7;
	v62 =	vmul.f32 v13, v11;
	[tilespmem:s17+$0x0] =	vst.add.f32.msk $0xffff, v60  }
0x33a: {  	s19 =	sor.u32 $0x1460, s7;
	v63 =	vmul.f32 v13, v10;
	[tilespmem:s18+$0x0] =	vst.add.f32.msk $0xffff, v61  }
0x33b: {  	s30 =	sor.u32 $0x1860, s7;
	v13 =	vmul.f32 v13, v12;
	[tilespmem:s19+$0x0] =	vst.add.f32.msk $0xffff, v62  }
0x33c: {  	s11 =	sor.u32 $0x1C60, s7;
	[tilespmem:s30+$0x0] =	vst.add.f32.msk $0xffff, v63  }
0x33d: {  	[tilespmem:s11+$0x0] =	vst.add.f32.msk $0xffff, v13  }
0x33e: {  	v13 =	vld [tilespmem:s3+$0x70];
	_ =	sdelay $0x4  }
0x33f: {  	v5 =	vmul.f32 v13, v5  }
0x340: {  	s12 =	sor.u32 $0x70, s7;
	v6 =	vmul.f32 v13, v6  }
0x341: {  	s15 =	sor.u32 $0x470, s7;
	v7 =	vmul.f32 v13, v7;
	[tilespmem:s12+$0x0] =	vst.add.f32.msk $0xffff, v5  }
0x342: {  	s17 =	sor.u32 $0x870, s7;
	v5 =	vmul.f32 v13, v8;
	[tilespmem:s15+$0x0] =	vst.add.f32.msk $0xffff, v6  }
0x343: {  	s18 =	sor.u32 $0xC70, s7;
	v6 =	vmul.f32 v13, v9;
	[tilespmem:s17+$0x0] =	vst.add.f32.msk $0xffff, v7  }
0x344: {  	s19 =	sor.u32 $0x1070, s7;
	v7 =	vmul.f32 v13, v11;
	[tilespmem:s18+$0x0] =	vst.add.f32.msk $0xffff, v5  }
0x345: {  	s30 =	sor.u32 $0x1470, s7;
	v5 =	vmul.f32 v13, v10;
	[tilespmem:s19+$0x0] =	vst.add.f32.msk $0xffff, v6  }
0x346: {  	s8 =	sor.u32 $0x1870, s7;
	s7 =	sor.u32 $0x1C70, s7;
	s3 =	simm.s32 $0x100;
	v6 =	vmul.f32 v13, v12;
	[tilespmem:s30+$0x0] =	vst.add.f32.msk $0xffff, v7  }
.LBB2_15:
0x347: {  	p0 =	sne.s32 s3, $0x3F00;
	[tilespmem:s8+$0x0] =	vst.add.f32.msk $0xffff, v5;
	s5 =	sadd.s32 $0x80, s5;
	s9 =	sadd.s32 $0x80, s9  }
0x348: {  	[tilespmem:s7+$0x0] =	vst.add.f32.msk $0xffff, v6;
	s7 =	smov.u32 s3;
	s3 =	sadd.s32 $0x100, s3  }
0x349: {  	v5 =	vld [tilespmem:s9+$0x0];
	_ =	sdelay $0x4  }
0x34a: {  	v5 =	vsub.s32 v5, v4  }
0x34b: {  	vm1 =	vlt.u32 v5, $0x40  }
0x34c: {  	v5 =	vnsel vm1, $0x0, v5  }
0x34d: {  	(v2sf) =	vpush v5, $0x0;
	_ =	sdelay $0xc  }
0x34e: {  	s8 =	sand.u32 $0x380, s5;
	s7 =	sand.u32 $0x3800, s7  }
0x34f: {  	s10 =	sor.u32 s8, s7  }
0x350: {  	s8 =	sadd.s32 $0x12000, s10;
	s7 =	spop (v2sf)  }
0x351: {  	s11 =	sshll.u32 s7, $0x7;
	v5 =	vld [tilespmem:s8+$0x400];
	s7 =	sshll.u32 s7, $0xA  }
0x352: {  	v6 =	vld [tilespmem:s11+$0x16000];
	s7 =	sand.u32 $0xFFFFE000, s7;
	s12 =	sand.u32 $0x380, s11  }
0x353: {  	s7 =	sor.u32 s12, s7;
	_ =	sdelay $0x3  }
0x354: {  	v5 =	vadd.f32 v5, v6;
	_ =	sdelay $0x1  }
0x355: {  	vm2 =	vgt.f32 v5, $0.0e+00;
	v6 =	vmul.f32 $2.000000030e-01, v5;
	_ =	sdelay $0x1  }
0x356: {  	v5 =	vsel vm2, v5, v6  }
0x357: {  	v5 =	vmul.f32 $1.442695020e+00, v5;
	_ =	sdelay $0x1  }
0x358: {  	(erf) = vpow2.f32 v5;
	_ =	sdelay $0x7  }
0x359: {  	v5 =	vsel vm1, $0x3F800000, v3  }
0x35a: {  	v6 =	vpop (erf)  }
0x35b: {  	v12 =	vmul.f32 v6, v5;
	_ =	sdelay $0x1  }
0x35c: {  	[tilespmem:s11+$0x10000] =	vst.add.f32.msk $0xffff, v12  }
0x35d: {  	v13 =	vld [tilespmem:s10+$0x12000];
	_ =	sdelay $0x1  }
0x35e: {  	v10 =	vbroadcast v12, $0x0  }
0x35f: {  	v11 =	vbroadcast v12, $0x1  }
0x360: {  	v8 =	vbroadcast v12, $0x2;
	v5 =	vbroadcast v12, $0x3  }
0x361: {  	v9 =	vmul.f32 v13, v10;
	v14 =	vmul.f32 v13, v11  }
0x362: {  	v6 =	vbroadcast v12, $0x4;
	s10 =	sor.u32 $0x400, s7;
	v15 =	vmul.f32 v13, v8  }
0x363: {  	s11 =	sor.u32 $0x800, s7;
	v7 =	vbroadcast v12, $0x5;
	v16 =	vmul.f32 v13, v5;
	[tilespmem:s7+$0x0] =	vst.add.f32.msk $0xffff, v9  }
0x364: {  	s12 =	sor.u32 $0xC00, s7;
	v9 =	vbroadcast v12, $0x6;
	[tilespmem:s10+$0x0] =	vst.add.f32.msk $0xffff, v14;
	v14 =	vmul.f32 v13, v6  }
0x365: {  	v12 =	vbroadcast v12, $0x7;
	s10 =	sor.u32 $0x1000, s7;
	[tilespmem:s11+$0x0] =	vst.add.f32.msk $0xffff, v15;
	v15 =	vmul.f32 v13, v7  }
0x366: {  	s11 =	sor.u32 $0x1400, s7;
	[tilespmem:s12+$0x0] =	vst.add.f32.msk $0xffff, v16;
	v16 =	vmul.f32 v13, v9  }
0x367: {  	s12 =	sor.u32 $0x1800, s7;
	v13 =	vmul.f32 v13, v12;
	[tilespmem:s10+$0x0] =	vst.add.f32.msk $0xffff, v14  }
0x368: {  	s10 =	sor.u32 $0x1C00, s7;
	[tilespmem:s11+$0x0] =	vst.add.f32.msk $0xffff, v15  }
0x369: {  	[tilespmem:s12+$0x0] =	vst.add.f32.msk $0xffff, v16  }
0x36a: {  	[tilespmem:s10+$0x0] =	vst.add.f32.msk $0xffff, v13  }
0x36b: {  	v13 =	vld [tilespmem:s8+$0x10];
	_ =	sdelay $0x4  }
0x36c: {  	s10 =	sor.u32 $0x10, s7;
	v14 =	vmul.f32 v13, v10;
	v15 =	vmul.f32 v13, v11  }
0x36d: {  	s11 =	sor.u32 $0x410, s7;
	v16 =	vmul.f32 v13, v8  }
0x36e: {  	[tilespmem:s10+$0x0] =	vst.add.f32.msk $0xffff, v14;
	s10 =	sor.u32 $0x810, s7;
	v14 =	vmul.f32 v13, v5  }
0x36f: {  	[tilespmem:s11+$0x0] =	vst.add.f32.msk $0xffff, v15;
	s11 =	sor.u32 $0xC10, s7;
	v15 =	vmul.f32 v13, v6  }
0x370: {  	[tilespmem:s10+$0x0] =	vst.add.f32.msk $0xffff, v16;
	s10 =	sor.u32 $0x1010, s7;
	v16 =	vmul.f32 v13, v7  }
0x371: {  	[tilespmem:s11+$0x0] =	vst.add.f32.msk $0xffff, v14;
	s11 =	sor.u32 $0x1410, s7;
	v14 =	vmul.f32 v13, v9  }
0x372: {  	v13 =	vmul.f32 v13, v12;
	[tilespmem:s10+$0x0] =	vst.add.f32.msk $0xffff, v15;
	s10 =	sor.u32 $0x1810, s7  }
0x373: {  	[tilespmem:s11+$0x0] =	vst.add.f32.msk $0xffff, v16;
	s11 =	sor.u32 $0x1C10, s7  }
0x374: {  	[tilespmem:s10+$0x0] =	vst.add.f32.msk $0xffff, v14  }
0x375: {  	[tilespmem:s11+$0x0] =	vst.add.f32.msk $0xffff, v13  }
0x376: {  	v13 =	vld [tilespmem:s8+$0x20];
	_ =	sdelay $0x4  }
0x377: {  	s10 =	sor.u32 $0x20, s7;
	v14 =	vmul.f32 v13, v10;
	v15 =	vmul.f32 v13, v11  }
0x378: {  	s11 =	sor.u32 $0x420, s7;
	v16 =	vmul.f32 v13, v8  }
0x379: {  	[tilespmem:s10+$0x0] =	vst.add.f32.msk $0xffff, v14;
	s10 =	sor.u32 $0x820, s7;
	v14 =	vmul.f32 v13, v5  }
0x37a: {  	[tilespmem:s11+$0x0] =	vst.add.f32.msk $0xffff, v15;
	s11 =	sor.u32 $0xC20, s7;
	v15 =	vmul.f32 v13, v6  }
0x37b: {  	[tilespmem:s10+$0x0] =	vst.add.f32.msk $0xffff, v16;
	s10 =	sor.u32 $0x1020, s7;
	v16 =	vmul.f32 v13, v7  }
0x37c: {  	[tilespmem:s11+$0x0] =	vst.add.f32.msk $0xffff, v14;
	s11 =	sor.u32 $0x1420, s7;
	v14 =	vmul.f32 v13, v9  }
0x37d: {  	v13 =	vmul.f32 v13, v12;
	[tilespmem:s10+$0x0] =	vst.add.f32.msk $0xffff, v15;
	s10 =	sor.u32 $0x1820, s7  }
0x37e: {  	[tilespmem:s11+$0x0] =	vst.add.f32.msk $0xffff, v16;
	s11 =	sor.u32 $0x1C20, s7  }
0x37f: {  	[tilespmem:s10+$0x0] =	vst.add.f32.msk $0xffff, v14  }
0x380: {  	[tilespmem:s11+$0x0] =	vst.add.f32.msk $0xffff, v13  }
0x381: {  	v13 =	vld [tilespmem:s8+$0x30];
	_ =	sdelay $0x4  }
0x382: {  	s10 =	sor.u32 $0x30, s7;
	v14 =	vmul.f32 v13, v10;
	v15 =	vmul.f32 v13, v11  }
0x383: {  	s11 =	sor.u32 $0x430, s7;
	v16 =	vmul.f32 v13, v8  }
0x384: {  	[tilespmem:s10+$0x0] =	vst.add.f32.msk $0xffff, v14;
	s10 =	sor.u32 $0x830, s7;
	v14 =	vmul.f32 v13, v5  }
0x385: {  	[tilespmem:s11+$0x0] =	vst.add.f32.msk $0xffff, v15;
	s11 =	sor.u32 $0xC30, s7;
	v15 =	vmul.f32 v13, v6  }
0x386: {  	[tilespmem:s10+$0x0] =	vst.add.f32.msk $0xffff, v16;
	s10 =	sor.u32 $0x1030, s7;
	v16 =	vmul.f32 v13, v7  }
0x387: {  	[tilespmem:s11+$0x0] =	vst.add.f32.msk $0xffff, v14;
	s11 =	sor.u32 $0x1430, s7;
	v14 =	vmul.f32 v13, v9  }
0x388: {  	v13 =	vmul.f32 v13, v12;
	[tilespmem:s10+$0x0] =	vst.add.f32.msk $0xffff, v15;
	s10 =	sor.u32 $0x1830, s7  }
0x389: {  	[tilespmem:s11+$0x0] =	vst.add.f32.msk $0xffff, v16;
	s11 =	sor.u32 $0x1C30, s7  }
0x38a: {  	[tilespmem:s10+$0x0] =	vst.add.f32.msk $0xffff, v14  }
0x38b: {  	[tilespmem:s11+$0x0] =	vst.add.f32.msk $0xffff, v13  }
0x38c: {  	v13 =	vld [tilespmem:s8+$0x40];
	_ =	sdelay $0x4  }
0x38d: {  	s10 =	sor.u32 $0x40, s7;
	v14 =	vmul.f32 v13, v10;
	v15 =	vmul.f32 v13, v11  }
0x38e: {  	s11 =	sor.u32 $0x440, s7;
	v16 =	vmul.f32 v13, v8  }
0x38f: {  	[tilespmem:s10+$0x0] =	vst.add.f32.msk $0xffff, v14;
	s10 =	sor.u32 $0x840, s7;
	v14 =	vmul.f32 v13, v5  }
0x390: {  	[tilespmem:s11+$0x0] =	vst.add.f32.msk $0xffff, v15;
	s11 =	sor.u32 $0xC40, s7;
	v15 =	vmul.f32 v13, v6  }
0x391: {  	[tilespmem:s10+$0x0] =	vst.add.f32.msk $0xffff, v16;
	s10 =	sor.u32 $0x1040, s7;
	v16 =	vmul.f32 v13, v7  }
0x392: {  	[tilespmem:s11+$0x0] =	vst.add.f32.msk $0xffff, v14;
	s11 =	sor.u32 $0x1440, s7;
	v14 =	vmul.f32 v13, v9  }
0x393: {  	v13 =	vmul.f32 v13, v12;
	[tilespmem:s10+$0x0] =	vst.add.f32.msk $0xffff, v15;
	s10 =	sor.u32 $0x1840, s7  }
0x394: {  	[tilespmem:s11+$0x0] =	vst.add.f32.msk $0xffff, v16;
	s11 =	sor.u32 $0x1C40, s7  }
0x395: {  	[tilespmem:s10+$0x0] =	vst.add.f32.msk $0xffff, v14  }
0x396: {  	[tilespmem:s11+$0x0] =	vst.add.f32.msk $0xffff, v13  }
0x397: {  	v13 =	vld [tilespmem:s8+$0x50];
	_ =	sdelay $0x4  }
0x398: {  	s10 =	sor.u32 $0x50, s7;
	v14 =	vmul.f32 v13, v10;
	v15 =	vmul.f32 v13, v11  }
0x399: {  	s11 =	sor.u32 $0x450, s7;
	v16 =	vmul.f32 v13, v8  }
0x39a: {  	[tilespmem:s10+$0x0] =	vst.add.f32.msk $0xffff, v14;
	s10 =	sor.u32 $0x850, s7;
	v14 =	vmul.f32 v13, v5  }
0x39b: {  	[tilespmem:s11+$0x0] =	vst.add.f32.msk $0xffff, v15;
	s11 =	sor.u32 $0xC50, s7;
	v15 =	vmul.f32 v13, v6  }
0x39c: {  	[tilespmem:s10+$0x0] =	vst.add.f32.msk $0xffff, v16;
	s10 =	sor.u32 $0x1050, s7;
	v16 =	vmul.f32 v13, v7  }
0x39d: {  	[tilespmem:s11+$0x0] =	vst.add.f32.msk $0xffff, v14;
	s11 =	sor.u32 $0x1450, s7;
	v14 =	vmul.f32 v13, v9  }
0x39e: {  	v13 =	vmul.f32 v13, v12;
	[tilespmem:s10+$0x0] =	vst.add.f32.msk $0xffff, v15;
	s10 =	sor.u32 $0x1850, s7  }
0x39f: {  	[tilespmem:s11+$0x0] =	vst.add.f32.msk $0xffff, v16;
	s11 =	sor.u32 $0x1C50, s7  }
0x3a0: {  	[tilespmem:s10+$0x0] =	vst.add.f32.msk $0xffff, v14  }
0x3a1: {  	[tilespmem:s11+$0x0] =	vst.add.f32.msk $0xffff, v13  }
0x3a2: {  	v13 =	vld [tilespmem:s8+$0x60];
	_ =	sdelay $0x4  }
0x3a3: {  	s10 =	sor.u32 $0x60, s7;
	v14 =	vmul.f32 v13, v10;
	v15 =	vmul.f32 v13, v11  }
0x3a4: {  	s11 =	sor.u32 $0x460, s7;
	v16 =	vmul.f32 v13, v8  }
0x3a5: {  	[tilespmem:s10+$0x0] =	vst.add.f32.msk $0xffff, v14;
	s10 =	sor.u32 $0x860, s7;
	v14 =	vmul.f32 v13, v5  }
0x3a6: {  	[tilespmem:s11+$0x0] =	vst.add.f32.msk $0xffff, v15;
	s11 =	sor.u32 $0xC60, s7;
	v15 =	vmul.f32 v13, v6  }
0x3a7: {  	[tilespmem:s10+$0x0] =	vst.add.f32.msk $0xffff, v16;
	s10 =	sor.u32 $0x1060, s7;
	v16 =	vmul.f32 v13, v7  }
0x3a8: {  	[tilespmem:s11+$0x0] =	vst.add.f32.msk $0xffff, v14;
	s11 =	sor.u32 $0x1460, s7;
	v14 =	vmul.f32 v13, v9  }
0x3a9: {  	v13 =	vmul.f32 v13, v12;
	[tilespmem:s10+$0x0] =	vst.add.f32.msk $0xffff, v15;
	s10 =	sor.u32 $0x1860, s7  }
0x3aa: {  	[tilespmem:s11+$0x0] =	vst.add.f32.msk $0xffff, v16;
	s11 =	sor.u32 $0x1C60, s7  }
0x3ab: {  	[tilespmem:s10+$0x0] =	vst.add.f32.msk $0xffff, v14  }
0x3ac: {  	[tilespmem:s11+$0x0] =	vst.add.f32.msk $0xffff, v13  }
0x3ad: {  	v13 =	vld [tilespmem:s8+$0x70];
	_ =	sdelay $0x4  }
0x3ae: {  	s8 =	sor.u32 $0x70, s7;
	v10 =	vmul.f32 v13, v10;
	v11 =	vmul.f32 v13, v11  }
0x3af: {  	s10 =	sor.u32 $0x470, s7;
	v8 =	vmul.f32 v13, v8  }
0x3b0: {  	v5 =	vmul.f32 v13, v5;
	[tilespmem:s8+$0x0] =	vst.add.f32.msk $0xffff, v10;
	s8 =	sor.u32 $0x870, s7  }
.Ltmp12:
0x3b1: {  	v6 =	vmul.f32 v13, v6;
	[tilespmem:s10+$0x0] =	vst.add.f32.msk $0xffff, v11;
	s10 =	sor.u32 $0xC70, s7;
	(pc) =	sbr.rel @p0 .LBB2_15-.Ltmp12, $4  }
0x3b2: {  	v7 =	vmul.f32 v13, v7;
	[tilespmem:s8+$0x0] =	vst.add.f32.msk $0xffff, v8;
	s8 =	sor.u32 $0x1070, s7  }
0x3b3: {  	[tilespmem:s10+$0x0] =	vst.add.f32.msk $0xffff, v5;
	s10 =	sor.u32 $0x1470, s7;
	v5 =	vmul.f32 v13, v9  }
0x3b4: {  	[tilespmem:s8+$0x0] =	vst.add.f32.msk $0xffff, v6;
	s8 =	sor.u32 $0x1870, s7;
	v6 =	vmul.f32 v13, v12  }
0x3b5: {  	s7 =	sor.u32 $0x1C70, s7;
	[tilespmem:s10+$0x0] =	vst.add.f32.msk $0xffff, v7  }
0x3b6: {  	s0 =	sadd.s32 $0x1, s0  }
0x3b7: {  	p0 =	sne.s32 s0, s13  }
.Ltmp13:
0x3b8: {  	_ = 	snop;
	(pc) =	sbr.rel @p0 .LBB2_14-.Ltmp13, $4  }
.Ltmp14:
0x3b9: {  	_ = 	snop;
	(pc) =	sbr.rel @!p0 .LBB2_17-.Ltmp14, $4  }
0x3ba: {  	_ = 	snop  }
0x3bb: {  	[tilespmem:s8+$0x0] =	vst.add.f32.msk $0xffff, v5  }
0x3bc: {  	[tilespmem:s7+$0x0] =	vst.add.f32.msk $0xffff, v6  }
0x3bd: {  	_ = 	snop  }
.LBB2_19:
0x3be: {  	_ =	sfence.sel $0x180000  }
0x3bf: {  	[bflag:$0x0] =	sbarrier.arrive $0xFFFF  }
0x3c0: {  	_ =	strace $0x9000004D  }
0x3c1: {  	s0 =	stileid.u32;
	[bflag:$0x2] =	sbarrier.arrive $0xFFFF  }
0x3c2: {  	p0 =	sne.s32 s0, $0x0;
	s0 =	rddreg [dreg:$0x1]  }
0x3c3: {  	s0 =	sadd.s32 @!p0 $0x100000, s0  }
0x3c4: {  	[sflag:s0] =	ssyncadd.tile.s32 @!p0 $0x1;
	_ =	shalt  }
.Lfunc_end2:
_tile_overlayer_lowered:
.L_overlay_start_2:
0x3c5: {  	(tag) =	ssettag $0x2  }
0x3c6: {  	s0 =	rddreg [dreg:$0x0];
	s2 =	stileid.u32  }
0x3c7: {  	s1 =	rddreg [dreg:$0x1];
	p0 =	sne.s32 s2, $0x0  }
0x3c8: {  	s3 =	rddreg [dreg:$0x2];
	[bflag:$0x3] =	sbarrier.arrive $0xFFFF;
	s2 =	simm.s32 @!p0 $0x1C03  }
0x3c9: {  	[timem:s3], [sflag:s2] =	dma.local @!p0 [hbm:s0], s1  }
0x3ca: {  	s0 =	simm.s32 @!p0 $0x3  }
0x3cb: {  	_ =	swait.ge @!p0 [sflag:s0], s1  }
0x3cc: {  	s1 =	ssub.s32 @!p0 $0x0, s1;
	[sflag:s0] =	ssyncset.done @!p0 $0x0  }
0x3cd: {  	[sflag:s0] =	ssyncadd.s32 @!p0 s1  }
0x3ce: {  	[bflag:$0x3] =	sbarrier.arrive $0xFFFF  }
0x3cf: {  	_ =	shalt  }

</sc_bundles>
